<compile_context>
chip_gen: v7x
topology: tpu7x:2x2x1
jax: 0.10.2.dev20260603
libtpu: 0.0.44.dev20260713+nightly
codegen_flags: <defaults>
</compile_context>

<pallas_src>
import functools

import jax
import jax.numpy as jnp
from jax import lax
from jax.experimental import pallas as pl
from jax.experimental.pallas import tpu as pltpu
from jax.experimental.pallas import tpu_sc as plsc

BATCH = 4096
ENT = 100
DIM = 64
NC, NS = 2, 16
NW = NC * NS
NVW = 21
NMW = NW - NVW
CB = 128
NCK = BATCH // CB
DH, DL, BH, BL = DIM // 8, 8, BATCH // 128, 128
PPITCH = 129


def _sc_body(xt_hbm, tab_hbm, out_hbm, xrow, cidx, gb0, gb1, pb0, pb1, slab,
             gs0, gs1, os0, os1, msem, msem2):
    wid = lax.axis_index("s") * NC + lax.axis_index("c")

    vk = jnp.where(wid < NVW, wid, wid - NVW)
    cls_w = jnp.where(wid < NVW, NVW, NMW)
    nplanes = jnp.where(vk < ENT % cls_w, ENT // cls_w + 1, ENT // cls_w)

    gbufs = ((gb0, gs0, os0), (gb1, gs1, os1))

    def fire_gathers(k, buf, gsem):
        return pltpu.async_copy(
            tab_hbm.at[cidx.at[pl.ds(k * CB, CB)]], buf, gsem)

    @pl.when(wid < NVW)
    def _vec_planes():
        def plane(i, carry):
            e = vk + NVW * i
            pltpu.sync_copy(xt_hbm.at[e], xrow)

            @plsc.parallel_loop(0, BATCH // 16, unroll=4)
            def _clean(j):
                v = xrow[pl.ds(j * 16, 16)]
                cidx[pl.ds(j * 16, 16)] = jnp.where(v < 0, 0, v)

            fire_gathers(0, gb0, gs0)

            def chunk2(k2, c2):
                for bi in range(2):
                    k = k2 * 2 + bi
                    buf, gsem, osem = gbufs[bi]
                    pbuf = pb0 if bi == 0 else pb1

                    @pl.when(k2 * 2 + bi < NCK - 1)
                    def _next():
                        nbuf, ngsem, _ = gbufs[1 - bi]
                        fire_gathers(k + 1, nbuf, ngsem)

                    pltpu.make_async_copy(
                        tab_hbm.at[cidx.at[pl.ds(0, CB)]], buf, gsem).wait()

                    @pl.when(c2 + bi >= 2)
                    def _drain():
                        pltpu.make_async_copy(
                            pbuf.at[:, :, :, pl.ds(0, BL)],
                            out_hbm.at[0, 0, :, pl.ds(0, 1)],
                            osem).wait()

                    lane = lax.iota(jnp.int32, 16)
                    dlv = lane % 8
                    zv = jnp.zeros((16,), jnp.int32)

                    @plsc.parallel_loop(0, CB, unroll=2)
                    def _transpose(b):
                        blv = jnp.full((16,), b, jnp.int32)
                        for kd in range(DIM // 16):
                            v = buf[b, pl.ds(kd * 16, 16)]
                            dhv = 2 * kd + lane // 8
                            plsc.store_scatter(pbuf, [dhv, zv, dlv, blv], v)

                    pltpu.async_copy(
                        pbuf.at[:, :, :, pl.ds(0, BL)],
                        out_hbm.at[0, e, :, pl.ds(k, 1)],
                        osem)
                return c2 + 2

            return lax.fori_loop(0, NCK // 2, chunk2, carry)

        total = lax.fori_loop(0, nplanes, plane, 0)

        @pl.when(total > 0)
        def _final_drain():
            for pbuf, osem in ((pb0, os0), (pb1, os1)):
                pltpu.make_async_copy(
                    pbuf.at[:, :, :, pl.ds(0, BL)],
                    out_hbm.at[0, 0, :, pl.ds(0, 1)], osem).wait()

    @pl.when(wid >= NVW)
    def _mask_planes():
        msems = (msem, msem2)

        def _dr(sem):
            for dh in range(DH):
                pltpu.make_async_copy(slab.at[0], out_hbm.at[1, 0, 0],
                                      sem).wait()

        def plane_pair(i2, carry):
            for par in range(2):
                i = i2 * 2 + par
                sem = msems[par]

                @pl.when(i < nplanes)
                def _do():
                    e = vk + NMW * i

                    @pl.when(i >= 2)
                    def _drain_prev():
                        _dr(sem)

                    pltpu.sync_copy(xt_hbm.at[e], xrow)

                    @plsc.parallel_loop(0, BH, unroll=2)
                    def _bh_body(bh):
                        for blg in range(8):
                            v = xrow[pl.ds(bh * 128 + blg * 16, 16)]
                            m = jnp.where(v < 0, 0.0,
                                          1.0).astype(jnp.float32)
                            for dl in range(DL):
                                slab[par, bh, dl, pl.ds(blg * 16, 16)] = m

                    for dh in range(DH):
                        pltpu.async_copy(slab.at[par], out_hbm.at[1, e, dh],
                                         sem)
            return carry + 2

        lax.fori_loop(0, (ENT // NMW + 2) // 2, plane_pair, 0)

        @pl.when(nplanes > 0)
        def _final_drain1():
            _dr(msem)

        @pl.when(nplanes > 1)
        def _final_drain2():
            _dr(msem2)


_sc_call = functools.partial(
    pl.kernel,
    out_type=jax.ShapeDtypeStruct((2, ENT, DH, BH, DL, BL), jnp.float32),
    mesh=plsc.VectorSubcoreMesh(core_axis_name="c", subcore_axis_name="s",
                                num_cores=NC, num_subcores=NS),
    scratch_types=[
        pltpu.VMEM((BATCH,), jnp.int32),
        pltpu.VMEM((BATCH,), jnp.int32),
        pltpu.VMEM((CB, DIM), jnp.float32),
        pltpu.VMEM((CB, DIM), jnp.float32),
        pltpu.VMEM((DH, 1, DL, PPITCH), jnp.float32),
        pltpu.VMEM((DH, 1, DL, PPITCH), jnp.float32),
        pltpu.VMEM((2, BH, DL, BL), jnp.float32),
        pltpu.SemaphoreType.DMA,
        pltpu.SemaphoreType.DMA,
        pltpu.SemaphoreType.DMA,
        pltpu.SemaphoreType.DMA,
        pltpu.SemaphoreType.DMA,
        pltpu.SemaphoreType.DMA,
    ],
    compiler_params=pltpu.CompilerParams(use_tc_tiling_on_sc=False,
                                         needs_layout_passes=False),
)(_sc_body)


def kernel(x, entity_vectors):
    out6 = _sc_call(x.T, entity_vectors)
    return jnp.transpose(out6, (3, 5, 0, 1, 2, 4)).reshape(BATCH, 2, ENT, DIM)

# --- scband reference (transcript-rebuilt; emitter-appended) ---
"""Pipeline reference for scband-entity-index-to-vector-tranformer-25366076850437 (READ-ONLY COPY).

The authoritative reference and input builder live on the scoring server;
editing this copy changes nothing except your own understanding.
"""

import jax, jax.numpy as jnp
import numpy as np

BATCH = 4096
ENTITY_COUNT = 100
VOCAB = 100000
DIM = 64


def setup_inputs(seed: int = 0) -> dict:
    key = jax.random.key(seed)
    k1, k2 = jax.random.split(key)
    # indices in [-1, VOCAB); -1 marks invalid entries
    x = jax.random.randint(k1, (BATCH, ENTITY_COUNT), -1, VOCAB, dtype=jnp.int32)
    entity_vectors = jax.random.normal(k2, (VOCAB, DIM), dtype=jnp.float32)
    return {"x": x, "entity_vectors": entity_vectors}


def reference(x, entity_vectors):
    mask = (x != -1)
    flat_idx = jnp.where(x == -1, 0, x).reshape(-1)
    flat_vecs = jnp.take(entity_vectors, flat_idx, axis=0)
    batch_size, entity_count = x.shape
    vector_dim = entity_vectors.shape[-1]
    vecs = flat_vecs.reshape((batch_size, entity_count, vector_dim))
    mask_f = jnp.broadcast_to(mask[..., None], vecs.shape).astype(jnp.float32)
    return jnp.stack((vecs, mask_f), axis=1)

if __name__ == "__main__":
    import jax
    _d = setup_inputs()
    print(jax.jit(kernel)(*tuple(_d.values())))

</pallas_src>

<mosaic_0001>
#map = affine_map<(d0, d1) -> (0, 0)>
#map1 = affine_map<(d0, d1) -> (0, 0, 0, 0, 0, 0)>
module attributes {stable_mosaic.version = 14 : i64} {
  func.func @_sc_body(%arg0: i32, %arg1: i32, %arg2: memref<100x4096xi32, #tpu.memory_space<hbm>>, %arg3: memref<100000x64xf32, #tpu.memory_space<hbm>>, %arg4: memref<2x100x8x32x8x128xf32, #tpu.memory_space<hbm>>, %arg5: memref<4096xi32, #tpu.memory_space<vmem>>, %arg6: memref<4096xi32, #tpu.memory_space<vmem>>, %arg7: memref<128x64xf32, #tpu.memory_space<vmem>>, %arg8: memref<128x64xf32, #tpu.memory_space<vmem>>, %arg9: memref<8x1x8x129xf32, #tpu.memory_space<vmem>>, %arg10: memref<8x1x8x129xf32, #tpu.memory_space<vmem>>, %arg11: memref<2x32x8x128xf32, #tpu.memory_space<vmem>>, %arg12: memref<!tpu.dma_semaphore, #tpu.memory_space<semaphore_mem>>, %arg13: memref<!tpu.dma_semaphore, #tpu.memory_space<semaphore_mem>>, %arg14: memref<!tpu.dma_semaphore, #tpu.memory_space<semaphore_mem>>, %arg15: memref<!tpu.dma_semaphore, #tpu.memory_space<semaphore_mem>>, %arg16: memref<!tpu.dma_semaphore, #tpu.memory_space<semaphore_mem>>, %arg17: memref<!tpu.dma_semaphore, #tpu.memory_space<semaphore_mem>>) attributes {dimension_semantics = [#tpu.dimension_semantics<core_parallel>, #tpu.dimension_semantics<subcore_parallel>], iteration_bounds = array<i64: 2, 16>, scalar_prefetch = 0 : i64, scratch_operands = 13 : i64, tpu.core_type = #tpu.core_type<sc_vector_subcore>, window_params = [{transform_indices = #map}, {transform_indices = #map}, {transform_indices = #map1}]} {
    %mul3A = arith.constant 2 : i32
    %mul3A_0 = arith.muli %arg1, %mul3A : i32
    %add3A = arith.addi %mul3A_0, %arg0 : i32
    %lt3A = arith.constant 21 : i32
    %lt3A_1 = arith.cmpi slt, %add3A, %lt3A : i32
    %sub3A = arith.constant 21 : i32
    %sub3A_2 = arith.subi %add3A, %sub3A : i32
    %select_n3A = arith.select %lt3A_1, %add3A, %sub3A_2 : i32
    %lt3A_3 = arith.constant 21 : i32
    %lt3A_4 = arith.cmpi slt, %add3A, %lt3A_3 : i32
    %jit3A = arith.constant 21 : i32
    %jit3A_5 = arith.constant 11 : i32
    %select_n3A_6 = arith.select %lt3A_4, %jit3A, %jit3A_5 : i32
    %jit3A_7 = arith.constant 100 : i32
    %eq3A = arith.constant 0 : i32
    %eq3A_8 = arith.cmpi eq, %select_n3A_6, %eq3A : i32
    %jit3A_9 = arith.constant 1 : i32
    %select_n3A_10 = arith.select %eq3A_8, %jit3A_9, %select_n3A_6 : i32
    %rem3A = arith.remsi %jit3A_7, %select_n3A_10 : i32
    %ne3A = arith.constant 0 : i32
    %ne3A_11 = arith.cmpi ne, %rem3A, %ne3A : i32
    %lt3A_12 = arith.constant 0 : i32
    %lt3A_13 = arith.cmpi slt, %rem3A, %lt3A_12 : i32
    %lt3A_14 = arith.constant 0 : i32
    %lt3A_15 = arith.cmpi slt, %select_n3A_10, %lt3A_14 : i32
    %ne3A_16 = arith.xori %lt3A_13, %lt3A_15 : i1
    %and3A = arith.andi %ne3A_16, %ne3A_11 : i1
    %add3A_17 = arith.addi %rem3A, %select_n3A_10 : i32
    %select_n3A_18 = arith.select %and3A, %add3A_17, %rem3A : i32
    %lt3A_19 = arith.cmpi slt, %select_n3A, %select_n3A_18 : i32
    %jit3A_20 = arith.constant 100 : i32
    %div3A = arith.divsi %jit3A_20, %select_n3A_6 : i32
    %sign3A = arith.constant 0 : i32
    %sign3A_21 = arith.cmpi sgt, %jit3A_20, %sign3A : i32
    %sign3A_22 = arith.extui %sign3A_21 : i1 to i32
    %sign3A_23 = arith.constant 0 : i32
    %sign3A_24 = arith.cmpi slt, %jit3A_20, %sign3A_23 : i32
    %sign3A_25 = arith.extui %sign3A_24 : i1 to i32
    %sign3A_26 = arith.subi %sign3A_22, %sign3A_25 : i32
    %sign3A_27 = arith.constant 0 : i32
    %sign3A_28 = arith.cmpi sgt, %select_n3A_6, %sign3A_27 : i32
    %sign3A_29 = arith.extui %sign3A_28 : i1 to i32
    %sign3A_30 = arith.constant 0 : i32
    %sign3A_31 = arith.cmpi slt, %select_n3A_6, %sign3A_30 : i32
    %sign3A_32 = arith.extui %sign3A_31 : i1 to i32
    %sign3A_33 = arith.subi %sign3A_29, %sign3A_32 : i32
    %ne3A_34 = arith.cmpi ne, %sign3A_26, %sign3A_33 : i32
    %rem3A_35 = arith.remsi %jit3A_20, %select_n3A_6 : i32
    %ne3A_36 = arith.constant 0 : i32
    %ne3A_37 = arith.cmpi ne, %rem3A_35, %ne3A_36 : i32
    %and3A_38 = arith.andi %ne3A_34, %ne3A_37 : i1
    %sub3A_39 = arith.constant 1 : i32
    %sub3A_40 = arith.subi %div3A, %sub3A_39 : i32
    %select_n3A_41 = arith.select %and3A_38, %sub3A_40, %div3A : i32
    %add3A_42 = arith.constant 1 : i32
    %add3A_43 = arith.addi %select_n3A_41, %add3A_42 : i32
    %jit3A_44 = arith.constant 100 : i32
    %div3A_45 = arith.divsi %jit3A_44, %select_n3A_6 : i32
    %sign3A_46 = arith.constant 0 : i32
    %sign3A_47 = arith.cmpi sgt, %jit3A_44, %sign3A_46 : i32
    %sign3A_48 = arith.extui %sign3A_47 : i1 to i32
    %sign3A_49 = arith.constant 0 : i32
    %sign3A_50 = arith.cmpi slt, %jit3A_44, %sign3A_49 : i32
    %sign3A_51 = arith.extui %sign3A_50 : i1 to i32
    %sign3A_52 = arith.subi %sign3A_48, %sign3A_51 : i32
    %sign3A_53 = arith.constant 0 : i32
    %sign3A_54 = arith.cmpi sgt, %select_n3A_6, %sign3A_53 : i32
    %sign3A_55 = arith.extui %sign3A_54 : i1 to i32
    %sign3A_56 = arith.constant 0 : i32
    %sign3A_57 = arith.cmpi slt, %select_n3A_6, %sign3A_56 : i32
    %sign3A_58 = arith.extui %sign3A_57 : i1 to i32
    %sign3A_59 = arith.subi %sign3A_55, %sign3A_58 : i32
    %ne3A_60 = arith.cmpi ne, %sign3A_52, %sign3A_59 : i32
    %rem3A_61 = arith.remsi %jit3A_44, %select_n3A_6 : i32
    %ne3A_62 = arith.constant 0 : i32
    %ne3A_63 = arith.cmpi ne, %rem3A_61, %ne3A_62 : i32
    %and3A_64 = arith.andi %ne3A_60, %ne3A_63 : i1
    %sub3A_65 = arith.constant 1 : i32
    %sub3A_66 = arith.subi %div3A_45, %sub3A_65 : i32
    %select_n3A_67 = arith.select %and3A_64, %sub3A_66, %div3A_45 : i32
    %select_n3A_68 = arith.select %lt3A_19, %add3A_43, %select_n3A_67 : i32
    %lt3A_69 = arith.constant 21 : i32
    %lt3A_70 = arith.cmpi slt, %add3A, %lt3A_69 : i32
    %convert_element_type3A = arith.extui %lt3A_70 : i1 to i32
    %cond3A = arith.constant 0 : i32
    %cond3A_71 = arith.cmpi ne, %convert_element_type3A, %cond3A : i32
    scf.if %cond3A_71 {
      %while3A = arith.constant 0 : i32
      %while3A_76 = arith.constant 0 : i32
      %while3A_77 = arith.subi %select_n3A_68, %while3A : i32
      %while3A_78 = arith.addi %while3A, %while3A_77 : i32
      %while3A_79 = arith.constant 1 : i32
      %while3A_80 = arith.divsi %while3A_77, %while3A_79 : i32
      %while3A_81 = arith.muli %while3A_80, %while3A_79 : i32
      %while3A_82 = arith.addi %while3A, %while3A_81 : i32
      %while3A_83 = arith.constant 1 : i32
      %while3A_84 = scf.for %while3A_91 = %while3A to %while3A_82 step %while3A_83 iter_args(%while3A_92 = %while3A_76) -> (i32)  : i32 {
        %mul3A_93 = arith.constant 21 : i32
        %mul3A_94 = arith.muli %mul3A_93, %while3A_91 : i32
        %add3A_95 = arith.addi %select_n3A, %mul3A_94 : i32
        "tpu.region"() ({
          %run_scoped3A = tpu.sem_alloc : memref<!tpu.dma_semaphore, #tpu.memory_space<semaphore_mem>>
          %dma_start3A_107 = arith.constant 0 : i32
          %dma_start3A_108 = tpu.memref_slice %arg2[%add3A_95, %dma_start3A_107] : memref<100x4096xi32, #tpu.memory_space<hbm>> -> memref<1x4096xi32, #tpu.memory_space<hbm>>
          %dma_start3A_109 = tpu.memref_squeeze %dma_start3A_108 : memref<1x4096xi32, #tpu.memory_space<hbm>> -> memref<4096xi32, #tpu.memory_space<hbm>>
          %dma_start3A_110 = arith.constant 0 : i32
          %dma_start3A_111 = tpu.memref_slice %arg2[%add3A_95, %dma_start3A_110] : memref<100x4096xi32, #tpu.memory_space<hbm>> -> memref<1x4096xi32, #tpu.memory_space<hbm>>
          %dma_start3A_112 = tpu.memref_squeeze %dma_start3A_111 : memref<1x4096xi32, #tpu.memory_space<hbm>> -> memref<4096xi32, #tpu.memory_space<hbm>>
          tpu.enqueue_dma source(%dma_start3A_112 : memref<4096xi32, #tpu.memory_space<hbm>>) target(%arg5 : memref<4096xi32, #tpu.memory_space<vmem>>) target_semaphore(%run_scoped3A : memref<!tpu.dma_semaphore, #tpu.memory_space<semaphore_mem>>)
          %dma_wait3A = arith.constant 0 : i32
          %dma_wait3A_113 = tpu.memref_slice %arg2[%add3A_95, %dma_wait3A] : memref<100x4096xi32, #tpu.memory_space<hbm>> -> memref<1x4096xi32, #tpu.memory_space<hbm>>
          %dma_wait3A_114 = tpu.memref_squeeze %dma_wait3A_113 : memref<1x4096xi32, #tpu.memory_space<hbm>> -> memref<4096xi32, #tpu.memory_space<hbm>>
          %dma_wait3A_115 = arith.constant 0 : i32
          %dma_wait3A_116 = tpu.memref_slice %arg2[%add3A_95, %dma_wait3A_115] : memref<100x4096xi32, #tpu.memory_space<hbm>> -> memref<1x4096xi32, #tpu.memory_space<hbm>>
          %dma_wait3A_117 = tpu.memref_squeeze %dma_wait3A_116 : memref<1x4096xi32, #tpu.memory_space<hbm>> -> memref<4096xi32, #tpu.memory_space<hbm>>
          tpu.wait_dma2 semaphore(%run_scoped3A : memref<!tpu.dma_semaphore, #tpu.memory_space<semaphore_mem>>) src(%dma_wait3A_117 : memref<4096xi32, #tpu.memory_space<hbm>>) dst(%arg5 : memref<4096xi32, #tpu.memory_space<vmem>>)
          tpu.yield
        }) : () -> ()
        %parallel_loop3A = arith.constant 0 : i32
        %parallel_loop3A_96 = arith.constant 256 : i32
        %parallel_loop3A_97 = arith.constant 1 : i32
        scf.for %parallel_loop3A_107 = %parallel_loop3A to %parallel_loop3A_96 step %parallel_loop3A_97  : i32 {
          %parallel_loop3A_108 = arith.constant 16 : i32
          %parallel_loop3A_109 = arith.muli %parallel_loop3A_107, %parallel_loop3A_108 : i32
          %parallel_loop3A_110 = arith.index_cast %parallel_loop3A_109 : i32 to index
          %parallel_loop3A_111 = tpu.vector_load %arg5[%parallel_loop3A_110] {strides = array<i32>} : memref<4096xi32, #tpu.memory_space<vmem>>, vector<16xi32>,
          %parallel_loop3A_112 = arith.constant 0 : i32
          %parallel_loop3A_113 = vector.broadcast %parallel_loop3A_112 : i32 to vector<16xi32>
          %parallel_loop3A_114 = arith.cmpi slt, %parallel_loop3A_111, %parallel_loop3A_113 : vector<16xi32>
          %parallel_loop3A_115 = arith.constant 0 : i32
          %parallel_loop3A_116 = vector.broadcast %parallel_loop3A_115 : i32 to vector<16xi32>
          %parallel_loop3A_117 = arith.select %parallel_loop3A_114, %parallel_loop3A_116, %parallel_loop3A_111 : vector<16xi1>, vector<16xi32>
          %parallel_loop3A_118 = arith.constant 16 : i32
          %parallel_loop3A_119 = arith.muli %parallel_loop3A_107, %parallel_loop3A_118 : i32
          %parallel_loop3A_120 = arith.index_cast %parallel_loop3A_119 : i32 to index
          %parallel_loop3A_121 = tpu.vector_load %arg6[%parallel_loop3A_120] {strides = array<i32>} : memref<4096xi32, #tpu.memory_space<vmem>>, vector<16xi32>,
          tpu.vector_store %arg6[%parallel_loop3A_120], %parallel_loop3A_117 {strides = array<i32>} : memref<4096xi32, #tpu.memory_space<vmem>>, vector<16xi32>,
        } {sc.loop_unroll_factor = 4 : i64, sc.parallel_access}
        %dma_start3A = arith.constant 0 : i32
        %dma_start3A_98 = tpu.memref_slice %arg6[%dma_start3A] : memref<4096xi32, #tpu.memory_space<vmem>> -> memref<128xi32, #tpu.memory_space<vmem>>
        %dma_start3A_99 = arith.constant 0 : i32
        %dma_start3A_100 = arith.constant 0 : i32
        %dma_start3A_101 = tpu.memref_slice %arg3[%dma_start3A_99, %dma_start3A_100] : memref<100000x64xf32, #tpu.memory_space<hbm>> -> memref<100000x64xf32, #tpu.memory_space<hbm>>
        tpu.enqueue_indirect_dma source(%dma_start3A_101 : memref<100000x64xf32, #tpu.memory_space<hbm>>) target(%arg7 : memref<128x64xf32, #tpu.memory_space<vmem>>) offsets(%dma_start3A_98 : memref<128xi32, #tpu.memory_space<vmem>>) semaphore(%arg12 : memref<!tpu.dma_semaphore, #tpu.memory_space<semaphore_mem>>)
        %scan3A = arith.constant 0 : i32
        %scan3A_102 = arith.constant 16 : i32
        %scan3A_103 = arith.addi %scan3A, %scan3A_102 : i32
        %scan3A_104 = arith.constant 1 : i32
        %scan3A_105 = scf.for %scan3A_107 = %scan3A to %scan3A_103 step %scan3A_104 iter_args(%scan3A_108 = %while3A_92) -> (i32)  : i32 {
          %mul3A_109 = arith.constant 2 : i32
          %mul3A_110 = arith.muli %scan3A_107, %mul3A_109 : i32
          %add3A_111 = arith.constant 0 : i32
          %add3A_112 = arith.addi %mul3A_110, %add3A_111 : i32
          %mul3A_113 = arith.constant 2 : i32
          %mul3A_114 = arith.muli %scan3A_107, %mul3A_113 : i32
          %add3A_115 = arith.constant 0 : i32
          %add3A_116 = arith.addi %mul3A_114, %add3A_115 : i32
          %lt3A_117 = arith.constant 31 : i32
          %lt3A_118 = arith.cmpi slt, %add3A_116, %lt3A_117 : i32
          %convert_element_type3A_119 = arith.extui %lt3A_118 : i1 to i32
          %cond3A_120 = arith.constant 0 : i32
          %cond3A_121 = arith.cmpi ne, %convert_element_type3A_119, %cond3A_120 : i32
          scf.if %cond3A_121 {
            %add3A_256 = arith.constant 1 : i32
            %add3A_257 = arith.addi %add3A_112, %add3A_256 : i32
            %mul3A_258 = arith.constant 128 : i32
            %mul3A_259 = arith.muli %add3A_257, %mul3A_258 : i32
            %dma_start3A_260 = tpu.memref_slice %arg6[%mul3A_259] : memref<4096xi32, #tpu.memory_space<vmem>> -> memref<128xi32, #tpu.memory_space<vmem>>
            %dma_start3A_261 = arith.constant 0 : i32
            %dma_start3A_262 = arith.constant 0 : i32
            %dma_start3A_263 = tpu.memref_slice %arg3[%dma_start3A_261, %dma_start3A_262] : memref<100000x64xf32, #tpu.memory_space<hbm>> -> memref<100000x64xf32, #tpu.memory_space<hbm>>
            tpu.enqueue_indirect_dma source(%dma_start3A_263 : memref<100000x64xf32, #tpu.memory_space<hbm>>) target(%arg8 : memref<128x64xf32, #tpu.memory_space<vmem>>) offsets(%dma_start3A_260 : memref<128xi32, #tpu.memory_space<vmem>>) semaphore(%arg13 : memref<!tpu.dma_semaphore, #tpu.memory_space<semaphore_mem>>)
          } else {
          }
          %dma_wait3A = arith.constant 0 : i32
          %dma_wait3A_122 = tpu.memref_slice %arg6[%dma_wait3A] : memref<4096xi32, #tpu.memory_space<vmem>> -> memref<128xi32, #tpu.memory_space<vmem>>
          %dma_wait3A_123 = arith.constant 0 : i32
          %dma_wait3A_124 = arith.constant 0 : i32
          %dma_wait3A_125 = tpu.memref_slice %arg3[%dma_wait3A_123, %dma_wait3A_124] : memref<100000x64xf32, #tpu.memory_space<hbm>> -> memref<100000x64xf32, #tpu.memory_space<hbm>>
          tpu.wait_indirect_dma semaphore(%arg12 : memref<!tpu.dma_semaphore, #tpu.memory_space<semaphore_mem>>) src(%dma_wait3A_125 : memref<100000x64xf32, #tpu.memory_space<hbm>>) dst(%arg7 : memref<128x64xf32, #tpu.memory_space<vmem>>)
          %add3A_126 = arith.constant 0 : i32
          %add3A_127 = arith.addi %scan3A_108, %add3A_126 : i32
          %ge3A_128 = arith.constant 2 : i32
          %ge3A_129 = arith.cmpi sge, %add3A_127, %ge3A_128 : i32
          %convert_element_type3A_130 = arith.extui %ge3A_129 : i1 to i32
          %cond3A_131 = arith.constant 0 : i32
          %cond3A_132 = arith.cmpi ne, %convert_element_type3A_130, %cond3A_131 : i32
          scf.if %cond3A_132 {
            %dma_wait3A_256 = arith.constant 0 : i32
            %dma_wait3A_257 = arith.constant 0 : i32
            %dma_wait3A_258 = arith.constant 0 : i32
            %dma_wait3A_259 = arith.constant 0 : i32
            %dma_wait3A_260 = arith.constant 0 : i32
            %dma_wait3A_261 = arith.constant 0 : i32
            %dma_wait3A_262 = tpu.memref_slice %arg9[%dma_wait3A_258, %dma_wait3A_259, %dma_wait3A_260, %dma_wait3A_261] : memref<8x1x8x129xf32, #tpu.memory_space<vmem>> -> memref<8x1x8x128xf32, #tpu.memory_space<vmem>>
            %dma_wait3A_263 = arith.constant 0 : i32
            %dma_wait3A_264 = arith.constant 0 : i32
            %dma_wait3A_265 = arith.constant 0 : i32
            %dma_wait3A_266 = arith.constant 0 : i32
            %dma_wait3A_267 = tpu.memref_slice %arg4[%dma_wait3A_256, %dma_wait3A_257, %dma_wait3A_263, %dma_wait3A_264, %dma_wait3A_265, %dma_wait3A_266] : memref<2x100x8x32x8x128xf32, #tpu.memory_space<hbm>> -> memref<1x1x8x1x8x128xf32, #tpu.memory_space<hbm>>
            %dma_wait3A_268 = tpu.memref_squeeze %dma_wait3A_267 : memref<1x1x8x1x8x128xf32, #tpu.memory_space<hbm>> -> memref<8x1x8x128xf32, #tpu.memory_space<hbm>>
            %dma_wait3A_269 = arith.constant 0 : i32
            %dma_wait3A_270 = arith.constant 0 : i32
            %dma_wait3A_271 = arith.constant 0 : i32
            %dma_wait3A_272 = arith.constant 0 : i32
            %dma_wait3A_273 = tpu.memref_slice %arg4[%dma_wait3A_256, %dma_wait3A_257, %dma_wait3A_269, %dma_wait3A_270, %dma_wait3A_271, %dma_wait3A_272] : memref<2x100x8x32x8x128xf32, #tpu.memory_space<hbm>> -> memref<1x1x8x1x8x128xf32, #tpu.memory_space<hbm>>
            %dma_wait3A_274 = tpu.memref_squeeze %dma_wait3A_273 : memref<1x1x8x1x8x128xf32, #tpu.memory_space<hbm>> -> memref<8x1x8x128xf32, #tpu.memory_space<hbm>>
            %dma_wait3A_275 = arith.constant 0 : i32
            %dma_wait3A_276 = arith.constant 0 : i32
            %dma_wait3A_277 = arith.constant 0 : i32
            %dma_wait3A_278 = arith.constant 0 : i32
            %dma_wait3A_279 = tpu.memref_slice %arg9[%dma_wait3A_275, %dma_wait3A_276, %dma_wait3A_277, %dma_wait3A_278] : memref<8x1x8x129xf32, #tpu.memory_space<vmem>> -> memref<8x1x8x128xf32, #tpu.memory_space<vmem>>
            tpu.wait_dma2 semaphore(%arg14 : memref<!tpu.dma_semaphore, #tpu.memory_space<semaphore_mem>>) src(%dma_wait3A_279 : memref<8x1x8x128xf32, #tpu.memory_space<vmem>>) dst(%dma_wait3A_274 : memref<8x1x8x128xf32, #tpu.memory_space<hbm>>)
          } else {
          }
          %iota3A = tpu.iota {dimensions = array<i32: 0>} : vector<16xi32>
          %jit3A_133 = arith.constant 8 : i32
          %eq3A_134 = arith.constant 0 : i32
          %eq3A_135 = arith.cmpi eq, %jit3A_133, %eq3A_134 : i32
          %jit3A_136 = arith.constant 1 : i32
          %select_n3A_137 = arith.select %eq3A_135, %jit3A_136, %jit3A_133 : i32
          %rem3A_138 = vector.broadcast %select_n3A_137 : i32 to vector<16xi32>
          %rem3A_139 = arith.remsi %iota3A, %rem3A_138 : vector<16xi32>
          %ne3A_140 = arith.constant 0 : i32
          %ne3A_141 = vector.broadcast %ne3A_140 : i32 to vector<16xi32>
          %ne3A_142 = arith.cmpi ne, %rem3A_139, %ne3A_141 : vector<16xi32>
          %lt3A_143 = arith.constant 0 : i32
          %lt3A_144 = vector.broadcast %lt3A_143 : i32 to vector<16xi32>
          %lt3A_145 = arith.cmpi slt, %rem3A_139, %lt3A_144 : vector<16xi32>
          %lt3A_146 = arith.constant 0 : i32
          %lt3A_147 = arith.cmpi slt, %select_n3A_137, %lt3A_146 : i32
          %ne3A_148 = vector.broadcast %lt3A_147 : i1 to vector<16xi1>
          %ne3A_149 = vector.broadcast %ne3A_148 : vector<16xi1> to vector<16xi1>
          %ne3A_150 = arith.xori %lt3A_145, %ne3A_149 : vector<16xi1>
          %and3A_151 = arith.andi %ne3A_150, %ne3A_142 : vector<16xi1>
          %add3A_152 = vector.broadcast %select_n3A_137 : i32 to vector<16xi32>
          %add3A_153 = arith.addi %rem3A_139, %add3A_152 : vector<16xi32>
          %select_n3A_154 = arith.select %and3A_151, %add3A_153, %rem3A_139 : vector<16xi1>, vector<16xi32>
          %broadcast_in_dim3A = arith.constant 0 : i32
          %broadcast_in_dim3A_155 = vector.broadcast %broadcast_in_dim3A : i32 to vector<16xi32>
          %parallel_loop3A_156 = arith.constant 0 : i32
          %parallel_loop3A_157 = arith.constant 128 : i32
          %parallel_loop3A_158 = arith.constant 1 : i32
          scf.for %parallel_loop3A_256 = %parallel_loop3A_156 to %parallel_loop3A_157 step %parallel_loop3A_158  : i32 {
            %parallel_loop3A_257 = vector.broadcast %parallel_loop3A_256 : i32 to vector<16xi32>
            %parallel_loop3A_258 = arith.index_cast %parallel_loop3A_256 : i32 to index
            %parallel_loop3A_259 = arith.constant 0 : index
            %parallel_loop3A_260 = tpu.vector_load %arg7[%parallel_loop3A_258, %parallel_loop3A_259] {strides = array<i32>} : memref<128x64xf32, #tpu.memory_space<vmem>>, vector<16xf32>,
            %parallel_loop3A_261 = arith.constant 8 : i32
            %parallel_loop3A_262 = vector.broadcast %parallel_loop3A_261 : i32 to vector<16xi32>
            %parallel_loop3A_263 = arith.divsi %iota3A, %parallel_loop3A_262 : vector<16xi32>
            %parallel_loop3A_264 = arith.constant 0 : i32
            %parallel_loop3A_265 = vector.broadcast %parallel_loop3A_264 : i32 to vector<16xi32>
            %parallel_loop3A_266 = arith.cmpi sgt, %iota3A, %parallel_loop3A_265 : vector<16xi32>
            %parallel_loop3A_267 = arith.extui %parallel_loop3A_266 : vector<16xi1> to vector<16xi32>
            %parallel_loop3A_268 = arith.constant 0 : i32
            %parallel_loop3A_269 = vector.broadcast %parallel_loop3A_268 : i32 to vector<16xi32>
            %parallel_loop3A_270 = arith.cmpi slt, %iota3A, %parallel_loop3A_269 : vector<16xi32>
            %parallel_loop3A_271 = arith.extui %parallel_loop3A_270 : vector<16xi1> to vector<16xi32>
            %parallel_loop3A_272 = arith.subi %parallel_loop3A_267, %parallel_loop3A_271 : vector<16xi32>
            %parallel_loop3A_273 = arith.constant 0 : i32
            %parallel_loop3A_274 = arith.cmpi sgt, %parallel_loop3A_261, %parallel_loop3A_273 : i32
            %parallel_loop3A_275 = arith.extui %parallel_loop3A_274 : i1 to i32
            %parallel_loop3A_276 = arith.constant 0 : i32
            %parallel_loop3A_277 = arith.cmpi slt, %parallel_loop3A_261, %parallel_loop3A_276 : i32
            %parallel_loop3A_278 = arith.extui %parallel_loop3A_277 : i1 to i32
            %parallel_loop3A_279 = arith.subi %parallel_loop3A_275, %parallel_loop3A_278 : i32
            %parallel_loop3A_280 = vector.broadcast %parallel_loop3A_279 : i32 to vector<16xi32>
            %parallel_loop3A_281 = arith.cmpi ne, %parallel_loop3A_272, %parallel_loop3A_280 : vector<16xi32>
            %parallel_loop3A_282 = vector.broadcast %parallel_loop3A_261 : i32 to vector<16xi32>
            %parallel_loop3A_283 = arith.remsi %iota3A, %parallel_loop3A_282 : vector<16xi32>
            %parallel_loop3A_284 = arith.constant 0 : i32
            %parallel_loop3A_285 = vector.broadcast %parallel_loop3A_284 : i32 to vector<16xi32>
            %parallel_loop3A_286 = arith.cmpi ne, %parallel_loop3A_283, %parallel_loop3A_285 : vector<16xi32>
            %parallel_loop3A_287 = arith.andi %parallel_loop3A_281, %parallel_loop3A_286 : vector<16xi1>
            %parallel_loop3A_288 = arith.constant 1 : i32
            %parallel_loop3A_289 = vector.broadcast %parallel_loop3A_288 : i32 to vector<16xi32>
            %parallel_loop3A_290 = arith.subi %parallel_loop3A_263, %parallel_loop3A_289 : vector<16xi32>
            %parallel_loop3A_291 = arith.select %parallel_loop3A_287, %parallel_loop3A_290, %parallel_loop3A_263 : vector<16xi1>, vector<16xi32>
            %parallel_loop3A_292 = arith.constant 0 : i32
            %parallel_loop3A_293 = vector.broadcast %parallel_loop3A_292 : i32 to vector<16xi32>
            %parallel_loop3A_294 = arith.addi %parallel_loop3A_293, %parallel_loop3A_291 : vector<16xi32>
            tpu.vector_store_idx %arg9[%parallel_loop3A_294, %broadcast_in_dim3A_155, %select_n3A_154, %parallel_loop3A_257], %parallel_loop3A_260 : memref<8x1x8x129xf32, #tpu.memory_space<vmem>>[vector<16xi32>, vector<16xi32>, vector<16xi32>, vector<16xi32>], vector<16xf32>,
            %parallel_loop3A_295 = arith.index_cast %parallel_loop3A_256 : i32 to index
            %parallel_loop3A_296 = arith.constant 16 : index
            %parallel_loop3A_297 = tpu.vector_load %arg7[%parallel_loop3A_295, %parallel_loop3A_296] {strides = array<i32>} : memref<128x64xf32, #tpu.memory_space<vmem>>, vector<16xf32>,
            %parallel_loop3A_298 = arith.constant 8 : i32
            %parallel_loop3A_299 = vector.broadcast %parallel_loop3A_298 : i32 to vector<16xi32>
            %parallel_loop3A_300 = arith.divsi %iota3A, %parallel_loop3A_299 : vector<16xi32>
            %parallel_loop3A_301 = arith.constant 0 : i32
            %parallel_loop3A_302 = vector.broadcast %parallel_loop3A_301 : i32 to vector<16xi32>
            %parallel_loop3A_303 = arith.cmpi sgt, %iota3A, %parallel_loop3A_302 : vector<16xi32>
            %parallel_loop3A_304 = arith.extui %parallel_loop3A_303 : vector<16xi1> to vector<16xi32>
            %parallel_loop3A_305 = arith.constant 0 : i32
            %parallel_loop3A_306 = vector.broadcast %parallel_loop3A_305 : i32 to vector<16xi32>
            %parallel_loop3A_307 = arith.cmpi slt, %iota3A, %parallel_loop3A_306 : vector<16xi32>
            %parallel_loop3A_308 = arith.extui %parallel_loop3A_307 : vector<16xi1> to vector<16xi32>
            %parallel_loop3A_309 = arith.subi %parallel_loop3A_304, %parallel_loop3A_308 : vector<16xi32>
            %parallel_loop3A_310 = arith.constant 0 : i32
            %parallel_loop3A_311 = arith.cmpi sgt, %parallel_loop3A_298, %parallel_loop3A_310 : i32
            %parallel_loop3A_312 = arith.extui %parallel_loop3A_311 : i1 to i32
            %parallel_loop3A_313 = arith.constant 0 : i32
            %parallel_loop3A_314 = arith.cmpi slt, %parallel_loop3A_298, %parallel_loop3A_313 : i32
            %parallel_loop3A_315 = arith.extui %parallel_loop3A_314 : i1 to i32
            %parallel_loop3A_316 = arith.subi %parallel_loop3A_312, %parallel_loop3A_315 : i32
            %parallel_loop3A_317 = vector.broadcast %parallel_loop3A_316 : i32 to vector<16xi32>
            %parallel_loop3A_318 = arith.cmpi ne, %parallel_loop3A_309, %parallel_loop3A_317 : vector<16xi32>
            %parallel_loop3A_319 = vector.broadcast %parallel_loop3A_298 : i32 to vector<16xi32>
            %parallel_loop3A_320 = arith.remsi %iota3A, %parallel_loop3A_319 : vector<16xi32>
            %parallel_loop3A_321 = arith.constant 0 : i32
            %parallel_loop3A_322 = vector.broadcast %parallel_loop3A_321 : i32 to vector<16xi32>
            %parallel_loop3A_323 = arith.cmpi ne, %parallel_loop3A_320, %parallel_loop3A_322 : vector<16xi32>
            %parallel_loop3A_324 = arith.andi %parallel_loop3A_318, %parallel_loop3A_323 : vector<16xi1>
            %parallel_loop3A_325 = arith.constant 1 : i32
            %parallel_loop3A_326 = vector.broadcast %parallel_loop3A_325 : i32 to vector<16xi32>
            %parallel_loop3A_327 = arith.subi %parallel_loop3A_300, %parallel_loop3A_326 : vector<16xi32>
            %parallel_loop3A_328 = arith.select %parallel_loop3A_324, %parallel_loop3A_327, %parallel_loop3A_300 : vector<16xi1>, vector<16xi32>
            %parallel_loop3A_329 = arith.constant 2 : i32
            %parallel_loop3A_330 = vector.broadcast %parallel_loop3A_329 : i32 to vector<16xi32>
            %parallel_loop3A_331 = arith.addi %parallel_loop3A_330, %parallel_loop3A_328 : vector<16xi32>
            tpu.vector_store_idx %arg9[%parallel_loop3A_331, %broadcast_in_dim3A_155, %select_n3A_154, %parallel_loop3A_257], %parallel_loop3A_297 : memref<8x1x8x129xf32, #tpu.memory_space<vmem>>[vector<16xi32>, vector<16xi32>, vector<16xi32>, vector<16xi32>], vector<16xf32>,
            %parallel_loop3A_332 = arith.index_cast %parallel_loop3A_256 : i32 to index
            %parallel_loop3A_333 = arith.constant 32 : index
            %parallel_loop3A_334 = tpu.vector_load %arg7[%parallel_loop3A_332, %parallel_loop3A_333] {strides = array<i32>} : memref<128x64xf32, #tpu.memory_space<vmem>>, vector<16xf32>,
            %parallel_loop3A_335 = arith.constant 8 : i32
            %parallel_loop3A_336 = vector.broadcast %parallel_loop3A_335 : i32 to vector<16xi32>
            %parallel_loop3A_337 = arith.divsi %iota3A, %parallel_loop3A_336 : vector<16xi32>
            %parallel_loop3A_338 = arith.constant 0 : i32
            %parallel_loop3A_339 = vector.broadcast %parallel_loop3A_338 : i32 to vector<16xi32>
            %parallel_loop3A_340 = arith.cmpi sgt, %iota3A, %parallel_loop3A_339 : vector<16xi32>
            %parallel_loop3A_341 = arith.extui %parallel_loop3A_340 : vector<16xi1> to vector<16xi32>
            %parallel_loop3A_342 = arith.constant 0 : i32
            %parallel_loop3A_343 = vector.broadcast %parallel_loop3A_342 : i32 to vector<16xi32>
            %parallel_loop3A_344 = arith.cmpi slt, %iota3A, %parallel_loop3A_343 : vector<16xi32>
            %parallel_loop3A_345 = arith.extui %parallel_loop3A_344 : vector<16xi1> to vector<16xi32>
            %parallel_loop3A_346 = arith.subi %parallel_loop3A_341, %parallel_loop3A_345 : vector<16xi32>
            %parallel_loop3A_347 = arith.constant 0 : i32
            %parallel_loop3A_348 = arith.cmpi sgt, %parallel_loop3A_335, %parallel_loop3A_347 : i32
            %parallel_loop3A_349 = arith.extui %parallel_loop3A_348 : i1 to i32
            %parallel_loop3A_350 = arith.constant 0 : i32
            %parallel_loop3A_351 = arith.cmpi slt, %parallel_loop3A_335, %parallel_loop3A_350 : i32
            %parallel_loop3A_352 = arith.extui %parallel_loop3A_351 : i1 to i32
            %parallel_loop3A_353 = arith.subi %parallel_loop3A_349, %parallel_loop3A_352 : i32
            %parallel_loop3A_354 = vector.broadcast %parallel_loop3A_353 : i32 to vector<16xi32>
            %parallel_loop3A_355 = arith.cmpi ne, %parallel_loop3A_346, %parallel_loop3A_354 : vector<16xi32>
            %parallel_loop3A_356 = vector.broadcast %parallel_loop3A_335 : i32 to vector<16xi32>
            %parallel_loop3A_357 = arith.remsi %iota3A, %parallel_loop3A_356 : vector<16xi32>
            %parallel_loop3A_358 = arith.constant 0 : i32
            %parallel_loop3A_359 = vector.broadcast %parallel_loop3A_358 : i32 to vector<16xi32>
            %parallel_loop3A_360 = arith.cmpi ne, %parallel_loop3A_357, %parallel_loop3A_359 : vector<16xi32>
            %parallel_loop3A_361 = arith.andi %parallel_loop3A_355, %parallel_loop3A_360 : vector<16xi1>
            %parallel_loop3A_362 = arith.constant 1 : i32
            %parallel_loop3A_363 = vector.broadcast %parallel_loop3A_362 : i32 to vector<16xi32>
            %parallel_loop3A_364 = arith.subi %parallel_loop3A_337, %parallel_loop3A_363 : vector<16xi32>
            %parallel_loop3A_365 = arith.select %parallel_loop3A_361, %parallel_loop3A_364, %parallel_loop3A_337 : vector<16xi1>, vector<16xi32>
            %parallel_loop3A_366 = arith.constant 4 : i32
            %parallel_loop3A_367 = vector.broadcast %parallel_loop3A_366 : i32 to vector<16xi32>
            %parallel_loop3A_368 = arith.addi %parallel_loop3A_367, %parallel_loop3A_365 : vector<16xi32>
            tpu.vector_store_idx %arg9[%parallel_loop3A_368, %broadcast_in_dim3A_155, %select_n3A_154, %parallel_loop3A_257], %parallel_loop3A_334 : memref<8x1x8x129xf32, #tpu.memory_space<vmem>>[vector<16xi32>, vector<16xi32>, vector<16xi32>, vector<16xi32>], vector<16xf32>,
            %parallel_loop3A_369 = arith.index_cast %parallel_loop3A_256 : i32 to index
            %parallel_loop3A_370 = arith.constant 48 : index
            %parallel_loop3A_371 = tpu.vector_load %arg7[%parallel_loop3A_369, %parallel_loop3A_370] {strides = array<i32>} : memref<128x64xf32, #tpu.memory_space<vmem>>, vector<16xf32>,
            %parallel_loop3A_372 = arith.constant 8 : i32
            %parallel_loop3A_373 = vector.broadcast %parallel_loop3A_372 : i32 to vector<16xi32>
            %parallel_loop3A_374 = arith.divsi %iota3A, %parallel_loop3A_373 : vector<16xi32>
            %parallel_loop3A_375 = arith.constant 0 : i32
            %parallel_loop3A_376 = vector.broadcast %parallel_loop3A_375 : i32 to vector<16xi32>
            %parallel_loop3A_377 = arith.cmpi sgt, %iota3A, %parallel_loop3A_376 : vector<16xi32>
            %parallel_loop3A_378 = arith.extui %parallel_loop3A_377 : vector<16xi1> to vector<16xi32>
            %parallel_loop3A_379 = arith.constant 0 : i32
            %parallel_loop3A_380 = vector.broadcast %parallel_loop3A_379 : i32 to vector<16xi32>
            %parallel_loop3A_381 = arith.cmpi slt, %iota3A, %parallel_loop3A_380 : vector<16xi32>
            %parallel_loop3A_382 = arith.extui %parallel_loop3A_381 : vector<16xi1> to vector<16xi32>
            %parallel_loop3A_383 = arith.subi %parallel_loop3A_378, %parallel_loop3A_382 : vector<16xi32>
            %parallel_loop3A_384 = arith.constant 0 : i32
            %parallel_loop3A_385 = arith.cmpi sgt, %parallel_loop3A_372, %parallel_loop3A_384 : i32
            %parallel_loop3A_386 = arith.extui %parallel_loop3A_385 : i1 to i32
            %parallel_loop3A_387 = arith.constant 0 : i32
            %parallel_loop3A_388 = arith.cmpi slt, %parallel_loop3A_372, %parallel_loop3A_387 : i32
            %parallel_loop3A_389 = arith.extui %parallel_loop3A_388 : i1 to i32
            %parallel_loop3A_390 = arith.subi %parallel_loop3A_386, %parallel_loop3A_389 : i32
            %parallel_loop3A_391 = vector.broadcast %parallel_loop3A_390 : i32 to vector<16xi32>
            %parallel_loop3A_392 = arith.cmpi ne, %parallel_loop3A_383, %parallel_loop3A_391 : vector<16xi32>
            %parallel_loop3A_393 = vector.broadcast %parallel_loop3A_372 : i32 to vector<16xi32>
            %parallel_loop3A_394 = arith.remsi %iota3A, %parallel_loop3A_393 : vector<16xi32>
            %parallel_loop3A_395 = arith.constant 0 : i32
            %parallel_loop3A_396 = vector.broadcast %parallel_loop3A_395 : i32 to vector<16xi32>
            %parallel_loop3A_397 = arith.cmpi ne, %parallel_loop3A_394, %parallel_loop3A_396 : vector<16xi32>
            %parallel_loop3A_398 = arith.andi %parallel_loop3A_392, %parallel_loop3A_397 : vector<16xi1>
            %parallel_loop3A_399 = arith.constant 1 : i32
            %parallel_loop3A_400 = vector.broadcast %parallel_loop3A_399 : i32 to vector<16xi32>
            %parallel_loop3A_401 = arith.subi %parallel_loop3A_374, %parallel_loop3A_400 : vector<16xi32>
            %parallel_loop3A_402 = arith.select %parallel_loop3A_398, %parallel_loop3A_401, %parallel_loop3A_374 : vector<16xi1>, vector<16xi32>
            %parallel_loop3A_403 = arith.constant 6 : i32
            %parallel_loop3A_404 = vector.broadcast %parallel_loop3A_403 : i32 to vector<16xi32>
            %parallel_loop3A_405 = arith.addi %parallel_loop3A_404, %parallel_loop3A_402 : vector<16xi32>
            tpu.vector_store_idx %arg9[%parallel_loop3A_405, %broadcast_in_dim3A_155, %select_n3A_154, %parallel_loop3A_257], %parallel_loop3A_371 : memref<8x1x8x129xf32, #tpu.memory_space<vmem>>[vector<16xi32>, vector<16xi32>, vector<16xi32>, vector<16xi32>], vector<16xf32>,
          } {sc.loop_unroll_factor = 2 : i64, sc.parallel_access}
          %dma_start3A_159 = arith.constant 0 : i32
          %dma_start3A_160 = arith.constant 0 : i32
          %dma_start3A_161 = arith.constant 0 : i32
          %dma_start3A_162 = arith.constant 0 : i32
          %dma_start3A_163 = arith.constant 0 : i32
          %dma_start3A_164 = tpu.memref_slice %arg9[%dma_start3A_160, %dma_start3A_161, %dma_start3A_162, %dma_start3A_163] : memref<8x1x8x129xf32, #tpu.memory_space<vmem>> -> memref<8x1x8x128xf32, #tpu.memory_space<vmem>>
          %dma_start3A_165 = arith.constant 0 : i32
          %dma_start3A_166 = arith.constant 0 : i32
          %dma_start3A_167 = arith.constant 0 : i32
          %dma_start3A_168 = tpu.memref_slice %arg4[%dma_start3A_159, %add3A_95, %dma_start3A_165, %add3A_112, %dma_start3A_166, %dma_start3A_167] : memref<2x100x8x32x8x128xf32, #tpu.memory_space<hbm>> -> memref<1x1x8x1x8x128xf32, #tpu.memory_space<hbm>>
          %dma_start3A_169 = tpu.memref_squeeze %dma_start3A_168 : memref<1x1x8x1x8x128xf32, #tpu.memory_space<hbm>> -> memref<8x1x8x128xf32, #tpu.memory_space<hbm>>
          %dma_start3A_170 = arith.constant 0 : i32
          %dma_start3A_171 = arith.constant 0 : i32
          %dma_start3A_172 = arith.constant 0 : i32
          %dma_start3A_173 = tpu.memref_slice %arg4[%dma_start3A_159, %add3A_95, %dma_start3A_170, %add3A_112, %dma_start3A_171, %dma_start3A_172] : memref<2x100x8x32x8x128xf32, #tpu.memory_space<hbm>> -> memref<1x1x8x1x8x128xf32, #tpu.memory_space<hbm>>
          %dma_start3A_174 = tpu.memref_squeeze %dma_start3A_173 : memref<1x1x8x1x8x128xf32, #tpu.memory_space<hbm>> -> memref<8x1x8x128xf32, #tpu.memory_space<hbm>>
          %dma_start3A_175 = arith.constant 0 : i32
          %dma_start3A_176 = arith.constant 0 : i32
          %dma_start3A_177 = arith.constant 0 : i32
          %dma_start3A_178 = arith.constant 0 : i32
          %dma_start3A_179 = tpu.memref_slice %arg9[%dma_start3A_175, %dma_start3A_176, %dma_start3A_177, %dma_start3A_178] : memref<8x1x8x129xf32, #tpu.memory_space<vmem>> -> memref<8x1x8x128xf32, #tpu.memory_space<vmem>>
          tpu.enqueue_dma source(%dma_start3A_179 : memref<8x1x8x128xf32, #tpu.memory_space<vmem>>) target(%dma_start3A_174 : memref<8x1x8x128xf32, #tpu.memory_space<hbm>>) target_semaphore(%arg14 : memref<!tpu.dma_semaphore, #tpu.memory_space<semaphore_mem>>)
          %mul3A_180 = arith.constant 2 : i32
          %mul3A_181 = arith.muli %scan3A_107, %mul3A_180 : i32
          %add3A_182 = arith.constant 1 : i32
          %add3A_183 = arith.addi %mul3A_181, %add3A_182 : i32
          %mul3A_184 = arith.constant 2 : i32
          %mul3A_185 = arith.muli %scan3A_107, %mul3A_184 : i32
          %add3A_186 = arith.constant 1 : i32
          %add3A_187 = arith.addi %mul3A_185, %add3A_186 : i32
          %lt3A_188 = arith.constant 31 : i32
          %lt3A_189 = arith.cmpi slt, %add3A_187, %lt3A_188 : i32
          %convert_element_type3A_190 = arith.extui %lt3A_189 : i1 to i32
          %cond3A_191 = arith.constant 0 : i32
          %cond3A_192 = arith.cmpi ne, %convert_element_type3A_190, %cond3A_191 : i32
          scf.if %cond3A_192 {
            %add3A_256 = arith.constant 1 : i32
            %add3A_257 = arith.addi %add3A_183, %add3A_256 : i32
            %mul3A_258 = arith.constant 128 : i32
            %mul3A_259 = arith.muli %add3A_257, %mul3A_258 : i32
            %dma_start3A_260 = tpu.memref_slice %arg6[%mul3A_259] : memref<4096xi32, #tpu.memory_space<vmem>> -> memref<128xi32, #tpu.memory_space<vmem>>
            %dma_start3A_261 = arith.constant 0 : i32
            %dma_start3A_262 = arith.constant 0 : i32
            %dma_start3A_263 = tpu.memref_slice %arg3[%dma_start3A_261, %dma_start3A_262] : memref<100000x64xf32, #tpu.memory_space<hbm>> -> memref<100000x64xf32, #tpu.memory_space<hbm>>
            tpu.enqueue_indirect_dma source(%dma_start3A_263 : memref<100000x64xf32, #tpu.memory_space<hbm>>) target(%arg7 : memref<128x64xf32, #tpu.memory_space<vmem>>) offsets(%dma_start3A_260 : memref<128xi32, #tpu.memory_space<vmem>>) semaphore(%arg12 : memref<!tpu.dma_semaphore, #tpu.memory_space<semaphore_mem>>)
          } else {
          }
          %dma_wait3A_193 = arith.constant 0 : i32
          %dma_wait3A_194 = tpu.memref_slice %arg6[%dma_wait3A_193] : memref<4096xi32, #tpu.memory_space<vmem>> -> memref<128xi32, #tpu.memory_space<vmem>>
          %dma_wait3A_195 = arith.constant 0 : i32
          %dma_wait3A_196 = arith.constant 0 : i32
          %dma_wait3A_197 = tpu.memref_slice %arg3[%dma_wait3A_195, %dma_wait3A_196] : memref<100000x64xf32, #tpu.memory_space<hbm>> -> memref<100000x64xf32, #tpu.memory_space<hbm>>
          tpu.wait_indirect_dma semaphore(%arg13 : memref<!tpu.dma_semaphore, #tpu.memory_space<semaphore_mem>>) src(%dma_wait3A_197 : memref<100000x64xf32, #tpu.memory_space<hbm>>) dst(%arg8 : memref<128x64xf32, #tpu.memory_space<vmem>>)
          %add3A_198 = arith.constant 1 : i32
          %add3A_199 = arith.addi %scan3A_108, %add3A_198 : i32
          %ge3A_200 = arith.constant 2 : i32
          %ge3A_201 = arith.cmpi sge, %add3A_199, %ge3A_200 : i32
          %convert_element_type3A_202 = arith.extui %ge3A_201 : i1 to i32
          %cond3A_203 = arith.constant 0 : i32
          %cond3A_204 = arith.cmpi ne, %convert_element_type3A_202, %cond3A_203 : i32
          scf.if %cond3A_204 {
            %dma_wait3A_256 = arith.constant 0 : i32
            %dma_wait3A_257 = arith.constant 0 : i32
            %dma_wait3A_258 = arith.constant 0 : i32
            %dma_wait3A_259 = arith.constant 0 : i32
            %dma_wait3A_260 = arith.constant 0 : i32
            %dma_wait3A_261 = arith.constant 0 : i32
            %dma_wait3A_262 = tpu.memref_slice %arg10[%dma_wait3A_258, %dma_wait3A_259, %dma_wait3A_260, %dma_wait3A_261] : memref<8x1x8x129xf32, #tpu.memory_space<vmem>> -> memref<8x1x8x128xf32, #tpu.memory_space<vmem>>
            %dma_wait3A_263 = arith.constant 0 : i32
            %dma_wait3A_264 = arith.constant 0 : i32
            %dma_wait3A_265 = arith.constant 0 : i32
            %dma_wait3A_266 = arith.constant 0 : i32
            %dma_wait3A_267 = tpu.memref_slice %arg4[%dma_wait3A_256, %dma_wait3A_257, %dma_wait3A_263, %dma_wait3A_264, %dma_wait3A_265, %dma_wait3A_266] : memref<2x100x8x32x8x128xf32, #tpu.memory_space<hbm>> -> memref<1x1x8x1x8x128xf32, #tpu.memory_space<hbm>>
            %dma_wait3A_268 = tpu.memref_squeeze %dma_wait3A_267 : memref<1x1x8x1x8x128xf32, #tpu.memory_space<hbm>> -> memref<8x1x8x128xf32, #tpu.memory_space<hbm>>
            %dma_wait3A_269 = arith.constant 0 : i32
            %dma_wait3A_270 = arith.constant 0 : i32
            %dma_wait3A_271 = arith.constant 0 : i32
            %dma_wait3A_272 = arith.constant 0 : i32
            %dma_wait3A_273 = tpu.memref_slice %arg4[%dma_wait3A_256, %dma_wait3A_257, %dma_wait3A_269, %dma_wait3A_270, %dma_wait3A_271, %dma_wait3A_272] : memref<2x100x8x32x8x128xf32, #tpu.memory_space<hbm>> -> memref<1x1x8x1x8x128xf32, #tpu.memory_space<hbm>>
            %dma_wait3A_274 = tpu.memref_squeeze %dma_wait3A_273 : memref<1x1x8x1x8x128xf32, #tpu.memory_space<hbm>> -> memref<8x1x8x128xf32, #tpu.memory_space<hbm>>
            %dma_wait3A_275 = arith.constant 0 : i32
            %dma_wait3A_276 = arith.constant 0 : i32
            %dma_wait3A_277 = arith.constant 0 : i32
            %dma_wait3A_278 = arith.constant 0 : i32
            %dma_wait3A_279 = tpu.memref_slice %arg10[%dma_wait3A_275, %dma_wait3A_276, %dma_wait3A_277, %dma_wait3A_278] : memref<8x1x8x129xf32, #tpu.memory_space<vmem>> -> memref<8x1x8x128xf32, #tpu.memory_space<vmem>>
            tpu.wait_dma2 semaphore(%arg15 : memref<!tpu.dma_semaphore, #tpu.memory_space<semaphore_mem>>) src(%dma_wait3A_279 : memref<8x1x8x128xf32, #tpu.memory_space<vmem>>) dst(%dma_wait3A_274 : memref<8x1x8x128xf32, #tpu.memory_space<hbm>>)
          } else {
          }
          %iota3A_205 = tpu.iota {dimensions = array<i32: 0>} : vector<16xi32>
          %jit3A_206 = arith.constant 8 : i32
          %eq3A_207 = arith.constant 0 : i32
          %eq3A_208 = arith.cmpi eq, %jit3A_206, %eq3A_207 : i32
          %jit3A_209 = arith.constant 1 : i32
          %select_n3A_210 = arith.select %eq3A_208, %jit3A_209, %jit3A_206 : i32
          %rem3A_211 = vector.broadcast %select_n3A_210 : i32 to vector<16xi32>
          %rem3A_212 = arith.remsi %iota3A_205, %rem3A_211 : vector<16xi32>
          %ne3A_213 = arith.constant 0 : i32
          %ne3A_214 = vector.broadcast %ne3A_213 : i32 to vector<16xi32>
          %ne3A_215 = arith.cmpi ne, %rem3A_212, %ne3A_214 : vector<16xi32>
          %lt3A_216 = arith.constant 0 : i32
          %lt3A_217 = vector.broadcast %lt3A_216 : i32 to vector<16xi32>
          %lt3A_218 = arith.cmpi slt, %rem3A_212, %lt3A_217 : vector<16xi32>
          %lt3A_219 = arith.constant 0 : i32
          %lt3A_220 = arith.cmpi slt, %select_n3A_210, %lt3A_219 : i32
          %ne3A_221 = vector.broadcast %lt3A_220 : i1 to vector<16xi1>
          %ne3A_222 = vector.broadcast %ne3A_221 : vector<16xi1> to vector<16xi1>
          %ne3A_223 = arith.xori %lt3A_218, %ne3A_222 : vector<16xi1>
          %and3A_224 = arith.andi %ne3A_223, %ne3A_215 : vector<16xi1>
          %add3A_225 = vector.broadcast %select_n3A_210 : i32 to vector<16xi32>
          %add3A_226 = arith.addi %rem3A_212, %add3A_225 : vector<16xi32>
          %select_n3A_227 = arith.select %and3A_224, %add3A_226, %rem3A_212 : vector<16xi1>, vector<16xi32>
          %broadcast_in_dim3A_228 = arith.constant 0 : i32
          %broadcast_in_dim3A_229 = vector.broadcast %broadcast_in_dim3A_228 : i32 to vector<16xi32>
          %parallel_loop3A_230 = arith.constant 0 : i32
          %parallel_loop3A_231 = arith.constant 128 : i32
          %parallel_loop3A_232 = arith.constant 1 : i32
          scf.for %parallel_loop3A_256 = %parallel_loop3A_230 to %parallel_loop3A_231 step %parallel_loop3A_232  : i32 {
            %parallel_loop3A_257 = vector.broadcast %parallel_loop3A_256 : i32 to vector<16xi32>
            %parallel_loop3A_258 = arith.index_cast %parallel_loop3A_256 : i32 to index
            %parallel_loop3A_259 = arith.constant 0 : index
            %parallel_loop3A_260 = tpu.vector_load %arg8[%parallel_loop3A_258, %parallel_loop3A_259] {strides = array<i32>} : memref<128x64xf32, #tpu.memory_space<vmem>>, vector<16xf32>,
            %parallel_loop3A_261 = arith.constant 8 : i32
            %parallel_loop3A_262 = vector.broadcast %parallel_loop3A_261 : i32 to vector<16xi32>
            %parallel_loop3A_263 = arith.divsi %iota3A_205, %parallel_loop3A_262 : vector<16xi32>
            %parallel_loop3A_264 = arith.constant 0 : i32
            %parallel_loop3A_265 = vector.broadcast %parallel_loop3A_264 : i32 to vector<16xi32>
            %parallel_loop3A_266 = arith.cmpi sgt, %iota3A_205, %parallel_loop3A_265 : vector<16xi32>
            %parallel_loop3A_267 = arith.extui %parallel_loop3A_266 : vector<16xi1> to vector<16xi32>
            %parallel_loop3A_268 = arith.constant 0 : i32
            %parallel_loop3A_269 = vector.broadcast %parallel_loop3A_268 : i32 to vector<16xi32>
            %parallel_loop3A_270 = arith.cmpi slt, %iota3A_205, %parallel_loop3A_269 : vector<16xi32>
            %parallel_loop3A_271 = arith.extui %parallel_loop3A_270 : vector<16xi1> to vector<16xi32>
            %parallel_loop3A_272 = arith.subi %parallel_loop3A_267, %parallel_loop3A_271 : vector<16xi32>
            %parallel_loop3A_273 = arith.constant 0 : i32
            %parallel_loop3A_274 = arith.cmpi sgt, %parallel_loop3A_261, %parallel_loop3A_273 : i32
            %parallel_loop3A_275 = arith.extui %parallel_loop3A_274 : i1 to i32
            %parallel_loop3A_276 = arith.constant 0 : i32
            %parallel_loop3A_277 = arith.cmpi slt, %parallel_loop3A_261, %parallel_loop3A_276 : i32
            %parallel_loop3A_278 = arith.extui %parallel_loop3A_277 : i1 to i32
            %parallel_loop3A_279 = arith.subi %parallel_loop3A_275, %parallel_loop3A_278 : i32
            %parallel_loop3A_280 = vector.broadcast %parallel_loop3A_279 : i32 to vector<16xi32>
            %parallel_loop3A_281 = arith.cmpi ne, %parallel_loop3A_272, %parallel_loop3A_280 : vector<16xi32>
            %parallel_loop3A_282 = vector.broadcast %parallel_loop3A_261 : i32 to vector<16xi32>
            %parallel_loop3A_283 = arith.remsi %iota3A_205, %parallel_loop3A_282 : vector<16xi32>
            %parallel_loop3A_284 = arith.constant 0 : i32
            %parallel_loop3A_285 = vector.broadcast %parallel_loop3A_284 : i32 to vector<16xi32>
            %parallel_loop3A_286 = arith.cmpi ne, %parallel_loop3A_283, %parallel_loop3A_285 : vector<16xi32>
            %parallel_loop3A_287 = arith.andi %parallel_loop3A_281, %parallel_loop3A_286 : vector<16xi1>
            %parallel_loop3A_288 = arith.constant 1 : i32
            %parallel_loop3A_289 = vector.broadcast %parallel_loop3A_288 : i32 to vector<16xi32>
            %parallel_loop3A_290 = arith.subi %parallel_loop3A_263, %parallel_loop3A_289 : vector<16xi32>
            %parallel_loop3A_291 = arith.select %parallel_loop3A_287, %parallel_loop3A_290, %parallel_loop3A_263 : vector<16xi1>, vector<16xi32>
            %parallel_loop3A_292 = arith.constant 0 : i32
            %parallel_loop3A_293 = vector.broadcast %parallel_loop3A_292 : i32 to vector<16xi32>
            %parallel_loop3A_294 = arith.addi %parallel_loop3A_293, %parallel_loop3A_291 : vector<16xi32>
            tpu.vector_store_idx %arg10[%parallel_loop3A_294, %broadcast_in_dim3A_229, %select_n3A_227, %parallel_loop3A_257], %parallel_loop3A_260 : memref<8x1x8x129xf32, #tpu.memory_space<vmem>>[vector<16xi32>, vector<16xi32>, vector<16xi32>, vector<16xi32>], vector<16xf32>,
            %parallel_loop3A_295 = arith.index_cast %parallel_loop3A_256 : i32 to index
            %parallel_loop3A_296 = arith.constant 16 : index
            %parallel_loop3A_297 = tpu.vector_load %arg8[%parallel_loop3A_295, %parallel_loop3A_296] {strides = array<i32>} : memref<128x64xf32, #tpu.memory_space<vmem>>, vector<16xf32>,
            %parallel_loop3A_298 = arith.constant 8 : i32
            %parallel_loop3A_299 = vector.broadcast %parallel_loop3A_298 : i32 to vector<16xi32>
            %parallel_loop3A_300 = arith.divsi %iota3A_205, %parallel_loop3A_299 : vector<16xi32>
            %parallel_loop3A_301 = arith.constant 0 : i32
            %parallel_loop3A_302 = vector.broadcast %parallel_loop3A_301 : i32 to vector<16xi32>
            %parallel_loop3A_303 = arith.cmpi sgt, %iota3A_205, %parallel_loop3A_302 : vector<16xi32>
            %parallel_loop3A_304 = arith.extui %parallel_loop3A_303 : vector<16xi1> to vector<16xi32>
            %parallel_loop3A_305 = arith.constant 0 : i32
            %parallel_loop3A_306 = vector.broadcast %parallel_loop3A_305 : i32 to vector<16xi32>
            %parallel_loop3A_307 = arith.cmpi slt, %iota3A_205, %parallel_loop3A_306 : vector<16xi32>
            %parallel_loop3A_308 = arith.extui %parallel_loop3A_307 : vector<16xi1> to vector<16xi32>
            %parallel_loop3A_309 = arith.subi %parallel_loop3A_304, %parallel_loop3A_308 : vector<16xi32>
            %parallel_loop3A_310 = arith.constant 0 : i32
            %parallel_loop3A_311 = arith.cmpi sgt, %parallel_loop3A_298, %parallel_loop3A_310 : i32
            %parallel_loop3A_312 = arith.extui %parallel_loop3A_311 : i1 to i32
            %parallel_loop3A_313 = arith.constant 0 : i32
            %parallel_loop3A_314 = arith.cmpi slt, %parallel_loop3A_298, %parallel_loop3A_313 : i32
            %parallel_loop3A_315 = arith.extui %parallel_loop3A_314 : i1 to i32
            %parallel_loop3A_316 = arith.subi %parallel_loop3A_312, %parallel_loop3A_315 : i32
            %parallel_loop3A_317 = vector.broadcast %parallel_loop3A_316 : i32 to vector<16xi32>
            %parallel_loop3A_318 = arith.cmpi ne, %parallel_loop3A_309, %parallel_loop3A_317 : vector<16xi32>
            %parallel_loop3A_319 = vector.broadcast %parallel_loop3A_298 : i32 to vector<16xi32>
            %parallel_loop3A_320 = arith.remsi %iota3A_205, %parallel_loop3A_319 : vector<16xi32>
            %parallel_loop3A_321 = arith.constant 0 : i32
            %parallel_loop3A_322 = vector.broadcast %parallel_loop3A_321 : i32 to vector<16xi32>
            %parallel_loop3A_323 = arith.cmpi ne, %parallel_loop3A_320, %parallel_loop3A_322 : vector<16xi32>
            %parallel_loop3A_324 = arith.andi %parallel_loop3A_318, %parallel_loop3A_323 : vector<16xi1>
            %parallel_loop3A_325 = arith.constant 1 : i32
            %parallel_loop3A_326 = vector.broadcast %parallel_loop3A_325 : i32 to vector<16xi32>
            %parallel_loop3A_327 = arith.subi %parallel_loop3A_300, %parallel_loop3A_326 : vector<16xi32>
            %parallel_loop3A_328 = arith.select %parallel_loop3A_324, %parallel_loop3A_327, %parallel_loop3A_300 : vector<16xi1>, vector<16xi32>
            %parallel_loop3A_329 = arith.constant 2 : i32
            %parallel_loop3A_330 = vector.broadcast %parallel_loop3A_329 : i32 to vector<16xi32>
            %parallel_loop3A_331 = arith.addi %parallel_loop3A_330, %parallel_loop3A_328 : vector<16xi32>
            tpu.vector_store_idx %arg10[%parallel_loop3A_331, %broadcast_in_dim3A_229, %select_n3A_227, %parallel_loop3A_257], %parallel_loop3A_297 : memref<8x1x8x129xf32, #tpu.memory_space<vmem>>[vector<16xi32>, vector<16xi32>, vector<16xi32>, vector<16xi32>], vector<16xf32>,
            %parallel_loop3A_332 = arith.index_cast %parallel_loop3A_256 : i32 to index
            %parallel_loop3A_333 = arith.constant 32 : index
            %parallel_loop3A_334 = tpu.vector_load %arg8[%parallel_loop3A_332, %parallel_loop3A_333] {strides = array<i32>} : memref<128x64xf32, #tpu.memory_space<vmem>>, vector<16xf32>,
            %parallel_loop3A_335 = arith.constant 8 : i32
            %parallel_loop3A_336 = vector.broadcast %parallel_loop3A_335 : i32 to vector<16xi32>
            %parallel_loop3A_337 = arith.divsi %iota3A_205, %parallel_loop3A_336 : vector<16xi32>
            %parallel_loop3A_338 = arith.constant 0 : i32
            %parallel_loop3A_339 = vector.broadcast %parallel_loop3A_338 : i32 to vector<16xi32>
            %parallel_loop3A_340 = arith.cmpi sgt, %iota3A_205, %parallel_loop3A_339 : vector<16xi32>
            %parallel_loop3A_341 = arith.extui %parallel_loop3A_340 : vector<16xi1> to vector<16xi32>
            %parallel_loop3A_342 = arith.constant 0 : i32
            %parallel_loop3A_343 = vector.broadcast %parallel_loop3A_342 : i32 to vector<16xi32>
            %parallel_loop3A_344 = arith.cmpi slt, %iota3A_205, %parallel_loop3A_343 : vector<16xi32>
            %parallel_loop3A_345 = arith.extui %parallel_loop3A_344 : vector<16xi1> to vector<16xi32>
            %parallel_loop3A_346 = arith.subi %parallel_loop3A_341, %parallel_loop3A_345 : vector<16xi32>
            %parallel_loop3A_347 = arith.constant 0 : i32
            %parallel_loop3A_348 = arith.cmpi sgt, %parallel_loop3A_335, %parallel_loop3A_347 : i32
            %parallel_loop3A_349 = arith.extui %parallel_loop3A_348 : i1 to i32
            %parallel_loop3A_350 = arith.constant 0 : i32
            %parallel_loop3A_351 = arith.cmpi slt, %parallel_loop3A_335, %parallel_loop3A_350 : i32
            %parallel_loop3A_352 = arith.extui %parallel_loop3A_351 : i1 to i32
            %parallel_loop3A_353 = arith.subi %parallel_loop3A_349, %parallel_loop3A_352 : i32
            %parallel_loop3A_354 = vector.broadcast %parallel_loop3A_353 : i32 to vector<16xi32>
            %parallel_loop3A_355 = arith.cmpi ne, %parallel_loop3A_346, %parallel_loop3A_354 : vector<16xi32>
            %parallel_loop3A_356 = vector.broadcast %parallel_loop3A_335 : i32 to vector<16xi32>
            %parallel_loop3A_357 = arith.remsi %iota3A_205, %parallel_loop3A_356 : vector<16xi32>
            %parallel_loop3A_358 = arith.constant 0 : i32
            %parallel_loop3A_359 = vector.broadcast %parallel_loop3A_358 : i32 to vector<16xi32>
            %parallel_loop3A_360 = arith.cmpi ne, %parallel_loop3A_357, %parallel_loop3A_359 : vector<16xi32>
            %parallel_loop3A_361 = arith.andi %parallel_loop3A_355, %parallel_loop3A_360 : vector<16xi1>
            %parallel_loop3A_362 = arith.constant 1 : i32
            %parallel_loop3A_363 = vector.broadcast %parallel_loop3A_362 : i32 to vector<16xi32>
            %parallel_loop3A_364 = arith.subi %parallel_loop3A_337, %parallel_loop3A_363 : vector<16xi32>
            %parallel_loop3A_365 = arith.select %parallel_loop3A_361, %parallel_loop3A_364, %parallel_loop3A_337 : vector<16xi1>, vector<16xi32>
            %parallel_loop3A_366 = arith.constant 4 : i32
            %parallel_loop3A_367 = vector.broadcast %parallel_loop3A_366 : i32 to vector<16xi32>
            %parallel_loop3A_368 = arith.addi %parallel_loop3A_367, %parallel_loop3A_365 : vector<16xi32>
            tpu.vector_store_idx %arg10[%parallel_loop3A_368, %broadcast_in_dim3A_229, %select_n3A_227, %parallel_loop3A_257], %parallel_loop3A_334 : memref<8x1x8x129xf32, #tpu.memory_space<vmem>>[vector<16xi32>, vector<16xi32>, vector<16xi32>, vector<16xi32>], vector<16xf32>,
            %parallel_loop3A_369 = arith.index_cast %parallel_loop3A_256 : i32 to index
            %parallel_loop3A_370 = arith.constant 48 : index
            %parallel_loop3A_371 = tpu.vector_load %arg8[%parallel_loop3A_369, %parallel_loop3A_370] {strides = array<i32>} : memref<128x64xf32, #tpu.memory_space<vmem>>, vector<16xf32>,
            %parallel_loop3A_372 = arith.constant 8 : i32
            %parallel_loop3A_373 = vector.broadcast %parallel_loop3A_372 : i32 to vector<16xi32>
            %parallel_loop3A_374 = arith.divsi %iota3A_205, %parallel_loop3A_373 : vector<16xi32>
            %parallel_loop3A_375 = arith.constant 0 : i32
            %parallel_loop3A_376 = vector.broadcast %parallel_loop3A_375 : i32 to vector<16xi32>
            %parallel_loop3A_377 = arith.cmpi sgt, %iota3A_205, %parallel_loop3A_376 : vector<16xi32>
            %parallel_loop3A_378 = arith.extui %parallel_loop3A_377 : vector<16xi1> to vector<16xi32>
            %parallel_loop3A_379 = arith.constant 0 : i32
            %parallel_loop3A_380 = vector.broadcast %parallel_loop3A_379 : i32 to vector<16xi32>
            %parallel_loop3A_381 = arith.cmpi slt, %iota3A_205, %parallel_loop3A_380 : vector<16xi32>
            %parallel_loop3A_382 = arith.extui %parallel_loop3A_381 : vector<16xi1> to vector<16xi32>
            %parallel_loop3A_383 = arith.subi %parallel_loop3A_378, %parallel_loop3A_382 : vector<16xi32>
            %parallel_loop3A_384 = arith.constant 0 : i32
            %parallel_loop3A_385 = arith.cmpi sgt, %parallel_loop3A_372, %parallel_loop3A_384 : i32
            %parallel_loop3A_386 = arith.extui %parallel_loop3A_385 : i1 to i32
            %parallel_loop3A_387 = arith.constant 0 : i32
            %parallel_loop3A_388 = arith.cmpi slt, %parallel_loop3A_372, %parallel_loop3A_387 : i32
            %parallel_loop3A_389 = arith.extui %parallel_loop3A_388 : i1 to i32
            %parallel_loop3A_390 = arith.subi %parallel_loop3A_386, %parallel_loop3A_389 : i32
            %parallel_loop3A_391 = vector.broadcast %parallel_loop3A_390 : i32 to vector<16xi32>
            %parallel_loop3A_392 = arith.cmpi ne, %parallel_loop3A_383, %parallel_loop3A_391 : vector<16xi32>
            %parallel_loop3A_393 = vector.broadcast %parallel_loop3A_372 : i32 to vector<16xi32>
            %parallel_loop3A_394 = arith.remsi %iota3A_205, %parallel_loop3A_393 : vector<16xi32>
            %parallel_loop3A_395 = arith.constant 0 : i32
            %parallel_loop3A_396 = vector.broadcast %parallel_loop3A_395 : i32 to vector<16xi32>
            %parallel_loop3A_397 = arith.cmpi ne, %parallel_loop3A_394, %parallel_loop3A_396 : vector<16xi32>
            %parallel_loop3A_398 = arith.andi %parallel_loop3A_392, %parallel_loop3A_397 : vector<16xi1>
            %parallel_loop3A_399 = arith.constant 1 : i32
            %parallel_loop3A_400 = vector.broadcast %parallel_loop3A_399 : i32 to vector<16xi32>
            %parallel_loop3A_401 = arith.subi %parallel_loop3A_374, %parallel_loop3A_400 : vector<16xi32>
            %parallel_loop3A_402 = arith.select %parallel_loop3A_398, %parallel_loop3A_401, %parallel_loop3A_374 : vector<16xi1>, vector<16xi32>
            %parallel_loop3A_403 = arith.constant 6 : i32
            %parallel_loop3A_404 = vector.broadcast %parallel_loop3A_403 : i32 to vector<16xi32>
            %parallel_loop3A_405 = arith.addi %parallel_loop3A_404, %parallel_loop3A_402 : vector<16xi32>
            tpu.vector_store_idx %arg10[%parallel_loop3A_405, %broadcast_in_dim3A_229, %select_n3A_227, %parallel_loop3A_257], %parallel_loop3A_371 : memref<8x1x8x129xf32, #tpu.memory_space<vmem>>[vector<16xi32>, vector<16xi32>, vector<16xi32>, vector<16xi32>], vector<16xf32>,
          } {sc.loop_unroll_factor = 2 : i64, sc.parallel_access}
          %dma_start3A_233 = arith.constant 0 : i32
          %dma_start3A_234 = arith.constant 0 : i32
          %dma_start3A_235 = arith.constant 0 : i32
          %dma_start3A_236 = arith.constant 0 : i32
          %dma_start3A_237 = arith.constant 0 : i32
          %dma_start3A_238 = tpu.memref_slice %arg10[%dma_start3A_234, %dma_start3A_235, %dma_start3A_236, %dma_start3A_237] : memref<8x1x8x129xf32, #tpu.memory_space<vmem>> -> memref<8x1x8x128xf32, #tpu.memory_space<vmem>>
          %dma_start3A_239 = arith.constant 0 : i32
          %dma_start3A_240 = arith.constant 0 : i32
          %dma_start3A_241 = arith.constant 0 : i32
          %dma_start3A_242 = tpu.memref_slice %arg4[%dma_start3A_233, %add3A_95, %dma_start3A_239, %add3A_183, %dma_start3A_240, %dma_start3A_241] : memref<2x100x8x32x8x128xf32, #tpu.memory_space<hbm>> -> memref<1x1x8x1x8x128xf32, #tpu.memory_space<hbm>>
          %dma_start3A_243 = tpu.memref_squeeze %dma_start3A_242 : memref<1x1x8x1x8x128xf32, #tpu.memory_space<hbm>> -> memref<8x1x8x128xf32, #tpu.memory_space<hbm>>
          %dma_start3A_244 = arith.constant 0 : i32
          %dma_start3A_245 = arith.constant 0 : i32
          %dma_start3A_246 = arith.constant 0 : i32
          %dma_start3A_247 = tpu.memref_slice %arg4[%dma_start3A_233, %add3A_95, %dma_start3A_244, %add3A_183, %dma_start3A_245, %dma_start3A_246] : memref<2x100x8x32x8x128xf32, #tpu.memory_space<hbm>> -> memref<1x1x8x1x8x128xf32, #tpu.memory_space<hbm>>
          %dma_start3A_248 = tpu.memref_squeeze %dma_start3A_247 : memref<1x1x8x1x8x128xf32, #tpu.memory_space<hbm>> -> memref<8x1x8x128xf32, #tpu.memory_space<hbm>>
          %dma_start3A_249 = arith.constant 0 : i32
          %dma_start3A_250 = arith.constant 0 : i32
          %dma_start3A_251 = arith.constant 0 : i32
          %dma_start3A_252 = arith.constant 0 : i32
          %dma_start3A_253 = tpu.memref_slice %arg10[%dma_start3A_249, %dma_start3A_250, %dma_start3A_251, %dma_start3A_252] : memref<8x1x8x129xf32, #tpu.memory_space<vmem>> -> memref<8x1x8x128xf32, #tpu.memory_space<vmem>>
          tpu.enqueue_dma source(%dma_start3A_253 : memref<8x1x8x128xf32, #tpu.memory_space<vmem>>) target(%dma_start3A_248 : memref<8x1x8x128xf32, #tpu.memory_space<hbm>>) target_semaphore(%arg15 : memref<!tpu.dma_semaphore, #tpu.memory_space<semaphore_mem>>)
          %add3A_254 = arith.constant 2 : i32
          %add3A_255 = arith.addi %scan3A_108, %add3A_254 : i32
          scf.yield %add3A_255 : i32
        }
        %scan3A_106 = arith.constant 16 : i32
        scf.yield %scan3A_105 : i32
      }
      %while3A_85 = arith.constant 1 : i32
      %while3A_86 = scf.for %while3A_91 = %while3A_82 to %while3A_78 step %while3A_85 iter_args(%while3A_92 = %while3A_84) -> (i32)  : i32 {
        %mul3A_93 = arith.constant 21 : i32
        %mul3A_94 = arith.muli %mul3A_93, %while3A_91 : i32
        %add3A_95 = arith.addi %select_n3A, %mul3A_94 : i32
        "tpu.region"() ({
          %run_scoped3A = tpu.sem_alloc : memref<!tpu.dma_semaphore, #tpu.memory_space<semaphore_mem>>
          %dma_start3A_107 = arith.constant 0 : i32
          %dma_start3A_108 = tpu.memref_slice %arg2[%add3A_95, %dma_start3A_107] : memref<100x4096xi32, #tpu.memory_space<hbm>> -> memref<1x4096xi32, #tpu.memory_space<hbm>>
          %dma_start3A_109 = tpu.memref_squeeze %dma_start3A_108 : memref<1x4096xi32, #tpu.memory_space<hbm>> -> memref<4096xi32, #tpu.memory_space<hbm>>
          %dma_start3A_110 = arith.constant 0 : i32
          %dma_start3A_111 = tpu.memref_slice %arg2[%add3A_95, %dma_start3A_110] : memref<100x4096xi32, #tpu.memory_space<hbm>> -> memref<1x4096xi32, #tpu.memory_space<hbm>>
          %dma_start3A_112 = tpu.memref_squeeze %dma_start3A_111 : memref<1x4096xi32, #tpu.memory_space<hbm>> -> memref<4096xi32, #tpu.memory_space<hbm>>
          tpu.enqueue_dma source(%dma_start3A_112 : memref<4096xi32, #tpu.memory_space<hbm>>) target(%arg5 : memref<4096xi32, #tpu.memory_space<vmem>>) target_semaphore(%run_scoped3A : memref<!tpu.dma_semaphore, #tpu.memory_space<semaphore_mem>>)
          %dma_wait3A = arith.constant 0 : i32
          %dma_wait3A_113 = tpu.memref_slice %arg2[%add3A_95, %dma_wait3A] : memref<100x4096xi32, #tpu.memory_space<hbm>> -> memref<1x4096xi32, #tpu.memory_space<hbm>>
          %dma_wait3A_114 = tpu.memref_squeeze %dma_wait3A_113 : memref<1x4096xi32, #tpu.memory_space<hbm>> -> memref<4096xi32, #tpu.memory_space<hbm>>
          %dma_wait3A_115 = arith.constant 0 : i32
          %dma_wait3A_116 = tpu.memref_slice %arg2[%add3A_95, %dma_wait3A_115] : memref<100x4096xi32, #tpu.memory_space<hbm>> -> memref<1x4096xi32, #tpu.memory_space<hbm>>
          %dma_wait3A_117 = tpu.memref_squeeze %dma_wait3A_116 : memref<1x4096xi32, #tpu.memory_space<hbm>> -> memref<4096xi32, #tpu.memory_space<hbm>>
          tpu.wait_dma2 semaphore(%run_scoped3A : memref<!tpu.dma_semaphore, #tpu.memory_space<semaphore_mem>>) src(%dma_wait3A_117 : memref<4096xi32, #tpu.memory_space<hbm>>) dst(%arg5 : memref<4096xi32, #tpu.memory_space<vmem>>)
          tpu.yield
        }) : () -> ()
        %parallel_loop3A = arith.constant 0 : i32
        %parallel_loop3A_96 = arith.constant 256 : i32
        %parallel_loop3A_97 = arith.constant 1 : i32
        scf.for %parallel_loop3A_107 = %parallel_loop3A to %parallel_loop3A_96 step %parallel_loop3A_97  : i32 {
          %parallel_loop3A_108 = arith.constant 16 : i32
          %parallel_loop3A_109 = arith.muli %parallel_loop3A_107, %parallel_loop3A_108 : i32
          %parallel_loop3A_110 = arith.index_cast %parallel_loop3A_109 : i32 to index
          %parallel_loop3A_111 = tpu.vector_load %arg5[%parallel_loop3A_110] {strides = array<i32>} : memref<4096xi32, #tpu.memory_space<vmem>>, vector<16xi32>,
          %parallel_loop3A_112 = arith.constant 0 : i32
          %parallel_loop3A_113 = vector.broadcast %parallel_loop3A_112 : i32 to vector<16xi32>
          %parallel_loop3A_114 = arith.cmpi slt, %parallel_loop3A_111, %parallel_loop3A_113 : vector<16xi32>
          %parallel_loop3A_115 = arith.constant 0 : i32
          %parallel_loop3A_116 = vector.broadcast %parallel_loop3A_115 : i32 to vector<16xi32>
          %parallel_loop3A_117 = arith.select %parallel_loop3A_114, %parallel_loop3A_116, %parallel_loop3A_111 : vector<16xi1>, vector<16xi32>
          %parallel_loop3A_118 = arith.constant 16 : i32
          %parallel_loop3A_119 = arith.muli %parallel_loop3A_107, %parallel_loop3A_118 : i32
          %parallel_loop3A_120 = arith.index_cast %parallel_loop3A_119 : i32 to index
          %parallel_loop3A_121 = tpu.vector_load %arg6[%parallel_loop3A_120] {strides = array<i32>} : memref<4096xi32, #tpu.memory_space<vmem>>, vector<16xi32>,
          tpu.vector_store %arg6[%parallel_loop3A_120], %parallel_loop3A_117 {strides = array<i32>} : memref<4096xi32, #tpu.memory_space<vmem>>, vector<16xi32>,
        } {sc.loop_unroll_factor = 4 : i64, sc.parallel_access}
        %dma_start3A = arith.constant 0 : i32
        %dma_start3A_98 = tpu.memref_slice %arg6[%dma_start3A] : memref<4096xi32, #tpu.memory_space<vmem>> -> memref<128xi32, #tpu.memory_space<vmem>>
        %dma_start3A_99 = arith.constant 0 : i32
        %dma_start3A_100 = arith.constant 0 : i32
        %dma_start3A_101 = tpu.memref_slice %arg3[%dma_start3A_99, %dma_start3A_100] : memref<100000x64xf32, #tpu.memory_space<hbm>> -> memref<100000x64xf32, #tpu.memory_space<hbm>>
        tpu.enqueue_indirect_dma source(%dma_start3A_101 : memref<100000x64xf32, #tpu.memory_space<hbm>>) target(%arg7 : memref<128x64xf32, #tpu.memory_space<vmem>>) offsets(%dma_start3A_98 : memref<128xi32, #tpu.memory_space<vmem>>) semaphore(%arg12 : memref<!tpu.dma_semaphore, #tpu.memory_space<semaphore_mem>>)
        %scan3A = arith.constant 0 : i32
        %scan3A_102 = arith.constant 16 : i32
        %scan3A_103 = arith.addi %scan3A, %scan3A_102 : i32
        %scan3A_104 = arith.constant 1 : i32
        %scan3A_105 = scf.for %scan3A_107 = %scan3A to %scan3A_103 step %scan3A_104 iter_args(%scan3A_108 = %while3A_92) -> (i32)  : i32 {
          %mul3A_109 = arith.constant 2 : i32
          %mul3A_110 = arith.muli %scan3A_107, %mul3A_109 : i32
          %add3A_111 = arith.constant 0 : i32
          %add3A_112 = arith.addi %mul3A_110, %add3A_111 : i32
          %mul3A_113 = arith.constant 2 : i32
          %mul3A_114 = arith.muli %scan3A_107, %mul3A_113 : i32
          %add3A_115 = arith.constant 0 : i32
          %add3A_116 = arith.addi %mul3A_114, %add3A_115 : i32
          %lt3A_117 = arith.constant 31 : i32
          %lt3A_118 = arith.cmpi slt, %add3A_116, %lt3A_117 : i32
          %convert_element_type3A_119 = arith.extui %lt3A_118 : i1 to i32
          %cond3A_120 = arith.constant 0 : i32
          %cond3A_121 = arith.cmpi ne, %convert_element_type3A_119, %cond3A_120 : i32
          scf.if %cond3A_121 {
            %add3A_256 = arith.constant 1 : i32
            %add3A_257 = arith.addi %add3A_112, %add3A_256 : i32
            %mul3A_258 = arith.constant 128 : i32
            %mul3A_259 = arith.muli %add3A_257, %mul3A_258 : i32
            %dma_start3A_260 = tpu.memref_slice %arg6[%mul3A_259] : memref<4096xi32, #tpu.memory_space<vmem>> -> memref<128xi32, #tpu.memory_space<vmem>>
            %dma_start3A_261 = arith.constant 0 : i32
            %dma_start3A_262 = arith.constant 0 : i32
            %dma_start3A_263 = tpu.memref_slice %arg3[%dma_start3A_261, %dma_start3A_262] : memref<100000x64xf32, #tpu.memory_space<hbm>> -> memref<100000x64xf32, #tpu.memory_space<hbm>>
            tpu.enqueue_indirect_dma source(%dma_start3A_263 : memref<100000x64xf32, #tpu.memory_space<hbm>>) target(%arg8 : memref<128x64xf32, #tpu.memory_space<vmem>>) offsets(%dma_start3A_260 : memref<128xi32, #tpu.memory_space<vmem>>) semaphore(%arg13 : memref<!tpu.dma_semaphore, #tpu.memory_space<semaphore_mem>>)
          } else {
          }
          %dma_wait3A = arith.constant 0 : i32
          %dma_wait3A_122 = tpu.memref_slice %arg6[%dma_wait3A] : memref<4096xi32, #tpu.memory_space<vmem>> -> memref<128xi32, #tpu.memory_space<vmem>>
          %dma_wait3A_123 = arith.constant 0 : i32
          %dma_wait3A_124 = arith.constant 0 : i32
          %dma_wait3A_125 = tpu.memref_slice %arg3[%dma_wait3A_123, %dma_wait3A_124] : memref<100000x64xf32, #tpu.memory_space<hbm>> -> memref<100000x64xf32, #tpu.memory_space<hbm>>
          tpu.wait_indirect_dma semaphore(%arg12 : memref<!tpu.dma_semaphore, #tpu.memory_space<semaphore_mem>>) src(%dma_wait3A_125 : memref<100000x64xf32, #tpu.memory_space<hbm>>) dst(%arg7 : memref<128x64xf32, #tpu.memory_space<vmem>>)
          %add3A_126 = arith.constant 0 : i32
          %add3A_127 = arith.addi %scan3A_108, %add3A_126 : i32
          %ge3A_128 = arith.constant 2 : i32
          %ge3A_129 = arith.cmpi sge, %add3A_127, %ge3A_128 : i32
          %convert_element_type3A_130 = arith.extui %ge3A_129 : i1 to i32
          %cond3A_131 = arith.constant 0 : i32
          %cond3A_132 = arith.cmpi ne, %convert_element_type3A_130, %cond3A_131 : i32
          scf.if %cond3A_132 {
            %dma_wait3A_256 = arith.constant 0 : i32
            %dma_wait3A_257 = arith.constant 0 : i32
            %dma_wait3A_258 = arith.constant 0 : i32
            %dma_wait3A_259 = arith.constant 0 : i32
            %dma_wait3A_260 = arith.constant 0 : i32
            %dma_wait3A_261 = arith.constant 0 : i32
            %dma_wait3A_262 = tpu.memref_slice %arg9[%dma_wait3A_258, %dma_wait3A_259, %dma_wait3A_260, %dma_wait3A_261] : memref<8x1x8x129xf32, #tpu.memory_space<vmem>> -> memref<8x1x8x128xf32, #tpu.memory_space<vmem>>
            %dma_wait3A_263 = arith.constant 0 : i32
            %dma_wait3A_264 = arith.constant 0 : i32
            %dma_wait3A_265 = arith.constant 0 : i32
            %dma_wait3A_266 = arith.constant 0 : i32
            %dma_wait3A_267 = tpu.memref_slice %arg4[%dma_wait3A_256, %dma_wait3A_257, %dma_wait3A_263, %dma_wait3A_264, %dma_wait3A_265, %dma_wait3A_266] : memref<2x100x8x32x8x128xf32, #tpu.memory_space<hbm>> -> memref<1x1x8x1x8x128xf32, #tpu.memory_space<hbm>>
            %dma_wait3A_268 = tpu.memref_squeeze %dma_wait3A_267 : memref<1x1x8x1x8x128xf32, #tpu.memory_space<hbm>> -> memref<8x1x8x128xf32, #tpu.memory_space<hbm>>
            %dma_wait3A_269 = arith.constant 0 : i32
            %dma_wait3A_270 = arith.constant 0 : i32
            %dma_wait3A_271 = arith.constant 0 : i32
            %dma_wait3A_272 = arith.constant 0 : i32
            %dma_wait3A_273 = tpu.memref_slice %arg4[%dma_wait3A_256, %dma_wait3A_257, %dma_wait3A_269, %dma_wait3A_270, %dma_wait3A_271, %dma_wait3A_272] : memref<2x100x8x32x8x128xf32, #tpu.memory_space<hbm>> -> memref<1x1x8x1x8x128xf32, #tpu.memory_space<hbm>>
            %dma_wait3A_274 = tpu.memref_squeeze %dma_wait3A_273 : memref<1x1x8x1x8x128xf32, #tpu.memory_space<hbm>> -> memref<8x1x8x128xf32, #tpu.memory_space<hbm>>
            %dma_wait3A_275 = arith.constant 0 : i32
            %dma_wait3A_276 = arith.constant 0 : i32
            %dma_wait3A_277 = arith.constant 0 : i32
            %dma_wait3A_278 = arith.constant 0 : i32
            %dma_wait3A_279 = tpu.memref_slice %arg9[%dma_wait3A_275, %dma_wait3A_276, %dma_wait3A_277, %dma_wait3A_278] : memref<8x1x8x129xf32, #tpu.memory_space<vmem>> -> memref<8x1x8x128xf32, #tpu.memory_space<vmem>>
            tpu.wait_dma2 semaphore(%arg14 : memref<!tpu.dma_semaphore, #tpu.memory_space<semaphore_mem>>) src(%dma_wait3A_279 : memref<8x1x8x128xf32, #tpu.memory_space<vmem>>) dst(%dma_wait3A_274 : memref<8x1x8x128xf32, #tpu.memory_space<hbm>>)
          } else {
          }
          %iota3A = tpu.iota {dimensions = array<i32: 0>} : vector<16xi32>
          %jit3A_133 = arith.constant 8 : i32
          %eq3A_134 = arith.constant 0 : i32
          %eq3A_135 = arith.cmpi eq, %jit3A_133, %eq3A_134 : i32
          %jit3A_136 = arith.constant 1 : i32
          %select_n3A_137 = arith.select %eq3A_135, %jit3A_136, %jit3A_133 : i32
          %rem3A_138 = vector.broadcast %select_n3A_137 : i32 to vector<16xi32>
          %rem3A_139 = arith.remsi %iota3A, %rem3A_138 : vector<16xi32>
          %ne3A_140 = arith.constant 0 : i32
          %ne3A_141 = vector.broadcast %ne3A_140 : i32 to vector<16xi32>
          %ne3A_142 = arith.cmpi ne, %rem3A_139, %ne3A_141 : vector<16xi32>
          %lt3A_143 = arith.constant 0 : i32
          %lt3A_144 = vector.broadcast %lt3A_143 : i32 to vector<16xi32>
          %lt3A_145 = arith.cmpi slt, %rem3A_139, %lt3A_144 : vector<16xi32>
          %lt3A_146 = arith.constant 0 : i32
          %lt3A_147 = arith.cmpi slt, %select_n3A_137, %lt3A_146 : i32
          %ne3A_148 = vector.broadcast %lt3A_147 : i1 to vector<16xi1>
          %ne3A_149 = vector.broadcast %ne3A_148 : vector<16xi1> to vector<16xi1>
          %ne3A_150 = arith.xori %lt3A_145, %ne3A_149 : vector<16xi1>
          %and3A_151 = arith.andi %ne3A_150, %ne3A_142 : vector<16xi1>
          %add3A_152 = vector.broadcast %select_n3A_137 : i32 to vector<16xi32>
          %add3A_153 = arith.addi %rem3A_139, %add3A_152 : vector<16xi32>
          %select_n3A_154 = arith.select %and3A_151, %add3A_153, %rem3A_139 : vector<16xi1>, vector<16xi32>
          %broadcast_in_dim3A = arith.constant 0 : i32
          %broadcast_in_dim3A_155 = vector.broadcast %broadcast_in_dim3A : i32 to vector<16xi32>
          %parallel_loop3A_156 = arith.constant 0 : i32
          %parallel_loop3A_157 = arith.constant 128 : i32
          %parallel_loop3A_158 = arith.constant 1 : i32
          scf.for %parallel_loop3A_256 = %parallel_loop3A_156 to %parallel_loop3A_157 step %parallel_loop3A_158  : i32 {
            %parallel_loop3A_257 = vector.broadcast %parallel_loop3A_256 : i32 to vector<16xi32>
            %parallel_loop3A_258 = arith.index_cast %parallel_loop3A_256 : i32 to index
            %parallel_loop3A_259 = arith.constant 0 : index
            %parallel_loop3A_260 = tpu.vector_load %arg7[%parallel_loop3A_258, %parallel_loop3A_259] {strides = array<i32>} : memref<128x64xf32, #tpu.memory_space<vmem>>, vector<16xf32>,
            %parallel_loop3A_261 = arith.constant 8 : i32
            %parallel_loop3A_262 = vector.broadcast %parallel_loop3A_261 : i32 to vector<16xi32>
            %parallel_loop3A_263 = arith.divsi %iota3A, %parallel_loop3A_262 : vector<16xi32>
            %parallel_loop3A_264 = arith.constant 0 : i32
            %parallel_loop3A_265 = vector.broadcast %parallel_loop3A_264 : i32 to vector<16xi32>
            %parallel_loop3A_266 = arith.cmpi sgt, %iota3A, %parallel_loop3A_265 : vector<16xi32>
            %parallel_loop3A_267 = arith.extui %parallel_loop3A_266 : vector<16xi1> to vector<16xi32>
            %parallel_loop3A_268 = arith.constant 0 : i32
            %parallel_loop3A_269 = vector.broadcast %parallel_loop3A_268 : i32 to vector<16xi32>
            %parallel_loop3A_270 = arith.cmpi slt, %iota3A, %parallel_loop3A_269 : vector<16xi32>
            %parallel_loop3A_271 = arith.extui %parallel_loop3A_270 : vector<16xi1> to vector<16xi32>
            %parallel_loop3A_272 = arith.subi %parallel_loop3A_267, %parallel_loop3A_271 : vector<16xi32>
            %parallel_loop3A_273 = arith.constant 0 : i32
            %parallel_loop3A_274 = arith.cmpi sgt, %parallel_loop3A_261, %parallel_loop3A_273 : i32
            %parallel_loop3A_275 = arith.extui %parallel_loop3A_274 : i1 to i32
            %parallel_loop3A_276 = arith.constant 0 : i32
            %parallel_loop3A_277 = arith.cmpi slt, %parallel_loop3A_261, %parallel_loop3A_276 : i32
            %parallel_loop3A_278 = arith.extui %parallel_loop3A_277 : i1 to i32
            %parallel_loop3A_279 = arith.subi %parallel_loop3A_275, %parallel_loop3A_278 : i32
            %parallel_loop3A_280 = vector.broadcast %parallel_loop3A_279 : i32 to vector<16xi32>
            %parallel_loop3A_281 = arith.cmpi ne, %parallel_loop3A_272, %parallel_loop3A_280 : vector<16xi32>
            %parallel_loop3A_282 = vector.broadcast %parallel_loop3A_261 : i32 to vector<16xi32>
            %parallel_loop3A_283 = arith.remsi %iota3A, %parallel_loop3A_282 : vector<16xi32>
            %parallel_loop3A_284 = arith.constant 0 : i32
            %parallel_loop3A_285 = vector.broadcast %parallel_loop3A_284 : i32 to vector<16xi32>
            %parallel_loop3A_286 = arith.cmpi ne, %parallel_loop3A_283, %parallel_loop3A_285 : vector<16xi32>
            %parallel_loop3A_287 = arith.andi %parallel_loop3A_281, %parallel_loop3A_286 : vector<16xi1>
            %parallel_loop3A_288 = arith.constant 1 : i32
            %parallel_loop3A_289 = vector.broadcast %parallel_loop3A_288 : i32 to vector<16xi32>
            %parallel_loop3A_290 = arith.subi %parallel_loop3A_263, %parallel_loop3A_289 : vector<16xi32>
            %parallel_loop3A_291 = arith.select %parallel_loop3A_287, %parallel_loop3A_290, %parallel_loop3A_263 : vector<16xi1>, vector<16xi32>
            %parallel_loop3A_292 = arith.constant 0 : i32
            %parallel_loop3A_293 = vector.broadcast %parallel_loop3A_292 : i32 to vector<16xi32>
            %parallel_loop3A_294 = arith.addi %parallel_loop3A_293, %parallel_loop3A_291 : vector<16xi32>
            tpu.vector_store_idx %arg9[%parallel_loop3A_294, %broadcast_in_dim3A_155, %select_n3A_154, %parallel_loop3A_257], %parallel_loop3A_260 : memref<8x1x8x129xf32, #tpu.memory_space<vmem>>[vector<16xi32>, vector<16xi32>, vector<16xi32>, vector<16xi32>], vector<16xf32>,
            %parallel_loop3A_295 = arith.index_cast %parallel_loop3A_256 : i32 to index
            %parallel_loop3A_296 = arith.constant 16 : index
            %parallel_loop3A_297 = tpu.vector_load %arg7[%parallel_loop3A_295, %parallel_loop3A_296] {strides = array<i32>} : memref<128x64xf32, #tpu.memory_space<vmem>>, vector<16xf32>,
            %parallel_loop3A_298 = arith.constant 8 : i32
            %parallel_loop3A_299 = vector.broadcast %parallel_loop3A_298 : i32 to vector<16xi32>
            %parallel_loop3A_300 = arith.divsi %iota3A, %parallel_loop3A_299 : vector<16xi32>
            %parallel_loop3A_301 = arith.constant 0 : i32
            %parallel_loop3A_302 = vector.broadcast %parallel_loop3A_301 : i32 to vector<16xi32>
            %parallel_loop3A_303 = arith.cmpi sgt, %iota3A, %parallel_loop3A_302 : vector<16xi32>
            %parallel_loop3A_304 = arith.extui %parallel_loop3A_303 : vector<16xi1> to vector<16xi32>
            %parallel_loop3A_305 = arith.constant 0 : i32
            %parallel_loop3A_306 = vector.broadcast %parallel_loop3A_305 : i32 to vector<16xi32>
            %parallel_loop3A_307 = arith.cmpi slt, %iota3A, %parallel_loop3A_306 : vector<16xi32>
            %parallel_loop3A_308 = arith.extui %parallel_loop3A_307 : vector<16xi1> to vector<16xi32>
            %parallel_loop3A_309 = arith.subi %parallel_loop3A_304, %parallel_loop3A_308 : vector<16xi32>
            %parallel_loop3A_310 = arith.constant 0 : i32
            %parallel_loop3A_311 = arith.cmpi sgt, %parallel_loop3A_298, %parallel_loop3A_310 : i32
            %parallel_loop3A_312 = arith.extui %parallel_loop3A_311 : i1 to i32
            %parallel_loop3A_313 = arith.constant 0 : i32
            %parallel_loop3A_314 = arith.cmpi slt, %parallel_loop3A_298, %parallel_loop3A_313 : i32
            %parallel_loop3A_315 = arith.extui %parallel_loop3A_314 : i1 to i32
            %parallel_loop3A_316 = arith.subi %parallel_loop3A_312, %parallel_loop3A_315 : i32
            %parallel_loop3A_317 = vector.broadcast %parallel_loop3A_316 : i32 to vector<16xi32>
            %parallel_loop3A_318 = arith.cmpi ne, %parallel_loop3A_309, %parallel_loop3A_317 : vector<16xi32>
            %parallel_loop3A_319 = vector.broadcast %parallel_loop3A_298 : i32 to vector<16xi32>
            %parallel_loop3A_320 = arith.remsi %iota3A, %parallel_loop3A_319 : vector<16xi32>
            %parallel_loop3A_321 = arith.constant 0 : i32
            %parallel_loop3A_322 = vector.broadcast %parallel_loop3A_321 : i32 to vector<16xi32>
            %parallel_loop3A_323 = arith.cmpi ne, %parallel_loop3A_320, %parallel_loop3A_322 : vector<16xi32>
            %parallel_loop3A_324 = arith.andi %parallel_loop3A_318, %parallel_loop3A_323 : vector<16xi1>
            %parallel_loop3A_325 = arith.constant 1 : i32
            %parallel_loop3A_326 = vector.broadcast %parallel_loop3A_325 : i32 to vector<16xi32>
            %parallel_loop3A_327 = arith.subi %parallel_loop3A_300, %parallel_loop3A_326 : vector<16xi32>
            %parallel_loop3A_328 = arith.select %parallel_loop3A_324, %parallel_loop3A_327, %parallel_loop3A_300 : vector<16xi1>, vector<16xi32>
            %parallel_loop3A_329 = arith.constant 2 : i32
            %parallel_loop3A_330 = vector.broadcast %parallel_loop3A_329 : i32 to vector<16xi32>
            %parallel_loop3A_331 = arith.addi %parallel_loop3A_330, %parallel_loop3A_328 : vector<16xi32>
            tpu.vector_store_idx %arg9[%parallel_loop3A_331, %broadcast_in_dim3A_155, %select_n3A_154, %parallel_loop3A_257], %parallel_loop3A_297 : memref<8x1x8x129xf32, #tpu.memory_space<vmem>>[vector<16xi32>, vector<16xi32>, vector<16xi32>, vector<16xi32>], vector<16xf32>,
            %parallel_loop3A_332 = arith.index_cast %parallel_loop3A_256 : i32 to index
            %parallel_loop3A_333 = arith.constant 32 : index
            %parallel_loop3A_334 = tpu.vector_load %arg7[%parallel_loop3A_332, %parallel_loop3A_333] {strides = array<i32>} : memref<128x64xf32, #tpu.memory_space<vmem>>, vector<16xf32>,
            %parallel_loop3A_335 = arith.constant 8 : i32
            %parallel_loop3A_336 = vector.broadcast %parallel_loop3A_335 : i32 to vector<16xi32>
            %parallel_loop3A_337 = arith.divsi %iota3A, %parallel_loop3A_336 : vector<16xi32>
            %parallel_loop3A_338 = arith.constant 0 : i32
            %parallel_loop3A_339 = vector.broadcast %parallel_loop3A_338 : i32 to vector<16xi32>
            %parallel_loop3A_340 = arith.cmpi sgt, %iota3A, %parallel_loop3A_339 : vector<16xi32>
            %parallel_loop3A_341 = arith.extui %parallel_loop3A_340 : vector<16xi1> to vector<16xi32>
            %parallel_loop3A_342 = arith.constant 0 : i32
            %parallel_loop3A_343 = vector.broadcast %parallel_loop3A_342 : i32 to vector<16xi32>
            %parallel_loop3A_344 = arith.cmpi slt, %iota3A, %parallel_loop3A_343 : vector<16xi32>
            %parallel_loop3A_345 = arith.extui %parallel_loop3A_344 : vector<16xi1> to vector<16xi32>
            %parallel_loop3A_346 = arith.subi %parallel_loop3A_341, %parallel_loop3A_345 : vector<16xi32>
            %parallel_loop3A_347 = arith.constant 0 : i32
            %parallel_loop3A_348 = arith.cmpi sgt, %parallel_loop3A_335, %parallel_loop3A_347 : i32
            %parallel_loop3A_349 = arith.extui %parallel_loop3A_348 : i1 to i32
            %parallel_loop3A_350 = arith.constant 0 : i32
            %parallel_loop3A_351 = arith.cmpi slt, %parallel_loop3A_335, %parallel_loop3A_350 : i32
            %parallel_loop3A_352 = arith.extui %parallel_loop3A_351 : i1 to i32
            %parallel_loop3A_353 = arith.subi %parallel_loop3A_349, %parallel_loop3A_352 : i32
            %parallel_loop3A_354 = vector.broadcast %parallel_loop3A_353 : i32 to vector<16xi32>
            %parallel_loop3A_355 = arith.cmpi ne, %parallel_loop3A_346, %parallel_loop3A_354 : vector<16xi32>
            %parallel_loop3A_356 = vector.broadcast %parallel_loop3A_335 : i32 to vector<16xi32>
            %parallel_loop3A_357 = arith.remsi %iota3A, %parallel_loop3A_356 : vector<16xi32>
            %parallel_loop3A_358 = arith.constant 0 : i32
            %parallel_loop3A_359 = vector.broadcast %parallel_loop3A_358 : i32 to vector<16xi32>
            %parallel_loop3A_360 = arith.cmpi ne, %parallel_loop3A_357, %parallel_loop3A_359 : vector<16xi32>
            %parallel_loop3A_361 = arith.andi %parallel_loop3A_355, %parallel_loop3A_360 : vector<16xi1>
            %parallel_loop3A_362 = arith.constant 1 : i32
            %parallel_loop3A_363 = vector.broadcast %parallel_loop3A_362 : i32 to vector<16xi32>
            %parallel_loop3A_364 = arith.subi %parallel_loop3A_337, %parallel_loop3A_363 : vector<16xi32>
            %parallel_loop3A_365 = arith.select %parallel_loop3A_361, %parallel_loop3A_364, %parallel_loop3A_337 : vector<16xi1>, vector<16xi32>
            %parallel_loop3A_366 = arith.constant 4 : i32
            %parallel_loop3A_367 = vector.broadcast %parallel_loop3A_366 : i32 to vector<16xi32>
            %parallel_loop3A_368 = arith.addi %parallel_loop3A_367, %parallel_loop3A_365 : vector<16xi32>
            tpu.vector_store_idx %arg9[%parallel_loop3A_368, %broadcast_in_dim3A_155, %select_n3A_154, %parallel_loop3A_257], %parallel_loop3A_334 : memref<8x1x8x129xf32, #tpu.memory_space<vmem>>[vector<16xi32>, vector<16xi32>, vector<16xi32>, vector<16xi32>], vector<16xf32>,
            %parallel_loop3A_369 = arith.index_cast %parallel_loop3A_256 : i32 to index
            %parallel_loop3A_370 = arith.constant 48 : index
            %parallel_loop3A_371 = tpu.vector_load %arg7[%parallel_loop3A_369, %parallel_loop3A_370] {strides = array<i32>} : memref<128x64xf32, #tpu.memory_space<vmem>>, vector<16xf32>,
            %parallel_loop3A_372 = arith.constant 8 : i32
            %parallel_loop3A_373 = vector.broadcast %parallel_loop3A_372 : i32 to vector<16xi32>
            %parallel_loop3A_374 = arith.divsi %iota3A, %parallel_loop3A_373 : vector<16xi32>
            %parallel_loop3A_375 = arith.constant 0 : i32
            %parallel_loop3A_376 = vector.broadcast %parallel_loop3A_375 : i32 to vector<16xi32>
            %parallel_loop3A_377 = arith.cmpi sgt, %iota3A, %parallel_loop3A_376 : vector<16xi32>
            %parallel_loop3A_378 = arith.extui %parallel_loop3A_377 : vector<16xi1> to vector<16xi32>
            %parallel_loop3A_379 = arith.constant 0 : i32
            %parallel_loop3A_380 = vector.broadcast %parallel_loop3A_379 : i32 to vector<16xi32>
            %parallel_loop3A_381 = arith.cmpi slt, %iota3A, %parallel_loop3A_380 : vector<16xi32>
            %parallel_loop3A_382 = arith.extui %parallel_loop3A_381 : vector<16xi1> to vector<16xi32>
            %parallel_loop3A_383 = arith.subi %parallel_loop3A_378, %parallel_loop3A_382 : vector<16xi32>
            %parallel_loop3A_384 = arith.constant 0 : i32
            %parallel_loop3A_385 = arith.cmpi sgt, %parallel_loop3A_372, %parallel_loop3A_384 : i32
            %parallel_loop3A_386 = arith.extui %parallel_loop3A_385 : i1 to i32
            %parallel_loop3A_387 = arith.constant 0 : i32
            %parallel_loop3A_388 = arith.cmpi slt, %parallel_loop3A_372, %parallel_loop3A_387 : i32
            %parallel_loop3A_389 = arith.extui %parallel_loop3A_388 : i1 to i32
            %parallel_loop3A_390 = arith.subi %parallel_loop3A_386, %parallel_loop3A_389 : i32
            %parallel_loop3A_391 = vector.broadcast %parallel_loop3A_390 : i32 to vector<16xi32>
            %parallel_loop3A_392 = arith.cmpi ne, %parallel_loop3A_383, %parallel_loop3A_391 : vector<16xi32>
            %parallel_loop3A_393 = vector.broadcast %parallel_loop3A_372 : i32 to vector<16xi32>
            %parallel_loop3A_394 = arith.remsi %iota3A, %parallel_loop3A_393 : vector<16xi32>
            %parallel_loop3A_395 = arith.constant 0 : i32
            %parallel_loop3A_396 = vector.broadcast %parallel_loop3A_395 : i32 to vector<16xi32>
            %parallel_loop3A_397 = arith.cmpi ne, %parallel_loop3A_394, %parallel_loop3A_396 : vector<16xi32>
            %parallel_loop3A_398 = arith.andi %parallel_loop3A_392, %parallel_loop3A_397 : vector<16xi1>
            %parallel_loop3A_399 = arith.constant 1 : i32
            %parallel_loop3A_400 = vector.broadcast %parallel_loop3A_399 : i32 to vector<16xi32>
            %parallel_loop3A_401 = arith.subi %parallel_loop3A_374, %parallel_loop3A_400 : vector<16xi32>
            %parallel_loop3A_402 = arith.select %parallel_loop3A_398, %parallel_loop3A_401, %parallel_loop3A_374 : vector<16xi1>, vector<16xi32>
            %parallel_loop3A_403 = arith.constant 6 : i32
            %parallel_loop3A_404 = vector.broadcast %parallel_loop3A_403 : i32 to vector<16xi32>
            %parallel_loop3A_405 = arith.addi %parallel_loop3A_404, %parallel_loop3A_402 : vector<16xi32>
            tpu.vector_store_idx %arg9[%parallel_loop3A_405, %broadcast_in_dim3A_155, %select_n3A_154, %parallel_loop3A_257], %parallel_loop3A_371 : memref<8x1x8x129xf32, #tpu.memory_space<vmem>>[vector<16xi32>, vector<16xi32>, vector<16xi32>, vector<16xi32>], vector<16xf32>,
          } {sc.loop_unroll_factor = 2 : i64, sc.parallel_access}
          %dma_start3A_159 = arith.constant 0 : i32
          %dma_start3A_160 = arith.constant 0 : i32
          %dma_start3A_161 = arith.constant 0 : i32
          %dma_start3A_162 = arith.constant 0 : i32
          %dma_start3A_163 = arith.constant 0 : i32
          %dma_start3A_164 = tpu.memref_slice %arg9[%dma_start3A_160, %dma_start3A_161, %dma_start3A_162, %dma_start3A_163] : memref<8x1x8x129xf32, #tpu.memory_space<vmem>> -> memref<8x1x8x128xf32, #tpu.memory_space<vmem>>
          %dma_start3A_165 = arith.constant 0 : i32
          %dma_start3A_166 = arith.constant 0 : i32
          %dma_start3A_167 = arith.constant 0 : i32
          %dma_start3A_168 = tpu.memref_slice %arg4[%dma_start3A_159, %add3A_95, %dma_start3A_165, %add3A_112, %dma_start3A_166, %dma_start3A_167] : memref<2x100x8x32x8x128xf32, #tpu.memory_space<hbm>> -> memref<1x1x8x1x8x128xf32, #tpu.memory_space<hbm>>
          %dma_start3A_169 = tpu.memref_squeeze %dma_start3A_168 : memref<1x1x8x1x8x128xf32, #tpu.memory_space<hbm>> -> memref<8x1x8x128xf32, #tpu.memory_space<hbm>>
          %dma_start3A_170 = arith.constant 0 : i32
          %dma_start3A_171 = arith.constant 0 : i32
          %dma_start3A_172 = arith.constant 0 : i32
          %dma_start3A_173 = tpu.memref_slice %arg4[%dma_start3A_159, %add3A_95, %dma_start3A_170, %add3A_112, %dma_start3A_171, %dma_start3A_172] : memref<2x100x8x32x8x128xf32, #tpu.memory_space<hbm>> -> memref<1x1x8x1x8x128xf32, #tpu.memory_space<hbm>>
          %dma_start3A_174 = tpu.memref_squeeze %dma_start3A_173 : memref<1x1x8x1x8x128xf32, #tpu.memory_space<hbm>> -> memref<8x1x8x128xf32, #tpu.memory_space<hbm>>
          %dma_start3A_175 = arith.constant 0 : i32
          %dma_start3A_176 = arith.constant 0 : i32
          %dma_start3A_177 = arith.constant 0 : i32
          %dma_start3A_178 = arith.constant 0 : i32
          %dma_start3A_179 = tpu.memref_slice %arg9[%dma_start3A_175, %dma_start3A_176, %dma_start3A_177, %dma_start3A_178] : memref<8x1x8x129xf32, #tpu.memory_space<vmem>> -> memref<8x1x8x128xf32, #tpu.memory_space<vmem>>
          tpu.enqueue_dma source(%dma_start3A_179 : memref<8x1x8x128xf32, #tpu.memory_space<vmem>>) target(%dma_start3A_174 : memref<8x1x8x128xf32, #tpu.memory_space<hbm>>) target_semaphore(%arg14 : memref<!tpu.dma_semaphore, #tpu.memory_space<semaphore_mem>>)
          %mul3A_180 = arith.constant 2 : i32
          %mul3A_181 = arith.muli %scan3A_107, %mul3A_180 : i32
          %add3A_182 = arith.constant 1 : i32
          %add3A_183 = arith.addi %mul3A_181, %add3A_182 : i32
          %mul3A_184 = arith.constant 2 : i32
          %mul3A_185 = arith.muli %scan3A_107, %mul3A_184 : i32
          %add3A_186 = arith.constant 1 : i32
          %add3A_187 = arith.addi %mul3A_185, %add3A_186 : i32
          %lt3A_188 = arith.constant 31 : i32
          %lt3A_189 = arith.cmpi slt, %add3A_187, %lt3A_188 : i32
          %convert_element_type3A_190 = arith.extui %lt3A_189 : i1 to i32
          %cond3A_191 = arith.constant 0 : i32
          %cond3A_192 = arith.cmpi ne, %convert_element_type3A_190, %cond3A_191 : i32
          scf.if %cond3A_192 {
            %add3A_256 = arith.constant 1 : i32
            %add3A_257 = arith.addi %add3A_183, %add3A_256 : i32
            %mul3A_258 = arith.constant 128 : i32
            %mul3A_259 = arith.muli %add3A_257, %mul3A_258 : i32
            %dma_start3A_260 = tpu.memref_slice %arg6[%mul3A_259] : memref<4096xi32, #tpu.memory_space<vmem>> -> memref<128xi32, #tpu.memory_space<vmem>>
            %dma_start3A_261 = arith.constant 0 : i32
            %dma_start3A_262 = arith.constant 0 : i32
            %dma_start3A_263 = tpu.memref_slice %arg3[%dma_start3A_261, %dma_start3A_262] : memref<100000x64xf32, #tpu.memory_space<hbm>> -> memref<100000x64xf32, #tpu.memory_space<hbm>>
            tpu.enqueue_indirect_dma source(%dma_start3A_263 : memref<100000x64xf32, #tpu.memory_space<hbm>>) target(%arg7 : memref<128x64xf32, #tpu.memory_space<vmem>>) offsets(%dma_start3A_260 : memref<128xi32, #tpu.memory_space<vmem>>) semaphore(%arg12 : memref<!tpu.dma_semaphore, #tpu.memory_space<semaphore_mem>>)
          } else {
          }
          %dma_wait3A_193 = arith.constant 0 : i32
          %dma_wait3A_194 = tpu.memref_slice %arg6[%dma_wait3A_193] : memref<4096xi32, #tpu.memory_space<vmem>> -> memref<128xi32, #tpu.memory_space<vmem>>
          %dma_wait3A_195 = arith.constant 0 : i32
          %dma_wait3A_196 = arith.constant 0 : i32
          %dma_wait3A_197 = tpu.memref_slice %arg3[%dma_wait3A_195, %dma_wait3A_196] : memref<100000x64xf32, #tpu.memory_space<hbm>> -> memref<100000x64xf32, #tpu.memory_space<hbm>>
          tpu.wait_indirect_dma semaphore(%arg13 : memref<!tpu.dma_semaphore, #tpu.memory_space<semaphore_mem>>) src(%dma_wait3A_197 : memref<100000x64xf32, #tpu.memory_space<hbm>>) dst(%arg8 : memref<128x64xf32, #tpu.memory_space<vmem>>)
          %add3A_198 = arith.constant 1 : i32
          %add3A_199 = arith.addi %scan3A_108, %add3A_198 : i32
          %ge3A_200 = arith.constant 2 : i32
          %ge3A_201 = arith.cmpi sge, %add3A_199, %ge3A_200 : i32
          %convert_element_type3A_202 = arith.extui %ge3A_201 : i1 to i32
          %cond3A_203 = arith.constant 0 : i32
          %cond3A_204 = arith.cmpi ne, %convert_element_type3A_202, %cond3A_203 : i32
          scf.if %cond3A_204 {
            %dma_wait3A_256 = arith.constant 0 : i32
            %dma_wait3A_257 = arith.constant 0 : i32
            %dma_wait3A_258 = arith.constant 0 : i32
            %dma_wait3A_259 = arith.constant 0 : i32
            %dma_wait3A_260 = arith.constant 0 : i32
            %dma_wait3A_261 = arith.constant 0 : i32
            %dma_wait3A_262 = tpu.memref_slice %arg10[%dma_wait3A_258, %dma_wait3A_259, %dma_wait3A_260, %dma_wait3A_261] : memref<8x1x8x129xf32, #tpu.memory_space<vmem>> -> memref<8x1x8x128xf32, #tpu.memory_space<vmem>>
            %dma_wait3A_263 = arith.constant 0 : i32
            %dma_wait3A_264 = arith.constant 0 : i32
            %dma_wait3A_265 = arith.constant 0 : i32
            %dma_wait3A_266 = arith.constant 0 : i32
            %dma_wait3A_267 = tpu.memref_slice %arg4[%dma_wait3A_256, %dma_wait3A_257, %dma_wait3A_263, %dma_wait3A_264, %dma_wait3A_265, %dma_wait3A_266] : memref<2x100x8x32x8x128xf32, #tpu.memory_space<hbm>> -> memref<1x1x8x1x8x128xf32, #tpu.memory_space<hbm>>
            %dma_wait3A_268 = tpu.memref_squeeze %dma_wait3A_267 : memref<1x1x8x1x8x128xf32, #tpu.memory_space<hbm>> -> memref<8x1x8x128xf32, #tpu.memory_space<hbm>>
            %dma_wait3A_269 = arith.constant 0 : i32
            %dma_wait3A_270 = arith.constant 0 : i32
            %dma_wait3A_271 = arith.constant 0 : i32
            %dma_wait3A_272 = arith.constant 0 : i32
            %dma_wait3A_273 = tpu.memref_slice %arg4[%dma_wait3A_256, %dma_wait3A_257, %dma_wait3A_269, %dma_wait3A_270, %dma_wait3A_271, %dma_wait3A_272] : memref<2x100x8x32x8x128xf32, #tpu.memory_space<hbm>> -> memref<1x1x8x1x8x128xf32, #tpu.memory_space<hbm>>
            %dma_wait3A_274 = tpu.memref_squeeze %dma_wait3A_273 : memref<1x1x8x1x8x128xf32, #tpu.memory_space<hbm>> -> memref<8x1x8x128xf32, #tpu.memory_space<hbm>>
            %dma_wait3A_275 = arith.constant 0 : i32
            %dma_wait3A_276 = arith.constant 0 : i32
            %dma_wait3A_277 = arith.constant 0 : i32
            %dma_wait3A_278 = arith.constant 0 : i32
            %dma_wait3A_279 = tpu.memref_slice %arg10[%dma_wait3A_275, %dma_wait3A_276, %dma_wait3A_277, %dma_wait3A_278] : memref<8x1x8x129xf32, #tpu.memory_space<vmem>> -> memref<8x1x8x128xf32, #tpu.memory_space<vmem>>
            tpu.wait_dma2 semaphore(%arg15 : memref<!tpu.dma_semaphore, #tpu.memory_space<semaphore_mem>>) src(%dma_wait3A_279 : memref<8x1x8x128xf32, #tpu.memory_space<vmem>>) dst(%dma_wait3A_274 : memref<8x1x8x128xf32, #tpu.memory_space<hbm>>)
          } else {
          }
          %iota3A_205 = tpu.iota {dimensions = array<i32: 0>} : vector<16xi32>
          %jit3A_206 = arith.constant 8 : i32
          %eq3A_207 = arith.constant 0 : i32
          %eq3A_208 = arith.cmpi eq, %jit3A_206, %eq3A_207 : i32
          %jit3A_209 = arith.constant 1 : i32
          %select_n3A_210 = arith.select %eq3A_208, %jit3A_209, %jit3A_206 : i32
          %rem3A_211 = vector.broadcast %select_n3A_210 : i32 to vector<16xi32>
          %rem3A_212 = arith.remsi %iota3A_205, %rem3A_211 : vector<16xi32>
          %ne3A_213 = arith.constant 0 : i32
          %ne3A_214 = vector.broadcast %ne3A_213 : i32 to vector<16xi32>
          %ne3A_215 = arith.cmpi ne, %rem3A_212, %ne3A_214 : vector<16xi32>
          %lt3A_216 = arith.constant 0 : i32
          %lt3A_217 = vector.broadcast %lt3A_216 : i32 to vector<16xi32>
          %lt3A_218 = arith.cmpi slt, %rem3A_212, %lt3A_217 : vector<16xi32>
          %lt3A_219 = arith.constant 0 : i32
          %lt3A_220 = arith.cmpi slt, %select_n3A_210, %lt3A_219 : i32
          %ne3A_221 = vector.broadcast %lt3A_220 : i1 to vector<16xi1>
          %ne3A_222 = vector.broadcast %ne3A_221 : vector<16xi1> to vector<16xi1>
          %ne3A_223 = arith.xori %lt3A_218, %ne3A_222 : vector<16xi1>
          %and3A_224 = arith.andi %ne3A_223, %ne3A_215 : vector<16xi1>
          %add3A_225 = vector.broadcast %select_n3A_210 : i32 to vector<16xi32>
          %add3A_226 = arith.addi %rem3A_212, %add3A_225 : vector<16xi32>
          %select_n3A_227 = arith.select %and3A_224, %add3A_226, %rem3A_212 : vector<16xi1>, vector<16xi32>
          %broadcast_in_dim3A_228 = arith.constant 0 : i32
          %broadcast_in_dim3A_229 = vector.broadcast %broadcast_in_dim3A_228 : i32 to vector<16xi32>
          %parallel_loop3A_230 = arith.constant 0 : i32
          %parallel_loop3A_231 = arith.constant 128 : i32
          %parallel_loop3A_232 = arith.constant 1 : i32
          scf.for %parallel_loop3A_256 = %parallel_loop3A_230 to %parallel_loop3A_231 step %parallel_loop3A_232  : i32 {
            %parallel_loop3A_257 = vector.broadcast %parallel_loop3A_256 : i32 to vector<16xi32>
            %parallel_loop3A_258 = arith.index_cast %parallel_loop3A_256 : i32 to index
            %parallel_loop3A_259 = arith.constant 0 : index
            %parallel_loop3A_260 = tpu.vector_load %arg8[%parallel_loop3A_258, %parallel_loop3A_259] {strides = array<i32>} : memref<128x64xf32, #tpu.memory_space<vmem>>, vector<16xf32>,
            %parallel_loop3A_261 = arith.constant 8 : i32
            %parallel_loop3A_262 = vector.broadcast %parallel_loop3A_261 : i32 to vector<16xi32>
            %parallel_loop3A_263 = arith.divsi %iota3A_205, %parallel_loop3A_262 : vector<16xi32>
            %parallel_loop3A_264 = arith.constant 0 : i32
            %parallel_loop3A_265 = vector.broadcast %parallel_loop3A_264 : i32 to vector<16xi32>
            %parallel_loop3A_266 = arith.cmpi sgt, %iota3A_205, %parallel_loop3A_265 : vector<16xi32>
            %parallel_loop3A_267 = arith.extui %parallel_loop3A_266 : vector<16xi1> to vector<16xi32>
            %parallel_loop3A_268 = arith.constant 0 : i32
            %parallel_loop3A_269 = vector.broadcast %parallel_loop3A_268 : i32 to vector<16xi32>
            %parallel_loop3A_270 = arith.cmpi slt, %iota3A_205, %parallel_loop3A_269 : vector<16xi32>
            %parallel_loop3A_271 = arith.extui %parallel_loop3A_270 : vector<16xi1> to vector<16xi32>
            %parallel_loop3A_272 = arith.subi %parallel_loop3A_267, %parallel_loop3A_271 : vector<16xi32>
            %parallel_loop3A_273 = arith.constant 0 : i32
            %parallel_loop3A_274 = arith.cmpi sgt, %parallel_loop3A_261, %parallel_loop3A_273 : i32
            %parallel_loop3A_275 = arith.extui %parallel_loop3A_274 : i1 to i32
            %parallel_loop3A_276 = arith.constant 0 : i32
            %parallel_loop3A_277 = arith.cmpi slt, %parallel_loop3A_261, %parallel_loop3A_276 : i32
            %parallel_loop3A_278 = arith.extui %parallel_loop3A_277 : i1 to i32
            %parallel_loop3A_279 = arith.subi %parallel_loop3A_275, %parallel_loop3A_278 : i32
            %parallel_loop3A_280 = vector.broadcast %parallel_loop3A_279 : i32 to vector<16xi32>
            %parallel_loop3A_281 = arith.cmpi ne, %parallel_loop3A_272, %parallel_loop3A_280 : vector<16xi32>
            %parallel_loop3A_282 = vector.broadcast %parallel_loop3A_261 : i32 to vector<16xi32>
            %parallel_loop3A_283 = arith.remsi %iota3A_205, %parallel_loop3A_282 : vector<16xi32>
            %parallel_loop3A_284 = arith.constant 0 : i32
            %parallel_loop3A_285 = vector.broadcast %parallel_loop3A_284 : i32 to vector<16xi32>
            %parallel_loop3A_286 = arith.cmpi ne, %parallel_loop3A_283, %parallel_loop3A_285 : vector<16xi32>
            %parallel_loop3A_287 = arith.andi %parallel_loop3A_281, %parallel_loop3A_286 : vector<16xi1>
            %parallel_loop3A_288 = arith.constant 1 : i32
            %parallel_loop3A_289 = vector.broadcast %parallel_loop3A_288 : i32 to vector<16xi32>
            %parallel_loop3A_290 = arith.subi %parallel_loop3A_263, %parallel_loop3A_289 : vector<16xi32>
            %parallel_loop3A_291 = arith.select %parallel_loop3A_287, %parallel_loop3A_290, %parallel_loop3A_263 : vector<16xi1>, vector<16xi32>
            %parallel_loop3A_292 = arith.constant 0 : i32
            %parallel_loop3A_293 = vector.broadcast %parallel_loop3A_292 : i32 to vector<16xi32>
            %parallel_loop3A_294 = arith.addi %parallel_loop3A_293, %parallel_loop3A_291 : vector<16xi32>
            tpu.vector_store_idx %arg10[%parallel_loop3A_294, %broadcast_in_dim3A_229, %select_n3A_227, %parallel_loop3A_257], %parallel_loop3A_260 : memref<8x1x8x129xf32, #tpu.memory_space<vmem>>[vector<16xi32>, vector<16xi32>, vector<16xi32>, vector<16xi32>], vector<16xf32>,
            %parallel_loop3A_295 = arith.index_cast %parallel_loop3A_256 : i32 to index
            %parallel_loop3A_296 = arith.constant 16 : index
            %parallel_loop3A_297 = tpu.vector_load %arg8[%parallel_loop3A_295, %parallel_loop3A_296] {strides = array<i32>} : memref<128x64xf32, #tpu.memory_space<vmem>>, vector<16xf32>,
            %parallel_loop3A_298 = arith.constant 8 : i32
            %parallel_loop3A_299 = vector.broadcast %parallel_loop3A_298 : i32 to vector<16xi32>
            %parallel_loop3A_300 = arith.divsi %iota3A_205, %parallel_loop3A_299 : vector<16xi32>
            %parallel_loop3A_301 = arith.constant 0 : i32
            %parallel_loop3A_302 = vector.broadcast %parallel_loop3A_301 : i32 to vector<16xi32>
            %parallel_loop3A_303 = arith.cmpi sgt, %iota3A_205, %parallel_loop3A_302 : vector<16xi32>
            %parallel_loop3A_304 = arith.extui %parallel_loop3A_303 : vector<16xi1> to vector<16xi32>
            %parallel_loop3A_305 = arith.constant 0 : i32
            %parallel_loop3A_306 = vector.broadcast %parallel_loop3A_305 : i32 to vector<16xi32>
            %parallel_loop3A_307 = arith.cmpi slt, %iota3A_205, %parallel_loop3A_306 : vector<16xi32>
            %parallel_loop3A_308 = arith.extui %parallel_loop3A_307 : vector<16xi1> to vector<16xi32>
            %parallel_loop3A_309 = arith.subi %parallel_loop3A_304, %parallel_loop3A_308 : vector<16xi32>
            %parallel_loop3A_310 = arith.constant 0 : i32
            %parallel_loop3A_311 = arith.cmpi sgt, %parallel_loop3A_298, %parallel_loop3A_310 : i32
            %parallel_loop3A_312 = arith.extui %parallel_loop3A_311 : i1 to i32
            %parallel_loop3A_313 = arith.constant 0 : i32
            %parallel_loop3A_314 = arith.cmpi slt, %parallel_loop3A_298, %parallel_loop3A_313 : i32
            %parallel_loop3A_315 = arith.extui %parallel_loop3A_314 : i1 to i32
            %parallel_loop3A_316 = arith.subi %parallel_loop3A_312, %parallel_loop3A_315 : i32
            %parallel_loop3A_317 = vector.broadcast %parallel_loop3A_316 : i32 to vector<16xi32>
            %parallel_loop3A_318 = arith.cmpi ne, %parallel_loop3A_309, %parallel_loop3A_317 : vector<16xi32>
            %parallel_loop3A_319 = vector.broadcast %parallel_loop3A_298 : i32 to vector<16xi32>
            %parallel_loop3A_320 = arith.remsi %iota3A_205, %parallel_loop3A_319 : vector<16xi32>
            %parallel_loop3A_321 = arith.constant 0 : i32
            %parallel_loop3A_322 = vector.broadcast %parallel_loop3A_321 : i32 to vector<16xi32>
            %parallel_loop3A_323 = arith.cmpi ne, %parallel_loop3A_320, %parallel_loop3A_322 : vector<16xi32>
            %parallel_loop3A_324 = arith.andi %parallel_loop3A_318, %parallel_loop3A_323 : vector<16xi1>
            %parallel_loop3A_325 = arith.constant 1 : i32
            %parallel_loop3A_326 = vector.broadcast %parallel_loop3A_325 : i32 to vector<16xi32>
            %parallel_loop3A_327 = arith.subi %parallel_loop3A_300, %parallel_loop3A_326 : vector<16xi32>
            %parallel_loop3A_328 = arith.select %parallel_loop3A_324, %parallel_loop3A_327, %parallel_loop3A_300 : vector<16xi1>, vector<16xi32>
            %parallel_loop3A_329 = arith.constant 2 : i32
            %parallel_loop3A_330 = vector.broadcast %parallel_loop3A_329 : i32 to vector<16xi32>
            %parallel_loop3A_331 = arith.addi %parallel_loop3A_330, %parallel_loop3A_328 : vector<16xi32>
            tpu.vector_store_idx %arg10[%parallel_loop3A_331, %broadcast_in_dim3A_229, %select_n3A_227, %parallel_loop3A_257], %parallel_loop3A_297 : memref<8x1x8x129xf32, #tpu.memory_space<vmem>>[vector<16xi32>, vector<16xi32>, vector<16xi32>, vector<16xi32>], vector<16xf32>,
            %parallel_loop3A_332 = arith.index_cast %parallel_loop3A_256 : i32 to index
            %parallel_loop3A_333 = arith.constant 32 : index
            %parallel_loop3A_334 = tpu.vector_load %arg8[%parallel_loop3A_332, %parallel_loop3A_333] {strides = array<i32>} : memref<128x64xf32, #tpu.memory_space<vmem>>, vector<16xf32>,
            %parallel_loop3A_335 = arith.constant 8 : i32
            %parallel_loop3A_336 = vector.broadcast %parallel_loop3A_335 : i32 to vector<16xi32>
            %parallel_loop3A_337 = arith.divsi %iota3A_205, %parallel_loop3A_336 : vector<16xi32>
            %parallel_loop3A_338 = arith.constant 0 : i32
            %parallel_loop3A_339 = vector.broadcast %parallel_loop3A_338 : i32 to vector<16xi32>
            %parallel_loop3A_340 = arith.cmpi sgt, %iota3A_205, %parallel_loop3A_339 : vector<16xi32>
            %parallel_loop3A_341 = arith.extui %parallel_loop3A_340 : vector<16xi1> to vector<16xi32>
            %parallel_loop3A_342 = arith.constant 0 : i32
            %parallel_loop3A_343 = vector.broadcast %parallel_loop3A_342 : i32 to vector<16xi32>
            %parallel_loop3A_344 = arith.cmpi slt, %iota3A_205, %parallel_loop3A_343 : vector<16xi32>
            %parallel_loop3A_345 = arith.extui %parallel_loop3A_344 : vector<16xi1> to vector<16xi32>
            %parallel_loop3A_346 = arith.subi %parallel_loop3A_341, %parallel_loop3A_345 : vector<16xi32>
            %parallel_loop3A_347 = arith.constant 0 : i32
            %parallel_loop3A_348 = arith.cmpi sgt, %parallel_loop3A_335, %parallel_loop3A_347 : i32
            %parallel_loop3A_349 = arith.extui %parallel_loop3A_348 : i1 to i32
            %parallel_loop3A_350 = arith.constant 0 : i32
            %parallel_loop3A_351 = arith.cmpi slt, %parallel_loop3A_335, %parallel_loop3A_350 : i32
            %parallel_loop3A_352 = arith.extui %parallel_loop3A_351 : i1 to i32
            %parallel_loop3A_353 = arith.subi %parallel_loop3A_349, %parallel_loop3A_352 : i32
            %parallel_loop3A_354 = vector.broadcast %parallel_loop3A_353 : i32 to vector<16xi32>
            %parallel_loop3A_355 = arith.cmpi ne, %parallel_loop3A_346, %parallel_loop3A_354 : vector<16xi32>
            %parallel_loop3A_356 = vector.broadcast %parallel_loop3A_335 : i32 to vector<16xi32>
            %parallel_loop3A_357 = arith.remsi %iota3A_205, %parallel_loop3A_356 : vector<16xi32>
            %parallel_loop3A_358 = arith.constant 0 : i32
            %parallel_loop3A_359 = vector.broadcast %parallel_loop3A_358 : i32 to vector<16xi32>
            %parallel_loop3A_360 = arith.cmpi ne, %parallel_loop3A_357, %parallel_loop3A_359 : vector<16xi32>
            %parallel_loop3A_361 = arith.andi %parallel_loop3A_355, %parallel_loop3A_360 : vector<16xi1>
            %parallel_loop3A_362 = arith.constant 1 : i32
            %parallel_loop3A_363 = vector.broadcast %parallel_loop3A_362 : i32 to vector<16xi32>
            %parallel_loop3A_364 = arith.subi %parallel_loop3A_337, %parallel_loop3A_363 : vector<16xi32>
            %parallel_loop3A_365 = arith.select %parallel_loop3A_361, %parallel_loop3A_364, %parallel_loop3A_337 : vector<16xi1>, vector<16xi32>
            %parallel_loop3A_366 = arith.constant 4 : i32
            %parallel_loop3A_367 = vector.broadcast %parallel_loop3A_366 : i32 to vector<16xi32>
            %parallel_loop3A_368 = arith.addi %parallel_loop3A_367, %parallel_loop3A_365 : vector<16xi32>
            tpu.vector_store_idx %arg10[%parallel_loop3A_368, %broadcast_in_dim3A_229, %select_n3A_227, %parallel_loop3A_257], %parallel_loop3A_334 : memref<8x1x8x129xf32, #tpu.memory_space<vmem>>[vector<16xi32>, vector<16xi32>, vector<16xi32>, vector<16xi32>], vector<16xf32>,
            %parallel_loop3A_369 = arith.index_cast %parallel_loop3A_256 : i32 to index
            %parallel_loop3A_370 = arith.constant 48 : index
            %parallel_loop3A_371 = tpu.vector_load %arg8[%parallel_loop3A_369, %parallel_loop3A_370] {strides = array<i32>} : memref<128x64xf32, #tpu.memory_space<vmem>>, vector<16xf32>,
            %parallel_loop3A_372 = arith.constant 8 : i32
            %parallel_loop3A_373 = vector.broadcast %parallel_loop3A_372 : i32 to vector<16xi32>
            %parallel_loop3A_374 = arith.divsi %iota3A_205, %parallel_loop3A_373 : vector<16xi32>
            %parallel_loop3A_375 = arith.constant 0 : i32
            %parallel_loop3A_376 = vector.broadcast %parallel_loop3A_375 : i32 to vector<16xi32>
            %parallel_loop3A_377 = arith.cmpi sgt, %iota3A_205, %parallel_loop3A_376 : vector<16xi32>
            %parallel_loop3A_378 = arith.extui %parallel_loop3A_377 : vector<16xi1> to vector<16xi32>
            %parallel_loop3A_379 = arith.constant 0 : i32
            %parallel_loop3A_380 = vector.broadcast %parallel_loop3A_379 : i32 to vector<16xi32>
            %parallel_loop3A_381 = arith.cmpi slt, %iota3A_205, %parallel_loop3A_380 : vector<16xi32>
            %parallel_loop3A_382 = arith.extui %parallel_loop3A_381 : vector<16xi1> to vector<16xi32>
            %parallel_loop3A_383 = arith.subi %parallel_loop3A_378, %parallel_loop3A_382 : vector<16xi32>
            %parallel_loop3A_384 = arith.constant 0 : i32
            %parallel_loop3A_385 = arith.cmpi sgt, %parallel_loop3A_372, %parallel_loop3A_384 : i32
            %parallel_loop3A_386 = arith.extui %parallel_loop3A_385 : i1 to i32
            %parallel_loop3A_387 = arith.constant 0 : i32
            %parallel_loop3A_388 = arith.cmpi slt, %parallel_loop3A_372, %parallel_loop3A_387 : i32
            %parallel_loop3A_389 = arith.extui %parallel_loop3A_388 : i1 to i32
            %parallel_loop3A_390 = arith.subi %parallel_loop3A_386, %parallel_loop3A_389 : i32
            %parallel_loop3A_391 = vector.broadcast %parallel_loop3A_390 : i32 to vector<16xi32>
            %parallel_loop3A_392 = arith.cmpi ne, %parallel_loop3A_383, %parallel_loop3A_391 : vector<16xi32>
            %parallel_loop3A_393 = vector.broadcast %parallel_loop3A_372 : i32 to vector<16xi32>
            %parallel_loop3A_394 = arith.remsi %iota3A_205, %parallel_loop3A_393 : vector<16xi32>
            %parallel_loop3A_395 = arith.constant 0 : i32
            %parallel_loop3A_396 = vector.broadcast %parallel_loop3A_395 : i32 to vector<16xi32>
            %parallel_loop3A_397 = arith.cmpi ne, %parallel_loop3A_394, %parallel_loop3A_396 : vector<16xi32>
            %parallel_loop3A_398 = arith.andi %parallel_loop3A_392, %parallel_loop3A_397 : vector<16xi1>
            %parallel_loop3A_399 = arith.constant 1 : i32
            %parallel_loop3A_400 = vector.broadcast %parallel_loop3A_399 : i32 to vector<16xi32>
            %parallel_loop3A_401 = arith.subi %parallel_loop3A_374, %parallel_loop3A_400 : vector<16xi32>
            %parallel_loop3A_402 = arith.select %parallel_loop3A_398, %parallel_loop3A_401, %parallel_loop3A_374 : vector<16xi1>, vector<16xi32>
            %parallel_loop3A_403 = arith.constant 6 : i32
            %parallel_loop3A_404 = vector.broadcast %parallel_loop3A_403 : i32 to vector<16xi32>
            %parallel_loop3A_405 = arith.addi %parallel_loop3A_404, %parallel_loop3A_402 : vector<16xi32>
            tpu.vector_store_idx %arg10[%parallel_loop3A_405, %broadcast_in_dim3A_229, %select_n3A_227, %parallel_loop3A_257], %parallel_loop3A_371 : memref<8x1x8x129xf32, #tpu.memory_space<vmem>>[vector<16xi32>, vector<16xi32>, vector<16xi32>, vector<16xi32>], vector<16xf32>,
          } {sc.loop_unroll_factor = 2 : i64, sc.parallel_access}
          %dma_start3A_233 = arith.constant 0 : i32
          %dma_start3A_234 = arith.constant 0 : i32
          %dma_start3A_235 = arith.constant 0 : i32
          %dma_start3A_236 = arith.constant 0 : i32
          %dma_start3A_237 = arith.constant 0 : i32
          %dma_start3A_238 = tpu.memref_slice %arg10[%dma_start3A_234, %dma_start3A_235, %dma_start3A_236, %dma_start3A_237] : memref<8x1x8x129xf32, #tpu.memory_space<vmem>> -> memref<8x1x8x128xf32, #tpu.memory_space<vmem>>
          %dma_start3A_239 = arith.constant 0 : i32
          %dma_start3A_240 = arith.constant 0 : i32
          %dma_start3A_241 = arith.constant 0 : i32
          %dma_start3A_242 = tpu.memref_slice %arg4[%dma_start3A_233, %add3A_95, %dma_start3A_239, %add3A_183, %dma_start3A_240, %dma_start3A_241] : memref<2x100x8x32x8x128xf32, #tpu.memory_space<hbm>> -> memref<1x1x8x1x8x128xf32, #tpu.memory_space<hbm>>
          %dma_start3A_243 = tpu.memref_squeeze %dma_start3A_242 : memref<1x1x8x1x8x128xf32, #tpu.memory_space<hbm>> -> memref<8x1x8x128xf32, #tpu.memory_space<hbm>>
          %dma_start3A_244 = arith.constant 0 : i32
          %dma_start3A_245 = arith.constant 0 : i32
          %dma_start3A_246 = arith.constant 0 : i32
          %dma_start3A_247 = tpu.memref_slice %arg4[%dma_start3A_233, %add3A_95, %dma_start3A_244, %add3A_183, %dma_start3A_245, %dma_start3A_246] : memref<2x100x8x32x8x128xf32, #tpu.memory_space<hbm>> -> memref<1x1x8x1x8x128xf32, #tpu.memory_space<hbm>>
          %dma_start3A_248 = tpu.memref_squeeze %dma_start3A_247 : memref<1x1x8x1x8x128xf32, #tpu.memory_space<hbm>> -> memref<8x1x8x128xf32, #tpu.memory_space<hbm>>
          %dma_start3A_249 = arith.constant 0 : i32
          %dma_start3A_250 = arith.constant 0 : i32
          %dma_start3A_251 = arith.constant 0 : i32
          %dma_start3A_252 = arith.constant 0 : i32
          %dma_start3A_253 = tpu.memref_slice %arg10[%dma_start3A_249, %dma_start3A_250, %dma_start3A_251, %dma_start3A_252] : memref<8x1x8x129xf32, #tpu.memory_space<vmem>> -> memref<8x1x8x128xf32, #tpu.memory_space<vmem>>
          tpu.enqueue_dma source(%dma_start3A_253 : memref<8x1x8x128xf32, #tpu.memory_space<vmem>>) target(%dma_start3A_248 : memref<8x1x8x128xf32, #tpu.memory_space<hbm>>) target_semaphore(%arg15 : memref<!tpu.dma_semaphore, #tpu.memory_space<semaphore_mem>>)
          %add3A_254 = arith.constant 2 : i32
          %add3A_255 = arith.addi %scan3A_108, %add3A_254 : i32
          scf.yield %add3A_255 : i32
        }
        %scan3A_106 = arith.constant 16 : i32
        scf.yield %scan3A_105 : i32
      }
      %gt3A = arith.constant 0 : i32
      %gt3A_87 = arith.cmpi sgt, %while3A_86, %gt3A : i32
      %convert_element_type3A_88 = arith.extui %gt3A_87 : i1 to i32
      %cond3A_89 = arith.constant 0 : i32
      %cond3A_90 = arith.cmpi ne, %convert_element_type3A_88, %cond3A_89 : i32
      scf.if %cond3A_90 {
        %dma_wait3A = arith.constant 0 : i32
        %dma_wait3A_91 = arith.constant 0 : i32
        %dma_wait3A_92 = arith.constant 0 : i32
        %dma_wait3A_93 = arith.constant 0 : i32
        %dma_wait3A_94 = arith.constant 0 : i32
        %dma_wait3A_95 = arith.constant 0 : i32
        %dma_wait3A_96 = tpu.memref_slice %arg9[%dma_wait3A_92, %dma_wait3A_93, %dma_wait3A_94, %dma_wait3A_95] : memref<8x1x8x129xf32, #tpu.memory_space<vmem>> -> memref<8x1x8x128xf32, #tpu.memory_space<vmem>>
        %dma_wait3A_97 = arith.constant 0 : i32
        %dma_wait3A_98 = arith.constant 0 : i32
        %dma_wait3A_99 = arith.constant 0 : i32
        %dma_wait3A_100 = arith.constant 0 : i32
        %dma_wait3A_101 = tpu.memref_slice %arg4[%dma_wait3A, %dma_wait3A_91, %dma_wait3A_97, %dma_wait3A_98, %dma_wait3A_99, %dma_wait3A_100] : memref<2x100x8x32x8x128xf32, #tpu.memory_space<hbm>> -> memref<1x1x8x1x8x128xf32, #tpu.memory_space<hbm>>
        %dma_wait3A_102 = tpu.memref_squeeze %dma_wait3A_101 : memref<1x1x8x1x8x128xf32, #tpu.memory_space<hbm>> -> memref<8x1x8x128xf32, #tpu.memory_space<hbm>>
        %dma_wait3A_103 = arith.constant 0 : i32
        %dma_wait3A_104 = arith.constant 0 : i32
        %dma_wait3A_105 = arith.constant 0 : i32
        %dma_wait3A_106 = arith.constant 0 : i32
        %dma_wait3A_107 = tpu.memref_slice %arg4[%dma_wait3A, %dma_wait3A_91, %dma_wait3A_103, %dma_wait3A_104, %dma_wait3A_105, %dma_wait3A_106] : memref<2x100x8x32x8x128xf32, #tpu.memory_space<hbm>> -> memref<1x1x8x1x8x128xf32, #tpu.memory_space<hbm>>
        %dma_wait3A_108 = tpu.memref_squeeze %dma_wait3A_107 : memref<1x1x8x1x8x128xf32, #tpu.memory_space<hbm>> -> memref<8x1x8x128xf32, #tpu.memory_space<hbm>>
        %dma_wait3A_109 = arith.constant 0 : i32
        %dma_wait3A_110 = arith.constant 0 : i32
        %dma_wait3A_111 = arith.constant 0 : i32
        %dma_wait3A_112 = arith.constant 0 : i32
        %dma_wait3A_113 = tpu.memref_slice %arg9[%dma_wait3A_109, %dma_wait3A_110, %dma_wait3A_111, %dma_wait3A_112] : memref<8x1x8x129xf32, #tpu.memory_space<vmem>> -> memref<8x1x8x128xf32, #tpu.memory_space<vmem>>
        tpu.wait_dma2 semaphore(%arg14 : memref<!tpu.dma_semaphore, #tpu.memory_space<semaphore_mem>>) src(%dma_wait3A_113 : memref<8x1x8x128xf32, #tpu.memory_space<vmem>>) dst(%dma_wait3A_108 : memref<8x1x8x128xf32, #tpu.memory_space<hbm>>)
        %dma_wait3A_114 = arith.constant 0 : i32
        %dma_wait3A_115 = arith.constant 0 : i32
        %dma_wait3A_116 = arith.constant 0 : i32
        %dma_wait3A_117 = arith.constant 0 : i32
        %dma_wait3A_118 = arith.constant 0 : i32
        %dma_wait3A_119 = arith.constant 0 : i32
        %dma_wait3A_120 = tpu.memref_slice %arg10[%dma_wait3A_116, %dma_wait3A_117, %dma_wait3A_118, %dma_wait3A_119] : memref<8x1x8x129xf32, #tpu.memory_space<vmem>> -> memref<8x1x8x128xf32, #tpu.memory_space<vmem>>
        %dma_wait3A_121 = arith.constant 0 : i32
        %dma_wait3A_122 = arith.constant 0 : i32
        %dma_wait3A_123 = arith.constant 0 : i32
        %dma_wait3A_124 = arith.constant 0 : i32
        %dma_wait3A_125 = tpu.memref_slice %arg4[%dma_wait3A_114, %dma_wait3A_115, %dma_wait3A_121, %dma_wait3A_122, %dma_wait3A_123, %dma_wait3A_124] : memref<2x100x8x32x8x128xf32, #tpu.memory_space<hbm>> -> memref<1x1x8x1x8x128xf32, #tpu.memory_space<hbm>>
        %dma_wait3A_126 = tpu.memref_squeeze %dma_wait3A_125 : memref<1x1x8x1x8x128xf32, #tpu.memory_space<hbm>> -> memref<8x1x8x128xf32, #tpu.memory_space<hbm>>
        %dma_wait3A_127 = arith.constant 0 : i32
        %dma_wait3A_128 = arith.constant 0 : i32
        %dma_wait3A_129 = arith.constant 0 : i32
        %dma_wait3A_130 = arith.constant 0 : i32
        %dma_wait3A_131 = tpu.memref_slice %arg4[%dma_wait3A_114, %dma_wait3A_115, %dma_wait3A_127, %dma_wait3A_128, %dma_wait3A_129, %dma_wait3A_130] : memref<2x100x8x32x8x128xf32, #tpu.memory_space<hbm>> -> memref<1x1x8x1x8x128xf32, #tpu.memory_space<hbm>>
        %dma_wait3A_132 = tpu.memref_squeeze %dma_wait3A_131 : memref<1x1x8x1x8x128xf32, #tpu.memory_space<hbm>> -> memref<8x1x8x128xf32, #tpu.memory_space<hbm>>
        %dma_wait3A_133 = arith.constant 0 : i32
        %dma_wait3A_134 = arith.constant 0 : i32
        %dma_wait3A_135 = arith.constant 0 : i32
        %dma_wait3A_136 = arith.constant 0 : i32
        %dma_wait3A_137 = tpu.memref_slice %arg10[%dma_wait3A_133, %dma_wait3A_134, %dma_wait3A_135, %dma_wait3A_136] : memref<8x1x8x129xf32, #tpu.memory_space<vmem>> -> memref<8x1x8x128xf32, #tpu.memory_space<vmem>>
        tpu.wait_dma2 semaphore(%arg15 : memref<!tpu.dma_semaphore, #tpu.memory_space<semaphore_mem>>) src(%dma_wait3A_137 : memref<8x1x8x128xf32, #tpu.memory_space<vmem>>) dst(%dma_wait3A_132 : memref<8x1x8x128xf32, #tpu.memory_space<hbm>>)
      } else {
      }
    } else {
    }
    %ge3A = arith.constant 21 : i32
    %ge3A_72 = arith.cmpi sge, %add3A, %ge3A : i32
    %convert_element_type3A_73 = arith.extui %ge3A_72 : i1 to i32
    %cond3A_74 = arith.constant 0 : i32
    %cond3A_75 = arith.cmpi ne, %convert_element_type3A_73, %cond3A_74 : i32
    scf.if %cond3A_75 {
      %scan3A = arith.constant 0 : i32
      %scan3A_76 = arith.constant 0 : i32
      %scan3A_77 = arith.constant 5 : i32
      %scan3A_78 = arith.addi %scan3A_76, %scan3A_77 : i32
      %scan3A_79 = arith.constant 1 : i32
      %scan3A_80 = scf.for %scan3A_91 = %scan3A_76 to %scan3A_78 step %scan3A_79 iter_args(%scan3A_92 = %scan3A) -> (i32)  : i32 {
        %mul3A_93 = arith.constant 2 : i32
        %mul3A_94 = arith.muli %scan3A_91, %mul3A_93 : i32
        %add3A_95 = arith.constant 0 : i32
        %add3A_96 = arith.addi %mul3A_94, %add3A_95 : i32
        %lt3A_97 = arith.cmpi slt, %add3A_96, %select_n3A_68 : i32
        %convert_element_type3A_98 = arith.extui %lt3A_97 : i1 to i32
        %cond3A_99 = arith.constant 0 : i32
        %cond3A_100 = arith.cmpi ne, %convert_element_type3A_98, %cond3A_99 : i32
        scf.if %cond3A_100 {
          %mul3A_111 = arith.constant 11 : i32
          %mul3A_112 = arith.muli %mul3A_111, %add3A_96 : i32
          %add3A_113 = arith.addi %select_n3A, %mul3A_112 : i32
          %ge3A_114 = arith.constant 2 : i32
          %ge3A_115 = arith.cmpi sge, %add3A_96, %ge3A_114 : i32
          %convert_element_type3A_116 = arith.extui %ge3A_115 : i1 to i32
          %cond3A_117 = arith.constant 0 : i32
          %cond3A_118 = arith.cmpi ne, %convert_element_type3A_116, %cond3A_117 : i32
          scf.if %cond3A_118 {
            %dma_wait3A = arith.constant 0 : i32
            %dma_wait3A_304 = arith.constant 1 : i32
            %dma_wait3A_305 = arith.constant 0 : i32
            %dma_wait3A_306 = arith.constant 0 : i32
            %dma_wait3A_307 = arith.constant 0 : i32
            %dma_wait3A_308 = arith.constant 0 : i32
            %dma_wait3A_309 = arith.constant 0 : i32
            %dma_wait3A_310 = tpu.memref_slice %arg11[%dma_wait3A, %dma_wait3A_307, %dma_wait3A_308, %dma_wait3A_309] : memref<2x32x8x128xf32, #tpu.memory_space<vmem>> -> memref<1x32x8x128xf32, #tpu.memory_space<vmem>>
            %dma_wait3A_311 = tpu.memref_squeeze %dma_wait3A_310 : memref<1x32x8x128xf32, #tpu.memory_space<vmem>> -> memref<32x8x128xf32, #tpu.memory_space<vmem>>
            %dma_wait3A_312 = arith.constant 0 : i32
            %dma_wait3A_313 = arith.constant 0 : i32
            %dma_wait3A_314 = arith.constant 0 : i32
            %dma_wait3A_315 = tpu.memref_slice %arg4[%dma_wait3A_304, %dma_wait3A_305, %dma_wait3A_306, %dma_wait3A_312, %dma_wait3A_313, %dma_wait3A_314] : memref<2x100x8x32x8x128xf32, #tpu.memory_space<hbm>> -> memref<1x1x1x32x8x128xf32, #tpu.memory_space<hbm>>
            %dma_wait3A_316 = tpu.memref_squeeze %dma_wait3A_315 : memref<1x1x1x32x8x128xf32, #tpu.memory_space<hbm>> -> memref<32x8x128xf32, #tpu.memory_space<hbm>>
            %dma_wait3A_317 = arith.constant 0 : i32
            %dma_wait3A_318 = arith.constant 0 : i32
            %dma_wait3A_319 = arith.constant 0 : i32
            %dma_wait3A_320 = tpu.memref_slice %arg4[%dma_wait3A_304, %dma_wait3A_305, %dma_wait3A_306, %dma_wait3A_317, %dma_wait3A_318, %dma_wait3A_319] : memref<2x100x8x32x8x128xf32, #tpu.memory_space<hbm>> -> memref<1x1x1x32x8x128xf32, #tpu.memory_space<hbm>>
            %dma_wait3A_321 = tpu.memref_squeeze %dma_wait3A_320 : memref<1x1x1x32x8x128xf32, #tpu.memory_space<hbm>> -> memref<32x8x128xf32, #tpu.memory_space<hbm>>
            %dma_wait3A_322 = arith.constant 0 : i32
            %dma_wait3A_323 = arith.constant 0 : i32
            %dma_wait3A_324 = arith.constant 0 : i32
            %dma_wait3A_325 = tpu.memref_slice %arg11[%dma_wait3A, %dma_wait3A_322, %dma_wait3A_323, %dma_wait3A_324] : memref<2x32x8x128xf32, #tpu.memory_space<vmem>> -> memref<1x32x8x128xf32, #tpu.memory_space<vmem>>
            %dma_wait3A_326 = tpu.memref_squeeze %dma_wait3A_325 : memref<1x32x8x128xf32, #tpu.memory_space<vmem>> -> memref<32x8x128xf32, #tpu.memory_space<vmem>>
            tpu.wait_dma2 semaphore(%arg16 : memref<!tpu.dma_semaphore, #tpu.memory_space<semaphore_mem>>) src(%dma_wait3A_326 : memref<32x8x128xf32, #tpu.memory_space<vmem>>) dst(%dma_wait3A_321 : memref<32x8x128xf32, #tpu.memory_space<hbm>>)
            %dma_wait3A_327 = arith.constant 0 : i32
            %dma_wait3A_328 = arith.constant 1 : i32
            %dma_wait3A_329 = arith.constant 0 : i32
            %dma_wait3A_330 = arith.constant 0 : i32
            %dma_wait3A_331 = arith.constant 0 : i32
            %dma_wait3A_332 = arith.constant 0 : i32
            %dma_wait3A_333 = arith.constant 0 : i32
            %dma_wait3A_334 = tpu.memref_slice %arg11[%dma_wait3A_327, %dma_wait3A_331, %dma_wait3A_332, %dma_wait3A_333] : memref<2x32x8x128xf32, #tpu.memory_space<vmem>> -> memref<1x32x8x128xf32, #tpu.memory_space<vmem>>
            %dma_wait3A_335 = tpu.memref_squeeze %dma_wait3A_334 : memref<1x32x8x128xf32, #tpu.memory_space<vmem>> -> memref<32x8x128xf32, #tpu.memory_space<vmem>>
            %dma_wait3A_336 = arith.constant 0 : i32
            %dma_wait3A_337 = arith.constant 0 : i32
            %dma_wait3A_338 = arith.constant 0 : i32
            %dma_wait3A_339 = tpu.memref_slice %arg4[%dma_wait3A_328, %dma_wait3A_329, %dma_wait3A_330, %dma_wait3A_336, %dma_wait3A_337, %dma_wait3A_338] : memref<2x100x8x32x8x128xf32, #tpu.memory_space<hbm>> -> memref<1x1x1x32x8x128xf32, #tpu.memory_space<hbm>>
            %dma_wait3A_340 = tpu.memref_squeeze %dma_wait3A_339 : memref<1x1x1x32x8x128xf32, #tpu.memory_space<hbm>> -> memref<32x8x128xf32, #tpu.memory_space<hbm>>
            %dma_wait3A_341 = arith.constant 0 : i32
            %dma_wait3A_342 = arith.constant 0 : i32
            %dma_wait3A_343 = arith.constant 0 : i32
            %dma_wait3A_344 = tpu.memref_slice %arg4[%dma_wait3A_328, %dma_wait3A_329, %dma_wait3A_330, %dma_wait3A_341, %dma_wait3A_342, %dma_wait3A_343] : memref<2x100x8x32x8x128xf32, #tpu.memory_space<hbm>> -> memref<1x1x1x32x8x128xf32, #tpu.memory_space<hbm>>
            %dma_wait3A_345 = tpu.memref_squeeze %dma_wait3A_344 : memref<1x1x1x32x8x128xf32, #tpu.memory_space<hbm>> -> memref<32x8x128xf32, #tpu.memory_space<hbm>>
            %dma_wait3A_346 = arith.constant 0 : i32
            %dma_wait3A_347 = arith.constant 0 : i32
            %dma_wait3A_348 = arith.constant 0 : i32
            %dma_wait3A_349 = tpu.memref_slice %arg11[%dma_wait3A_327, %dma_wait3A_346, %dma_wait3A_347, %dma_wait3A_348] : memref<2x32x8x128xf32, #tpu.memory_space<vmem>> -> memref<1x32x8x128xf32, #tpu.memory_space<vmem>>
            %dma_wait3A_350 = tpu.memref_squeeze %dma_wait3A_349 : memref<1x32x8x128xf32, #tpu.memory_space<vmem>> -> memref<32x8x128xf32, #tpu.memory_space<vmem>>
            tpu.wait_dma2 semaphore(%arg16 : memref<!tpu.dma_semaphore, #tpu.memory_space<semaphore_mem>>) src(%dma_wait3A_350 : memref<32x8x128xf32, #tpu.memory_space<vmem>>) dst(%dma_wait3A_345 : memref<32x8x128xf32, #tpu.memory_space<hbm>>)
            %dma_wait3A_351 = arith.constant 0 : i32
            %dma_wait3A_352 = arith.constant 1 : i32
            %dma_wait3A_353 = arith.constant 0 : i32
            %dma_wait3A_354 = arith.constant 0 : i32
            %dma_wait3A_355 = arith.constant 0 : i32
            %dma_wait3A_356 = arith.constant 0 : i32
            %dma_wait3A_357 = arith.constant 0 : i32
            %dma_wait3A_358 = tpu.memref_slice %arg11[%dma_wait3A_351, %dma_wait3A_355, %dma_wait3A_356, %dma_wait3A_357] : memref<2x32x8x128xf32, #tpu.memory_space<vmem>> -> memref<1x32x8x128xf32, #tpu.memory_space<vmem>>
            %dma_wait3A_359 = tpu.memref_squeeze %dma_wait3A_358 : memref<1x32x8x128xf32, #tpu.memory_space<vmem>> -> memref<32x8x128xf32, #tpu.memory_space<vmem>>
            %dma_wait3A_360 = arith.constant 0 : i32
            %dma_wait3A_361 = arith.constant 0 : i32
            %dma_wait3A_362 = arith.constant 0 : i32
            %dma_wait3A_363 = tpu.memref_slice %arg4[%dma_wait3A_352, %dma_wait3A_353, %dma_wait3A_354, %dma_wait3A_360, %dma_wait3A_361, %dma_wait3A_362] : memref<2x100x8x32x8x128xf32, #tpu.memory_space<hbm>> -> memref<1x1x1x32x8x128xf32, #tpu.memory_space<hbm>>
            %dma_wait3A_364 = tpu.memref_squeeze %dma_wait3A_363 : memref<1x1x1x32x8x128xf32, #tpu.memory_space<hbm>> -> memref<32x8x128xf32, #tpu.memory_space<hbm>>
            %dma_wait3A_365 = arith.constant 0 : i32
            %dma_wait3A_366 = arith.constant 0 : i32
            %dma_wait3A_367 = arith.constant 0 : i32
            %dma_wait3A_368 = tpu.memref_slice %arg4[%dma_wait3A_352, %dma_wait3A_353, %dma_wait3A_354, %dma_wait3A_365, %dma_wait3A_366, %dma_wait3A_367] : memref<2x100x8x32x8x128xf32, #tpu.memory_space<hbm>> -> memref<1x1x1x32x8x128xf32, #tpu.memory_space<hbm>>
            %dma_wait3A_369 = tpu.memref_squeeze %dma_wait3A_368 : memref<1x1x1x32x8x128xf32, #tpu.memory_space<hbm>> -> memref<32x8x128xf32, #tpu.memory_space<hbm>>
            %dma_wait3A_370 = arith.constant 0 : i32
            %dma_wait3A_371 = arith.constant 0 : i32
            %dma_wait3A_372 = arith.constant 0 : i32
            %dma_wait3A_373 = tpu.memref_slice %arg11[%dma_wait3A_351, %dma_wait3A_370, %dma_wait3A_371, %dma_wait3A_372] : memref<2x32x8x128xf32, #tpu.memory_space<vmem>> -> memref<1x32x8x128xf32, #tpu.memory_space<vmem>>
            %dma_wait3A_374 = tpu.memref_squeeze %dma_wait3A_373 : memref<1x32x8x128xf32, #tpu.memory_space<vmem>> -> memref<32x8x128xf32, #tpu.memory_space<vmem>>
            tpu.wait_dma2 semaphore(%arg16 : memref<!tpu.dma_semaphore, #tpu.memory_space<semaphore_mem>>) src(%dma_wait3A_374 : memref<32x8x128xf32, #tpu.memory_space<vmem>>) dst(%dma_wait3A_369 : memref<32x8x128xf32, #tpu.memory_space<hbm>>)
            %dma_wait3A_375 = arith.constant 0 : i32
            %dma_wait3A_376 = arith.constant 1 : i32
            %dma_wait3A_377 = arith.constant 0 : i32
            %dma_wait3A_378 = arith.constant 0 : i32
            %dma_wait3A_379 = arith.constant 0 : i32
            %dma_wait3A_380 = arith.constant 0 : i32
            %dma_wait3A_381 = arith.constant 0 : i32
            %dma_wait3A_382 = tpu.memref_slice %arg11[%dma_wait3A_375, %dma_wait3A_379, %dma_wait3A_380, %dma_wait3A_381] : memref<2x32x8x128xf32, #tpu.memory_space<vmem>> -> memref<1x32x8x128xf32, #tpu.memory_space<vmem>>
            %dma_wait3A_383 = tpu.memref_squeeze %dma_wait3A_382 : memref<1x32x8x128xf32, #tpu.memory_space<vmem>> -> memref<32x8x128xf32, #tpu.memory_space<vmem>>
            %dma_wait3A_384 = arith.constant 0 : i32
            %dma_wait3A_385 = arith.constant 0 : i32
            %dma_wait3A_386 = arith.constant 0 : i32
            %dma_wait3A_387 = tpu.memref_slice %arg4[%dma_wait3A_376, %dma_wait3A_377, %dma_wait3A_378, %dma_wait3A_384, %dma_wait3A_385, %dma_wait3A_386] : memref<2x100x8x32x8x128xf32, #tpu.memory_space<hbm>> -> memref<1x1x1x32x8x128xf32, #tpu.memory_space<hbm>>
            %dma_wait3A_388 = tpu.memref_squeeze %dma_wait3A_387 : memref<1x1x1x32x8x128xf32, #tpu.memory_space<hbm>> -> memref<32x8x128xf32, #tpu.memory_space<hbm>>
            %dma_wait3A_389 = arith.constant 0 : i32
            %dma_wait3A_390 = arith.constant 0 : i32
            %dma_wait3A_391 = arith.constant 0 : i32
            %dma_wait3A_392 = tpu.memref_slice %arg4[%dma_wait3A_376, %dma_wait3A_377, %dma_wait3A_378, %dma_wait3A_389, %dma_wait3A_390, %dma_wait3A_391] : memref<2x100x8x32x8x128xf32, #tpu.memory_space<hbm>> -> memref<1x1x1x32x8x128xf32, #tpu.memory_space<hbm>>
            %dma_wait3A_393 = tpu.memref_squeeze %dma_wait3A_392 : memref<1x1x1x32x8x128xf32, #tpu.memory_space<hbm>> -> memref<32x8x128xf32, #tpu.memory_space<hbm>>
            %dma_wait3A_394 = arith.constant 0 : i32
            %dma_wait3A_395 = arith.constant 0 : i32
            %dma_wait3A_396 = arith.constant 0 : i32
            %dma_wait3A_397 = tpu.memref_slice %arg11[%dma_wait3A_375, %dma_wait3A_394, %dma_wait3A_395, %dma_wait3A_396] : memref<2x32x8x128xf32, #tpu.memory_space<vmem>> -> memref<1x32x8x128xf32, #tpu.memory_space<vmem>>
            %dma_wait3A_398 = tpu.memref_squeeze %dma_wait3A_397 : memref<1x32x8x128xf32, #tpu.memory_space<vmem>> -> memref<32x8x128xf32, #tpu.memory_space<vmem>>
            tpu.wait_dma2 semaphore(%arg16 : memref<!tpu.dma_semaphore, #tpu.memory_space<semaphore_mem>>) src(%dma_wait3A_398 : memref<32x8x128xf32, #tpu.memory_space<vmem>>) dst(%dma_wait3A_393 : memref<32x8x128xf32, #tpu.memory_space<hbm>>)
            %dma_wait3A_399 = arith.constant 0 : i32
            %dma_wait3A_400 = arith.constant 1 : i32
            %dma_wait3A_401 = arith.constant 0 : i32
            %dma_wait3A_402 = arith.constant 0 : i32
            %dma_wait3A_403 = arith.constant 0 : i32
            %dma_wait3A_404 = arith.constant 0 : i32
            %dma_wait3A_405 = arith.constant 0 : i32
            %dma_wait3A_406 = tpu.memref_slice %arg11[%dma_wait3A_399, %dma_wait3A_403, %dma_wait3A_404, %dma_wait3A_405] : memref<2x32x8x128xf32, #tpu.memory_space<vmem>> -> memref<1x32x8x128xf32, #tpu.memory_space<vmem>>
            %dma_wait3A_407 = tpu.memref_squeeze %dma_wait3A_406 : memref<1x32x8x128xf32, #tpu.memory_space<vmem>> -> memref<32x8x128xf32, #tpu.memory_space<vmem>>
            %dma_wait3A_408 = arith.constant 0 : i32
            %dma_wait3A_409 = arith.constant 0 : i32
            %dma_wait3A_410 = arith.constant 0 : i32
            %dma_wait3A_411 = tpu.memref_slice %arg4[%dma_wait3A_400, %dma_wait3A_401, %dma_wait3A_402, %dma_wait3A_408, %dma_wait3A_409, %dma_wait3A_410] : memref<2x100x8x32x8x128xf32, #tpu.memory_space<hbm>> -> memref<1x1x1x32x8x128xf32, #tpu.memory_space<hbm>>
            %dma_wait3A_412 = tpu.memref_squeeze %dma_wait3A_411 : memref<1x1x1x32x8x128xf32, #tpu.memory_space<hbm>> -> memref<32x8x128xf32, #tpu.memory_space<hbm>>
            %dma_wait3A_413 = arith.constant 0 : i32
            %dma_wait3A_414 = arith.constant 0 : i32
            %dma_wait3A_415 = arith.constant 0 : i32
            %dma_wait3A_416 = tpu.memref_slice %arg4[%dma_wait3A_400, %dma_wait3A_401, %dma_wait3A_402, %dma_wait3A_413, %dma_wait3A_414, %dma_wait3A_415] : memref<2x100x8x32x8x128xf32, #tpu.memory_space<hbm>> -> memref<1x1x1x32x8x128xf32, #tpu.memory_space<hbm>>
            %dma_wait3A_417 = tpu.memref_squeeze %dma_wait3A_416 : memref<1x1x1x32x8x128xf32, #tpu.memory_space<hbm>> -> memref<32x8x128xf32, #tpu.memory_space<hbm>>
            %dma_wait3A_418 = arith.constant 0 : i32
            %dma_wait3A_419 = arith.constant 0 : i32
            %dma_wait3A_420 = arith.constant 0 : i32
            %dma_wait3A_421 = tpu.memref_slice %arg11[%dma_wait3A_399, %dma_wait3A_418, %dma_wait3A_419, %dma_wait3A_420] : memref<2x32x8x128xf32, #tpu.memory_space<vmem>> -> memref<1x32x8x128xf32, #tpu.memory_space<vmem>>
            %dma_wait3A_422 = tpu.memref_squeeze %dma_wait3A_421 : memref<1x32x8x128xf32, #tpu.memory_space<vmem>> -> memref<32x8x128xf32, #tpu.memory_space<vmem>>
            tpu.wait_dma2 semaphore(%arg16 : memref<!tpu.dma_semaphore, #tpu.memory_space<semaphore_mem>>) src(%dma_wait3A_422 : memref<32x8x128xf32, #tpu.memory_space<vmem>>) dst(%dma_wait3A_417 : memref<32x8x128xf32, #tpu.memory_space<hbm>>)
            %dma_wait3A_423 = arith.constant 0 : i32
            %dma_wait3A_424 = arith.constant 1 : i32
            %dma_wait3A_425 = arith.constant 0 : i32
            %dma_wait3A_426 = arith.constant 0 : i32
            %dma_wait3A_427 = arith.constant 0 : i32
            %dma_wait3A_428 = arith.constant 0 : i32
            %dma_wait3A_429 = arith.constant 0 : i32
            %dma_wait3A_430 = tpu.memref_slice %arg11[%dma_wait3A_423, %dma_wait3A_427, %dma_wait3A_428, %dma_wait3A_429] : memref<2x32x8x128xf32, #tpu.memory_space<vmem>> -> memref<1x32x8x128xf32, #tpu.memory_space<vmem>>
            %dma_wait3A_431 = tpu.memref_squeeze %dma_wait3A_430 : memref<1x32x8x128xf32, #tpu.memory_space<vmem>> -> memref<32x8x128xf32, #tpu.memory_space<vmem>>
            %dma_wait3A_432 = arith.constant 0 : i32
            %dma_wait3A_433 = arith.constant 0 : i32
            %dma_wait3A_434 = arith.constant 0 : i32
            %dma_wait3A_435 = tpu.memref_slice %arg4[%dma_wait3A_424, %dma_wait3A_425, %dma_wait3A_426, %dma_wait3A_432, %dma_wait3A_433, %dma_wait3A_434] : memref<2x100x8x32x8x128xf32, #tpu.memory_space<hbm>> -> memref<1x1x1x32x8x128xf32, #tpu.memory_space<hbm>>
            %dma_wait3A_436 = tpu.memref_squeeze %dma_wait3A_435 : memref<1x1x1x32x8x128xf32, #tpu.memory_space<hbm>> -> memref<32x8x128xf32, #tpu.memory_space<hbm>>
            %dma_wait3A_437 = arith.constant 0 : i32
            %dma_wait3A_438 = arith.constant 0 : i32
            %dma_wait3A_439 = arith.constant 0 : i32
            %dma_wait3A_440 = tpu.memref_slice %arg4[%dma_wait3A_424, %dma_wait3A_425, %dma_wait3A_426, %dma_wait3A_437, %dma_wait3A_438, %dma_wait3A_439] : memref<2x100x8x32x8x128xf32, #tpu.memory_space<hbm>> -> memref<1x1x1x32x8x128xf32, #tpu.memory_space<hbm>>
            %dma_wait3A_441 = tpu.memref_squeeze %dma_wait3A_440 : memref<1x1x1x32x8x128xf32, #tpu.memory_space<hbm>> -> memref<32x8x128xf32, #tpu.memory_space<hbm>>
            %dma_wait3A_442 = arith.constant 0 : i32
            %dma_wait3A_443 = arith.constant 0 : i32
            %dma_wait3A_444 = arith.constant 0 : i32
            %dma_wait3A_445 = tpu.memref_slice %arg11[%dma_wait3A_423, %dma_wait3A_442, %dma_wait3A_443, %dma_wait3A_444] : memref<2x32x8x128xf32, #tpu.memory_space<vmem>> -> memref<1x32x8x128xf32, #tpu.memory_space<vmem>>
            %dma_wait3A_446 = tpu.memref_squeeze %dma_wait3A_445 : memref<1x32x8x128xf32, #tpu.memory_space<vmem>> -> memref<32x8x128xf32, #tpu.memory_space<vmem>>
            tpu.wait_dma2 semaphore(%arg16 : memref<!tpu.dma_semaphore, #tpu.memory_space<semaphore_mem>>) src(%dma_wait3A_446 : memref<32x8x128xf32, #tpu.memory_space<vmem>>) dst(%dma_wait3A_441 : memref<32x8x128xf32, #tpu.memory_space<hbm>>)
            %dma_wait3A_447 = arith.constant 0 : i32
            %dma_wait3A_448 = arith.constant 1 : i32
            %dma_wait3A_449 = arith.constant 0 : i32
            %dma_wait3A_450 = arith.constant 0 : i32
            %dma_wait3A_451 = arith.constant 0 : i32
            %dma_wait3A_452 = arith.constant 0 : i32
            %dma_wait3A_453 = arith.constant 0 : i32
            %dma_wait3A_454 = tpu.memref_slice %arg11[%dma_wait3A_447, %dma_wait3A_451, %dma_wait3A_452, %dma_wait3A_453] : memref<2x32x8x128xf32, #tpu.memory_space<vmem>> -> memref<1x32x8x128xf32, #tpu.memory_space<vmem>>
            %dma_wait3A_455 = tpu.memref_squeeze %dma_wait3A_454 : memref<1x32x8x128xf32, #tpu.memory_space<vmem>> -> memref<32x8x128xf32, #tpu.memory_space<vmem>>
            %dma_wait3A_456 = arith.constant 0 : i32
            %dma_wait3A_457 = arith.constant 0 : i32
            %dma_wait3A_458 = arith.constant 0 : i32
            %dma_wait3A_459 = tpu.memref_slice %arg4[%dma_wait3A_448, %dma_wait3A_449, %dma_wait3A_450, %dma_wait3A_456, %dma_wait3A_457, %dma_wait3A_458] : memref<2x100x8x32x8x128xf32, #tpu.memory_space<hbm>> -> memref<1x1x1x32x8x128xf32, #tpu.memory_space<hbm>>
            %dma_wait3A_460 = tpu.memref_squeeze %dma_wait3A_459 : memref<1x1x1x32x8x128xf32, #tpu.memory_space<hbm>> -> memref<32x8x128xf32, #tpu.memory_space<hbm>>
            %dma_wait3A_461 = arith.constant 0 : i32
            %dma_wait3A_462 = arith.constant 0 : i32
            %dma_wait3A_463 = arith.constant 0 : i32
            %dma_wait3A_464 = tpu.memref_slice %arg4[%dma_wait3A_448, %dma_wait3A_449, %dma_wait3A_450, %dma_wait3A_461, %dma_wait3A_462, %dma_wait3A_463] : memref<2x100x8x32x8x128xf32, #tpu.memory_space<hbm>> -> memref<1x1x1x32x8x128xf32, #tpu.memory_space<hbm>>
            %dma_wait3A_465 = tpu.memref_squeeze %dma_wait3A_464 : memref<1x1x1x32x8x128xf32, #tpu.memory_space<hbm>> -> memref<32x8x128xf32, #tpu.memory_space<hbm>>
            %dma_wait3A_466 = arith.constant 0 : i32
            %dma_wait3A_467 = arith.constant 0 : i32
            %dma_wait3A_468 = arith.constant 0 : i32
            %dma_wait3A_469 = tpu.memref_slice %arg11[%dma_wait3A_447, %dma_wait3A_466, %dma_wait3A_467, %dma_wait3A_468] : memref<2x32x8x128xf32, #tpu.memory_space<vmem>> -> memref<1x32x8x128xf32, #tpu.memory_space<vmem>>
            %dma_wait3A_470 = tpu.memref_squeeze %dma_wait3A_469 : memref<1x32x8x128xf32, #tpu.memory_space<vmem>> -> memref<32x8x128xf32, #tpu.memory_space<vmem>>
            tpu.wait_dma2 semaphore(%arg16 : memref<!tpu.dma_semaphore, #tpu.memory_space<semaphore_mem>>) src(%dma_wait3A_470 : memref<32x8x128xf32, #tpu.memory_space<vmem>>) dst(%dma_wait3A_465 : memref<32x8x128xf32, #tpu.memory_space<hbm>>)
            %dma_wait3A_471 = arith.constant 0 : i32
            %dma_wait3A_472 = arith.constant 1 : i32
            %dma_wait3A_473 = arith.constant 0 : i32
            %dma_wait3A_474 = arith.constant 0 : i32
            %dma_wait3A_475 = arith.constant 0 : i32
            %dma_wait3A_476 = arith.constant 0 : i32
            %dma_wait3A_477 = arith.constant 0 : i32
            %dma_wait3A_478 = tpu.memref_slice %arg11[%dma_wait3A_471, %dma_wait3A_475, %dma_wait3A_476, %dma_wait3A_477] : memref<2x32x8x128xf32, #tpu.memory_space<vmem>> -> memref<1x32x8x128xf32, #tpu.memory_space<vmem>>
            %dma_wait3A_479 = tpu.memref_squeeze %dma_wait3A_478 : memref<1x32x8x128xf32, #tpu.memory_space<vmem>> -> memref<32x8x128xf32, #tpu.memory_space<vmem>>
            %dma_wait3A_480 = arith.constant 0 : i32
            %dma_wait3A_481 = arith.constant 0 : i32
            %dma_wait3A_482 = arith.constant 0 : i32
            %dma_wait3A_483 = tpu.memref_slice %arg4[%dma_wait3A_472, %dma_wait3A_473, %dma_wait3A_474, %dma_wait3A_480, %dma_wait3A_481, %dma_wait3A_482] : memref<2x100x8x32x8x128xf32, #tpu.memory_space<hbm>> -> memref<1x1x1x32x8x128xf32, #tpu.memory_space<hbm>>
            %dma_wait3A_484 = tpu.memref_squeeze %dma_wait3A_483 : memref<1x1x1x32x8x128xf32, #tpu.memory_space<hbm>> -> memref<32x8x128xf32, #tpu.memory_space<hbm>>
            %dma_wait3A_485 = arith.constant 0 : i32
            %dma_wait3A_486 = arith.constant 0 : i32
            %dma_wait3A_487 = arith.constant 0 : i32
            %dma_wait3A_488 = tpu.memref_slice %arg4[%dma_wait3A_472, %dma_wait3A_473, %dma_wait3A_474, %dma_wait3A_485, %dma_wait3A_486, %dma_wait3A_487] : memref<2x100x8x32x8x128xf32, #tpu.memory_space<hbm>> -> memref<1x1x1x32x8x128xf32, #tpu.memory_space<hbm>>
            %dma_wait3A_489 = tpu.memref_squeeze %dma_wait3A_488 : memref<1x1x1x32x8x128xf32, #tpu.memory_space<hbm>> -> memref<32x8x128xf32, #tpu.memory_space<hbm>>
            %dma_wait3A_490 = arith.constant 0 : i32
            %dma_wait3A_491 = arith.constant 0 : i32
            %dma_wait3A_492 = arith.constant 0 : i32
            %dma_wait3A_493 = tpu.memref_slice %arg11[%dma_wait3A_471, %dma_wait3A_490, %dma_wait3A_491, %dma_wait3A_492] : memref<2x32x8x128xf32, #tpu.memory_space<vmem>> -> memref<1x32x8x128xf32, #tpu.memory_space<vmem>>
            %dma_wait3A_494 = tpu.memref_squeeze %dma_wait3A_493 : memref<1x32x8x128xf32, #tpu.memory_space<vmem>> -> memref<32x8x128xf32, #tpu.memory_space<vmem>>
            tpu.wait_dma2 semaphore(%arg16 : memref<!tpu.dma_semaphore, #tpu.memory_space<semaphore_mem>>) src(%dma_wait3A_494 : memref<32x8x128xf32, #tpu.memory_space<vmem>>) dst(%dma_wait3A_489 : memref<32x8x128xf32, #tpu.memory_space<hbm>>)
          } else {
          }
          "tpu.region"() ({
            %run_scoped3A = tpu.sem_alloc : memref<!tpu.dma_semaphore, #tpu.memory_space<semaphore_mem>>
            %dma_start3A_304 = arith.constant 0 : i32
            %dma_start3A_305 = tpu.memref_slice %arg2[%add3A_113, %dma_start3A_304] : memref<100x4096xi32, #tpu.memory_space<hbm>> -> memref<1x4096xi32, #tpu.memory_space<hbm>>
            %dma_start3A_306 = tpu.memref_squeeze %dma_start3A_305 : memref<1x4096xi32, #tpu.memory_space<hbm>> -> memref<4096xi32, #tpu.memory_space<hbm>>
            %dma_start3A_307 = arith.constant 0 : i32
            %dma_start3A_308 = tpu.memref_slice %arg2[%add3A_113, %dma_start3A_307] : memref<100x4096xi32, #tpu.memory_space<hbm>> -> memref<1x4096xi32, #tpu.memory_space<hbm>>
            %dma_start3A_309 = tpu.memref_squeeze %dma_start3A_308 : memref<1x4096xi32, #tpu.memory_space<hbm>> -> memref<4096xi32, #tpu.memory_space<hbm>>
            tpu.enqueue_dma source(%dma_start3A_309 : memref<4096xi32, #tpu.memory_space<hbm>>) target(%arg5 : memref<4096xi32, #tpu.memory_space<vmem>>) target_semaphore(%run_scoped3A : memref<!tpu.dma_semaphore, #tpu.memory_space<semaphore_mem>>)
            %dma_wait3A = arith.constant 0 : i32
            %dma_wait3A_310 = tpu.memref_slice %arg2[%add3A_113, %dma_wait3A] : memref<100x4096xi32, #tpu.memory_space<hbm>> -> memref<1x4096xi32, #tpu.memory_space<hbm>>
            %dma_wait3A_311 = tpu.memref_squeeze %dma_wait3A_310 : memref<1x4096xi32, #tpu.memory_space<hbm>> -> memref<4096xi32, #tpu.memory_space<hbm>>
            %dma_wait3A_312 = arith.constant 0 : i32
            %dma_wait3A_313 = tpu.memref_slice %arg2[%add3A_113, %dma_wait3A_312] : memref<100x4096xi32, #tpu.memory_space<hbm>> -> memref<1x4096xi32, #tpu.memory_space<hbm>>
            %dma_wait3A_314 = tpu.memref_squeeze %dma_wait3A_313 : memref<1x4096xi32, #tpu.memory_space<hbm>> -> memref<4096xi32, #tpu.memory_space<hbm>>
            tpu.wait_dma2 semaphore(%run_scoped3A : memref<!tpu.dma_semaphore, #tpu.memory_space<semaphore_mem>>) src(%dma_wait3A_314 : memref<4096xi32, #tpu.memory_space<hbm>>) dst(%arg5 : memref<4096xi32, #tpu.memory_space<vmem>>)
            tpu.yield
          }) : () -> ()
          %parallel_loop3A = arith.constant 0 : i32
          %parallel_loop3A_119 = arith.constant 32 : i32
          %parallel_loop3A_120 = arith.constant 1 : i32
          scf.for %parallel_loop3A_304 = %parallel_loop3A to %parallel_loop3A_119 step %parallel_loop3A_120  : i32 {
            %parallel_loop3A_305 = arith.constant 128 : i32
            %parallel_loop3A_306 = arith.muli %parallel_loop3A_304, %parallel_loop3A_305 : i32
            %parallel_loop3A_307 = arith.constant 0 : i32
            %parallel_loop3A_308 = arith.addi %parallel_loop3A_306, %parallel_loop3A_307 : i32
            %parallel_loop3A_309 = arith.index_cast %parallel_loop3A_308 : i32 to index
            %parallel_loop3A_310 = tpu.vector_load %arg5[%parallel_loop3A_309] {strides = array<i32>} : memref<4096xi32, #tpu.memory_space<vmem>>, vector<16xi32>,
            %parallel_loop3A_311 = arith.constant 0 : i32
            %parallel_loop3A_312 = vector.broadcast %parallel_loop3A_311 : i32 to vector<16xi32>
            %parallel_loop3A_313 = arith.cmpi slt, %parallel_loop3A_310, %parallel_loop3A_312 : vector<16xi32>
            %parallel_loop3A_314 = arith.constant 0.000000e+00 : f32
            %parallel_loop3A_315 = arith.constant 1.000000e+00 : f32
            %parallel_loop3A_316 = vector.broadcast %parallel_loop3A_314 : f32 to vector<16xf32>
            %parallel_loop3A_317 = vector.broadcast %parallel_loop3A_315 : f32 to vector<16xf32>
            %parallel_loop3A_318 = arith.select %parallel_loop3A_313, %parallel_loop3A_316, %parallel_loop3A_317 : vector<16xi1>, vector<16xf32>
            %parallel_loop3A_319 = arith.constant 0 : i32
            %parallel_loop3A_320 = arith.constant 0 : i32
            %parallel_loop3A_321 = arith.index_cast %parallel_loop3A_319 : i32 to index
            %parallel_loop3A_322 = arith.index_cast %parallel_loop3A_304 : i32 to index
            %parallel_loop3A_323 = arith.index_cast %parallel_loop3A_320 : i32 to index
            %parallel_loop3A_324 = arith.constant 0 : index
            %parallel_loop3A_325 = tpu.vector_load %arg11[%parallel_loop3A_321, %parallel_loop3A_322, %parallel_loop3A_323, %parallel_loop3A_324] {strides = array<i32>} : memref<2x32x8x128xf32, #tpu.memory_space<vmem>>, vector<16xf32>,
            tpu.vector_store %arg11[%parallel_loop3A_321, %parallel_loop3A_322, %parallel_loop3A_323, %parallel_loop3A_324], %parallel_loop3A_318 {strides = array<i32>} : memref<2x32x8x128xf32, #tpu.memory_space<vmem>>, vector<16xf32>,
            %parallel_loop3A_326 = arith.constant 0 : i32
            %parallel_loop3A_327 = arith.constant 1 : i32
            %parallel_loop3A_328 = arith.index_cast %parallel_loop3A_326 : i32 to index
            %parallel_loop3A_329 = arith.index_cast %parallel_loop3A_304 : i32 to index
            %parallel_loop3A_330 = arith.index_cast %parallel_loop3A_327 : i32 to index
            %parallel_loop3A_331 = arith.constant 0 : index
            %parallel_loop3A_332 = tpu.vector_load %arg11[%parallel_loop3A_328, %parallel_loop3A_329, %parallel_loop3A_330, %parallel_loop3A_331] {strides = array<i32>} : memref<2x32x8x128xf32, #tpu.memory_space<vmem>>, vector<16xf32>,
            tpu.vector_store %arg11[%parallel_loop3A_328, %parallel_loop3A_329, %parallel_loop3A_330, %parallel_loop3A_331], %parallel_loop3A_318 {strides = array<i32>} : memref<2x32x8x128xf32, #tpu.memory_space<vmem>>, vector<16xf32>,
            %parallel_loop3A_333 = arith.constant 0 : i32
            %parallel_loop3A_334 = arith.constant 2 : i32
            %parallel_loop3A_335 = arith.index_cast %parallel_loop3A_333 : i32 to index
            %parallel_loop3A_336 = arith.index_cast %parallel_loop3A_304 : i32 to index
            %parallel_loop3A_337 = arith.index_cast %parallel_loop3A_334 : i32 to index
            %parallel_loop3A_338 = arith.constant 0 : index
            %parallel_loop3A_339 = tpu.vector_load %arg11[%parallel_loop3A_335, %parallel_loop3A_336, %parallel_loop3A_337, %parallel_loop3A_338] {strides = array<i32>} : memref<2x32x8x128xf32, #tpu.memory_space<vmem>>, vector<16xf32>,
            tpu.vector_store %arg11[%parallel_loop3A_335, %parallel_loop3A_336, %parallel_loop3A_337, %parallel_loop3A_338], %parallel_loop3A_318 {strides = array<i32>} : memref<2x32x8x128xf32, #tpu.memory_space<vmem>>, vector<16xf32>,
            %parallel_loop3A_340 = arith.constant 0 : i32
            %parallel_loop3A_341 = arith.constant 3 : i32
            %parallel_loop3A_342 = arith.index_cast %parallel_loop3A_340 : i32 to index
            %parallel_loop3A_343 = arith.index_cast %parallel_loop3A_304 : i32 to index
            %parallel_loop3A_344 = arith.index_cast %parallel_loop3A_341 : i32 to index
            %parallel_loop3A_345 = arith.constant 0 : index
            %parallel_loop3A_346 = tpu.vector_load %arg11[%parallel_loop3A_342, %parallel_loop3A_343, %parallel_loop3A_344, %parallel_loop3A_345] {strides = array<i32>} : memref<2x32x8x128xf32, #tpu.memory_space<vmem>>, vector<16xf32>,
            tpu.vector_store %arg11[%parallel_loop3A_342, %parallel_loop3A_343, %parallel_loop3A_344, %parallel_loop3A_345], %parallel_loop3A_318 {strides = array<i32>} : memref<2x32x8x128xf32, #tpu.memory_space<vmem>>, vector<16xf32>,
            %parallel_loop3A_347 = arith.constant 0 : i32
            %parallel_loop3A_348 = arith.constant 4 : i32
            %parallel_loop3A_349 = arith.index_cast %parallel_loop3A_347 : i32 to index
            %parallel_loop3A_350 = arith.index_cast %parallel_loop3A_304 : i32 to index
            %parallel_loop3A_351 = arith.index_cast %parallel_loop3A_348 : i32 to index
            %parallel_loop3A_352 = arith.constant 0 : index
            %parallel_loop3A_353 = tpu.vector_load %arg11[%parallel_loop3A_349, %parallel_loop3A_350, %parallel_loop3A_351, %parallel_loop3A_352] {strides = array<i32>} : memref<2x32x8x128xf32, #tpu.memory_space<vmem>>, vector<16xf32>,
            tpu.vector_store %arg11[%parallel_loop3A_349, %parallel_loop3A_350, %parallel_loop3A_351, %parallel_loop3A_352], %parallel_loop3A_318 {strides = array<i32>} : memref<2x32x8x128xf32, #tpu.memory_space<vmem>>, vector<16xf32>,
            %parallel_loop3A_354 = arith.constant 0 : i32
            %parallel_loop3A_355 = arith.constant 5 : i32
            %parallel_loop3A_356 = arith.index_cast %parallel_loop3A_354 : i32 to index
            %parallel_loop3A_357 = arith.index_cast %parallel_loop3A_304 : i32 to index
            %parallel_loop3A_358 = arith.index_cast %parallel_loop3A_355 : i32 to index
            %parallel_loop3A_359 = arith.constant 0 : index
            %parallel_loop3A_360 = tpu.vector_load %arg11[%parallel_loop3A_356, %parallel_loop3A_357, %parallel_loop3A_358, %parallel_loop3A_359] {strides = array<i32>} : memref<2x32x8x128xf32, #tpu.memory_space<vmem>>, vector<16xf32>,
            tpu.vector_store %arg11[%parallel_loop3A_356, %parallel_loop3A_357, %parallel_loop3A_358, %parallel_loop3A_359], %parallel_loop3A_318 {strides = array<i32>} : memref<2x32x8x128xf32, #tpu.memory_space<vmem>>, vector<16xf32>,
            %parallel_loop3A_361 = arith.constant 0 : i32
            %parallel_loop3A_362 = arith.constant 6 : i32
            %parallel_loop3A_363 = arith.index_cast %parallel_loop3A_361 : i32 to index
            %parallel_loop3A_364 = arith.index_cast %parallel_loop3A_304 : i32 to index
            %parallel_loop3A_365 = arith.index_cast %parallel_loop3A_362 : i32 to index
            %parallel_loop3A_366 = arith.constant 0 : index
            %parallel_loop3A_367 = tpu.vector_load %arg11[%parallel_loop3A_363, %parallel_loop3A_364, %parallel_loop3A_365, %parallel_loop3A_366] {strides = array<i32>} : memref<2x32x8x128xf32, #tpu.memory_space<vmem>>, vector<16xf32>,
            tpu.vector_store %arg11[%parallel_loop3A_363, %parallel_loop3A_364, %parallel_loop3A_365, %parallel_loop3A_366], %parallel_loop3A_318 {strides = array<i32>} : memref<2x32x8x128xf32, #tpu.memory_space<vmem>>, vector<16xf32>,
            %parallel_loop3A_368 = arith.constant 0 : i32
            %parallel_loop3A_369 = arith.constant 7 : i32
            %parallel_loop3A_370 = arith.index_cast %parallel_loop3A_368 : i32 to index
            %parallel_loop3A_371 = arith.index_cast %parallel_loop3A_304 : i32 to index
            %parallel_loop3A_372 = arith.index_cast %parallel_loop3A_369 : i32 to index
            %parallel_loop3A_373 = arith.constant 0 : index
            %parallel_loop3A_374 = tpu.vector_load %arg11[%parallel_loop3A_370, %parallel_loop3A_371, %parallel_loop3A_372, %parallel_loop3A_373] {strides = array<i32>} : memref<2x32x8x128xf32, #tpu.memory_space<vmem>>, vector<16xf32>,
            tpu.vector_store %arg11[%parallel_loop3A_370, %parallel_loop3A_371, %parallel_loop3A_372, %parallel_loop3A_373], %parallel_loop3A_318 {strides = array<i32>} : memref<2x32x8x128xf32, #tpu.memory_space<vmem>>, vector<16xf32>,
            %parallel_loop3A_375 = arith.constant 128 : i32
            %parallel_loop3A_376 = arith.muli %parallel_loop3A_304, %parallel_loop3A_375 : i32
            %parallel_loop3A_377 = arith.constant 16 : i32
            %parallel_loop3A_378 = arith.addi %parallel_loop3A_376, %parallel_loop3A_377 : i32
            %parallel_loop3A_379 = arith.index_cast %parallel_loop3A_378 : i32 to index
            %parallel_loop3A_380 = tpu.vector_load %arg5[%parallel_loop3A_379] {strides = array<i32>} : memref<4096xi32, #tpu.memory_space<vmem>>, vector<16xi32>,
            %parallel_loop3A_381 = arith.constant 0 : i32
            %parallel_loop3A_382 = vector.broadcast %parallel_loop3A_381 : i32 to vector<16xi32>
            %parallel_loop3A_383 = arith.cmpi slt, %parallel_loop3A_380, %parallel_loop3A_382 : vector<16xi32>
            %parallel_loop3A_384 = arith.constant 0.000000e+00 : f32
            %parallel_loop3A_385 = arith.constant 1.000000e+00 : f32
            %parallel_loop3A_386 = vector.broadcast %parallel_loop3A_384 : f32 to vector<16xf32>
            %parallel_loop3A_387 = vector.broadcast %parallel_loop3A_385 : f32 to vector<16xf32>
            %parallel_loop3A_388 = arith.select %parallel_loop3A_383, %parallel_loop3A_386, %parallel_loop3A_387 : vector<16xi1>, vector<16xf32>
            %parallel_loop3A_389 = arith.constant 0 : i32
            %parallel_loop3A_390 = arith.constant 0 : i32
            %parallel_loop3A_391 = arith.index_cast %parallel_loop3A_389 : i32 to index
            %parallel_loop3A_392 = arith.index_cast %parallel_loop3A_304 : i32 to index
            %parallel_loop3A_393 = arith.index_cast %parallel_loop3A_390 : i32 to index
            %parallel_loop3A_394 = arith.constant 16 : index
            %parallel_loop3A_395 = tpu.vector_load %arg11[%parallel_loop3A_391, %parallel_loop3A_392, %parallel_loop3A_393, %parallel_loop3A_394] {strides = array<i32>} : memref<2x32x8x128xf32, #tpu.memory_space<vmem>>, vector<16xf32>,
            tpu.vector_store %arg11[%parallel_loop3A_391, %parallel_loop3A_392, %parallel_loop3A_393, %parallel_loop3A_394], %parallel_loop3A_388 {strides = array<i32>} : memref<2x32x8x128xf32, #tpu.memory_space<vmem>>, vector<16xf32>,
            %parallel_loop3A_396 = arith.constant 0 : i32
            %parallel_loop3A_397 = arith.constant 1 : i32
            %parallel_loop3A_398 = arith.index_cast %parallel_loop3A_396 : i32 to index
            %parallel_loop3A_399 = arith.index_cast %parallel_loop3A_304 : i32 to index
            %parallel_loop3A_400 = arith.index_cast %parallel_loop3A_397 : i32 to index
            %parallel_loop3A_401 = arith.constant 16 : index
            %parallel_loop3A_402 = tpu.vector_load %arg11[%parallel_loop3A_398, %parallel_loop3A_399, %parallel_loop3A_400, %parallel_loop3A_401] {strides = array<i32>} : memref<2x32x8x128xf32, #tpu.memory_space<vmem>>, vector<16xf32>,
            tpu.vector_store %arg11[%parallel_loop3A_398, %parallel_loop3A_399, %parallel_loop3A_400, %parallel_loop3A_401], %parallel_loop3A_388 {strides = array<i32>} : memref<2x32x8x128xf32, #tpu.memory_space<vmem>>, vector<16xf32>,
            %parallel_loop3A_403 = arith.constant 0 : i32
            %parallel_loop3A_404 = arith.constant 2 : i32
            %parallel_loop3A_405 = arith.index_cast %parallel_loop3A_403 : i32 to index
            %parallel_loop3A_406 = arith.index_cast %parallel_loop3A_304 : i32 to index
            %parallel_loop3A_407 = arith.index_cast %parallel_loop3A_404 : i32 to index
            %parallel_loop3A_408 = arith.constant 16 : index
            %parallel_loop3A_409 = tpu.vector_load %arg11[%parallel_loop3A_405, %parallel_loop3A_406, %parallel_loop3A_407, %parallel_loop3A_408] {strides = array<i32>} : memref<2x32x8x128xf32, #tpu.memory_space<vmem>>, vector<16xf32>,
            tpu.vector_store %arg11[%parallel_loop3A_405, %parallel_loop3A_406, %parallel_loop3A_407, %parallel_loop3A_408], %parallel_loop3A_388 {strides = array<i32>} : memref<2x32x8x128xf32, #tpu.memory_space<vmem>>, vector<16xf32>,
            %parallel_loop3A_410 = arith.constant 0 : i32
            %parallel_loop3A_411 = arith.constant 3 : i32
            %parallel_loop3A_412 = arith.index_cast %parallel_loop3A_410 : i32 to index
            %parallel_loop3A_413 = arith.index_cast %parallel_loop3A_304 : i32 to index
            %parallel_loop3A_414 = arith.index_cast %parallel_loop3A_411 : i32 to index
            %parallel_loop3A_415 = arith.constant 16 : index
            %parallel_loop3A_416 = tpu.vector_load %arg11[%parallel_loop3A_412, %parallel_loop3A_413, %parallel_loop3A_414, %parallel_loop3A_415] {strides = array<i32>} : memref<2x32x8x128xf32, #tpu.memory_space<vmem>>, vector<16xf32>,
            tpu.vector_store %arg11[%parallel_loop3A_412, %parallel_loop3A_413, %parallel_loop3A_414, %parallel_loop3A_415], %parallel_loop3A_388 {strides = array<i32>} : memref<2x32x8x128xf32, #tpu.memory_space<vmem>>, vector<16xf32>,
            %parallel_loop3A_417 = arith.constant 0 : i32
            %parallel_loop3A_418 = arith.constant 4 : i32
            %parallel_loop3A_419 = arith.index_cast %parallel_loop3A_417 : i32 to index
            %parallel_loop3A_420 = arith.index_cast %parallel_loop3A_304 : i32 to index
            %parallel_loop3A_421 = arith.index_cast %parallel_loop3A_418 : i32 to index
            %parallel_loop3A_422 = arith.constant 16 : index
            %parallel_loop3A_423 = tpu.vector_load %arg11[%parallel_loop3A_419, %parallel_loop3A_420, %parallel_loop3A_421, %parallel_loop3A_422] {strides = array<i32>} : memref<2x32x8x128xf32, #tpu.memory_space<vmem>>, vector<16xf32>,
            tpu.vector_store %arg11[%parallel_loop3A_419, %parallel_loop3A_420, %parallel_loop3A_421, %parallel_loop3A_422], %parallel_loop3A_388 {strides = array<i32>} : memref<2x32x8x128xf32, #tpu.memory_space<vmem>>, vector<16xf32>,
            %parallel_loop3A_424 = arith.constant 0 : i32
            %parallel_loop3A_425 = arith.constant 5 : i32
            %parallel_loop3A_426 = arith.index_cast %parallel_loop3A_424 : i32 to index
            %parallel_loop3A_427 = arith.index_cast %parallel_loop3A_304 : i32 to index
            %parallel_loop3A_428 = arith.index_cast %parallel_loop3A_425 : i32 to index
            %parallel_loop3A_429 = arith.constant 16 : index
            %parallel_loop3A_430 = tpu.vector_load %arg11[%parallel_loop3A_426, %parallel_loop3A_427, %parallel_loop3A_428, %parallel_loop3A_429] {strides = array<i32>} : memref<2x32x8x128xf32, #tpu.memory_space<vmem>>, vector<16xf32>,
            tpu.vector_store %arg11[%parallel_loop3A_426, %parallel_loop3A_427, %parallel_loop3A_428, %parallel_loop3A_429], %parallel_loop3A_388 {strides = array<i32>} : memref<2x32x8x128xf32, #tpu.memory_space<vmem>>, vector<16xf32>,
            %parallel_loop3A_431 = arith.constant 0 : i32
            %parallel_loop3A_432 = arith.constant 6 : i32
            %parallel_loop3A_433 = arith.index_cast %parallel_loop3A_431 : i32 to index
            %parallel_loop3A_434 = arith.index_cast %parallel_loop3A_304 : i32 to index
            %parallel_loop3A_435 = arith.index_cast %parallel_loop3A_432 : i32 to index
            %parallel_loop3A_436 = arith.constant 16 : index
            %parallel_loop3A_437 = tpu.vector_load %arg11[%parallel_loop3A_433, %parallel_loop3A_434, %parallel_loop3A_435, %parallel_loop3A_436] {strides = array<i32>} : memref<2x32x8x128xf32, #tpu.memory_space<vmem>>, vector<16xf32>,
            tpu.vector_store %arg11[%parallel_loop3A_433, %parallel_loop3A_434, %parallel_loop3A_435, %parallel_loop3A_436], %parallel_loop3A_388 {strides = array<i32>} : memref<2x32x8x128xf32, #tpu.memory_space<vmem>>, vector<16xf32>,
            %parallel_loop3A_438 = arith.constant 0 : i32
            %parallel_loop3A_439 = arith.constant 7 : i32
            %parallel_loop3A_440 = arith.index_cast %parallel_loop3A_438 : i32 to index
            %parallel_loop3A_441 = arith.index_cast %parallel_loop3A_304 : i32 to index
            %parallel_loop3A_442 = arith.index_cast %parallel_loop3A_439 : i32 to index
            %parallel_loop3A_443 = arith.constant 16 : index
            %parallel_loop3A_444 = tpu.vector_load %arg11[%parallel_loop3A_440, %parallel_loop3A_441, %parallel_loop3A_442, %parallel_loop3A_443] {strides = array<i32>} : memref<2x32x8x128xf32, #tpu.memory_space<vmem>>, vector<16xf32>,
            tpu.vector_store %arg11[%parallel_loop3A_440, %parallel_loop3A_441, %parallel_loop3A_442, %parallel_loop3A_443], %parallel_loop3A_388 {strides = array<i32>} : memref<2x32x8x128xf32, #tpu.memory_space<vmem>>, vector<16xf32>,
            %parallel_loop3A_445 = arith.constant 128 : i32
            %parallel_loop3A_446 = arith.muli %parallel_loop3A_304, %parallel_loop3A_445 : i32
            %parallel_loop3A_447 = arith.constant 32 : i32
            %parallel_loop3A_448 = arith.addi %parallel_loop3A_446, %parallel_loop3A_447 : i32
            %parallel_loop3A_449 = arith.index_cast %parallel_loop3A_448 : i32 to index
            %parallel_loop3A_450 = tpu.vector_load %arg5[%parallel_loop3A_449] {strides = array<i32>} : memref<4096xi32, #tpu.memory_space<vmem>>, vector<16xi32>,
            %parallel_loop3A_451 = arith.constant 0 : i32
            %parallel_loop3A_452 = vector.broadcast %parallel_loop3A_451 : i32 to vector<16xi32>
            %parallel_loop3A_453 = arith.cmpi slt, %parallel_loop3A_450, %parallel_loop3A_452 : vector<16xi32>
            %parallel_loop3A_454 = arith.constant 0.000000e+00 : f32
            %parallel_loop3A_455 = arith.constant 1.000000e+00 : f32
            %parallel_loop3A_456 = vector.broadcast %parallel_loop3A_454 : f32 to vector<16xf32>
            %parallel_loop3A_457 = vector.broadcast %parallel_loop3A_455 : f32 to vector<16xf32>
            %parallel_loop3A_458 = arith.select %parallel_loop3A_453, %parallel_loop3A_456, %parallel_loop3A_457 : vector<16xi1>, vector<16xf32>
            %parallel_loop3A_459 = arith.constant 0 : i32
            %parallel_loop3A_460 = arith.constant 0 : i32
            %parallel_loop3A_461 = arith.index_cast %parallel_loop3A_459 : i32 to index
            %parallel_loop3A_462 = arith.index_cast %parallel_loop3A_304 : i32 to index
            %parallel_loop3A_463 = arith.index_cast %parallel_loop3A_460 : i32 to index
            %parallel_loop3A_464 = arith.constant 32 : index
            %parallel_loop3A_465 = tpu.vector_load %arg11[%parallel_loop3A_461, %parallel_loop3A_462, %parallel_loop3A_463, %parallel_loop3A_464] {strides = array<i32>} : memref<2x32x8x128xf32, #tpu.memory_space<vmem>>, vector<16xf32>,
            tpu.vector_store %arg11[%parallel_loop3A_461, %parallel_loop3A_462, %parallel_loop3A_463, %parallel_loop3A_464], %parallel_loop3A_458 {strides = array<i32>} : memref<2x32x8x128xf32, #tpu.memory_space<vmem>>, vector<16xf32>,
            %parallel_loop3A_466 = arith.constant 0 : i32
            %parallel_loop3A_467 = arith.constant 1 : i32
            %parallel_loop3A_468 = arith.index_cast %parallel_loop3A_466 : i32 to index
            %parallel_loop3A_469 = arith.index_cast %parallel_loop3A_304 : i32 to index
            %parallel_loop3A_470 = arith.index_cast %parallel_loop3A_467 : i32 to index
            %parallel_loop3A_471 = arith.constant 32 : index
            %parallel_loop3A_472 = tpu.vector_load %arg11[%parallel_loop3A_468, %parallel_loop3A_469, %parallel_loop3A_470, %parallel_loop3A_471] {strides = array<i32>} : memref<2x32x8x128xf32, #tpu.memory_space<vmem>>, vector<16xf32>,
            tpu.vector_store %arg11[%parallel_loop3A_468, %parallel_loop3A_469, %parallel_loop3A_470, %parallel_loop3A_471], %parallel_loop3A_458 {strides = array<i32>} : memref<2x32x8x128xf32, #tpu.memory_space<vmem>>, vector<16xf32>,
            %parallel_loop3A_473 = arith.constant 0 : i32
            %parallel_loop3A_474 = arith.constant 2 : i32
            %parallel_loop3A_475 = arith.index_cast %parallel_loop3A_473 : i32 to index
            %parallel_loop3A_476 = arith.index_cast %parallel_loop3A_304 : i32 to index
            %parallel_loop3A_477 = arith.index_cast %parallel_loop3A_474 : i32 to index
            %parallel_loop3A_478 = arith.constant 32 : index
            %parallel_loop3A_479 = tpu.vector_load %arg11[%parallel_loop3A_475, %parallel_loop3A_476, %parallel_loop3A_477, %parallel_loop3A_478] {strides = array<i32>} : memref<2x32x8x128xf32, #tpu.memory_space<vmem>>, vector<16xf32>,
            tpu.vector_store %arg11[%parallel_loop3A_475, %parallel_loop3A_476, %parallel_loop3A_477, %parallel_loop3A_478], %parallel_loop3A_458 {strides = array<i32>} : memref<2x32x8x128xf32, #tpu.memory_space<vmem>>, vector<16xf32>,
            %parallel_loop3A_480 = arith.constant 0 : i32
            %parallel_loop3A_481 = arith.constant 3 : i32
            %parallel_loop3A_482 = arith.index_cast %parallel_loop3A_480 : i32 to index
            %parallel_loop3A_483 = arith.index_cast %parallel_loop3A_304 : i32 to index
            %parallel_loop3A_484 = arith.index_cast %parallel_loop3A_481 : i32 to index
            %parallel_loop3A_485 = arith.constant 32 : index
            %parallel_loop3A_486 = tpu.vector_load %arg11[%parallel_loop3A_482, %parallel_loop3A_483, %parallel_loop3A_484, %parallel_loop3A_485] {strides = array<i32>} : memref<2x32x8x128xf32, #tpu.memory_space<vmem>>, vector<16xf32>,
            tpu.vector_store %arg11[%parallel_loop3A_482, %parallel_loop3A_483, %parallel_loop3A_484, %parallel_loop3A_485], %parallel_loop3A_458 {strides = array<i32>} : memref<2x32x8x128xf32, #tpu.memory_space<vmem>>, vector<16xf32>,
            %parallel_loop3A_487 = arith.constant 0 : i32
            %parallel_loop3A_488 = arith.constant 4 : i32
            %parallel_loop3A_489 = arith.index_cast %parallel_loop3A_487 : i32 to index
            %parallel_loop3A_490 = arith.index_cast %parallel_loop3A_304 : i32 to index
            %parallel_loop3A_491 = arith.index_cast %parallel_loop3A_488 : i32 to index
            %parallel_loop3A_492 = arith.constant 32 : index
            %parallel_loop3A_493 = tpu.vector_load %arg11[%parallel_loop3A_489, %parallel_loop3A_490, %parallel_loop3A_491, %parallel_loop3A_492] {strides = array<i32>} : memref<2x32x8x128xf32, #tpu.memory_space<vmem>>, vector<16xf32>,
            tpu.vector_store %arg11[%parallel_loop3A_489, %parallel_loop3A_490, %parallel_loop3A_491, %parallel_loop3A_492], %parallel_loop3A_458 {strides = array<i32>} : memref<2x32x8x128xf32, #tpu.memory_space<vmem>>, vector<16xf32>,
            %parallel_loop3A_494 = arith.constant 0 : i32
            %parallel_loop3A_495 = arith.constant 5 : i32
            %parallel_loop3A_496 = arith.index_cast %parallel_loop3A_494 : i32 to index
            %parallel_loop3A_497 = arith.index_cast %parallel_loop3A_304 : i32 to index
            %parallel_loop3A_498 = arith.index_cast %parallel_loop3A_495 : i32 to index
            %parallel_loop3A_499 = arith.constant 32 : index
            %parallel_loop3A_500 = tpu.vector_load %arg11[%parallel_loop3A_496, %parallel_loop3A_497, %parallel_loop3A_498, %parallel_loop3A_499] {strides = array<i32>} : memref<2x32x8x128xf32, #tpu.memory_space<vmem>>, vector<16xf32>,
            tpu.vector_store %arg11[%parallel_loop3A_496, %parallel_loop3A_497, %parallel_loop3A_498, %parallel_loop3A_499], %parallel_loop3A_458 {strides = array<i32>} : memref<2x32x8x128xf32, #tpu.memory_space<vmem>>, vector<16xf32>,
            %parallel_loop3A_501 = arith.constant 0 : i32
            %parallel_loop3A_502 = arith.constant 6 : i32
            %parallel_loop3A_503 = arith.index_cast %parallel_loop3A_501 : i32 to index
            %parallel_loop3A_504 = arith.index_cast %parallel_loop3A_304 : i32 to index
            %parallel_loop3A_505 = arith.index_cast %parallel_loop3A_502 : i32 to index
            %parallel_loop3A_506 = arith.constant 32 : index
            %parallel_loop3A_507 = tpu.vector_load %arg11[%parallel_loop3A_503, %parallel_loop3A_504, %parallel_loop3A_505, %parallel_loop3A_506] {strides = array<i32>} : memref<2x32x8x128xf32, #tpu.memory_space<vmem>>, vector<16xf32>,
            tpu.vector_store %arg11[%parallel_loop3A_503, %parallel_loop3A_504, %parallel_loop3A_505, %parallel_loop3A_506], %parallel_loop3A_458 {strides = array<i32>} : memref<2x32x8x128xf32, #tpu.memory_space<vmem>>, vector<16xf32>,
            %parallel_loop3A_508 = arith.constant 0 : i32
            %parallel_loop3A_509 = arith.constant 7 : i32
            %parallel_loop3A_510 = arith.index_cast %parallel_loop3A_508 : i32 to index
            %parallel_loop3A_511 = arith.index_cast %parallel_loop3A_304 : i32 to index
            %parallel_loop3A_512 = arith.index_cast %parallel_loop3A_509 : i32 to index
            %parallel_loop3A_513 = arith.constant 32 : index
            %parallel_loop3A_514 = tpu.vector_load %arg11[%parallel_loop3A_510, %parallel_loop3A_511, %parallel_loop3A_512, %parallel_loop3A_513] {strides = array<i32>} : memref<2x32x8x128xf32, #tpu.memory_space<vmem>>, vector<16xf32>,
            tpu.vector_store %arg11[%parallel_loop3A_510, %parallel_loop3A_511, %parallel_loop3A_512, %parallel_loop3A_513], %parallel_loop3A_458 {strides = array<i32>} : memref<2x32x8x128xf32, #tpu.memory_space<vmem>>, vector<16xf32>,
            %parallel_loop3A_515 = arith.constant 128 : i32
            %parallel_loop3A_516 = arith.muli %parallel_loop3A_304, %parallel_loop3A_515 : i32
            %parallel_loop3A_517 = arith.constant 48 : i32
            %parallel_loop3A_518 = arith.addi %parallel_loop3A_516, %parallel_loop3A_517 : i32
            %parallel_loop3A_519 = arith.index_cast %parallel_loop3A_518 : i32 to index
            %parallel_loop3A_520 = tpu.vector_load %arg5[%parallel_loop3A_519] {strides = array<i32>} : memref<4096xi32, #tpu.memory_space<vmem>>, vector<16xi32>,
            %parallel_loop3A_521 = arith.constant 0 : i32
            %parallel_loop3A_522 = vector.broadcast %parallel_loop3A_521 : i32 to vector<16xi32>
            %parallel_loop3A_523 = arith.cmpi slt, %parallel_loop3A_520, %parallel_loop3A_522 : vector<16xi32>
            %parallel_loop3A_524 = arith.constant 0.000000e+00 : f32
            %parallel_loop3A_525 = arith.constant 1.000000e+00 : f32
            %parallel_loop3A_526 = vector.broadcast %parallel_loop3A_524 : f32 to vector<16xf32>
            %parallel_loop3A_527 = vector.broadcast %parallel_loop3A_525 : f32 to vector<16xf32>
            %parallel_loop3A_528 = arith.select %parallel_loop3A_523, %parallel_loop3A_526, %parallel_loop3A_527 : vector<16xi1>, vector<16xf32>
            %parallel_loop3A_529 = arith.constant 0 : i32
            %parallel_loop3A_530 = arith.constant 0 : i32
            %parallel_loop3A_531 = arith.index_cast %parallel_loop3A_529 : i32 to index
            %parallel_loop3A_532 = arith.index_cast %parallel_loop3A_304 : i32 to index
            %parallel_loop3A_533 = arith.index_cast %parallel_loop3A_530 : i32 to index
            %parallel_loop3A_534 = arith.constant 48 : index
            %parallel_loop3A_535 = tpu.vector_load %arg11[%parallel_loop3A_531, %parallel_loop3A_532, %parallel_loop3A_533, %parallel_loop3A_534] {strides = array<i32>} : memref<2x32x8x128xf32, #tpu.memory_space<vmem>>, vector<16xf32>,
            tpu.vector_store %arg11[%parallel_loop3A_531, %parallel_loop3A_532, %parallel_loop3A_533, %parallel_loop3A_534], %parallel_loop3A_528 {strides = array<i32>} : memref<2x32x8x128xf32, #tpu.memory_space<vmem>>, vector<16xf32>,
            %parallel_loop3A_536 = arith.constant 0 : i32
            %parallel_loop3A_537 = arith.constant 1 : i32
            %parallel_loop3A_538 = arith.index_cast %parallel_loop3A_536 : i32 to index
            %parallel_loop3A_539 = arith.index_cast %parallel_loop3A_304 : i32 to index
            %parallel_loop3A_540 = arith.index_cast %parallel_loop3A_537 : i32 to index
            %parallel_loop3A_541 = arith.constant 48 : index
            %parallel_loop3A_542 = tpu.vector_load %arg11[%parallel_loop3A_538, %parallel_loop3A_539, %parallel_loop3A_540, %parallel_loop3A_541] {strides = array<i32>} : memref<2x32x8x128xf32, #tpu.memory_space<vmem>>, vector<16xf32>,
            tpu.vector_store %arg11[%parallel_loop3A_538, %parallel_loop3A_539, %parallel_loop3A_540, %parallel_loop3A_541], %parallel_loop3A_528 {strides = array<i32>} : memref<2x32x8x128xf32, #tpu.memory_space<vmem>>, vector<16xf32>,
            %parallel_loop3A_543 = arith.constant 0 : i32
            %parallel_loop3A_544 = arith.constant 2 : i32
            %parallel_loop3A_545 = arith.index_cast %parallel_loop3A_543 : i32 to index
            %parallel_loop3A_546 = arith.index_cast %parallel_loop3A_304 : i32 to index
            %parallel_loop3A_547 = arith.index_cast %parallel_loop3A_544 : i32 to index
            %parallel_loop3A_548 = arith.constant 48 : index
            %parallel_loop3A_549 = tpu.vector_load %arg11[%parallel_loop3A_545, %parallel_loop3A_546, %parallel_loop3A_547, %parallel_loop3A_548] {strides = array<i32>} : memref<2x32x8x128xf32, #tpu.memory_space<vmem>>, vector<16xf32>,
            tpu.vector_store %arg11[%parallel_loop3A_545, %parallel_loop3A_546, %parallel_loop3A_547, %parallel_loop3A_548], %parallel_loop3A_528 {strides = array<i32>} : memref<2x32x8x128xf32, #tpu.memory_space<vmem>>, vector<16xf32>,
            %parallel_loop3A_550 = arith.constant 0 : i32
            %parallel_loop3A_551 = arith.constant 3 : i32
            %parallel_loop3A_552 = arith.index_cast %parallel_loop3A_550 : i32 to index
            %parallel_loop3A_553 = arith.index_cast %parallel_loop3A_304 : i32 to index
            %parallel_loop3A_554 = arith.index_cast %parallel_loop3A_551 : i32 to index
            %parallel_loop3A_555 = arith.constant 48 : index
            %parallel_loop3A_556 = tpu.vector_load %arg11[%parallel_loop3A_552, %parallel_loop3A_553, %parallel_loop3A_554, %parallel_loop3A_555] {strides = array<i32>} : memref<2x32x8x128xf32, #tpu.memory_space<vmem>>, vector<16xf32>,
            tpu.vector_store %arg11[%parallel_loop3A_552, %parallel_loop3A_553, %parallel_loop3A_554, %parallel_loop3A_555], %parallel_loop3A_528 {strides = array<i32>} : memref<2x32x8x128xf32, #tpu.memory_space<vmem>>, vector<16xf32>,
            %parallel_loop3A_557 = arith.constant 0 : i32
            %parallel_loop3A_558 = arith.constant 4 : i32
            %parallel_loop3A_559 = arith.index_cast %parallel_loop3A_557 : i32 to index
            %parallel_loop3A_560 = arith.index_cast %parallel_loop3A_304 : i32 to index
            %parallel_loop3A_561 = arith.index_cast %parallel_loop3A_558 : i32 to index
            %parallel_loop3A_562 = arith.constant 48 : index
            %parallel_loop3A_563 = tpu.vector_load %arg11[%parallel_loop3A_559, %parallel_loop3A_560, %parallel_loop3A_561, %parallel_loop3A_562] {strides = array<i32>} : memref<2x32x8x128xf32, #tpu.memory_space<vmem>>, vector<16xf32>,
            tpu.vector_store %arg11[%parallel_loop3A_559, %parallel_loop3A_560, %parallel_loop3A_561, %parallel_loop3A_562], %parallel_loop3A_528 {strides = array<i32>} : memref<2x32x8x128xf32, #tpu.memory_space<vmem>>, vector<16xf32>,
            %parallel_loop3A_564 = arith.constant 0 : i32
            %parallel_loop3A_565 = arith.constant 5 : i32
            %parallel_loop3A_566 = arith.index_cast %parallel_loop3A_564 : i32 to index
            %parallel_loop3A_567 = arith.index_cast %parallel_loop3A_304 : i32 to index
            %parallel_loop3A_568 = arith.index_cast %parallel_loop3A_565 : i32 to index
            %parallel_loop3A_569 = arith.constant 48 : index
            %parallel_loop3A_570 = tpu.vector_load %arg11[%parallel_loop3A_566, %parallel_loop3A_567, %parallel_loop3A_568, %parallel_loop3A_569] {strides = array<i32>} : memref<2x32x8x128xf32, #tpu.memory_space<vmem>>, vector<16xf32>,
            tpu.vector_store %arg11[%parallel_loop3A_566, %parallel_loop3A_567, %parallel_loop3A_568, %parallel_loop3A_569], %parallel_loop3A_528 {strides = array<i32>} : memref<2x32x8x128xf32, #tpu.memory_space<vmem>>, vector<16xf32>,
            %parallel_loop3A_571 = arith.constant 0 : i32
            %parallel_loop3A_572 = arith.constant 6 : i32
            %parallel_loop3A_573 = arith.index_cast %parallel_loop3A_571 : i32 to index
            %parallel_loop3A_574 = arith.index_cast %parallel_loop3A_304 : i32 to index
            %parallel_loop3A_575 = arith.index_cast %parallel_loop3A_572 : i32 to index
            %parallel_loop3A_576 = arith.constant 48 : index
            %parallel_loop3A_577 = tpu.vector_load %arg11[%parallel_loop3A_573, %parallel_loop3A_574, %parallel_loop3A_575, %parallel_loop3A_576] {strides = array<i32>} : memref<2x32x8x128xf32, #tpu.memory_space<vmem>>, vector<16xf32>,
            tpu.vector_store %arg11[%parallel_loop3A_573, %parallel_loop3A_574, %parallel_loop3A_575, %parallel_loop3A_576], %parallel_loop3A_528 {strides = array<i32>} : memref<2x32x8x128xf32, #tpu.memory_space<vmem>>, vector<16xf32>,
            %parallel_loop3A_578 = arith.constant 0 : i32
            %parallel_loop3A_579 = arith.constant 7 : i32
            %parallel_loop3A_580 = arith.index_cast %parallel_loop3A_578 : i32 to index
            %parallel_loop3A_581 = arith.index_cast %parallel_loop3A_304 : i32 to index
            %parallel_loop3A_582 = arith.index_cast %parallel_loop3A_579 : i32 to index
            %parallel_loop3A_583 = arith.constant 48 : index
            %parallel_loop3A_584 = tpu.vector_load %arg11[%parallel_loop3A_580, %parallel_loop3A_581, %parallel_loop3A_582, %parallel_loop3A_583] {strides = array<i32>} : memref<2x32x8x128xf32, #tpu.memory_space<vmem>>, vector<16xf32>,
            tpu.vector_store %arg11[%parallel_loop3A_580, %parallel_loop3A_581, %parallel_loop3A_582, %parallel_loop3A_583], %parallel_loop3A_528 {strides = array<i32>} : memref<2x32x8x128xf32, #tpu.memory_space<vmem>>, vector<16xf32>,
            %parallel_loop3A_585 = arith.constant 128 : i32
            %parallel_loop3A_586 = arith.muli %parallel_loop3A_304, %parallel_loop3A_585 : i32
            %parallel_loop3A_587 = arith.constant 64 : i32
            %parallel_loop3A_588 = arith.addi %parallel_loop3A_586, %parallel_loop3A_587 : i32
            %parallel_loop3A_589 = arith.index_cast %parallel_loop3A_588 : i32 to index
            %parallel_loop3A_590 = tpu.vector_load %arg5[%parallel_loop3A_589] {strides = array<i32>} : memref<4096xi32, #tpu.memory_space<vmem>>, vector<16xi32>,
            %parallel_loop3A_591 = arith.constant 0 : i32
            %parallel_loop3A_592 = vector.broadcast %parallel_loop3A_591 : i32 to vector<16xi32>
            %parallel_loop3A_593 = arith.cmpi slt, %parallel_loop3A_590, %parallel_loop3A_592 : vector<16xi32>
            %parallel_loop3A_594 = arith.constant 0.000000e+00 : f32
            %parallel_loop3A_595 = arith.constant 1.000000e+00 : f32
            %parallel_loop3A_596 = vector.broadcast %parallel_loop3A_594 : f32 to vector<16xf32>
            %parallel_loop3A_597 = vector.broadcast %parallel_loop3A_595 : f32 to vector<16xf32>
            %parallel_loop3A_598 = arith.select %parallel_loop3A_593, %parallel_loop3A_596, %parallel_loop3A_597 : vector<16xi1>, vector<16xf32>
            %parallel_loop3A_599 = arith.constant 0 : i32
            %parallel_loop3A_600 = arith.constant 0 : i32
            %parallel_loop3A_601 = arith.index_cast %parallel_loop3A_599 : i32 to index
            %parallel_loop3A_602 = arith.index_cast %parallel_loop3A_304 : i32 to index
            %parallel_loop3A_603 = arith.index_cast %parallel_loop3A_600 : i32 to index
            %parallel_loop3A_604 = arith.constant 64 : index
            %parallel_loop3A_605 = tpu.vector_load %arg11[%parallel_loop3A_601, %parallel_loop3A_602, %parallel_loop3A_603, %parallel_loop3A_604] {strides = array<i32>} : memref<2x32x8x128xf32, #tpu.memory_space<vmem>>, vector<16xf32>,
            tpu.vector_store %arg11[%parallel_loop3A_601, %parallel_loop3A_602, %parallel_loop3A_603, %parallel_loop3A_604], %parallel_loop3A_598 {strides = array<i32>} : memref<2x32x8x128xf32, #tpu.memory_space<vmem>>, vector<16xf32>,
            %parallel_loop3A_606 = arith.constant 0 : i32
            %parallel_loop3A_607 = arith.constant 1 : i32
            %parallel_loop3A_608 = arith.index_cast %parallel_loop3A_606 : i32 to index
            %parallel_loop3A_609 = arith.index_cast %parallel_loop3A_304 : i32 to index
            %parallel_loop3A_610 = arith.index_cast %parallel_loop3A_607 : i32 to index
            %parallel_loop3A_611 = arith.constant 64 : index
            %parallel_loop3A_612 = tpu.vector_load %arg11[%parallel_loop3A_608, %parallel_loop3A_609, %parallel_loop3A_610, %parallel_loop3A_611] {strides = array<i32>} : memref<2x32x8x128xf32, #tpu.memory_space<vmem>>, vector<16xf32>,
            tpu.vector_store %arg11[%parallel_loop3A_608, %parallel_loop3A_609, %parallel_loop3A_610, %parallel_loop3A_611], %parallel_loop3A_598 {strides = array<i32>} : memref<2x32x8x128xf32, #tpu.memory_space<vmem>>, vector<16xf32>,
            %parallel_loop3A_613 = arith.constant 0 : i32
            %parallel_loop3A_614 = arith.constant 2 : i32
            %parallel_loop3A_615 = arith.index_cast %parallel_loop3A_613 : i32 to index
            %parallel_loop3A_616 = arith.index_cast %parallel_loop3A_304 : i32 to index
            %parallel_loop3A_617 = arith.index_cast %parallel_loop3A_614 : i32 to index
            %parallel_loop3A_618 = arith.constant 64 : index
            %parallel_loop3A_619 = tpu.vector_load %arg11[%parallel_loop3A_615, %parallel_loop3A_616, %parallel_loop3A_617, %parallel_loop3A_618] {strides = array<i32>} : memref<2x32x8x128xf32, #tpu.memory_space<vmem>>, vector<16xf32>,
            tpu.vector_store %arg11[%parallel_loop3A_615, %parallel_loop3A_616, %parallel_loop3A_617, %parallel_loop3A_618], %parallel_loop3A_598 {strides = array<i32>} : memref<2x32x8x128xf32, #tpu.memory_space<vmem>>, vector<16xf32>,
            %parallel_loop3A_620 = arith.constant 0 : i32
            %parallel_loop3A_621 = arith.constant 3 : i32
            %parallel_loop3A_622 = arith.index_cast %parallel_loop3A_620 : i32 to index
            %parallel_loop3A_623 = arith.index_cast %parallel_loop3A_304 : i32 to index
            %parallel_loop3A_624 = arith.index_cast %parallel_loop3A_621 : i32 to index
            %parallel_loop3A_625 = arith.constant 64 : index
            %parallel_loop3A_626 = tpu.vector_load %arg11[%parallel_loop3A_622, %parallel_loop3A_623, %parallel_loop3A_624, %parallel_loop3A_625] {strides = array<i32>} : memref<2x32x8x128xf32, #tpu.memory_space<vmem>>, vector<16xf32>,
            tpu.vector_store %arg11[%parallel_loop3A_622, %parallel_loop3A_623, %parallel_loop3A_624, %parallel_loop3A_625], %parallel_loop3A_598 {strides = array<i32>} : memref<2x32x8x128xf32, #tpu.memory_space<vmem>>, vector<16xf32>,
            %parallel_loop3A_627 = arith.constant 0 : i32
            %parallel_loop3A_628 = arith.constant 4 : i32
            %parallel_loop3A_629 = arith.index_cast %parallel_loop3A_627 : i32 to index
            %parallel_loop3A_630 = arith.index_cast %parallel_loop3A_304 : i32 to index
            %parallel_loop3A_631 = arith.index_cast %parallel_loop3A_628 : i32 to index
            %parallel_loop3A_632 = arith.constant 64 : index
            %parallel_loop3A_633 = tpu.vector_load %arg11[%parallel_loop3A_629, %parallel_loop3A_630, %parallel_loop3A_631, %parallel_loop3A_632] {strides = array<i32>} : memref<2x32x8x128xf32, #tpu.memory_space<vmem>>, vector<16xf32>,
            tpu.vector_store %arg11[%parallel_loop3A_629, %parallel_loop3A_630, %parallel_loop3A_631, %parallel_loop3A_632], %parallel_loop3A_598 {strides = array<i32>} : memref<2x32x8x128xf32, #tpu.memory_space<vmem>>, vector<16xf32>,
            %parallel_loop3A_634 = arith.constant 0 : i32
            %parallel_loop3A_635 = arith.constant 5 : i32
            %parallel_loop3A_636 = arith.index_cast %parallel_loop3A_634 : i32 to index
            %parallel_loop3A_637 = arith.index_cast %parallel_loop3A_304 : i32 to index
            %parallel_loop3A_638 = arith.index_cast %parallel_loop3A_635 : i32 to index
            %parallel_loop3A_639 = arith.constant 64 : index
            %parallel_loop3A_640 = tpu.vector_load %arg11[%parallel_loop3A_636, %parallel_loop3A_637, %parallel_loop3A_638, %parallel_loop3A_639] {strides = array<i32>} : memref<2x32x8x128xf32, #tpu.memory_space<vmem>>, vector<16xf32>,
            tpu.vector_store %arg11[%parallel_loop3A_636, %parallel_loop3A_637, %parallel_loop3A_638, %parallel_loop3A_639], %parallel_loop3A_598 {strides = array<i32>} : memref<2x32x8x128xf32, #tpu.memory_space<vmem>>, vector<16xf32>,
            %parallel_loop3A_641 = arith.constant 0 : i32
            %parallel_loop3A_642 = arith.constant 6 : i32
            %parallel_loop3A_643 = arith.index_cast %parallel_loop3A_641 : i32 to index
            %parallel_loop3A_644 = arith.index_cast %parallel_loop3A_304 : i32 to index
            %parallel_loop3A_645 = arith.index_cast %parallel_loop3A_642 : i32 to index
            %parallel_loop3A_646 = arith.constant 64 : index
            %parallel_loop3A_647 = tpu.vector_load %arg11[%parallel_loop3A_643, %parallel_loop3A_644, %parallel_loop3A_645, %parallel_loop3A_646] {strides = array<i32>} : memref<2x32x8x128xf32, #tpu.memory_space<vmem>>, vector<16xf32>,
            tpu.vector_store %arg11[%parallel_loop3A_643, %parallel_loop3A_644, %parallel_loop3A_645, %parallel_loop3A_646], %parallel_loop3A_598 {strides = array<i32>} : memref<2x32x8x128xf32, #tpu.memory_space<vmem>>, vector<16xf32>,
            %parallel_loop3A_648 = arith.constant 0 : i32
            %parallel_loop3A_649 = arith.constant 7 : i32
            %parallel_loop3A_650 = arith.index_cast %parallel_loop3A_648 : i32 to index
            %parallel_loop3A_651 = arith.index_cast %parallel_loop3A_304 : i32 to index
            %parallel_loop3A_652 = arith.index_cast %parallel_loop3A_649 : i32 to index
            %parallel_loop3A_653 = arith.constant 64 : index
            %parallel_loop3A_654 = tpu.vector_load %arg11[%parallel_loop3A_650, %parallel_loop3A_651, %parallel_loop3A_652, %parallel_loop3A_653] {strides = array<i32>} : memref<2x32x8x128xf32, #tpu.memory_space<vmem>>, vector<16xf32>,
            tpu.vector_store %arg11[%parallel_loop3A_650, %parallel_loop3A_651, %parallel_loop3A_652, %parallel_loop3A_653], %parallel_loop3A_598 {strides = array<i32>} : memref<2x32x8x128xf32, #tpu.memory_space<vmem>>, vector<16xf32>,
            %parallel_loop3A_655 = arith.constant 128 : i32
            %parallel_loop3A_656 = arith.muli %parallel_loop3A_304, %parallel_loop3A_655 : i32
            %parallel_loop3A_657 = arith.constant 80 : i32
            %parallel_loop3A_658 = arith.addi %parallel_loop3A_656, %parallel_loop3A_657 : i32
            %parallel_loop3A_659 = arith.index_cast %parallel_loop3A_658 : i32 to index
            %parallel_loop3A_660 = tpu.vector_load %arg5[%parallel_loop3A_659] {strides = array<i32>} : memref<4096xi32, #tpu.memory_space<vmem>>, vector<16xi32>,
            %parallel_loop3A_661 = arith.constant 0 : i32
            %parallel_loop3A_662 = vector.broadcast %parallel_loop3A_661 : i32 to vector<16xi32>
            %parallel_loop3A_663 = arith.cmpi slt, %parallel_loop3A_660, %parallel_loop3A_662 : vector<16xi32>
            %parallel_loop3A_664 = arith.constant 0.000000e+00 : f32
            %parallel_loop3A_665 = arith.constant 1.000000e+00 : f32
            %parallel_loop3A_666 = vector.broadcast %parallel_loop3A_664 : f32 to vector<16xf32>
            %parallel_loop3A_667 = vector.broadcast %parallel_loop3A_665 : f32 to vector<16xf32>
            %parallel_loop3A_668 = arith.select %parallel_loop3A_663, %parallel_loop3A_666, %parallel_loop3A_667 : vector<16xi1>, vector<16xf32>
            %parallel_loop3A_669 = arith.constant 0 : i32
            %parallel_loop3A_670 = arith.constant 0 : i32
            %parallel_loop3A_671 = arith.index_cast %parallel_loop3A_669 : i32 to index
            %parallel_loop3A_672 = arith.index_cast %parallel_loop3A_304 : i32 to index
            %parallel_loop3A_673 = arith.index_cast %parallel_loop3A_670 : i32 to index
            %parallel_loop3A_674 = arith.constant 80 : index
            %parallel_loop3A_675 = tpu.vector_load %arg11[%parallel_loop3A_671, %parallel_loop3A_672, %parallel_loop3A_673, %parallel_loop3A_674] {strides = array<i32>} : memref<2x32x8x128xf32, #tpu.memory_space<vmem>>, vector<16xf32>,
            tpu.vector_store %arg11[%parallel_loop3A_671, %parallel_loop3A_672, %parallel_loop3A_673, %parallel_loop3A_674], %parallel_loop3A_668 {strides = array<i32>} : memref<2x32x8x128xf32, #tpu.memory_space<vmem>>, vector<16xf32>,
            %parallel_loop3A_676 = arith.constant 0 : i32
            %parallel_loop3A_677 = arith.constant 1 : i32
            %parallel_loop3A_678 = arith.index_cast %parallel_loop3A_676 : i32 to index
            %parallel_loop3A_679 = arith.index_cast %parallel_loop3A_304 : i32 to index
            %parallel_loop3A_680 = arith.index_cast %parallel_loop3A_677 : i32 to index
            %parallel_loop3A_681 = arith.constant 80 : index
            %parallel_loop3A_682 = tpu.vector_load %arg11[%parallel_loop3A_678, %parallel_loop3A_679, %parallel_loop3A_680, %parallel_loop3A_681] {strides = array<i32>} : memref<2x32x8x128xf32, #tpu.memory_space<vmem>>, vector<16xf32>,
            tpu.vector_store %arg11[%parallel_loop3A_678, %parallel_loop3A_679, %parallel_loop3A_680, %parallel_loop3A_681], %parallel_loop3A_668 {strides = array<i32>} : memref<2x32x8x128xf32, #tpu.memory_space<vmem>>, vector<16xf32>,
            %parallel_loop3A_683 = arith.constant 0 : i32
            %parallel_loop3A_684 = arith.constant 2 : i32
            %parallel_loop3A_685 = arith.index_cast %parallel_loop3A_683 : i32 to index
            %parallel_loop3A_686 = arith.index_cast %parallel_loop3A_304 : i32 to index
            %parallel_loop3A_687 = arith.index_cast %parallel_loop3A_684 : i32 to index
            %parallel_loop3A_688 = arith.constant 80 : index
            %parallel_loop3A_689 = tpu.vector_load %arg11[%parallel_loop3A_685, %parallel_loop3A_686, %parallel_loop3A_687, %parallel_loop3A_688] {strides = array<i32>} : memref<2x32x8x128xf32, #tpu.memory_space<vmem>>, vector<16xf32>,
            tpu.vector_store %arg11[%parallel_loop3A_685, %parallel_loop3A_686, %parallel_loop3A_687, %parallel_loop3A_688], %parallel_loop3A_668 {strides = array<i32>} : memref<2x32x8x128xf32, #tpu.memory_space<vmem>>, vector<16xf32>,
            %parallel_loop3A_690 = arith.constant 0 : i32
            %parallel_loop3A_691 = arith.constant 3 : i32
            %parallel_loop3A_692 = arith.index_cast %parallel_loop3A_690 : i32 to index
            %parallel_loop3A_693 = arith.index_cast %parallel_loop3A_304 : i32 to index
            %parallel_loop3A_694 = arith.index_cast %parallel_loop3A_691 : i32 to index
            %parallel_loop3A_695 = arith.constant 80 : index
            %parallel_loop3A_696 = tpu.vector_load %arg11[%parallel_loop3A_692, %parallel_loop3A_693, %parallel_loop3A_694, %parallel_loop3A_695] {strides = array<i32>} : memref<2x32x8x128xf32, #tpu.memory_space<vmem>>, vector<16xf32>,
            tpu.vector_store %arg11[%parallel_loop3A_692, %parallel_loop3A_693, %parallel_loop3A_694, %parallel_loop3A_695], %parallel_loop3A_668 {strides = array<i32>} : memref<2x32x8x128xf32, #tpu.memory_space<vmem>>, vector<16xf32>,
            %parallel_loop3A_697 = arith.constant 0 : i32
            %parallel_loop3A_698 = arith.constant 4 : i32
            %parallel_loop3A_699 = arith.index_cast %parallel_loop3A_697 : i32 to index
            %parallel_loop3A_700 = arith.index_cast %parallel_loop3A_304 : i32 to index
            %parallel_loop3A_701 = arith.index_cast %parallel_loop3A_698 : i32 to index
            %parallel_loop3A_702 = arith.constant 80 : index
            %parallel_loop3A_703 = tpu.vector_load %arg11[%parallel_loop3A_699, %parallel_loop3A_700, %parallel_loop3A_701, %parallel_loop3A_702] {strides = array<i32>} : memref<2x32x8x128xf32, #tpu.memory_space<vmem>>, vector<16xf32>,
            tpu.vector_store %arg11[%parallel_loop3A_699, %parallel_loop3A_700, %parallel_loop3A_701, %parallel_loop3A_702], %parallel_loop3A_668 {strides = array<i32>} : memref<2x32x8x128xf32, #tpu.memory_space<vmem>>, vector<16xf32>,
            %parallel_loop3A_704 = arith.constant 0 : i32
            %parallel_loop3A_705 = arith.constant 5 : i32
            %parallel_loop3A_706 = arith.index_cast %parallel_loop3A_704 : i32 to index
            %parallel_loop3A_707 = arith.index_cast %parallel_loop3A_304 : i32 to index
            %parallel_loop3A_708 = arith.index_cast %parallel_loop3A_705 : i32 to index
            %parallel_loop3A_709 = arith.constant 80 : index
            %parallel_loop3A_710 = tpu.vector_load %arg11[%parallel_loop3A_706, %parallel_loop3A_707, %parallel_loop3A_708, %parallel_loop3A_709] {strides = array<i32>} : memref<2x32x8x128xf32, #tpu.memory_space<vmem>>, vector<16xf32>,
            tpu.vector_store %arg11[%parallel_loop3A_706, %parallel_loop3A_707, %parallel_loop3A_708, %parallel_loop3A_709], %parallel_loop3A_668 {strides = array<i32>} : memref<2x32x8x128xf32, #tpu.memory_space<vmem>>, vector<16xf32>,
            %parallel_loop3A_711 = arith.constant 0 : i32
            %parallel_loop3A_712 = arith.constant 6 : i32
            %parallel_loop3A_713 = arith.index_cast %parallel_loop3A_711 : i32 to index
            %parallel_loop3A_714 = arith.index_cast %parallel_loop3A_304 : i32 to index
            %parallel_loop3A_715 = arith.index_cast %parallel_loop3A_712 : i32 to index
            %parallel_loop3A_716 = arith.constant 80 : index
            %parallel_loop3A_717 = tpu.vector_load %arg11[%parallel_loop3A_713, %parallel_loop3A_714, %parallel_loop3A_715, %parallel_loop3A_716] {strides = array<i32>} : memref<2x32x8x128xf32, #tpu.memory_space<vmem>>, vector<16xf32>,
            tpu.vector_store %arg11[%parallel_loop3A_713, %parallel_loop3A_714, %parallel_loop3A_715, %parallel_loop3A_716], %parallel_loop3A_668 {strides = array<i32>} : memref<2x32x8x128xf32, #tpu.memory_space<vmem>>, vector<16xf32>,
            %parallel_loop3A_718 = arith.constant 0 : i32
            %parallel_loop3A_719 = arith.constant 7 : i32
            %parallel_loop3A_720 = arith.index_cast %parallel_loop3A_718 : i32 to index
            %parallel_loop3A_721 = arith.index_cast %parallel_loop3A_304 : i32 to index
            %parallel_loop3A_722 = arith.index_cast %parallel_loop3A_719 : i32 to index
            %parallel_loop3A_723 = arith.constant 80 : index
            %parallel_loop3A_724 = tpu.vector_load %arg11[%parallel_loop3A_720, %parallel_loop3A_721, %parallel_loop3A_722, %parallel_loop3A_723] {strides = array<i32>} : memref<2x32x8x128xf32, #tpu.memory_space<vmem>>, vector<16xf32>,
            tpu.vector_store %arg11[%parallel_loop3A_720, %parallel_loop3A_721, %parallel_loop3A_722, %parallel_loop3A_723], %parallel_loop3A_668 {strides = array<i32>} : memref<2x32x8x128xf32, #tpu.memory_space<vmem>>, vector<16xf32>,
            %parallel_loop3A_725 = arith.constant 128 : i32
            %parallel_loop3A_726 = arith.muli %parallel_loop3A_304, %parallel_loop3A_725 : i32
            %parallel_loop3A_727 = arith.constant 96 : i32
            %parallel_loop3A_728 = arith.addi %parallel_loop3A_726, %parallel_loop3A_727 : i32
            %parallel_loop3A_729 = arith.index_cast %parallel_loop3A_728 : i32 to index
            %parallel_loop3A_730 = tpu.vector_load %arg5[%parallel_loop3A_729] {strides = array<i32>} : memref<4096xi32, #tpu.memory_space<vmem>>, vector<16xi32>,
            %parallel_loop3A_731 = arith.constant 0 : i32
            %parallel_loop3A_732 = vector.broadcast %parallel_loop3A_731 : i32 to vector<16xi32>
            %parallel_loop3A_733 = arith.cmpi slt, %parallel_loop3A_730, %parallel_loop3A_732 : vector<16xi32>
            %parallel_loop3A_734 = arith.constant 0.000000e+00 : f32
            %parallel_loop3A_735 = arith.constant 1.000000e+00 : f32
            %parallel_loop3A_736 = vector.broadcast %parallel_loop3A_734 : f32 to vector<16xf32>
            %parallel_loop3A_737 = vector.broadcast %parallel_loop3A_735 : f32 to vector<16xf32>
            %parallel_loop3A_738 = arith.select %parallel_loop3A_733, %parallel_loop3A_736, %parallel_loop3A_737 : vector<16xi1>, vector<16xf32>
            %parallel_loop3A_739 = arith.constant 0 : i32
            %parallel_loop3A_740 = arith.constant 0 : i32
            %parallel_loop3A_741 = arith.index_cast %parallel_loop3A_739 : i32 to index
            %parallel_loop3A_742 = arith.index_cast %parallel_loop3A_304 : i32 to index
            %parallel_loop3A_743 = arith.index_cast %parallel_loop3A_740 : i32 to index
            %parallel_loop3A_744 = arith.constant 96 : index
            %parallel_loop3A_745 = tpu.vector_load %arg11[%parallel_loop3A_741, %parallel_loop3A_742, %parallel_loop3A_743, %parallel_loop3A_744] {strides = array<i32>} : memref<2x32x8x128xf32, #tpu.memory_space<vmem>>, vector<16xf32>,
            tpu.vector_store %arg11[%parallel_loop3A_741, %parallel_loop3A_742, %parallel_loop3A_743, %parallel_loop3A_744], %parallel_loop3A_738 {strides = array<i32>} : memref<2x32x8x128xf32, #tpu.memory_space<vmem>>, vector<16xf32>,
            %parallel_loop3A_746 = arith.constant 0 : i32
            %parallel_loop3A_747 = arith.constant 1 : i32
            %parallel_loop3A_748 = arith.index_cast %parallel_loop3A_746 : i32 to index
            %parallel_loop3A_749 = arith.index_cast %parallel_loop3A_304 : i32 to index
            %parallel_loop3A_750 = arith.index_cast %parallel_loop3A_747 : i32 to index
            %parallel_loop3A_751 = arith.constant 96 : index
            %parallel_loop3A_752 = tpu.vector_load %arg11[%parallel_loop3A_748, %parallel_loop3A_749, %parallel_loop3A_750, %parallel_loop3A_751] {strides = array<i32>} : memref<2x32x8x128xf32, #tpu.memory_space<vmem>>, vector<16xf32>,
            tpu.vector_store %arg11[%parallel_loop3A_748, %parallel_loop3A_749, %parallel_loop3A_750, %parallel_loop3A_751], %parallel_loop3A_738 {strides = array<i32>} : memref<2x32x8x128xf32, #tpu.memory_space<vmem>>, vector<16xf32>,
            %parallel_loop3A_753 = arith.constant 0 : i32
            %parallel_loop3A_754 = arith.constant 2 : i32
            %parallel_loop3A_755 = arith.index_cast %parallel_loop3A_753 : i32 to index
            %parallel_loop3A_756 = arith.index_cast %parallel_loop3A_304 : i32 to index
            %parallel_loop3A_757 = arith.index_cast %parallel_loop3A_754 : i32 to index
            %parallel_loop3A_758 = arith.constant 96 : index
            %parallel_loop3A_759 = tpu.vector_load %arg11[%parallel_loop3A_755, %parallel_loop3A_756, %parallel_loop3A_757, %parallel_loop3A_758] {strides = array<i32>} : memref<2x32x8x128xf32, #tpu.memory_space<vmem>>, vector<16xf32>,
            tpu.vector_store %arg11[%parallel_loop3A_755, %parallel_loop3A_756, %parallel_loop3A_757, %parallel_loop3A_758], %parallel_loop3A_738 {strides = array<i32>} : memref<2x32x8x128xf32, #tpu.memory_space<vmem>>, vector<16xf32>,
            %parallel_loop3A_760 = arith.constant 0 : i32
            %parallel_loop3A_761 = arith.constant 3 : i32
            %parallel_loop3A_762 = arith.index_cast %parallel_loop3A_760 : i32 to index
            %parallel_loop3A_763 = arith.index_cast %parallel_loop3A_304 : i32 to index
            %parallel_loop3A_764 = arith.index_cast %parallel_loop3A_761 : i32 to index
            %parallel_loop3A_765 = arith.constant 96 : index
            %parallel_loop3A_766 = tpu.vector_load %arg11[%parallel_loop3A_762, %parallel_loop3A_763, %parallel_loop3A_764, %parallel_loop3A_765] {strides = array<i32>} : memref<2x32x8x128xf32, #tpu.memory_space<vmem>>, vector<16xf32>,
            tpu.vector_store %arg11[%parallel_loop3A_762, %parallel_loop3A_763, %parallel_loop3A_764, %parallel_loop3A_765], %parallel_loop3A_738 {strides = array<i32>} : memref<2x32x8x128xf32, #tpu.memory_space<vmem>>, vector<16xf32>,
            %parallel_loop3A_767 = arith.constant 0 : i32
            %parallel_loop3A_768 = arith.constant 4 : i32
            %parallel_loop3A_769 = arith.index_cast %parallel_loop3A_767 : i32 to index
            %parallel_loop3A_770 = arith.index_cast %parallel_loop3A_304 : i32 to index
            %parallel_loop3A_771 = arith.index_cast %parallel_loop3A_768 : i32 to index
            %parallel_loop3A_772 = arith.constant 96 : index
            %parallel_loop3A_773 = tpu.vector_load %arg11[%parallel_loop3A_769, %parallel_loop3A_770, %parallel_loop3A_771, %parallel_loop3A_772] {strides = array<i32>} : memref<2x32x8x128xf32, #tpu.memory_space<vmem>>, vector<16xf32>,
            tpu.vector_store %arg11[%parallel_loop3A_769, %parallel_loop3A_770, %parallel_loop3A_771, %parallel_loop3A_772], %parallel_loop3A_738 {strides = array<i32>} : memref<2x32x8x128xf32, #tpu.memory_space<vmem>>, vector<16xf32>,
            %parallel_loop3A_774 = arith.constant 0 : i32
            %parallel_loop3A_775 = arith.constant 5 : i32
            %parallel_loop3A_776 = arith.index_cast %parallel_loop3A_774 : i32 to index
            %parallel_loop3A_777 = arith.index_cast %parallel_loop3A_304 : i32 to index
            %parallel_loop3A_778 = arith.index_cast %parallel_loop3A_775 : i32 to index
            %parallel_loop3A_779 = arith.constant 96 : index
            %parallel_loop3A_780 = tpu.vector_load %arg11[%parallel_loop3A_776, %parallel_loop3A_777, %parallel_loop3A_778, %parallel_loop3A_779] {strides = array<i32>} : memref<2x32x8x128xf32, #tpu.memory_space<vmem>>, vector<16xf32>,
            tpu.vector_store %arg11[%parallel_loop3A_776, %parallel_loop3A_777, %parallel_loop3A_778, %parallel_loop3A_779], %parallel_loop3A_738 {strides = array<i32>} : memref<2x32x8x128xf32, #tpu.memory_space<vmem>>, vector<16xf32>,
            %parallel_loop3A_781 = arith.constant 0 : i32
            %parallel_loop3A_782 = arith.constant 6 : i32
            %parallel_loop3A_783 = arith.index_cast %parallel_loop3A_781 : i32 to index
            %parallel_loop3A_784 = arith.index_cast %parallel_loop3A_304 : i32 to index
            %parallel_loop3A_785 = arith.index_cast %parallel_loop3A_782 : i32 to index
            %parallel_loop3A_786 = arith.constant 96 : index
            %parallel_loop3A_787 = tpu.vector_load %arg11[%parallel_loop3A_783, %parallel_loop3A_784, %parallel_loop3A_785, %parallel_loop3A_786] {strides = array<i32>} : memref<2x32x8x128xf32, #tpu.memory_space<vmem>>, vector<16xf32>,
            tpu.vector_store %arg11[%parallel_loop3A_783, %parallel_loop3A_784, %parallel_loop3A_785, %parallel_loop3A_786], %parallel_loop3A_738 {strides = array<i32>} : memref<2x32x8x128xf32, #tpu.memory_space<vmem>>, vector<16xf32>,
            %parallel_loop3A_788 = arith.constant 0 : i32
            %parallel_loop3A_789 = arith.constant 7 : i32
            %parallel_loop3A_790 = arith.index_cast %parallel_loop3A_788 : i32 to index
            %parallel_loop3A_791 = arith.index_cast %parallel_loop3A_304 : i32 to index
            %parallel_loop3A_792 = arith.index_cast %parallel_loop3A_789 : i32 to index
            %parallel_loop3A_793 = arith.constant 96 : index
            %parallel_loop3A_794 = tpu.vector_load %arg11[%parallel_loop3A_790, %parallel_loop3A_791, %parallel_loop3A_792, %parallel_loop3A_793] {strides = array<i32>} : memref<2x32x8x128xf32, #tpu.memory_space<vmem>>, vector<16xf32>,
            tpu.vector_store %arg11[%parallel_loop3A_790, %parallel_loop3A_791, %parallel_loop3A_792, %parallel_loop3A_793], %parallel_loop3A_738 {strides = array<i32>} : memref<2x32x8x128xf32, #tpu.memory_space<vmem>>, vector<16xf32>,
            %parallel_loop3A_795 = arith.constant 128 : i32
            %parallel_loop3A_796 = arith.muli %parallel_loop3A_304, %parallel_loop3A_795 : i32
            %parallel_loop3A_797 = arith.constant 112 : i32
            %parallel_loop3A_798 = arith.addi %parallel_loop3A_796, %parallel_loop3A_797 : i32
            %parallel_loop3A_799 = arith.index_cast %parallel_loop3A_798 : i32 to index
            %parallel_loop3A_800 = tpu.vector_load %arg5[%parallel_loop3A_799] {strides = array<i32>} : memref<4096xi32, #tpu.memory_space<vmem>>, vector<16xi32>,
            %parallel_loop3A_801 = arith.constant 0 : i32
            %parallel_loop3A_802 = vector.broadcast %parallel_loop3A_801 : i32 to vector<16xi32>
            %parallel_loop3A_803 = arith.cmpi slt, %parallel_loop3A_800, %parallel_loop3A_802 : vector<16xi32>
            %parallel_loop3A_804 = arith.constant 0.000000e+00 : f32
            %parallel_loop3A_805 = arith.constant 1.000000e+00 : f32
            %parallel_loop3A_806 = vector.broadcast %parallel_loop3A_804 : f32 to vector<16xf32>
            %parallel_loop3A_807 = vector.broadcast %parallel_loop3A_805 : f32 to vector<16xf32>
            %parallel_loop3A_808 = arith.select %parallel_loop3A_803, %parallel_loop3A_806, %parallel_loop3A_807 : vector<16xi1>, vector<16xf32>
            %parallel_loop3A_809 = arith.constant 0 : i32
            %parallel_loop3A_810 = arith.constant 0 : i32
            %parallel_loop3A_811 = arith.index_cast %parallel_loop3A_809 : i32 to index
            %parallel_loop3A_812 = arith.index_cast %parallel_loop3A_304 : i32 to index
            %parallel_loop3A_813 = arith.index_cast %parallel_loop3A_810 : i32 to index
            %parallel_loop3A_814 = arith.constant 112 : index
            %parallel_loop3A_815 = tpu.vector_load %arg11[%parallel_loop3A_811, %parallel_loop3A_812, %parallel_loop3A_813, %parallel_loop3A_814] {strides = array<i32>} : memref<2x32x8x128xf32, #tpu.memory_space<vmem>>, vector<16xf32>,
            tpu.vector_store %arg11[%parallel_loop3A_811, %parallel_loop3A_812, %parallel_loop3A_813, %parallel_loop3A_814], %parallel_loop3A_808 {strides = array<i32>} : memref<2x32x8x128xf32, #tpu.memory_space<vmem>>, vector<16xf32>,
            %parallel_loop3A_816 = arith.constant 0 : i32
            %parallel_loop3A_817 = arith.constant 1 : i32
            %parallel_loop3A_818 = arith.index_cast %parallel_loop3A_816 : i32 to index
            %parallel_loop3A_819 = arith.index_cast %parallel_loop3A_304 : i32 to index
            %parallel_loop3A_820 = arith.index_cast %parallel_loop3A_817 : i32 to index
            %parallel_loop3A_821 = arith.constant 112 : index
            %parallel_loop3A_822 = tpu.vector_load %arg11[%parallel_loop3A_818, %parallel_loop3A_819, %parallel_loop3A_820, %parallel_loop3A_821] {strides = array<i32>} : memref<2x32x8x128xf32, #tpu.memory_space<vmem>>, vector<16xf32>,
            tpu.vector_store %arg11[%parallel_loop3A_818, %parallel_loop3A_819, %parallel_loop3A_820, %parallel_loop3A_821], %parallel_loop3A_808 {strides = array<i32>} : memref<2x32x8x128xf32, #tpu.memory_space<vmem>>, vector<16xf32>,
            %parallel_loop3A_823 = arith.constant 0 : i32
            %parallel_loop3A_824 = arith.constant 2 : i32
            %parallel_loop3A_825 = arith.index_cast %parallel_loop3A_823 : i32 to index
            %parallel_loop3A_826 = arith.index_cast %parallel_loop3A_304 : i32 to index
            %parallel_loop3A_827 = arith.index_cast %parallel_loop3A_824 : i32 to index
            %parallel_loop3A_828 = arith.constant 112 : index
            %parallel_loop3A_829 = tpu.vector_load %arg11[%parallel_loop3A_825, %parallel_loop3A_826, %parallel_loop3A_827, %parallel_loop3A_828] {strides = array<i32>} : memref<2x32x8x128xf32, #tpu.memory_space<vmem>>, vector<16xf32>,
            tpu.vector_store %arg11[%parallel_loop3A_825, %parallel_loop3A_826, %parallel_loop3A_827, %parallel_loop3A_828], %parallel_loop3A_808 {strides = array<i32>} : memref<2x32x8x128xf32, #tpu.memory_space<vmem>>, vector<16xf32>,
            %parallel_loop3A_830 = arith.constant 0 : i32
            %parallel_loop3A_831 = arith.constant 3 : i32
            %parallel_loop3A_832 = arith.index_cast %parallel_loop3A_830 : i32 to index
            %parallel_loop3A_833 = arith.index_cast %parallel_loop3A_304 : i32 to index
            %parallel_loop3A_834 = arith.index_cast %parallel_loop3A_831 : i32 to index
            %parallel_loop3A_835 = arith.constant 112 : index
            %parallel_loop3A_836 = tpu.vector_load %arg11[%parallel_loop3A_832, %parallel_loop3A_833, %parallel_loop3A_834, %parallel_loop3A_835] {strides = array<i32>} : memref<2x32x8x128xf32, #tpu.memory_space<vmem>>, vector<16xf32>,
            tpu.vector_store %arg11[%parallel_loop3A_832, %parallel_loop3A_833, %parallel_loop3A_834, %parallel_loop3A_835], %parallel_loop3A_808 {strides = array<i32>} : memref<2x32x8x128xf32, #tpu.memory_space<vmem>>, vector<16xf32>,
            %parallel_loop3A_837 = arith.constant 0 : i32
            %parallel_loop3A_838 = arith.constant 4 : i32
            %parallel_loop3A_839 = arith.index_cast %parallel_loop3A_837 : i32 to index
            %parallel_loop3A_840 = arith.index_cast %parallel_loop3A_304 : i32 to index
            %parallel_loop3A_841 = arith.index_cast %parallel_loop3A_838 : i32 to index
            %parallel_loop3A_842 = arith.constant 112 : index
            %parallel_loop3A_843 = tpu.vector_load %arg11[%parallel_loop3A_839, %parallel_loop3A_840, %parallel_loop3A_841, %parallel_loop3A_842] {strides = array<i32>} : memref<2x32x8x128xf32, #tpu.memory_space<vmem>>, vector<16xf32>,
            tpu.vector_store %arg11[%parallel_loop3A_839, %parallel_loop3A_840, %parallel_loop3A_841, %parallel_loop3A_842], %parallel_loop3A_808 {strides = array<i32>} : memref<2x32x8x128xf32, #tpu.memory_space<vmem>>, vector<16xf32>,
            %parallel_loop3A_844 = arith.constant 0 : i32
            %parallel_loop3A_845 = arith.constant 5 : i32
            %parallel_loop3A_846 = arith.index_cast %parallel_loop3A_844 : i32 to index
            %parallel_loop3A_847 = arith.index_cast %parallel_loop3A_304 : i32 to index
            %parallel_loop3A_848 = arith.index_cast %parallel_loop3A_845 : i32 to index
            %parallel_loop3A_849 = arith.constant 112 : index
            %parallel_loop3A_850 = tpu.vector_load %arg11[%parallel_loop3A_846, %parallel_loop3A_847, %parallel_loop3A_848, %parallel_loop3A_849] {strides = array<i32>} : memref<2x32x8x128xf32, #tpu.memory_space<vmem>>, vector<16xf32>,
            tpu.vector_store %arg11[%parallel_loop3A_846, %parallel_loop3A_847, %parallel_loop3A_848, %parallel_loop3A_849], %parallel_loop3A_808 {strides = array<i32>} : memref<2x32x8x128xf32, #tpu.memory_space<vmem>>, vector<16xf32>,
            %parallel_loop3A_851 = arith.constant 0 : i32
            %parallel_loop3A_852 = arith.constant 6 : i32
            %parallel_loop3A_853 = arith.index_cast %parallel_loop3A_851 : i32 to index
            %parallel_loop3A_854 = arith.index_cast %parallel_loop3A_304 : i32 to index
            %parallel_loop3A_855 = arith.index_cast %parallel_loop3A_852 : i32 to index
            %parallel_loop3A_856 = arith.constant 112 : index
            %parallel_loop3A_857 = tpu.vector_load %arg11[%parallel_loop3A_853, %parallel_loop3A_854, %parallel_loop3A_855, %parallel_loop3A_856] {strides = array<i32>} : memref<2x32x8x128xf32, #tpu.memory_space<vmem>>, vector<16xf32>,
            tpu.vector_store %arg11[%parallel_loop3A_853, %parallel_loop3A_854, %parallel_loop3A_855, %parallel_loop3A_856], %parallel_loop3A_808 {strides = array<i32>} : memref<2x32x8x128xf32, #tpu.memory_space<vmem>>, vector<16xf32>,
            %parallel_loop3A_858 = arith.constant 0 : i32
            %parallel_loop3A_859 = arith.constant 7 : i32
            %parallel_loop3A_860 = arith.index_cast %parallel_loop3A_858 : i32 to index
            %parallel_loop3A_861 = arith.index_cast %parallel_loop3A_304 : i32 to index
            %parallel_loop3A_862 = arith.index_cast %parallel_loop3A_859 : i32 to index
            %parallel_loop3A_863 = arith.constant 112 : index
            %parallel_loop3A_864 = tpu.vector_load %arg11[%parallel_loop3A_860, %parallel_loop3A_861, %parallel_loop3A_862, %parallel_loop3A_863] {strides = array<i32>} : memref<2x32x8x128xf32, #tpu.memory_space<vmem>>, vector<16xf32>,
            tpu.vector_store %arg11[%parallel_loop3A_860, %parallel_loop3A_861, %parallel_loop3A_862, %parallel_loop3A_863], %parallel_loop3A_808 {strides = array<i32>} : memref<2x32x8x128xf32, #tpu.memory_space<vmem>>, vector<16xf32>,
          } {sc.loop_unroll_factor = 2 : i64, sc.parallel_access}
          %dma_start3A = arith.constant 0 : i32
          %dma_start3A_121 = arith.constant 1 : i32
          %dma_start3A_122 = arith.constant 0 : i32
          %dma_start3A_123 = arith.constant 0 : i32
          %dma_start3A_124 = arith.constant 0 : i32
          %dma_start3A_125 = arith.constant 0 : i32
          %dma_start3A_126 = tpu.memref_slice %arg11[%dma_start3A, %dma_start3A_123, %dma_start3A_124, %dma_start3A_125] : memref<2x32x8x128xf32, #tpu.memory_space<vmem>> -> memref<1x32x8x128xf32, #tpu.memory_space<vmem>>
          %dma_start3A_127 = tpu.memref_squeeze %dma_start3A_126 : memref<1x32x8x128xf32, #tpu.memory_space<vmem>> -> memref<32x8x128xf32, #tpu.memory_space<vmem>>
          %dma_start3A_128 = arith.constant 0 : i32
          %dma_start3A_129 = arith.constant 0 : i32
          %dma_start3A_130 = arith.constant 0 : i32
          %dma_start3A_131 = tpu.memref_slice %arg4[%dma_start3A_121, %add3A_113, %dma_start3A_122, %dma_start3A_128, %dma_start3A_129, %dma_start3A_130] : memref<2x100x8x32x8x128xf32, #tpu.memory_space<hbm>> -> memref<1x1x1x32x8x128xf32, #tpu.memory_space<hbm>>
          %dma_start3A_132 = tpu.memref_squeeze %dma_start3A_131 : memref<1x1x1x32x8x128xf32, #tpu.memory_space<hbm>> -> memref<32x8x128xf32, #tpu.memory_space<hbm>>
          %dma_start3A_133 = arith.constant 0 : i32
          %dma_start3A_134 = arith.constant 0 : i32
          %dma_start3A_135 = arith.constant 0 : i32
          %dma_start3A_136 = tpu.memref_slice %arg4[%dma_start3A_121, %add3A_113, %dma_start3A_122, %dma_start3A_133, %dma_start3A_134, %dma_start3A_135] : memref<2x100x8x32x8x128xf32, #tpu.memory_space<hbm>> -> memref<1x1x1x32x8x128xf32, #tpu.memory_space<hbm>>
          %dma_start3A_137 = tpu.memref_squeeze %dma_start3A_136 : memref<1x1x1x32x8x128xf32, #tpu.memory_space<hbm>> -> memref<32x8x128xf32, #tpu.memory_space<hbm>>
          %dma_start3A_138 = arith.constant 0 : i32
          %dma_start3A_139 = arith.constant 0 : i32
          %dma_start3A_140 = arith.constant 0 : i32
          %dma_start3A_141 = tpu.memref_slice %arg11[%dma_start3A, %dma_start3A_138, %dma_start3A_139, %dma_start3A_140] : memref<2x32x8x128xf32, #tpu.memory_space<vmem>> -> memref<1x32x8x128xf32, #tpu.memory_space<vmem>>
          %dma_start3A_142 = tpu.memref_squeeze %dma_start3A_141 : memref<1x32x8x128xf32, #tpu.memory_space<vmem>> -> memref<32x8x128xf32, #tpu.memory_space<vmem>>
          tpu.enqueue_dma source(%dma_start3A_142 : memref<32x8x128xf32, #tpu.memory_space<vmem>>) target(%dma_start3A_137 : memref<32x8x128xf32, #tpu.memory_space<hbm>>) target_semaphore(%arg16 : memref<!tpu.dma_semaphore, #tpu.memory_space<semaphore_mem>>)
          %dma_start3A_143 = arith.constant 0 : i32
          %dma_start3A_144 = arith.constant 1 : i32
          %dma_start3A_145 = arith.constant 1 : i32
          %dma_start3A_146 = arith.constant 0 : i32
          %dma_start3A_147 = arith.constant 0 : i32
          %dma_start3A_148 = arith.constant 0 : i32
          %dma_start3A_149 = tpu.memref_slice %arg11[%dma_start3A_143, %dma_start3A_146, %dma_start3A_147, %dma_start3A_148] : memref<2x32x8x128xf32, #tpu.memory_space<vmem>> -> memref<1x32x8x128xf32, #tpu.memory_space<vmem>>
          %dma_start3A_150 = tpu.memref_squeeze %dma_start3A_149 : memref<1x32x8x128xf32, #tpu.memory_space<vmem>> -> memref<32x8x128xf32, #tpu.memory_space<vmem>>
          %dma_start3A_151 = arith.constant 0 : i32
          %dma_start3A_152 = arith.constant 0 : i32
          %dma_start3A_153 = arith.constant 0 : i32
          %dma_start3A_154 = tpu.memref_slice %arg4[%dma_start3A_144, %add3A_113, %dma_start3A_145, %dma_start3A_151, %dma_start3A_152, %dma_start3A_153] : memref<2x100x8x32x8x128xf32, #tpu.memory_space<hbm>> -> memref<1x1x1x32x8x128xf32, #tpu.memory_space<hbm>>
          %dma_start3A_155 = tpu.memref_squeeze %dma_start3A_154 : memref<1x1x1x32x8x128xf32, #tpu.memory_space<hbm>> -> memref<32x8x128xf32, #tpu.memory_space<hbm>>
          %dma_start3A_156 = arith.constant 0 : i32
          %dma_start3A_157 = arith.constant 0 : i32
          %dma_start3A_158 = arith.constant 0 : i32
          %dma_start3A_159 = tpu.memref_slice %arg4[%dma_start3A_144, %add3A_113, %dma_start3A_145, %dma_start3A_156, %dma_start3A_157, %dma_start3A_158] : memref<2x100x8x32x8x128xf32, #tpu.memory_space<hbm>> -> memref<1x1x1x32x8x128xf32, #tpu.memory_space<hbm>>
          %dma_start3A_160 = tpu.memref_squeeze %dma_start3A_159 : memref<1x1x1x32x8x128xf32, #tpu.memory_space<hbm>> -> memref<32x8x128xf32, #tpu.memory_space<hbm>>
          %dma_start3A_161 = arith.constant 0 : i32
          %dma_start3A_162 = arith.constant 0 : i32
          %dma_start3A_163 = arith.constant 0 : i32
          %dma_start3A_164 = tpu.memref_slice %arg11[%dma_start3A_143, %dma_start3A_161, %dma_start3A_162, %dma_start3A_163] : memref<2x32x8x128xf32, #tpu.memory_space<vmem>> -> memref<1x32x8x128xf32, #tpu.memory_space<vmem>>
          %dma_start3A_165 = tpu.memref_squeeze %dma_start3A_164 : memref<1x32x8x128xf32, #tpu.memory_space<vmem>> -> memref<32x8x128xf32, #tpu.memory_space<vmem>>
          tpu.enqueue_dma source(%dma_start3A_165 : memref<32x8x128xf32, #tpu.memory_space<vmem>>) target(%dma_start3A_160 : memref<32x8x128xf32, #tpu.memory_space<hbm>>) target_semaphore(%arg16 : memref<!tpu.dma_semaphore, #tpu.memory_space<semaphore_mem>>)
          %dma_start3A_166 = arith.constant 0 : i32
          %dma_start3A_167 = arith.constant 1 : i32
          %dma_start3A_168 = arith.constant 2 : i32
          %dma_start3A_169 = arith.constant 0 : i32
          %dma_start3A_170 = arith.constant 0 : i32
          %dma_start3A_171 = arith.constant 0 : i32
          %dma_start3A_172 = tpu.memref_slice %arg11[%dma_start3A_166, %dma_start3A_169, %dma_start3A_170, %dma_start3A_171] : memref<2x32x8x128xf32, #tpu.memory_space<vmem>> -> memref<1x32x8x128xf32, #tpu.memory_space<vmem>>
          %dma_start3A_173 = tpu.memref_squeeze %dma_start3A_172 : memref<1x32x8x128xf32, #tpu.memory_space<vmem>> -> memref<32x8x128xf32, #tpu.memory_space<vmem>>
          %dma_start3A_174 = arith.constant 0 : i32
          %dma_start3A_175 = arith.constant 0 : i32
          %dma_start3A_176 = arith.constant 0 : i32
          %dma_start3A_177 = tpu.memref_slice %arg4[%dma_start3A_167, %add3A_113, %dma_start3A_168, %dma_start3A_174, %dma_start3A_175, %dma_start3A_176] : memref<2x100x8x32x8x128xf32, #tpu.memory_space<hbm>> -> memref<1x1x1x32x8x128xf32, #tpu.memory_space<hbm>>
          %dma_start3A_178 = tpu.memref_squeeze %dma_start3A_177 : memref<1x1x1x32x8x128xf32, #tpu.memory_space<hbm>> -> memref<32x8x128xf32, #tpu.memory_space<hbm>>
          %dma_start3A_179 = arith.constant 0 : i32
          %dma_start3A_180 = arith.constant 0 : i32
          %dma_start3A_181 = arith.constant 0 : i32
          %dma_start3A_182 = tpu.memref_slice %arg4[%dma_start3A_167, %add3A_113, %dma_start3A_168, %dma_start3A_179, %dma_start3A_180, %dma_start3A_181] : memref<2x100x8x32x8x128xf32, #tpu.memory_space<hbm>> -> memref<1x1x1x32x8x128xf32, #tpu.memory_space<hbm>>
          %dma_start3A_183 = tpu.memref_squeeze %dma_start3A_182 : memref<1x1x1x32x8x128xf32, #tpu.memory_space<hbm>> -> memref<32x8x128xf32, #tpu.memory_space<hbm>>
          %dma_start3A_184 = arith.constant 0 : i32
          %dma_start3A_185 = arith.constant 0 : i32
          %dma_start3A_186 = arith.constant 0 : i32
          %dma_start3A_187 = tpu.memref_slice %arg11[%dma_start3A_166, %dma_start3A_184, %dma_start3A_185, %dma_start3A_186] : memref<2x32x8x128xf32, #tpu.memory_space<vmem>> -> memref<1x32x8x128xf32, #tpu.memory_space<vmem>>
          %dma_start3A_188 = tpu.memref_squeeze %dma_start3A_187 : memref<1x32x8x128xf32, #tpu.memory_space<vmem>> -> memref<32x8x128xf32, #tpu.memory_space<vmem>>
          tpu.enqueue_dma source(%dma_start3A_188 : memref<32x8x128xf32, #tpu.memory_space<vmem>>) target(%dma_start3A_183 : memref<32x8x128xf32, #tpu.memory_space<hbm>>) target_semaphore(%arg16 : memref<!tpu.dma_semaphore, #tpu.memory_space<semaphore_mem>>)
          %dma_start3A_189 = arith.constant 0 : i32
          %dma_start3A_190 = arith.constant 1 : i32
          %dma_start3A_191 = arith.constant 3 : i32
          %dma_start3A_192 = arith.constant 0 : i32
          %dma_start3A_193 = arith.constant 0 : i32
          %dma_start3A_194 = arith.constant 0 : i32
          %dma_start3A_195 = tpu.memref_slice %arg11[%dma_start3A_189, %dma_start3A_192, %dma_start3A_193, %dma_start3A_194] : memref<2x32x8x128xf32, #tpu.memory_space<vmem>> -> memref<1x32x8x128xf32, #tpu.memory_space<vmem>>
          %dma_start3A_196 = tpu.memref_squeeze %dma_start3A_195 : memref<1x32x8x128xf32, #tpu.memory_space<vmem>> -> memref<32x8x128xf32, #tpu.memory_space<vmem>>
          %dma_start3A_197 = arith.constant 0 : i32
          %dma_start3A_198 = arith.constant 0 : i32
          %dma_start3A_199 = arith.constant 0 : i32
          %dma_start3A_200 = tpu.memref_slice %arg4[%dma_start3A_190, %add3A_113, %dma_start3A_191, %dma_start3A_197, %dma_start3A_198, %dma_start3A_199] : memref<2x100x8x32x8x128xf32, #tpu.memory_space<hbm>> -> memref<1x1x1x32x8x128xf32, #tpu.memory_space<hbm>>
          %dma_start3A_201 = tpu.memref_squeeze %dma_start3A_200 : memref<1x1x1x32x8x128xf32, #tpu.memory_space<hbm>> -> memref<32x8x128xf32, #tpu.memory_space<hbm>>
          %dma_start3A_202 = arith.constant 0 : i32
          %dma_start3A_203 = arith.constant 0 : i32
          %dma_start3A_204 = arith.constant 0 : i32
          %dma_start3A_205 = tpu.memref_slice %arg4[%dma_start3A_190, %add3A_113, %dma_start3A_191, %dma_start3A_202, %dma_start3A_203, %dma_start3A_204] : memref<2x100x8x32x8x128xf32, #tpu.memory_space<hbm>> -> memref<1x1x1x32x8x128xf32, #tpu.memory_space<hbm>>
          %dma_start3A_206 = tpu.memref_squeeze %dma_start3A_205 : memref<1x1x1x32x8x128xf32, #tpu.memory_space<hbm>> -> memref<32x8x128xf32, #tpu.memory_space<hbm>>
          %dma_start3A_207 = arith.constant 0 : i32
          %dma_start3A_208 = arith.constant 0 : i32
          %dma_start3A_209 = arith.constant 0 : i32
          %dma_start3A_210 = tpu.memref_slice %arg11[%dma_start3A_189, %dma_start3A_207, %dma_start3A_208, %dma_start3A_209] : memref<2x32x8x128xf32, #tpu.memory_space<vmem>> -> memref<1x32x8x128xf32, #tpu.memory_space<vmem>>
          %dma_start3A_211 = tpu.memref_squeeze %dma_start3A_210 : memref<1x32x8x128xf32, #tpu.memory_space<vmem>> -> memref<32x8x128xf32, #tpu.memory_space<vmem>>
          tpu.enqueue_dma source(%dma_start3A_211 : memref<32x8x128xf32, #tpu.memory_space<vmem>>) target(%dma_start3A_206 : memref<32x8x128xf32, #tpu.memory_space<hbm>>) target_semaphore(%arg16 : memref<!tpu.dma_semaphore, #tpu.memory_space<semaphore_mem>>)
          %dma_start3A_212 = arith.constant 0 : i32
          %dma_start3A_213 = arith.constant 1 : i32
          %dma_start3A_214 = arith.constant 4 : i32
          %dma_start3A_215 = arith.constant 0 : i32
          %dma_start3A_216 = arith.constant 0 : i32
          %dma_start3A_217 = arith.constant 0 : i32
          %dma_start3A_218 = tpu.memref_slice %arg11[%dma_start3A_212, %dma_start3A_215, %dma_start3A_216, %dma_start3A_217] : memref<2x32x8x128xf32, #tpu.memory_space<vmem>> -> memref<1x32x8x128xf32, #tpu.memory_space<vmem>>
          %dma_start3A_219 = tpu.memref_squeeze %dma_start3A_218 : memref<1x32x8x128xf32, #tpu.memory_space<vmem>> -> memref<32x8x128xf32, #tpu.memory_space<vmem>>
          %dma_start3A_220 = arith.constant 0 : i32
          %dma_start3A_221 = arith.constant 0 : i32
          %dma_start3A_222 = arith.constant 0 : i32
          %dma_start3A_223 = tpu.memref_slice %arg4[%dma_start3A_213, %add3A_113, %dma_start3A_214, %dma_start3A_220, %dma_start3A_221, %dma_start3A_222] : memref<2x100x8x32x8x128xf32, #tpu.memory_space<hbm>> -> memref<1x1x1x32x8x128xf32, #tpu.memory_space<hbm>>
          %dma_start3A_224 = tpu.memref_squeeze %dma_start3A_223 : memref<1x1x1x32x8x128xf32, #tpu.memory_space<hbm>> -> memref<32x8x128xf32, #tpu.memory_space<hbm>>
          %dma_start3A_225 = arith.constant 0 : i32
          %dma_start3A_226 = arith.constant 0 : i32
          %dma_start3A_227 = arith.constant 0 : i32
          %dma_start3A_228 = tpu.memref_slice %arg4[%dma_start3A_213, %add3A_113, %dma_start3A_214, %dma_start3A_225, %dma_start3A_226, %dma_start3A_227] : memref<2x100x8x32x8x128xf32, #tpu.memory_space<hbm>> -> memref<1x1x1x32x8x128xf32, #tpu.memory_space<hbm>>
          %dma_start3A_229 = tpu.memref_squeeze %dma_start3A_228 : memref<1x1x1x32x8x128xf32, #tpu.memory_space<hbm>> -> memref<32x8x128xf32, #tpu.memory_space<hbm>>
          %dma_start3A_230 = arith.constant 0 : i32
          %dma_start3A_231 = arith.constant 0 : i32
          %dma_start3A_232 = arith.constant 0 : i32
          %dma_start3A_233 = tpu.memref_slice %arg11[%dma_start3A_212, %dma_start3A_230, %dma_start3A_231, %dma_start3A_232] : memref<2x32x8x128xf32, #tpu.memory_space<vmem>> -> memref<1x32x8x128xf32, #tpu.memory_space<vmem>>
          %dma_start3A_234 = tpu.memref_squeeze %dma_start3A_233 : memref<1x32x8x128xf32, #tpu.memory_space<vmem>> -> memref<32x8x128xf32, #tpu.memory_space<vmem>>
          tpu.enqueue_dma source(%dma_start3A_234 : memref<32x8x128xf32, #tpu.memory_space<vmem>>) target(%dma_start3A_229 : memref<32x8x128xf32, #tpu.memory_space<hbm>>) target_semaphore(%arg16 : memref<!tpu.dma_semaphore, #tpu.memory_space<semaphore_mem>>)
          %dma_start3A_235 = arith.constant 0 : i32
          %dma_start3A_236 = arith.constant 1 : i32
          %dma_start3A_237 = arith.constant 5 : i32
          %dma_start3A_238 = arith.constant 0 : i32
          %dma_start3A_239 = arith.constant 0 : i32
          %dma_start3A_240 = arith.constant 0 : i32
          %dma_start3A_241 = tpu.memref_slice %arg11[%dma_start3A_235, %dma_start3A_238, %dma_start3A_239, %dma_start3A_240] : memref<2x32x8x128xf32, #tpu.memory_space<vmem>> -> memref<1x32x8x128xf32, #tpu.memory_space<vmem>>
          %dma_start3A_242 = tpu.memref_squeeze %dma_start3A_241 : memref<1x32x8x128xf32, #tpu.memory_space<vmem>> -> memref<32x8x128xf32, #tpu.memory_space<vmem>>
          %dma_start3A_243 = arith.constant 0 : i32
          %dma_start3A_244 = arith.constant 0 : i32
          %dma_start3A_245 = arith.constant 0 : i32
          %dma_start3A_246 = tpu.memref_slice %arg4[%dma_start3A_236, %add3A_113, %dma_start3A_237, %dma_start3A_243, %dma_start3A_244, %dma_start3A_245] : memref<2x100x8x32x8x128xf32, #tpu.memory_space<hbm>> -> memref<1x1x1x32x8x128xf32, #tpu.memory_space<hbm>>
          %dma_start3A_247 = tpu.memref_squeeze %dma_start3A_246 : memref<1x1x1x32x8x128xf32, #tpu.memory_space<hbm>> -> memref<32x8x128xf32, #tpu.memory_space<hbm>>
          %dma_start3A_248 = arith.constant 0 : i32
          %dma_start3A_249 = arith.constant 0 : i32
          %dma_start3A_250 = arith.constant 0 : i32
          %dma_start3A_251 = tpu.memref_slice %arg4[%dma_start3A_236, %add3A_113, %dma_start3A_237, %dma_start3A_248, %dma_start3A_249, %dma_start3A_250] : memref<2x100x8x32x8x128xf32, #tpu.memory_space<hbm>> -> memref<1x1x1x32x8x128xf32, #tpu.memory_space<hbm>>
          %dma_start3A_252 = tpu.memref_squeeze %dma_start3A_251 : memref<1x1x1x32x8x128xf32, #tpu.memory_space<hbm>> -> memref<32x8x128xf32, #tpu.memory_space<hbm>>
          %dma_start3A_253 = arith.constant 0 : i32
          %dma_start3A_254 = arith.constant 0 : i32
          %dma_start3A_255 = arith.constant 0 : i32
          %dma_start3A_256 = tpu.memref_slice %arg11[%dma_start3A_235, %dma_start3A_253, %dma_start3A_254, %dma_start3A_255] : memref<2x32x8x128xf32, #tpu.memory_space<vmem>> -> memref<1x32x8x128xf32, #tpu.memory_space<vmem>>
          %dma_start3A_257 = tpu.memref_squeeze %dma_start3A_256 : memref<1x32x8x128xf32, #tpu.memory_space<vmem>> -> memref<32x8x128xf32, #tpu.memory_space<vmem>>
          tpu.enqueue_dma source(%dma_start3A_257 : memref<32x8x128xf32, #tpu.memory_space<vmem>>) target(%dma_start3A_252 : memref<32x8x128xf32, #tpu.memory_space<hbm>>) target_semaphore(%arg16 : memref<!tpu.dma_semaphore, #tpu.memory_space<semaphore_mem>>)
          %dma_start3A_258 = arith.constant 0 : i32
          %dma_start3A_259 = arith.constant 1 : i32
          %dma_start3A_260 = arith.constant 6 : i32
          %dma_start3A_261 = arith.constant 0 : i32
          %dma_start3A_262 = arith.constant 0 : i32
          %dma_start3A_263 = arith.constant 0 : i32
          %dma_start3A_264 = tpu.memref_slice %arg11[%dma_start3A_258, %dma_start3A_261, %dma_start3A_262, %dma_start3A_263] : memref<2x32x8x128xf32, #tpu.memory_space<vmem>> -> memref<1x32x8x128xf32, #tpu.memory_space<vmem>>
          %dma_start3A_265 = tpu.memref_squeeze %dma_start3A_264 : memref<1x32x8x128xf32, #tpu.memory_space<vmem>> -> memref<32x8x128xf32, #tpu.memory_space<vmem>>
          %dma_start3A_266 = arith.constant 0 : i32
          %dma_start3A_267 = arith.constant 0 : i32
          %dma_start3A_268 = arith.constant 0 : i32
          %dma_start3A_269 = tpu.memref_slice %arg4[%dma_start3A_259, %add3A_113, %dma_start3A_260, %dma_start3A_266, %dma_start3A_267, %dma_start3A_268] : memref<2x100x8x32x8x128xf32, #tpu.memory_space<hbm>> -> memref<1x1x1x32x8x128xf32, #tpu.memory_space<hbm>>
          %dma_start3A_270 = tpu.memref_squeeze %dma_start3A_269 : memref<1x1x1x32x8x128xf32, #tpu.memory_space<hbm>> -> memref<32x8x128xf32, #tpu.memory_space<hbm>>
          %dma_start3A_271 = arith.constant 0 : i32
          %dma_start3A_272 = arith.constant 0 : i32
          %dma_start3A_273 = arith.constant 0 : i32
          %dma_start3A_274 = tpu.memref_slice %arg4[%dma_start3A_259, %add3A_113, %dma_start3A_260, %dma_start3A_271, %dma_start3A_272, %dma_start3A_273] : memref<2x100x8x32x8x128xf32, #tpu.memory_space<hbm>> -> memref<1x1x1x32x8x128xf32, #tpu.memory_space<hbm>>
          %dma_start3A_275 = tpu.memref_squeeze %dma_start3A_274 : memref<1x1x1x32x8x128xf32, #tpu.memory_space<hbm>> -> memref<32x8x128xf32, #tpu.memory_space<hbm>>
          %dma_start3A_276 = arith.constant 0 : i32
          %dma_start3A_277 = arith.constant 0 : i32
          %dma_start3A_278 = arith.constant 0 : i32
          %dma_start3A_279 = tpu.memref_slice %arg11[%dma_start3A_258, %dma_start3A_276, %dma_start3A_277, %dma_start3A_278] : memref<2x32x8x128xf32, #tpu.memory_space<vmem>> -> memref<1x32x8x128xf32, #tpu.memory_space<vmem>>
          %dma_start3A_280 = tpu.memref_squeeze %dma_start3A_279 : memref<1x32x8x128xf32, #tpu.memory_space<vmem>> -> memref<32x8x128xf32, #tpu.memory_space<vmem>>
          tpu.enqueue_dma source(%dma_start3A_280 : memref<32x8x128xf32, #tpu.memory_space<vmem>>) target(%dma_start3A_275 : memref<32x8x128xf32, #tpu.memory_space<hbm>>) target_semaphore(%arg16 : memref<!tpu.dma_semaphore, #tpu.memory_space<semaphore_mem>>)
          %dma_start3A_281 = arith.constant 0 : i32
          %dma_start3A_282 = arith.constant 1 : i32
          %dma_start3A_283 = arith.constant 7 : i32
          %dma_start3A_284 = arith.constant 0 : i32
          %dma_start3A_285 = arith.constant 0 : i32
          %dma_start3A_286 = arith.constant 0 : i32
          %dma_start3A_287 = tpu.memref_slice %arg11[%dma_start3A_281, %dma_start3A_284, %dma_start3A_285, %dma_start3A_286] : memref<2x32x8x128xf32, #tpu.memory_space<vmem>> -> memref<1x32x8x128xf32, #tpu.memory_space<vmem>>
          %dma_start3A_288 = tpu.memref_squeeze %dma_start3A_287 : memref<1x32x8x128xf32, #tpu.memory_space<vmem>> -> memref<32x8x128xf32, #tpu.memory_space<vmem>>
          %dma_start3A_289 = arith.constant 0 : i32
          %dma_start3A_290 = arith.constant 0 : i32
          %dma_start3A_291 = arith.constant 0 : i32
          %dma_start3A_292 = tpu.memref_slice %arg4[%dma_start3A_282, %add3A_113, %dma_start3A_283, %dma_start3A_289, %dma_start3A_290, %dma_start3A_291] : memref<2x100x8x32x8x128xf32, #tpu.memory_space<hbm>> -> memref<1x1x1x32x8x128xf32, #tpu.memory_space<hbm>>
          %dma_start3A_293 = tpu.memref_squeeze %dma_start3A_292 : memref<1x1x1x32x8x128xf32, #tpu.memory_space<hbm>> -> memref<32x8x128xf32, #tpu.memory_space<hbm>>
          %dma_start3A_294 = arith.constant 0 : i32
          %dma_start3A_295 = arith.constant 0 : i32
          %dma_start3A_296 = arith.constant 0 : i32
          %dma_start3A_297 = tpu.memref_slice %arg4[%dma_start3A_282, %add3A_113, %dma_start3A_283, %dma_start3A_294, %dma_start3A_295, %dma_start3A_296] : memref<2x100x8x32x8x128xf32, #tpu.memory_space<hbm>> -> memref<1x1x1x32x8x128xf32, #tpu.memory_space<hbm>>
          %dma_start3A_298 = tpu.memref_squeeze %dma_start3A_297 : memref<1x1x1x32x8x128xf32, #tpu.memory_space<hbm>> -> memref<32x8x128xf32, #tpu.memory_space<hbm>>
          %dma_start3A_299 = arith.constant 0 : i32
          %dma_start3A_300 = arith.constant 0 : i32
          %dma_start3A_301 = arith.constant 0 : i32
          %dma_start3A_302 = tpu.memref_slice %arg11[%dma_start3A_281, %dma_start3A_299, %dma_start3A_300, %dma_start3A_301] : memref<2x32x8x128xf32, #tpu.memory_space<vmem>> -> memref<1x32x8x128xf32, #tpu.memory_space<vmem>>
          %dma_start3A_303 = tpu.memref_squeeze %dma_start3A_302 : memref<1x32x8x128xf32, #tpu.memory_space<vmem>> -> memref<32x8x128xf32, #tpu.memory_space<vmem>>
          tpu.enqueue_dma source(%dma_start3A_303 : memref<32x8x128xf32, #tpu.memory_space<vmem>>) target(%dma_start3A_298 : memref<32x8x128xf32, #tpu.memory_space<hbm>>) target_semaphore(%arg16 : memref<!tpu.dma_semaphore, #tpu.memory_space<semaphore_mem>>)
        } else {
        }
        %mul3A_101 = arith.constant 2 : i32
        %mul3A_102 = arith.muli %scan3A_91, %mul3A_101 : i32
        %add3A_103 = arith.constant 1 : i32
        %add3A_104 = arith.addi %mul3A_102, %add3A_103 : i32
        %lt3A_105 = arith.cmpi slt, %add3A_104, %select_n3A_68 : i32
        %convert_element_type3A_106 = arith.extui %lt3A_105 : i1 to i32
        %cond3A_107 = arith.constant 0 : i32
        %cond3A_108 = arith.cmpi ne, %convert_element_type3A_106, %cond3A_107 : i32
        scf.if %cond3A_108 {
          %mul3A_111 = arith.constant 11 : i32
          %mul3A_112 = arith.muli %mul3A_111, %add3A_104 : i32
          %add3A_113 = arith.addi %select_n3A, %mul3A_112 : i32
          %ge3A_114 = arith.constant 2 : i32
          %ge3A_115 = arith.cmpi sge, %add3A_104, %ge3A_114 : i32
          %convert_element_type3A_116 = arith.extui %ge3A_115 : i1 to i32
          %cond3A_117 = arith.constant 0 : i32
          %cond3A_118 = arith.cmpi ne, %convert_element_type3A_116, %cond3A_117 : i32
          scf.if %cond3A_118 {
            %dma_wait3A = arith.constant 0 : i32
            %dma_wait3A_304 = arith.constant 1 : i32
            %dma_wait3A_305 = arith.constant 0 : i32
            %dma_wait3A_306 = arith.constant 0 : i32
            %dma_wait3A_307 = arith.constant 0 : i32
            %dma_wait3A_308 = arith.constant 0 : i32
            %dma_wait3A_309 = arith.constant 0 : i32
            %dma_wait3A_310 = tpu.memref_slice %arg11[%dma_wait3A, %dma_wait3A_307, %dma_wait3A_308, %dma_wait3A_309] : memref<2x32x8x128xf32, #tpu.memory_space<vmem>> -> memref<1x32x8x128xf32, #tpu.memory_space<vmem>>
            %dma_wait3A_311 = tpu.memref_squeeze %dma_wait3A_310 : memref<1x32x8x128xf32, #tpu.memory_space<vmem>> -> memref<32x8x128xf32, #tpu.memory_space<vmem>>
            %dma_wait3A_312 = arith.constant 0 : i32
            %dma_wait3A_313 = arith.constant 0 : i32
            %dma_wait3A_314 = arith.constant 0 : i32
            %dma_wait3A_315 = tpu.memref_slice %arg4[%dma_wait3A_304, %dma_wait3A_305, %dma_wait3A_306, %dma_wait3A_312, %dma_wait3A_313, %dma_wait3A_314] : memref<2x100x8x32x8x128xf32, #tpu.memory_space<hbm>> -> memref<1x1x1x32x8x128xf32, #tpu.memory_space<hbm>>
            %dma_wait3A_316 = tpu.memref_squeeze %dma_wait3A_315 : memref<1x1x1x32x8x128xf32, #tpu.memory_space<hbm>> -> memref<32x8x128xf32, #tpu.memory_space<hbm>>
            %dma_wait3A_317 = arith.constant 0 : i32
            %dma_wait3A_318 = arith.constant 0 : i32
            %dma_wait3A_319 = arith.constant 0 : i32
            %dma_wait3A_320 = tpu.memref_slice %arg4[%dma_wait3A_304, %dma_wait3A_305, %dma_wait3A_306, %dma_wait3A_317, %dma_wait3A_318, %dma_wait3A_319] : memref<2x100x8x32x8x128xf32, #tpu.memory_space<hbm>> -> memref<1x1x1x32x8x128xf32, #tpu.memory_space<hbm>>
            %dma_wait3A_321 = tpu.memref_squeeze %dma_wait3A_320 : memref<1x1x1x32x8x128xf32, #tpu.memory_space<hbm>> -> memref<32x8x128xf32, #tpu.memory_space<hbm>>
            %dma_wait3A_322 = arith.constant 0 : i32
            %dma_wait3A_323 = arith.constant 0 : i32
            %dma_wait3A_324 = arith.constant 0 : i32
            %dma_wait3A_325 = tpu.memref_slice %arg11[%dma_wait3A, %dma_wait3A_322, %dma_wait3A_323, %dma_wait3A_324] : memref<2x32x8x128xf32, #tpu.memory_space<vmem>> -> memref<1x32x8x128xf32, #tpu.memory_space<vmem>>
            %dma_wait3A_326 = tpu.memref_squeeze %dma_wait3A_325 : memref<1x32x8x128xf32, #tpu.memory_space<vmem>> -> memref<32x8x128xf32, #tpu.memory_space<vmem>>
            tpu.wait_dma2 semaphore(%arg17 : memref<!tpu.dma_semaphore, #tpu.memory_space<semaphore_mem>>) src(%dma_wait3A_326 : memref<32x8x128xf32, #tpu.memory_space<vmem>>) dst(%dma_wait3A_321 : memref<32x8x128xf32, #tpu.memory_space<hbm>>)
            %dma_wait3A_327 = arith.constant 0 : i32
            %dma_wait3A_328 = arith.constant 1 : i32
            %dma_wait3A_329 = arith.constant 0 : i32
            %dma_wait3A_330 = arith.constant 0 : i32
            %dma_wait3A_331 = arith.constant 0 : i32
            %dma_wait3A_332 = arith.constant 0 : i32
            %dma_wait3A_333 = arith.constant 0 : i32
            %dma_wait3A_334 = tpu.memref_slice %arg11[%dma_wait3A_327, %dma_wait3A_331, %dma_wait3A_332, %dma_wait3A_333] : memref<2x32x8x128xf32, #tpu.memory_space<vmem>> -> memref<1x32x8x128xf32, #tpu.memory_space<vmem>>
            %dma_wait3A_335 = tpu.memref_squeeze %dma_wait3A_334 : memref<1x32x8x128xf32, #tpu.memory_space<vmem>> -> memref<32x8x128xf32, #tpu.memory_space<vmem>>
            %dma_wait3A_336 = arith.constant 0 : i32
            %dma_wait3A_337 = arith.constant 0 : i32
            %dma_wait3A_338 = arith.constant 0 : i32
            %dma_wait3A_339 = tpu.memref_slice %arg4[%dma_wait3A_328, %dma_wait3A_329, %dma_wait3A_330, %dma_wait3A_336, %dma_wait3A_337, %dma_wait3A_338] : memref<2x100x8x32x8x128xf32, #tpu.memory_space<hbm>> -> memref<1x1x1x32x8x128xf32, #tpu.memory_space<hbm>>
            %dma_wait3A_340 = tpu.memref_squeeze %dma_wait3A_339 : memref<1x1x1x32x8x128xf32, #tpu.memory_space<hbm>> -> memref<32x8x128xf32, #tpu.memory_space<hbm>>
            %dma_wait3A_341 = arith.constant 0 : i32
            %dma_wait3A_342 = arith.constant 0 : i32
            %dma_wait3A_343 = arith.constant 0 : i32
            %dma_wait3A_344 = tpu.memref_slice %arg4[%dma_wait3A_328, %dma_wait3A_329, %dma_wait3A_330, %dma_wait3A_341, %dma_wait3A_342, %dma_wait3A_343] : memref<2x100x8x32x8x128xf32, #tpu.memory_space<hbm>> -> memref<1x1x1x32x8x128xf32, #tpu.memory_space<hbm>>
            %dma_wait3A_345 = tpu.memref_squeeze %dma_wait3A_344 : memref<1x1x1x32x8x128xf32, #tpu.memory_space<hbm>> -> memref<32x8x128xf32, #tpu.memory_space<hbm>>
            %dma_wait3A_346 = arith.constant 0 : i32
            %dma_wait3A_347 = arith.constant 0 : i32
            %dma_wait3A_348 = arith.constant 0 : i32
            %dma_wait3A_349 = tpu.memref_slice %arg11[%dma_wait3A_327, %dma_wait3A_346, %dma_wait3A_347, %dma_wait3A_348] : memref<2x32x8x128xf32, #tpu.memory_space<vmem>> -> memref<1x32x8x128xf32, #tpu.memory_space<vmem>>
            %dma_wait3A_350 = tpu.memref_squeeze %dma_wait3A_349 : memref<1x32x8x128xf32, #tpu.memory_space<vmem>> -> memref<32x8x128xf32, #tpu.memory_space<vmem>>
            tpu.wait_dma2 semaphore(%arg17 : memref<!tpu.dma_semaphore, #tpu.memory_space<semaphore_mem>>) src(%dma_wait3A_350 : memref<32x8x128xf32, #tpu.memory_space<vmem>>) dst(%dma_wait3A_345 : memref<32x8x128xf32, #tpu.memory_space<hbm>>)
            %dma_wait3A_351 = arith.constant 0 : i32
            %dma_wait3A_352 = arith.constant 1 : i32
            %dma_wait3A_353 = arith.constant 0 : i32
            %dma_wait3A_354 = arith.constant 0 : i32
            %dma_wait3A_355 = arith.constant 0 : i32
            %dma_wait3A_356 = arith.constant 0 : i32
            %dma_wait3A_357 = arith.constant 0 : i32
            %dma_wait3A_358 = tpu.memref_slice %arg11[%dma_wait3A_351, %dma_wait3A_355, %dma_wait3A_356, %dma_wait3A_357] : memref<2x32x8x128xf32, #tpu.memory_space<vmem>> -> memref<1x32x8x128xf32, #tpu.memory_space<vmem>>
            %dma_wait3A_359 = tpu.memref_squeeze %dma_wait3A_358 : memref<1x32x8x128xf32, #tpu.memory_space<vmem>> -> memref<32x8x128xf32, #tpu.memory_space<vmem>>
            %dma_wait3A_360 = arith.constant 0 : i32
            %dma_wait3A_361 = arith.constant 0 : i32
            %dma_wait3A_362 = arith.constant 0 : i32
            %dma_wait3A_363 = tpu.memref_slice %arg4[%dma_wait3A_352, %dma_wait3A_353, %dma_wait3A_354, %dma_wait3A_360, %dma_wait3A_361, %dma_wait3A_362] : memref<2x100x8x32x8x128xf32, #tpu.memory_space<hbm>> -> memref<1x1x1x32x8x128xf32, #tpu.memory_space<hbm>>
            %dma_wait3A_364 = tpu.memref_squeeze %dma_wait3A_363 : memref<1x1x1x32x8x128xf32, #tpu.memory_space<hbm>> -> memref<32x8x128xf32, #tpu.memory_space<hbm>>
            %dma_wait3A_365 = arith.constant 0 : i32
            %dma_wait3A_366 = arith.constant 0 : i32
            %dma_wait3A_367 = arith.constant 0 : i32
            %dma_wait3A_368 = tpu.memref_slice %arg4[%dma_wait3A_352, %dma_wait3A_353, %dma_wait3A_354, %dma_wait3A_365, %dma_wait3A_366, %dma_wait3A_367] : memref<2x100x8x32x8x128xf32, #tpu.memory_space<hbm>> -> memref<1x1x1x32x8x128xf32, #tpu.memory_space<hbm>>
            %dma_wait3A_369 = tpu.memref_squeeze %dma_wait3A_368 : memref<1x1x1x32x8x128xf32, #tpu.memory_space<hbm>> -> memref<32x8x128xf32, #tpu.memory_space<hbm>>
            %dma_wait3A_370 = arith.constant 0 : i32
            %dma_wait3A_371 = arith.constant 0 : i32
            %dma_wait3A_372 = arith.constant 0 : i32
            %dma_wait3A_373 = tpu.memref_slice %arg11[%dma_wait3A_351, %dma_wait3A_370, %dma_wait3A_371, %dma_wait3A_372] : memref<2x32x8x128xf32, #tpu.memory_space<vmem>> -> memref<1x32x8x128xf32, #tpu.memory_space<vmem>>
            %dma_wait3A_374 = tpu.memref_squeeze %dma_wait3A_373 : memref<1x32x8x128xf32, #tpu.memory_space<vmem>> -> memref<32x8x128xf32, #tpu.memory_space<vmem>>
            tpu.wait_dma2 semaphore(%arg17 : memref<!tpu.dma_semaphore, #tpu.memory_space<semaphore_mem>>) src(%dma_wait3A_374 : memref<32x8x128xf32, #tpu.memory_space<vmem>>) dst(%dma_wait3A_369 : memref<32x8x128xf32, #tpu.memory_space<hbm>>)
            %dma_wait3A_375 = arith.constant 0 : i32
            %dma_wait3A_376 = arith.constant 1 : i32
            %dma_wait3A_377 = arith.constant 0 : i32
            %dma_wait3A_378 = arith.constant 0 : i32
            %dma_wait3A_379 = arith.constant 0 : i32
            %dma_wait3A_380 = arith.constant 0 : i32
            %dma_wait3A_381 = arith.constant 0 : i32
            %dma_wait3A_382 = tpu.memref_slice %arg11[%dma_wait3A_375, %dma_wait3A_379, %dma_wait3A_380, %dma_wait3A_381] : memref<2x32x8x128xf32, #tpu.memory_space<vmem>> -> memref<1x32x8x128xf32, #tpu.memory_space<vmem>>
            %dma_wait3A_383 = tpu.memref_squeeze %dma_wait3A_382 : memref<1x32x8x128xf32, #tpu.memory_space<vmem>> -> memref<32x8x128xf32, #tpu.memory_space<vmem>>
            %dma_wait3A_384 = arith.constant 0 : i32
            %dma_wait3A_385 = arith.constant 0 : i32
            %dma_wait3A_386 = arith.constant 0 : i32
            %dma_wait3A_387 = tpu.memref_slice %arg4[%dma_wait3A_376, %dma_wait3A_377, %dma_wait3A_378, %dma_wait3A_384, %dma_wait3A_385, %dma_wait3A_386] : memref<2x100x8x32x8x128xf32, #tpu.memory_space<hbm>> -> memref<1x1x1x32x8x128xf32, #tpu.memory_space<hbm>>
            %dma_wait3A_388 = tpu.memref_squeeze %dma_wait3A_387 : memref<1x1x1x32x8x128xf32, #tpu.memory_space<hbm>> -> memref<32x8x128xf32, #tpu.memory_space<hbm>>
            %dma_wait3A_389 = arith.constant 0 : i32
            %dma_wait3A_390 = arith.constant 0 : i32
            %dma_wait3A_391 = arith.constant 0 : i32
            %dma_wait3A_392 = tpu.memref_slice %arg4[%dma_wait3A_376, %dma_wait3A_377, %dma_wait3A_378, %dma_wait3A_389, %dma_wait3A_390, %dma_wait3A_391] : memref<2x100x8x32x8x128xf32, #tpu.memory_space<hbm>> -> memref<1x1x1x32x8x128xf32, #tpu.memory_space<hbm>>
            %dma_wait3A_393 = tpu.memref_squeeze %dma_wait3A_392 : memref<1x1x1x32x8x128xf32, #tpu.memory_space<hbm>> -> memref<32x8x128xf32, #tpu.memory_space<hbm>>
            %dma_wait3A_394 = arith.constant 0 : i32
            %dma_wait3A_395 = arith.constant 0 : i32
            %dma_wait3A_396 = arith.constant 0 : i32
            %dma_wait3A_397 = tpu.memref_slice %arg11[%dma_wait3A_375, %dma_wait3A_394, %dma_wait3A_395, %dma_wait3A_396] : memref<2x32x8x128xf32, #tpu.memory_space<vmem>> -> memref<1x32x8x128xf32, #tpu.memory_space<vmem>>
            %dma_wait3A_398 = tpu.memref_squeeze %dma_wait3A_397 : memref<1x32x8x128xf32, #tpu.memory_space<vmem>> -> memref<32x8x128xf32, #tpu.memory_space<vmem>>
            tpu.wait_dma2 semaphore(%arg17 : memref<!tpu.dma_semaphore, #tpu.memory_space<semaphore_mem>>) src(%dma_wait3A_398 : memref<32x8x128xf32, #tpu.memory_space<vmem>>) dst(%dma_wait3A_393 : memref<32x8x128xf32, #tpu.memory_space<hbm>>)
            %dma_wait3A_399 = arith.constant 0 : i32
            %dma_wait3A_400 = arith.constant 1 : i32
            %dma_wait3A_401 = arith.constant 0 : i32
            %dma_wait3A_402 = arith.constant 0 : i32
            %dma_wait3A_403 = arith.constant 0 : i32
            %dma_wait3A_404 = arith.constant 0 : i32
            %dma_wait3A_405 = arith.constant 0 : i32
            %dma_wait3A_406 = tpu.memref_slice %arg11[%dma_wait3A_399, %dma_wait3A_403, %dma_wait3A_404, %dma_wait3A_405] : memref<2x32x8x128xf32, #tpu.memory_space<vmem>> -> memref<1x32x8x128xf32, #tpu.memory_space<vmem>>
            %dma_wait3A_407 = tpu.memref_squeeze %dma_wait3A_406 : memref<1x32x8x128xf32, #tpu.memory_space<vmem>> -> memref<32x8x128xf32, #tpu.memory_space<vmem>>
            %dma_wait3A_408 = arith.constant 0 : i32
            %dma_wait3A_409 = arith.constant 0 : i32
            %dma_wait3A_410 = arith.constant 0 : i32
            %dma_wait3A_411 = tpu.memref_slice %arg4[%dma_wait3A_400, %dma_wait3A_401, %dma_wait3A_402, %dma_wait3A_408, %dma_wait3A_409, %dma_wait3A_410] : memref<2x100x8x32x8x128xf32, #tpu.memory_space<hbm>> -> memref<1x1x1x32x8x128xf32, #tpu.memory_space<hbm>>
            %dma_wait3A_412 = tpu.memref_squeeze %dma_wait3A_411 : memref<1x1x1x32x8x128xf32, #tpu.memory_space<hbm>> -> memref<32x8x128xf32, #tpu.memory_space<hbm>>
            %dma_wait3A_413 = arith.constant 0 : i32
            %dma_wait3A_414 = arith.constant 0 : i32
            %dma_wait3A_415 = arith.constant 0 : i32
            %dma_wait3A_416 = tpu.memref_slice %arg4[%dma_wait3A_400, %dma_wait3A_401, %dma_wait3A_402, %dma_wait3A_413, %dma_wait3A_414, %dma_wait3A_415] : memref<2x100x8x32x8x128xf32, #tpu.memory_space<hbm>> -> memref<1x1x1x32x8x128xf32, #tpu.memory_space<hbm>>
            %dma_wait3A_417 = tpu.memref_squeeze %dma_wait3A_416 : memref<1x1x1x32x8x128xf32, #tpu.memory_space<hbm>> -> memref<32x8x128xf32, #tpu.memory_space<hbm>>
            %dma_wait3A_418 = arith.constant 0 : i32
            %dma_wait3A_419 = arith.constant 0 : i32
            %dma_wait3A_420 = arith.constant 0 : i32
            %dma_wait3A_421 = tpu.memref_slice %arg11[%dma_wait3A_399, %dma_wait3A_418, %dma_wait3A_419, %dma_wait3A_420] : memref<2x32x8x128xf32, #tpu.memory_space<vmem>> -> memref<1x32x8x128xf32, #tpu.memory_space<vmem>>
            %dma_wait3A_422 = tpu.memref_squeeze %dma_wait3A_421 : memref<1x32x8x128xf32, #tpu.memory_space<vmem>> -> memref<32x8x128xf32, #tpu.memory_space<vmem>>
            tpu.wait_dma2 semaphore(%arg17 : memref<!tpu.dma_semaphore, #tpu.memory_space<semaphore_mem>>) src(%dma_wait3A_422 : memref<32x8x128xf32, #tpu.memory_space<vmem>>) dst(%dma_wait3A_417 : memref<32x8x128xf32, #tpu.memory_space<hbm>>)
            %dma_wait3A_423 = arith.constant 0 : i32
            %dma_wait3A_424 = arith.constant 1 : i32
            %dma_wait3A_425 = arith.constant 0 : i32
            %dma_wait3A_426 = arith.constant 0 : i32
            %dma_wait3A_427 = arith.constant 0 : i32
            %dma_wait3A_428 = arith.constant 0 : i32
            %dma_wait3A_429 = arith.constant 0 : i32
            %dma_wait3A_430 = tpu.memref_slice %arg11[%dma_wait3A_423, %dma_wait3A_427, %dma_wait3A_428, %dma_wait3A_429] : memref<2x32x8x128xf32, #tpu.memory_space<vmem>> -> memref<1x32x8x128xf32, #tpu.memory_space<vmem>>
            %dma_wait3A_431 = tpu.memref_squeeze %dma_wait3A_430 : memref<1x32x8x128xf32, #tpu.memory_space<vmem>> -> memref<32x8x128xf32, #tpu.memory_space<vmem>>
            %dma_wait3A_432 = arith.constant 0 : i32
            %dma_wait3A_433 = arith.constant 0 : i32
            %dma_wait3A_434 = arith.constant 0 : i32
            %dma_wait3A_435 = tpu.memref_slice %arg4[%dma_wait3A_424, %dma_wait3A_425, %dma_wait3A_426, %dma_wait3A_432, %dma_wait3A_433, %dma_wait3A_434] : memref<2x100x8x32x8x128xf32, #tpu.memory_space<hbm>> -> memref<1x1x1x32x8x128xf32, #tpu.memory_space<hbm>>
            %dma_wait3A_436 = tpu.memref_squeeze %dma_wait3A_435 : memref<1x1x1x32x8x128xf32, #tpu.memory_space<hbm>> -> memref<32x8x128xf32, #tpu.memory_space<hbm>>
            %dma_wait3A_437 = arith.constant 0 : i32
            %dma_wait3A_438 = arith.constant 0 : i32
            %dma_wait3A_439 = arith.constant 0 : i32
            %dma_wait3A_440 = tpu.memref_slice %arg4[%dma_wait3A_424, %dma_wait3A_425, %dma_wait3A_426, %dma_wait3A_437, %dma_wait3A_438, %dma_wait3A_439] : memref<2x100x8x32x8x128xf32, #tpu.memory_space<hbm>> -> memref<1x1x1x32x8x128xf32, #tpu.memory_space<hbm>>
            %dma_wait3A_441 = tpu.memref_squeeze %dma_wait3A_440 : memref<1x1x1x32x8x128xf32, #tpu.memory_space<hbm>> -> memref<32x8x128xf32, #tpu.memory_space<hbm>>
            %dma_wait3A_442 = arith.constant 0 : i32
            %dma_wait3A_443 = arith.constant 0 : i32
            %dma_wait3A_444 = arith.constant 0 : i32
            %dma_wait3A_445 = tpu.memref_slice %arg11[%dma_wait3A_423, %dma_wait3A_442, %dma_wait3A_443, %dma_wait3A_444] : memref<2x32x8x128xf32, #tpu.memory_space<vmem>> -> memref<1x32x8x128xf32, #tpu.memory_space<vmem>>
            %dma_wait3A_446 = tpu.memref_squeeze %dma_wait3A_445 : memref<1x32x8x128xf32, #tpu.memory_space<vmem>> -> memref<32x8x128xf32, #tpu.memory_space<vmem>>
            tpu.wait_dma2 semaphore(%arg17 : memref<!tpu.dma_semaphore, #tpu.memory_space<semaphore_mem>>) src(%dma_wait3A_446 : memref<32x8x128xf32, #tpu.memory_space<vmem>>) dst(%dma_wait3A_441 : memref<32x8x128xf32, #tpu.memory_space<hbm>>)
            %dma_wait3A_447 = arith.constant 0 : i32
            %dma_wait3A_448 = arith.constant 1 : i32
            %dma_wait3A_449 = arith.constant 0 : i32
            %dma_wait3A_450 = arith.constant 0 : i32
            %dma_wait3A_451 = arith.constant 0 : i32
            %dma_wait3A_452 = arith.constant 0 : i32
            %dma_wait3A_453 = arith.constant 0 : i32
            %dma_wait3A_454 = tpu.memref_slice %arg11[%dma_wait3A_447, %dma_wait3A_451, %dma_wait3A_452, %dma_wait3A_453] : memref<2x32x8x128xf32, #tpu.memory_space<vmem>> -> memref<1x32x8x128xf32, #tpu.memory_space<vmem>>
            %dma_wait3A_455 = tpu.memref_squeeze %dma_wait3A_454 : memref<1x32x8x128xf32, #tpu.memory_space<vmem>> -> memref<32x8x128xf32, #tpu.memory_space<vmem>>
            %dma_wait3A_456 = arith.constant 0 : i32
            %dma_wait3A_457 = arith.constant 0 : i32
            %dma_wait3A_458 = arith.constant 0 : i32
            %dma_wait3A_459 = tpu.memref_slice %arg4[%dma_wait3A_448, %dma_wait3A_449, %dma_wait3A_450, %dma_wait3A_456, %dma_wait3A_457, %dma_wait3A_458] : memref<2x100x8x32x8x128xf32, #tpu.memory_space<hbm>> -> memref<1x1x1x32x8x128xf32, #tpu.memory_space<hbm>>
            %dma_wait3A_460 = tpu.memref_squeeze %dma_wait3A_459 : memref<1x1x1x32x8x128xf32, #tpu.memory_space<hbm>> -> memref<32x8x128xf32, #tpu.memory_space<hbm>>
            %dma_wait3A_461 = arith.constant 0 : i32
            %dma_wait3A_462 = arith.constant 0 : i32
            %dma_wait3A_463 = arith.constant 0 : i32
            %dma_wait3A_464 = tpu.memref_slice %arg4[%dma_wait3A_448, %dma_wait3A_449, %dma_wait3A_450, %dma_wait3A_461, %dma_wait3A_462, %dma_wait3A_463] : memref<2x100x8x32x8x128xf32, #tpu.memory_space<hbm>> -> memref<1x1x1x32x8x128xf32, #tpu.memory_space<hbm>>
            %dma_wait3A_465 = tpu.memref_squeeze %dma_wait3A_464 : memref<1x1x1x32x8x128xf32, #tpu.memory_space<hbm>> -> memref<32x8x128xf32, #tpu.memory_space<hbm>>
            %dma_wait3A_466 = arith.constant 0 : i32
            %dma_wait3A_467 = arith.constant 0 : i32
            %dma_wait3A_468 = arith.constant 0 : i32
            %dma_wait3A_469 = tpu.memref_slice %arg11[%dma_wait3A_447, %dma_wait3A_466, %dma_wait3A_467, %dma_wait3A_468] : memref<2x32x8x128xf32, #tpu.memory_space<vmem>> -> memref<1x32x8x128xf32, #tpu.memory_space<vmem>>
            %dma_wait3A_470 = tpu.memref_squeeze %dma_wait3A_469 : memref<1x32x8x128xf32, #tpu.memory_space<vmem>> -> memref<32x8x128xf32, #tpu.memory_space<vmem>>
            tpu.wait_dma2 semaphore(%arg17 : memref<!tpu.dma_semaphore, #tpu.memory_space<semaphore_mem>>) src(%dma_wait3A_470 : memref<32x8x128xf32, #tpu.memory_space<vmem>>) dst(%dma_wait3A_465 : memref<32x8x128xf32, #tpu.memory_space<hbm>>)
            %dma_wait3A_471 = arith.constant 0 : i32
            %dma_wait3A_472 = arith.constant 1 : i32
            %dma_wait3A_473 = arith.constant 0 : i32
            %dma_wait3A_474 = arith.constant 0 : i32
            %dma_wait3A_475 = arith.constant 0 : i32
            %dma_wait3A_476 = arith.constant 0 : i32
            %dma_wait3A_477 = arith.constant 0 : i32
            %dma_wait3A_478 = tpu.memref_slice %arg11[%dma_wait3A_471, %dma_wait3A_475, %dma_wait3A_476, %dma_wait3A_477] : memref<2x32x8x128xf32, #tpu.memory_space<vmem>> -> memref<1x32x8x128xf32, #tpu.memory_space<vmem>>
            %dma_wait3A_479 = tpu.memref_squeeze %dma_wait3A_478 : memref<1x32x8x128xf32, #tpu.memory_space<vmem>> -> memref<32x8x128xf32, #tpu.memory_space<vmem>>
            %dma_wait3A_480 = arith.constant 0 : i32
            %dma_wait3A_481 = arith.constant 0 : i32
            %dma_wait3A_482 = arith.constant 0 : i32
            %dma_wait3A_483 = tpu.memref_slice %arg4[%dma_wait3A_472, %dma_wait3A_473, %dma_wait3A_474, %dma_wait3A_480, %dma_wait3A_481, %dma_wait3A_482] : memref<2x100x8x32x8x128xf32, #tpu.memory_space<hbm>> -> memref<1x1x1x32x8x128xf32, #tpu.memory_space<hbm>>
            %dma_wait3A_484 = tpu.memref_squeeze %dma_wait3A_483 : memref<1x1x1x32x8x128xf32, #tpu.memory_space<hbm>> -> memref<32x8x128xf32, #tpu.memory_space<hbm>>
            %dma_wait3A_485 = arith.constant 0 : i32
            %dma_wait3A_486 = arith.constant 0 : i32
            %dma_wait3A_487 = arith.constant 0 : i32
            %dma_wait3A_488 = tpu.memref_slice %arg4[%dma_wait3A_472, %dma_wait3A_473, %dma_wait3A_474, %dma_wait3A_485, %dma_wait3A_486, %dma_wait3A_487] : memref<2x100x8x32x8x128xf32, #tpu.memory_space<hbm>> -> memref<1x1x1x32x8x128xf32, #tpu.memory_space<hbm>>
            %dma_wait3A_489 = tpu.memref_squeeze %dma_wait3A_488 : memref<1x1x1x32x8x128xf32, #tpu.memory_space<hbm>> -> memref<32x8x128xf32, #tpu.memory_space<hbm>>
            %dma_wait3A_490 = arith.constant 0 : i32
            %dma_wait3A_491 = arith.constant 0 : i32
            %dma_wait3A_492 = arith.constant 0 : i32
            %dma_wait3A_493 = tpu.memref_slice %arg11[%dma_wait3A_471, %dma_wait3A_490, %dma_wait3A_491, %dma_wait3A_492] : memref<2x32x8x128xf32, #tpu.memory_space<vmem>> -> memref<1x32x8x128xf32, #tpu.memory_space<vmem>>
            %dma_wait3A_494 = tpu.memref_squeeze %dma_wait3A_493 : memref<1x32x8x128xf32, #tpu.memory_space<vmem>> -> memref<32x8x128xf32, #tpu.memory_space<vmem>>
            tpu.wait_dma2 semaphore(%arg17 : memref<!tpu.dma_semaphore, #tpu.memory_space<semaphore_mem>>) src(%dma_wait3A_494 : memref<32x8x128xf32, #tpu.memory_space<vmem>>) dst(%dma_wait3A_489 : memref<32x8x128xf32, #tpu.memory_space<hbm>>)
          } else {
          }
          "tpu.region"() ({
            %run_scoped3A = tpu.sem_alloc : memref<!tpu.dma_semaphore, #tpu.memory_space<semaphore_mem>>
            %dma_start3A_304 = arith.constant 0 : i32
            %dma_start3A_305 = tpu.memref_slice %arg2[%add3A_113, %dma_start3A_304] : memref<100x4096xi32, #tpu.memory_space<hbm>> -> memref<1x4096xi32, #tpu.memory_space<hbm>>
            %dma_start3A_306 = tpu.memref_squeeze %dma_start3A_305 : memref<1x4096xi32, #tpu.memory_space<hbm>> -> memref<4096xi32, #tpu.memory_space<hbm>>
            %dma_start3A_307 = arith.constant 0 : i32
            %dma_start3A_308 = tpu.memref_slice %arg2[%add3A_113, %dma_start3A_307] : memref<100x4096xi32, #tpu.memory_space<hbm>> -> memref<1x4096xi32, #tpu.memory_space<hbm>>
            %dma_start3A_309 = tpu.memref_squeeze %dma_start3A_308 : memref<1x4096xi32, #tpu.memory_space<hbm>> -> memref<4096xi32, #tpu.memory_space<hbm>>
            tpu.enqueue_dma source(%dma_start3A_309 : memref<4096xi32, #tpu.memory_space<hbm>>) target(%arg5 : memref<4096xi32, #tpu.memory_space<vmem>>) target_semaphore(%run_scoped3A : memref<!tpu.dma_semaphore, #tpu.memory_space<semaphore_mem>>)
            %dma_wait3A = arith.constant 0 : i32
            %dma_wait3A_310 = tpu.memref_slice %arg2[%add3A_113, %dma_wait3A] : memref<100x4096xi32, #tpu.memory_space<hbm>> -> memref<1x4096xi32, #tpu.memory_space<hbm>>
            %dma_wait3A_311 = tpu.memref_squeeze %dma_wait3A_310 : memref<1x4096xi32, #tpu.memory_space<hbm>> -> memref<4096xi32, #tpu.memory_space<hbm>>
            %dma_wait3A_312 = arith.constant 0 : i32
            %dma_wait3A_313 = tpu.memref_slice %arg2[%add3A_113, %dma_wait3A_312] : memref<100x4096xi32, #tpu.memory_space<hbm>> -> memref<1x4096xi32, #tpu.memory_space<hbm>>
            %dma_wait3A_314 = tpu.memref_squeeze %dma_wait3A_313 : memref<1x4096xi32, #tpu.memory_space<hbm>> -> memref<4096xi32, #tpu.memory_space<hbm>>
            tpu.wait_dma2 semaphore(%run_scoped3A : memref<!tpu.dma_semaphore, #tpu.memory_space<semaphore_mem>>) src(%dma_wait3A_314 : memref<4096xi32, #tpu.memory_space<hbm>>) dst(%arg5 : memref<4096xi32, #tpu.memory_space<vmem>>)
            tpu.yield
          }) : () -> ()
          %parallel_loop3A = arith.constant 0 : i32
          %parallel_loop3A_119 = arith.constant 32 : i32
          %parallel_loop3A_120 = arith.constant 1 : i32
          scf.for %parallel_loop3A_304 = %parallel_loop3A to %parallel_loop3A_119 step %parallel_loop3A_120  : i32 {
            %parallel_loop3A_305 = arith.constant 128 : i32
            %parallel_loop3A_306 = arith.muli %parallel_loop3A_304, %parallel_loop3A_305 : i32
            %parallel_loop3A_307 = arith.constant 0 : i32
            %parallel_loop3A_308 = arith.addi %parallel_loop3A_306, %parallel_loop3A_307 : i32
            %parallel_loop3A_309 = arith.index_cast %parallel_loop3A_308 : i32 to index
            %parallel_loop3A_310 = tpu.vector_load %arg5[%parallel_loop3A_309] {strides = array<i32>} : memref<4096xi32, #tpu.memory_space<vmem>>, vector<16xi32>,
            %parallel_loop3A_311 = arith.constant 0 : i32
            %parallel_loop3A_312 = vector.broadcast %parallel_loop3A_311 : i32 to vector<16xi32>
            %parallel_loop3A_313 = arith.cmpi slt, %parallel_loop3A_310, %parallel_loop3A_312 : vector<16xi32>
            %parallel_loop3A_314 = arith.constant 0.000000e+00 : f32
            %parallel_loop3A_315 = arith.constant 1.000000e+00 : f32
            %parallel_loop3A_316 = vector.broadcast %parallel_loop3A_314 : f32 to vector<16xf32>
            %parallel_loop3A_317 = vector.broadcast %parallel_loop3A_315 : f32 to vector<16xf32>
            %parallel_loop3A_318 = arith.select %parallel_loop3A_313, %parallel_loop3A_316, %parallel_loop3A_317 : vector<16xi1>, vector<16xf32>
            %parallel_loop3A_319 = arith.constant 1 : i32
            %parallel_loop3A_320 = arith.constant 0 : i32
            %parallel_loop3A_321 = arith.index_cast %parallel_loop3A_319 : i32 to index
            %parallel_loop3A_322 = arith.index_cast %parallel_loop3A_304 : i32 to index
            %parallel_loop3A_323 = arith.index_cast %parallel_loop3A_320 : i32 to index
            %parallel_loop3A_324 = arith.constant 0 : index
            %parallel_loop3A_325 = tpu.vector_load %arg11[%parallel_loop3A_321, %parallel_loop3A_322, %parallel_loop3A_323, %parallel_loop3A_324] {strides = array<i32>} : memref<2x32x8x128xf32, #tpu.memory_space<vmem>>, vector<16xf32>,
            tpu.vector_store %arg11[%parallel_loop3A_321, %parallel_loop3A_322, %parallel_loop3A_323, %parallel_loop3A_324], %parallel_loop3A_318 {strides = array<i32>} : memref<2x32x8x128xf32, #tpu.memory_space<vmem>>, vector<16xf32>,
            %parallel_loop3A_326 = arith.constant 1 : i32
            %parallel_loop3A_327 = arith.constant 1 : i32
            %parallel_loop3A_328 = arith.index_cast %parallel_loop3A_326 : i32 to index
            %parallel_loop3A_329 = arith.index_cast %parallel_loop3A_304 : i32 to index
            %parallel_loop3A_330 = arith.index_cast %parallel_loop3A_327 : i32 to index
            %parallel_loop3A_331 = arith.constant 0 : index
            %parallel_loop3A_332 = tpu.vector_load %arg11[%parallel_loop3A_328, %parallel_loop3A_329, %parallel_loop3A_330, %parallel_loop3A_331] {strides = array<i32>} : memref<2x32x8x128xf32, #tpu.memory_space<vmem>>, vector<16xf32>,
            tpu.vector_store %arg11[%parallel_loop3A_328, %parallel_loop3A_329, %parallel_loop3A_330, %parallel_loop3A_331], %parallel_loop3A_318 {strides = array<i32>} : memref<2x32x8x128xf32, #tpu.memory_space<vmem>>, vector<16xf32>,
            %parallel_loop3A_333 = arith.constant 1 : i32
            %parallel_loop3A_334 = arith.constant 2 : i32
            %parallel_loop3A_335 = arith.index_cast %parallel_loop3A_333 : i32 to index
            %parallel_loop3A_336 = arith.index_cast %parallel_loop3A_304 : i32 to index
            %parallel_loop3A_337 = arith.index_cast %parallel_loop3A_334 : i32 to index
            %parallel_loop3A_338 = arith.constant 0 : index
            %parallel_loop3A_339 = tpu.vector_load %arg11[%parallel_loop3A_335, %parallel_loop3A_336, %parallel_loop3A_337, %parallel_loop3A_338] {strides = array<i32>} : memref<2x32x8x128xf32, #tpu.memory_space<vmem>>, vector<16xf32>,
            tpu.vector_store %arg11[%parallel_loop3A_335, %parallel_loop3A_336, %parallel_loop3A_337, %parallel_loop3A_338], %parallel_loop3A_318 {strides = array<i32>} : memref<2x32x8x128xf32, #tpu.memory_space<vmem>>, vector<16xf32>,
            %parallel_loop3A_340 = arith.constant 1 : i32
            %parallel_loop3A_341 = arith.constant 3 : i32
            %parallel_loop3A_342 = arith.index_cast %parallel_loop3A_340 : i32 to index
            %parallel_loop3A_343 = arith.index_cast %parallel_loop3A_304 : i32 to index
            %parallel_loop3A_344 = arith.index_cast %parallel_loop3A_341 : i32 to index
            %parallel_loop3A_345 = arith.constant 0 : index
            %parallel_loop3A_346 = tpu.vector_load %arg11[%parallel_loop3A_342, %parallel_loop3A_343, %parallel_loop3A_344, %parallel_loop3A_345] {strides = array<i32>} : memref<2x32x8x128xf32, #tpu.memory_space<vmem>>, vector<16xf32>,
            tpu.vector_store %arg11[%parallel_loop3A_342, %parallel_loop3A_343, %parallel_loop3A_344, %parallel_loop3A_345], %parallel_loop3A_318 {strides = array<i32>} : memref<2x32x8x128xf32, #tpu.memory_space<vmem>>, vector<16xf32>,
            %parallel_loop3A_347 = arith.constant 1 : i32
            %parallel_loop3A_348 = arith.constant 4 : i32
            %parallel_loop3A_349 = arith.index_cast %parallel_loop3A_347 : i32 to index
            %parallel_loop3A_350 = arith.index_cast %parallel_loop3A_304 : i32 to index
            %parallel_loop3A_351 = arith.index_cast %parallel_loop3A_348 : i32 to index
            %parallel_loop3A_352 = arith.constant 0 : index
            %parallel_loop3A_353 = tpu.vector_load %arg11[%parallel_loop3A_349, %parallel_loop3A_350, %parallel_loop3A_351, %parallel_loop3A_352] {strides = array<i32>} : memref<2x32x8x128xf32, #tpu.memory_space<vmem>>, vector<16xf32>,
            tpu.vector_store %arg11[%parallel_loop3A_349, %parallel_loop3A_350, %parallel_loop3A_351, %parallel_loop3A_352], %parallel_loop3A_318 {strides = array<i32>} : memref<2x32x8x128xf32, #tpu.memory_space<vmem>>, vector<16xf32>,
            %parallel_loop3A_354 = arith.constant 1 : i32
            %parallel_loop3A_355 = arith.constant 5 : i32
            %parallel_loop3A_356 = arith.index_cast %parallel_loop3A_354 : i32 to index
            %parallel_loop3A_357 = arith.index_cast %parallel_loop3A_304 : i32 to index
            %parallel_loop3A_358 = arith.index_cast %parallel_loop3A_355 : i32 to index
            %parallel_loop3A_359 = arith.constant 0 : index
            %parallel_loop3A_360 = tpu.vector_load %arg11[%parallel_loop3A_356, %parallel_loop3A_357, %parallel_loop3A_358, %parallel_loop3A_359] {strides = array<i32>} : memref<2x32x8x128xf32, #tpu.memory_space<vmem>>, vector<16xf32>,
            tpu.vector_store %arg11[%parallel_loop3A_356, %parallel_loop3A_357, %parallel_loop3A_358, %parallel_loop3A_359], %parallel_loop3A_318 {strides = array<i32>} : memref<2x32x8x128xf32, #tpu.memory_space<vmem>>, vector<16xf32>,
            %parallel_loop3A_361 = arith.constant 1 : i32
            %parallel_loop3A_362 = arith.constant 6 : i32
            %parallel_loop3A_363 = arith.index_cast %parallel_loop3A_361 : i32 to index
            %parallel_loop3A_364 = arith.index_cast %parallel_loop3A_304 : i32 to index
            %parallel_loop3A_365 = arith.index_cast %parallel_loop3A_362 : i32 to index
            %parallel_loop3A_366 = arith.constant 0 : index
            %parallel_loop3A_367 = tpu.vector_load %arg11[%parallel_loop3A_363, %parallel_loop3A_364, %parallel_loop3A_365, %parallel_loop3A_366] {strides = array<i32>} : memref<2x32x8x128xf32, #tpu.memory_space<vmem>>, vector<16xf32>,
            tpu.vector_store %arg11[%parallel_loop3A_363, %parallel_loop3A_364, %parallel_loop3A_365, %parallel_loop3A_366], %parallel_loop3A_318 {strides = array<i32>} : memref<2x32x8x128xf32, #tpu.memory_space<vmem>>, vector<16xf32>,
            %parallel_loop3A_368 = arith.constant 1 : i32
            %parallel_loop3A_369 = arith.constant 7 : i32
            %parallel_loop3A_370 = arith.index_cast %parallel_loop3A_368 : i32 to index
            %parallel_loop3A_371 = arith.index_cast %parallel_loop3A_304 : i32 to index
            %parallel_loop3A_372 = arith.index_cast %parallel_loop3A_369 : i32 to index
            %parallel_loop3A_373 = arith.constant 0 : index
            %parallel_loop3A_374 = tpu.vector_load %arg11[%parallel_loop3A_370, %parallel_loop3A_371, %parallel_loop3A_372, %parallel_loop3A_373] {strides = array<i32>} : memref<2x32x8x128xf32, #tpu.memory_space<vmem>>, vector<16xf32>,
            tpu.vector_store %arg11[%parallel_loop3A_370, %parallel_loop3A_371, %parallel_loop3A_372, %parallel_loop3A_373], %parallel_loop3A_318 {strides = array<i32>} : memref<2x32x8x128xf32, #tpu.memory_space<vmem>>, vector<16xf32>,
            %parallel_loop3A_375 = arith.constant 128 : i32
            %parallel_loop3A_376 = arith.muli %parallel_loop3A_304, %parallel_loop3A_375 : i32
            %parallel_loop3A_377 = arith.constant 16 : i32
            %parallel_loop3A_378 = arith.addi %parallel_loop3A_376, %parallel_loop3A_377 : i32
            %parallel_loop3A_379 = arith.index_cast %parallel_loop3A_378 : i32 to index
            %parallel_loop3A_380 = tpu.vector_load %arg5[%parallel_loop3A_379] {strides = array<i32>} : memref<4096xi32, #tpu.memory_space<vmem>>, vector<16xi32>,
            %parallel_loop3A_381 = arith.constant 0 : i32
            %parallel_loop3A_382 = vector.broadcast %parallel_loop3A_381 : i32 to vector<16xi32>
            %parallel_loop3A_383 = arith.cmpi slt, %parallel_loop3A_380, %parallel_loop3A_382 : vector<16xi32>
            %parallel_loop3A_384 = arith.constant 0.000000e+00 : f32
            %parallel_loop3A_385 = arith.constant 1.000000e+00 : f32
            %parallel_loop3A_386 = vector.broadcast %parallel_loop3A_384 : f32 to vector<16xf32>
            %parallel_loop3A_387 = vector.broadcast %parallel_loop3A_385 : f32 to vector<16xf32>
            %parallel_loop3A_388 = arith.select %parallel_loop3A_383, %parallel_loop3A_386, %parallel_loop3A_387 : vector<16xi1>, vector<16xf32>
            %parallel_loop3A_389 = arith.constant 1 : i32
            %parallel_loop3A_390 = arith.constant 0 : i32
            %parallel_loop3A_391 = arith.index_cast %parallel_loop3A_389 : i32 to index
            %parallel_loop3A_392 = arith.index_cast %parallel_loop3A_304 : i32 to index
            %parallel_loop3A_393 = arith.index_cast %parallel_loop3A_390 : i32 to index
            %parallel_loop3A_394 = arith.constant 16 : index
            %parallel_loop3A_395 = tpu.vector_load %arg11[%parallel_loop3A_391, %parallel_loop3A_392, %parallel_loop3A_393, %parallel_loop3A_394] {strides = array<i32>} : memref<2x32x8x128xf32, #tpu.memory_space<vmem>>, vector<16xf32>,
            tpu.vector_store %arg11[%parallel_loop3A_391, %parallel_loop3A_392, %parallel_loop3A_393, %parallel_loop3A_394], %parallel_loop3A_388 {strides = array<i32>} : memref<2x32x8x128xf32, #tpu.memory_space<vmem>>, vector<16xf32>,
            %parallel_loop3A_396 = arith.constant 1 : i32
            %parallel_loop3A_397 = arith.constant 1 : i32
            %parallel_loop3A_398 = arith.index_cast %parallel_loop3A_396 : i32 to index
            %parallel_loop3A_399 = arith.index_cast %parallel_loop3A_304 : i32 to index
            %parallel_loop3A_400 = arith.index_cast %parallel_loop3A_397 : i32 to index
            %parallel_loop3A_401 = arith.constant 16 : index
            %parallel_loop3A_402 = tpu.vector_load %arg11[%parallel_loop3A_398, %parallel_loop3A_399, %parallel_loop3A_400, %parallel_loop3A_401] {strides = array<i32>} : memref<2x32x8x128xf32, #tpu.memory_space<vmem>>, vector<16xf32>,
            tpu.vector_store %arg11[%parallel_loop3A_398, %parallel_loop3A_399, %parallel_loop3A_400, %parallel_loop3A_401], %parallel_loop3A_388 {strides = array<i32>} : memref<2x32x8x128xf32, #tpu.memory_space<vmem>>, vector<16xf32>,
            %parallel_loop3A_403 = arith.constant 1 : i32
            %parallel_loop3A_404 = arith.constant 2 : i32
            %parallel_loop3A_405 = arith.index_cast %parallel_loop3A_403 : i32 to index
            %parallel_loop3A_406 = arith.index_cast %parallel_loop3A_304 : i32 to index
            %parallel_loop3A_407 = arith.index_cast %parallel_loop3A_404 : i32 to index
            %parallel_loop3A_408 = arith.constant 16 : index
            %parallel_loop3A_409 = tpu.vector_load %arg11[%parallel_loop3A_405, %parallel_loop3A_406, %parallel_loop3A_407, %parallel_loop3A_408] {strides = array<i32>} : memref<2x32x8x128xf32, #tpu.memory_space<vmem>>, vector<16xf32>,
            tpu.vector_store %arg11[%parallel_loop3A_405, %parallel_loop3A_406, %parallel_loop3A_407, %parallel_loop3A_408], %parallel_loop3A_388 {strides = array<i32>} : memref<2x32x8x128xf32, #tpu.memory_space<vmem>>, vector<16xf32>,
            %parallel_loop3A_410 = arith.constant 1 : i32
            %parallel_loop3A_411 = arith.constant 3 : i32
            %parallel_loop3A_412 = arith.index_cast %parallel_loop3A_410 : i32 to index
            %parallel_loop3A_413 = arith.index_cast %parallel_loop3A_304 : i32 to index
            %parallel_loop3A_414 = arith.index_cast %parallel_loop3A_411 : i32 to index
            %parallel_loop3A_415 = arith.constant 16 : index
            %parallel_loop3A_416 = tpu.vector_load %arg11[%parallel_loop3A_412, %parallel_loop3A_413, %parallel_loop3A_414, %parallel_loop3A_415] {strides = array<i32>} : memref<2x32x8x128xf32, #tpu.memory_space<vmem>>, vector<16xf32>,
            tpu.vector_store %arg11[%parallel_loop3A_412, %parallel_loop3A_413, %parallel_loop3A_414, %parallel_loop3A_415], %parallel_loop3A_388 {strides = array<i32>} : memref<2x32x8x128xf32, #tpu.memory_space<vmem>>, vector<16xf32>,
            %parallel_loop3A_417 = arith.constant 1 : i32
            %parallel_loop3A_418 = arith.constant 4 : i32
            %parallel_loop3A_419 = arith.index_cast %parallel_loop3A_417 : i32 to index
            %parallel_loop3A_420 = arith.index_cast %parallel_loop3A_304 : i32 to index
            %parallel_loop3A_421 = arith.index_cast %parallel_loop3A_418 : i32 to index
            %parallel_loop3A_422 = arith.constant 16 : index
            %parallel_loop3A_423 = tpu.vector_load %arg11[%parallel_loop3A_419, %parallel_loop3A_420, %parallel_loop3A_421, %parallel_loop3A_422] {strides = array<i32>} : memref<2x32x8x128xf32, #tpu.memory_space<vmem>>, vector<16xf32>,
            tpu.vector_store %arg11[%parallel_loop3A_419, %parallel_loop3A_420, %parallel_loop3A_421, %parallel_loop3A_422], %parallel_loop3A_388 {strides = array<i32>} : memref<2x32x8x128xf32, #tpu.memory_space<vmem>>, vector<16xf32>,
            %parallel_loop3A_424 = arith.constant 1 : i32
            %parallel_loop3A_425 = arith.constant 5 : i32
            %parallel_loop3A_426 = arith.index_cast %parallel_loop3A_424 : i32 to index
            %parallel_loop3A_427 = arith.index_cast %parallel_loop3A_304 : i32 to index
            %parallel_loop3A_428 = arith.index_cast %parallel_loop3A_425 : i32 to index
            %parallel_loop3A_429 = arith.constant 16 : index
            %parallel_loop3A_430 = tpu.vector_load %arg11[%parallel_loop3A_426, %parallel_loop3A_427, %parallel_loop3A_428, %parallel_loop3A_429] {strides = array<i32>} : memref<2x32x8x128xf32, #tpu.memory_space<vmem>>, vector<16xf32>,
            tpu.vector_store %arg11[%parallel_loop3A_426, %parallel_loop3A_427, %parallel_loop3A_428, %parallel_loop3A_429], %parallel_loop3A_388 {strides = array<i32>} : memref<2x32x8x128xf32, #tpu.memory_space<vmem>>, vector<16xf32>,
            %parallel_loop3A_431 = arith.constant 1 : i32
            %parallel_loop3A_432 = arith.constant 6 : i32
            %parallel_loop3A_433 = arith.index_cast %parallel_loop3A_431 : i32 to index
            %parallel_loop3A_434 = arith.index_cast %parallel_loop3A_304 : i32 to index
            %parallel_loop3A_435 = arith.index_cast %parallel_loop3A_432 : i32 to index
            %parallel_loop3A_436 = arith.constant 16 : index
            %parallel_loop3A_437 = tpu.vector_load %arg11[%parallel_loop3A_433, %parallel_loop3A_434, %parallel_loop3A_435, %parallel_loop3A_436] {strides = array<i32>} : memref<2x32x8x128xf32, #tpu.memory_space<vmem>>, vector<16xf32>,
            tpu.vector_store %arg11[%parallel_loop3A_433, %parallel_loop3A_434, %parallel_loop3A_435, %parallel_loop3A_436], %parallel_loop3A_388 {strides = array<i32>} : memref<2x32x8x128xf32, #tpu.memory_space<vmem>>, vector<16xf32>,
            %parallel_loop3A_438 = arith.constant 1 : i32
            %parallel_loop3A_439 = arith.constant 7 : i32
            %parallel_loop3A_440 = arith.index_cast %parallel_loop3A_438 : i32 to index
            %parallel_loop3A_441 = arith.index_cast %parallel_loop3A_304 : i32 to index
            %parallel_loop3A_442 = arith.index_cast %parallel_loop3A_439 : i32 to index
            %parallel_loop3A_443 = arith.constant 16 : index
            %parallel_loop3A_444 = tpu.vector_load %arg11[%parallel_loop3A_440, %parallel_loop3A_441, %parallel_loop3A_442, %parallel_loop3A_443] {strides = array<i32>} : memref<2x32x8x128xf32, #tpu.memory_space<vmem>>, vector<16xf32>,
            tpu.vector_store %arg11[%parallel_loop3A_440, %parallel_loop3A_441, %parallel_loop3A_442, %parallel_loop3A_443], %parallel_loop3A_388 {strides = array<i32>} : memref<2x32x8x128xf32, #tpu.memory_space<vmem>>, vector<16xf32>,
            %parallel_loop3A_445 = arith.constant 128 : i32
            %parallel_loop3A_446 = arith.muli %parallel_loop3A_304, %parallel_loop3A_445 : i32
            %parallel_loop3A_447 = arith.constant 32 : i32
            %parallel_loop3A_448 = arith.addi %parallel_loop3A_446, %parallel_loop3A_447 : i32
            %parallel_loop3A_449 = arith.index_cast %parallel_loop3A_448 : i32 to index
            %parallel_loop3A_450 = tpu.vector_load %arg5[%parallel_loop3A_449] {strides = array<i32>} : memref<4096xi32, #tpu.memory_space<vmem>>, vector<16xi32>,
            %parallel_loop3A_451 = arith.constant 0 : i32
            %parallel_loop3A_452 = vector.broadcast %parallel_loop3A_451 : i32 to vector<16xi32>
            %parallel_loop3A_453 = arith.cmpi slt, %parallel_loop3A_450, %parallel_loop3A_452 : vector<16xi32>
            %parallel_loop3A_454 = arith.constant 0.000000e+00 : f32
            %parallel_loop3A_455 = arith.constant 1.000000e+00 : f32
            %parallel_loop3A_456 = vector.broadcast %parallel_loop3A_454 : f32 to vector<16xf32>
            %parallel_loop3A_457 = vector.broadcast %parallel_loop3A_455 : f32 to vector<16xf32>
            %parallel_loop3A_458 = arith.select %parallel_loop3A_453, %parallel_loop3A_456, %parallel_loop3A_457 : vector<16xi1>, vector<16xf32>
            %parallel_loop3A_459 = arith.constant 1 : i32
            %parallel_loop3A_460 = arith.constant 0 : i32
            %parallel_loop3A_461 = arith.index_cast %parallel_loop3A_459 : i32 to index
            %parallel_loop3A_462 = arith.index_cast %parallel_loop3A_304 : i32 to index
            %parallel_loop3A_463 = arith.index_cast %parallel_loop3A_460 : i32 to index
            %parallel_loop3A_464 = arith.constant 32 : index
            %parallel_loop3A_465 = tpu.vector_load %arg11[%parallel_loop3A_461, %parallel_loop3A_462, %parallel_loop3A_463, %parallel_loop3A_464] {strides = array<i32>} : memref<2x32x8x128xf32, #tpu.memory_space<vmem>>, vector<16xf32>,
            tpu.vector_store %arg11[%parallel_loop3A_461, %parallel_loop3A_462, %parallel_loop3A_463, %parallel_loop3A_464], %parallel_loop3A_458 {strides = array<i32>} : memref<2x32x8x128xf32, #tpu.memory_space<vmem>>, vector<16xf32>,
            %parallel_loop3A_466 = arith.constant 1 : i32
            %parallel_loop3A_467 = arith.constant 1 : i32
            %parallel_loop3A_468 = arith.index_cast %parallel_loop3A_466 : i32 to index
            %parallel_loop3A_469 = arith.index_cast %parallel_loop3A_304 : i32 to index
            %parallel_loop3A_470 = arith.index_cast %parallel_loop3A_467 : i32 to index
            %parallel_loop3A_471 = arith.constant 32 : index
            %parallel_loop3A_472 = tpu.vector_load %arg11[%parallel_loop3A_468, %parallel_loop3A_469, %parallel_loop3A_470, %parallel_loop3A_471] {strides = array<i32>} : memref<2x32x8x128xf32, #tpu.memory_space<vmem>>, vector<16xf32>,
            tpu.vector_store %arg11[%parallel_loop3A_468, %parallel_loop3A_469, %parallel_loop3A_470, %parallel_loop3A_471], %parallel_loop3A_458 {strides = array<i32>} : memref<2x32x8x128xf32, #tpu.memory_space<vmem>>, vector<16xf32>,
            %parallel_loop3A_473 = arith.constant 1 : i32
            %parallel_loop3A_474 = arith.constant 2 : i32
            %parallel_loop3A_475 = arith.index_cast %parallel_loop3A_473 : i32 to index
            %parallel_loop3A_476 = arith.index_cast %parallel_loop3A_304 : i32 to index
            %parallel_loop3A_477 = arith.index_cast %parallel_loop3A_474 : i32 to index
            %parallel_loop3A_478 = arith.constant 32 : index
            %parallel_loop3A_479 = tpu.vector_load %arg11[%parallel_loop3A_475, %parallel_loop3A_476, %parallel_loop3A_477, %parallel_loop3A_478] {strides = array<i32>} : memref<2x32x8x128xf32, #tpu.memory_space<vmem>>, vector<16xf32>,
            tpu.vector_store %arg11[%parallel_loop3A_475, %parallel_loop3A_476, %parallel_loop3A_477, %parallel_loop3A_478], %parallel_loop3A_458 {strides = array<i32>} : memref<2x32x8x128xf32, #tpu.memory_space<vmem>>, vector<16xf32>,
            %parallel_loop3A_480 = arith.constant 1 : i32
            %parallel_loop3A_481 = arith.constant 3 : i32
            %parallel_loop3A_482 = arith.index_cast %parallel_loop3A_480 : i32 to index
            %parallel_loop3A_483 = arith.index_cast %parallel_loop3A_304 : i32 to index
            %parallel_loop3A_484 = arith.index_cast %parallel_loop3A_481 : i32 to index
            %parallel_loop3A_485 = arith.constant 32 : index
            %parallel_loop3A_486 = tpu.vector_load %arg11[%parallel_loop3A_482, %parallel_loop3A_483, %parallel_loop3A_484, %parallel_loop3A_485] {strides = array<i32>} : memref<2x32x8x128xf32, #tpu.memory_space<vmem>>, vector<16xf32>,
            tpu.vector_store %arg11[%parallel_loop3A_482, %parallel_loop3A_483, %parallel_loop3A_484, %parallel_loop3A_485], %parallel_loop3A_458 {strides = array<i32>} : memref<2x32x8x128xf32, #tpu.memory_space<vmem>>, vector<16xf32>,
            %parallel_loop3A_487 = arith.constant 1 : i32
            %parallel_loop3A_488 = arith.constant 4 : i32
            %parallel_loop3A_489 = arith.index_cast %parallel_loop3A_487 : i32 to index
            %parallel_loop3A_490 = arith.index_cast %parallel_loop3A_304 : i32 to index
            %parallel_loop3A_491 = arith.index_cast %parallel_loop3A_488 : i32 to index
            %parallel_loop3A_492 = arith.constant 32 : index
            %parallel_loop3A_493 = tpu.vector_load %arg11[%parallel_loop3A_489, %parallel_loop3A_490, %parallel_loop3A_491, %parallel_loop3A_492] {strides = array<i32>} : memref<2x32x8x128xf32, #tpu.memory_space<vmem>>, vector<16xf32>,
            tpu.vector_store %arg11[%parallel_loop3A_489, %parallel_loop3A_490, %parallel_loop3A_491, %parallel_loop3A_492], %parallel_loop3A_458 {strides = array<i32>} : memref<2x32x8x128xf32, #tpu.memory_space<vmem>>, vector<16xf32>,
            %parallel_loop3A_494 = arith.constant 1 : i32
            %parallel_loop3A_495 = arith.constant 5 : i32
            %parallel_loop3A_496 = arith.index_cast %parallel_loop3A_494 : i32 to index
            %parallel_loop3A_497 = arith.index_cast %parallel_loop3A_304 : i32 to index
            %parallel_loop3A_498 = arith.index_cast %parallel_loop3A_495 : i32 to index
            %parallel_loop3A_499 = arith.constant 32 : index
            %parallel_loop3A_500 = tpu.vector_load %arg11[%parallel_loop3A_496, %parallel_loop3A_497, %parallel_loop3A_498, %parallel_loop3A_499] {strides = array<i32>} : memref<2x32x8x128xf32, #tpu.memory_space<vmem>>, vector<16xf32>,
            tpu.vector_store %arg11[%parallel_loop3A_496, %parallel_loop3A_497, %parallel_loop3A_498, %parallel_loop3A_499], %parallel_loop3A_458 {strides = array<i32>} : memref<2x32x8x128xf32, #tpu.memory_space<vmem>>, vector<16xf32>,
            %parallel_loop3A_501 = arith.constant 1 : i32
            %parallel_loop3A_502 = arith.constant 6 : i32
            %parallel_loop3A_503 = arith.index_cast %parallel_loop3A_501 : i32 to index
            %parallel_loop3A_504 = arith.index_cast %parallel_loop3A_304 : i32 to index
            %parallel_loop3A_505 = arith.index_cast %parallel_loop3A_502 : i32 to index
            %parallel_loop3A_506 = arith.constant 32 : index
            %parallel_loop3A_507 = tpu.vector_load %arg11[%parallel_loop3A_503, %parallel_loop3A_504, %parallel_loop3A_505, %parallel_loop3A_506] {strides = array<i32>} : memref<2x32x8x128xf32, #tpu.memory_space<vmem>>, vector<16xf32>,
            tpu.vector_store %arg11[%parallel_loop3A_503, %parallel_loop3A_504, %parallel_loop3A_505, %parallel_loop3A_506], %parallel_loop3A_458 {strides = array<i32>} : memref<2x32x8x128xf32, #tpu.memory_space<vmem>>, vector<16xf32>,
            %parallel_loop3A_508 = arith.constant 1 : i32
            %parallel_loop3A_509 = arith.constant 7 : i32
            %parallel_loop3A_510 = arith.index_cast %parallel_loop3A_508 : i32 to index
            %parallel_loop3A_511 = arith.index_cast %parallel_loop3A_304 : i32 to index
            %parallel_loop3A_512 = arith.index_cast %parallel_loop3A_509 : i32 to index
            %parallel_loop3A_513 = arith.constant 32 : index
            %parallel_loop3A_514 = tpu.vector_load %arg11[%parallel_loop3A_510, %parallel_loop3A_511, %parallel_loop3A_512, %parallel_loop3A_513] {strides = array<i32>} : memref<2x32x8x128xf32, #tpu.memory_space<vmem>>, vector<16xf32>,
            tpu.vector_store %arg11[%parallel_loop3A_510, %parallel_loop3A_511, %parallel_loop3A_512, %parallel_loop3A_513], %parallel_loop3A_458 {strides = array<i32>} : memref<2x32x8x128xf32, #tpu.memory_space<vmem>>, vector<16xf32>,
            %parallel_loop3A_515 = arith.constant 128 : i32
            %parallel_loop3A_516 = arith.muli %parallel_loop3A_304, %parallel_loop3A_515 : i32
            %parallel_loop3A_517 = arith.constant 48 : i32
            %parallel_loop3A_518 = arith.addi %parallel_loop3A_516, %parallel_loop3A_517 : i32
            %parallel_loop3A_519 = arith.index_cast %parallel_loop3A_518 : i32 to index
            %parallel_loop3A_520 = tpu.vector_load %arg5[%parallel_loop3A_519] {strides = array<i32>} : memref<4096xi32, #tpu.memory_space<vmem>>, vector<16xi32>,
            %parallel_loop3A_521 = arith.constant 0 : i32
            %parallel_loop3A_522 = vector.broadcast %parallel_loop3A_521 : i32 to vector<16xi32>
            %parallel_loop3A_523 = arith.cmpi slt, %parallel_loop3A_520, %parallel_loop3A_522 : vector<16xi32>
            %parallel_loop3A_524 = arith.constant 0.000000e+00 : f32
            %parallel_loop3A_525 = arith.constant 1.000000e+00 : f32
            %parallel_loop3A_526 = vector.broadcast %parallel_loop3A_524 : f32 to vector<16xf32>
            %parallel_loop3A_527 = vector.broadcast %parallel_loop3A_525 : f32 to vector<16xf32>
            %parallel_loop3A_528 = arith.select %parallel_loop3A_523, %parallel_loop3A_526, %parallel_loop3A_527 : vector<16xi1>, vector<16xf32>
            %parallel_loop3A_529 = arith.constant 1 : i32
            %parallel_loop3A_530 = arith.constant 0 : i32
            %parallel_loop3A_531 = arith.index_cast %parallel_loop3A_529 : i32 to index
            %parallel_loop3A_532 = arith.index_cast %parallel_loop3A_304 : i32 to index
            %parallel_loop3A_533 = arith.index_cast %parallel_loop3A_530 : i32 to index
            %parallel_loop3A_534 = arith.constant 48 : index
            %parallel_loop3A_535 = tpu.vector_load %arg11[%parallel_loop3A_531, %parallel_loop3A_532, %parallel_loop3A_533, %parallel_loop3A_534] {strides = array<i32>} : memref<2x32x8x128xf32, #tpu.memory_space<vmem>>, vector<16xf32>,
            tpu.vector_store %arg11[%parallel_loop3A_531, %parallel_loop3A_532, %parallel_loop3A_533, %parallel_loop3A_534], %parallel_loop3A_528 {strides = array<i32>} : memref<2x32x8x128xf32, #tpu.memory_space<vmem>>, vector<16xf32>,
            %parallel_loop3A_536 = arith.constant 1 : i32
            %parallel_loop3A_537 = arith.constant 1 : i32
            %parallel_loop3A_538 = arith.index_cast %parallel_loop3A_536 : i32 to index
            %parallel_loop3A_539 = arith.index_cast %parallel_loop3A_304 : i32 to index
            %parallel_loop3A_540 = arith.index_cast %parallel_loop3A_537 : i32 to index
            %parallel_loop3A_541 = arith.constant 48 : index
            %parallel_loop3A_542 = tpu.vector_load %arg11[%parallel_loop3A_538, %parallel_loop3A_539, %parallel_loop3A_540, %parallel_loop3A_541] {strides = array<i32>} : memref<2x32x8x128xf32, #tpu.memory_space<vmem>>, vector<16xf32>,
            tpu.vector_store %arg11[%parallel_loop3A_538, %parallel_loop3A_539, %parallel_loop3A_540, %parallel_loop3A_541], %parallel_loop3A_528 {strides = array<i32>} : memref<2x32x8x128xf32, #tpu.memory_space<vmem>>, vector<16xf32>,
            %parallel_loop3A_543 = arith.constant 1 : i32
            %parallel_loop3A_544 = arith.constant 2 : i32
            %parallel_loop3A_545 = arith.index_cast %parallel_loop3A_543 : i32 to index
            %parallel_loop3A_546 = arith.index_cast %parallel_loop3A_304 : i32 to index
            %parallel_loop3A_547 = arith.index_cast %parallel_loop3A_544 : i32 to index
            %parallel_loop3A_548 = arith.constant 48 : index
            %parallel_loop3A_549 = tpu.vector_load %arg11[%parallel_loop3A_545, %parallel_loop3A_546, %parallel_loop3A_547, %parallel_loop3A_548] {strides = array<i32>} : memref<2x32x8x128xf32, #tpu.memory_space<vmem>>, vector<16xf32>,
            tpu.vector_store %arg11[%parallel_loop3A_545, %parallel_loop3A_546, %parallel_loop3A_547, %parallel_loop3A_548], %parallel_loop3A_528 {strides = array<i32>} : memref<2x32x8x128xf32, #tpu.memory_space<vmem>>, vector<16xf32>,
            %parallel_loop3A_550 = arith.constant 1 : i32
            %parallel_loop3A_551 = arith.constant 3 : i32
            %parallel_loop3A_552 = arith.index_cast %parallel_loop3A_550 : i32 to index
            %parallel_loop3A_553 = arith.index_cast %parallel_loop3A_304 : i32 to index
            %parallel_loop3A_554 = arith.index_cast %parallel_loop3A_551 : i32 to index
            %parallel_loop3A_555 = arith.constant 48 : index
            %parallel_loop3A_556 = tpu.vector_load %arg11[%parallel_loop3A_552, %parallel_loop3A_553, %parallel_loop3A_554, %parallel_loop3A_555] {strides = array<i32>} : memref<2x32x8x128xf32, #tpu.memory_space<vmem>>, vector<16xf32>,
            tpu.vector_store %arg11[%parallel_loop3A_552, %parallel_loop3A_553, %parallel_loop3A_554, %parallel_loop3A_555], %parallel_loop3A_528 {strides = array<i32>} : memref<2x32x8x128xf32, #tpu.memory_space<vmem>>, vector<16xf32>,
            %parallel_loop3A_557 = arith.constant 1 : i32
            %parallel_loop3A_558 = arith.constant 4 : i32
            %parallel_loop3A_559 = arith.index_cast %parallel_loop3A_557 : i32 to index
            %parallel_loop3A_560 = arith.index_cast %parallel_loop3A_304 : i32 to index
            %parallel_loop3A_561 = arith.index_cast %parallel_loop3A_558 : i32 to index
            %parallel_loop3A_562 = arith.constant 48 : index
            %parallel_loop3A_563 = tpu.vector_load %arg11[%parallel_loop3A_559, %parallel_loop3A_560, %parallel_loop3A_561, %parallel_loop3A_562] {strides = array<i32>} : memref<2x32x8x128xf32, #tpu.memory_space<vmem>>, vector<16xf32>,
            tpu.vector_store %arg11[%parallel_loop3A_559, %parallel_loop3A_560, %parallel_loop3A_561, %parallel_loop3A_562], %parallel_loop3A_528 {strides = array<i32>} : memref<2x32x8x128xf32, #tpu.memory_space<vmem>>, vector<16xf32>,
            %parallel_loop3A_564 = arith.constant 1 : i32
            %parallel_loop3A_565 = arith.constant 5 : i32
            %parallel_loop3A_566 = arith.index_cast %parallel_loop3A_564 : i32 to index
            %parallel_loop3A_567 = arith.index_cast %parallel_loop3A_304 : i32 to index
            %parallel_loop3A_568 = arith.index_cast %parallel_loop3A_565 : i32 to index
            %parallel_loop3A_569 = arith.constant 48 : index
            %parallel_loop3A_570 = tpu.vector_load %arg11[%parallel_loop3A_566, %parallel_loop3A_567, %parallel_loop3A_568, %parallel_loop3A_569] {strides = array<i32>} : memref<2x32x8x128xf32, #tpu.memory_space<vmem>>, vector<16xf32>,
            tpu.vector_store %arg11[%parallel_loop3A_566, %parallel_loop3A_567, %parallel_loop3A_568, %parallel_loop3A_569], %parallel_loop3A_528 {strides = array<i32>} : memref<2x32x8x128xf32, #tpu.memory_space<vmem>>, vector<16xf32>,
            %parallel_loop3A_571 = arith.constant 1 : i32
            %parallel_loop3A_572 = arith.constant 6 : i32
            %parallel_loop3A_573 = arith.index_cast %parallel_loop3A_571 : i32 to index
            %parallel_loop3A_574 = arith.index_cast %parallel_loop3A_304 : i32 to index
            %parallel_loop3A_575 = arith.index_cast %parallel_loop3A_572 : i32 to index
            %parallel_loop3A_576 = arith.constant 48 : index
            %parallel_loop3A_577 = tpu.vector_load %arg11[%parallel_loop3A_573, %parallel_loop3A_574, %parallel_loop3A_575, %parallel_loop3A_576] {strides = array<i32>} : memref<2x32x8x128xf32, #tpu.memory_space<vmem>>, vector<16xf32>,
            tpu.vector_store %arg11[%parallel_loop3A_573, %parallel_loop3A_574, %parallel_loop3A_575, %parallel_loop3A_576], %parallel_loop3A_528 {strides = array<i32>} : memref<2x32x8x128xf32, #tpu.memory_space<vmem>>, vector<16xf32>,
            %parallel_loop3A_578 = arith.constant 1 : i32
            %parallel_loop3A_579 = arith.constant 7 : i32
            %parallel_loop3A_580 = arith.index_cast %parallel_loop3A_578 : i32 to index
            %parallel_loop3A_581 = arith.index_cast %parallel_loop3A_304 : i32 to index
            %parallel_loop3A_582 = arith.index_cast %parallel_loop3A_579 : i32 to index
            %parallel_loop3A_583 = arith.constant 48 : index
            %parallel_loop3A_584 = tpu.vector_load %arg11[%parallel_loop3A_580, %parallel_loop3A_581, %parallel_loop3A_582, %parallel_loop3A_583] {strides = array<i32>} : memref<2x32x8x128xf32, #tpu.memory_space<vmem>>, vector<16xf32>,
            tpu.vector_store %arg11[%parallel_loop3A_580, %parallel_loop3A_581, %parallel_loop3A_582, %parallel_loop3A_583], %parallel_loop3A_528 {strides = array<i32>} : memref<2x32x8x128xf32, #tpu.memory_space<vmem>>, vector<16xf32>,
            %parallel_loop3A_585 = arith.constant 128 : i32
            %parallel_loop3A_586 = arith.muli %parallel_loop3A_304, %parallel_loop3A_585 : i32
            %parallel_loop3A_587 = arith.constant 64 : i32
            %parallel_loop3A_588 = arith.addi %parallel_loop3A_586, %parallel_loop3A_587 : i32
            %parallel_loop3A_589 = arith.index_cast %parallel_loop3A_588 : i32 to index
            %parallel_loop3A_590 = tpu.vector_load %arg5[%parallel_loop3A_589] {strides = array<i32>} : memref<4096xi32, #tpu.memory_space<vmem>>, vector<16xi32>,
            %parallel_loop3A_591 = arith.constant 0 : i32
            %parallel_loop3A_592 = vector.broadcast %parallel_loop3A_591 : i32 to vector<16xi32>
            %parallel_loop3A_593 = arith.cmpi slt, %parallel_loop3A_590, %parallel_loop3A_592 : vector<16xi32>
            %parallel_loop3A_594 = arith.constant 0.000000e+00 : f32
            %parallel_loop3A_595 = arith.constant 1.000000e+00 : f32
            %parallel_loop3A_596 = vector.broadcast %parallel_loop3A_594 : f32 to vector<16xf32>
            %parallel_loop3A_597 = vector.broadcast %parallel_loop3A_595 : f32 to vector<16xf32>
            %parallel_loop3A_598 = arith.select %parallel_loop3A_593, %parallel_loop3A_596, %parallel_loop3A_597 : vector<16xi1>, vector<16xf32>
            %parallel_loop3A_599 = arith.constant 1 : i32
            %parallel_loop3A_600 = arith.constant 0 : i32
            %parallel_loop3A_601 = arith.index_cast %parallel_loop3A_599 : i32 to index
            %parallel_loop3A_602 = arith.index_cast %parallel_loop3A_304 : i32 to index
            %parallel_loop3A_603 = arith.index_cast %parallel_loop3A_600 : i32 to index
            %parallel_loop3A_604 = arith.constant 64 : index
            %parallel_loop3A_605 = tpu.vector_load %arg11[%parallel_loop3A_601, %parallel_loop3A_602, %parallel_loop3A_603, %parallel_loop3A_604] {strides = array<i32>} : memref<2x32x8x128xf32, #tpu.memory_space<vmem>>, vector<16xf32>,
            tpu.vector_store %arg11[%parallel_loop3A_601, %parallel_loop3A_602, %parallel_loop3A_603, %parallel_loop3A_604], %parallel_loop3A_598 {strides = array<i32>} : memref<2x32x8x128xf32, #tpu.memory_space<vmem>>, vector<16xf32>,
            %parallel_loop3A_606 = arith.constant 1 : i32
            %parallel_loop3A_607 = arith.constant 1 : i32
            %parallel_loop3A_608 = arith.index_cast %parallel_loop3A_606 : i32 to index
            %parallel_loop3A_609 = arith.index_cast %parallel_loop3A_304 : i32 to index
            %parallel_loop3A_610 = arith.index_cast %parallel_loop3A_607 : i32 to index
            %parallel_loop3A_611 = arith.constant 64 : index
            %parallel_loop3A_612 = tpu.vector_load %arg11[%parallel_loop3A_608, %parallel_loop3A_609, %parallel_loop3A_610, %parallel_loop3A_611] {strides = array<i32>} : memref<2x32x8x128xf32, #tpu.memory_space<vmem>>, vector<16xf32>,
            tpu.vector_store %arg11[%parallel_loop3A_608, %parallel_loop3A_609, %parallel_loop3A_610, %parallel_loop3A_611], %parallel_loop3A_598 {strides = array<i32>} : memref<2x32x8x128xf32, #tpu.memory_space<vmem>>, vector<16xf32>,
            %parallel_loop3A_613 = arith.constant 1 : i32
            %parallel_loop3A_614 = arith.constant 2 : i32
            %parallel_loop3A_615 = arith.index_cast %parallel_loop3A_613 : i32 to index
            %parallel_loop3A_616 = arith.index_cast %parallel_loop3A_304 : i32 to index
            %parallel_loop3A_617 = arith.index_cast %parallel_loop3A_614 : i32 to index
            %parallel_loop3A_618 = arith.constant 64 : index
            %parallel_loop3A_619 = tpu.vector_load %arg11[%parallel_loop3A_615, %parallel_loop3A_616, %parallel_loop3A_617, %parallel_loop3A_618] {strides = array<i32>} : memref<2x32x8x128xf32, #tpu.memory_space<vmem>>, vector<16xf32>,
            tpu.vector_store %arg11[%parallel_loop3A_615, %parallel_loop3A_616, %parallel_loop3A_617, %parallel_loop3A_618], %parallel_loop3A_598 {strides = array<i32>} : memref<2x32x8x128xf32, #tpu.memory_space<vmem>>, vector<16xf32>,
            %parallel_loop3A_620 = arith.constant 1 : i32
            %parallel_loop3A_621 = arith.constant 3 : i32
            %parallel_loop3A_622 = arith.index_cast %parallel_loop3A_620 : i32 to index
            %parallel_loop3A_623 = arith.index_cast %parallel_loop3A_304 : i32 to index
            %parallel_loop3A_624 = arith.index_cast %parallel_loop3A_621 : i32 to index
            %parallel_loop3A_625 = arith.constant 64 : index
            %parallel_loop3A_626 = tpu.vector_load %arg11[%parallel_loop3A_622, %parallel_loop3A_623, %parallel_loop3A_624, %parallel_loop3A_625] {strides = array<i32>} : memref<2x32x8x128xf32, #tpu.memory_space<vmem>>, vector<16xf32>,
            tpu.vector_store %arg11[%parallel_loop3A_622, %parallel_loop3A_623, %parallel_loop3A_624, %parallel_loop3A_625], %parallel_loop3A_598 {strides = array<i32>} : memref<2x32x8x128xf32, #tpu.memory_space<vmem>>, vector<16xf32>,
            %parallel_loop3A_627 = arith.constant 1 : i32
            %parallel_loop3A_628 = arith.constant 4 : i32
            %parallel_loop3A_629 = arith.index_cast %parallel_loop3A_627 : i32 to index
            %parallel_loop3A_630 = arith.index_cast %parallel_loop3A_304 : i32 to index
            %parallel_loop3A_631 = arith.index_cast %parallel_loop3A_628 : i32 to index
            %parallel_loop3A_632 = arith.constant 64 : index
            %parallel_loop3A_633 = tpu.vector_load %arg11[%parallel_loop3A_629, %parallel_loop3A_630, %parallel_loop3A_631, %parallel_loop3A_632] {strides = array<i32>} : memref<2x32x8x128xf32, #tpu.memory_space<vmem>>, vector<16xf32>,
            tpu.vector_store %arg11[%parallel_loop3A_629, %parallel_loop3A_630, %parallel_loop3A_631, %parallel_loop3A_632], %parallel_loop3A_598 {strides = array<i32>} : memref<2x32x8x128xf32, #tpu.memory_space<vmem>>, vector<16xf32>,
            %parallel_loop3A_634 = arith.constant 1 : i32
            %parallel_loop3A_635 = arith.constant 5 : i32
            %parallel_loop3A_636 = arith.index_cast %parallel_loop3A_634 : i32 to index
            %parallel_loop3A_637 = arith.index_cast %parallel_loop3A_304 : i32 to index
            %parallel_loop3A_638 = arith.index_cast %parallel_loop3A_635 : i32 to index
            %parallel_loop3A_639 = arith.constant 64 : index
            %parallel_loop3A_640 = tpu.vector_load %arg11[%parallel_loop3A_636, %parallel_loop3A_637, %parallel_loop3A_638, %parallel_loop3A_639] {strides = array<i32>} : memref<2x32x8x128xf32, #tpu.memory_space<vmem>>, vector<16xf32>,
            tpu.vector_store %arg11[%parallel_loop3A_636, %parallel_loop3A_637, %parallel_loop3A_638, %parallel_loop3A_639], %parallel_loop3A_598 {strides = array<i32>} : memref<2x32x8x128xf32, #tpu.memory_space<vmem>>, vector<16xf32>,
            %parallel_loop3A_641 = arith.constant 1 : i32
            %parallel_loop3A_642 = arith.constant 6 : i32
            %parallel_loop3A_643 = arith.index_cast %parallel_loop3A_641 : i32 to index
            %parallel_loop3A_644 = arith.index_cast %parallel_loop3A_304 : i32 to index
            %parallel_loop3A_645 = arith.index_cast %parallel_loop3A_642 : i32 to index
            %parallel_loop3A_646 = arith.constant 64 : index
            %parallel_loop3A_647 = tpu.vector_load %arg11[%parallel_loop3A_643, %parallel_loop3A_644, %parallel_loop3A_645, %parallel_loop3A_646] {strides = array<i32>} : memref<2x32x8x128xf32, #tpu.memory_space<vmem>>, vector<16xf32>,
            tpu.vector_store %arg11[%parallel_loop3A_643, %parallel_loop3A_644, %parallel_loop3A_645, %parallel_loop3A_646], %parallel_loop3A_598 {strides = array<i32>} : memref<2x32x8x128xf32, #tpu.memory_space<vmem>>, vector<16xf32>,
            %parallel_loop3A_648 = arith.constant 1 : i32
            %parallel_loop3A_649 = arith.constant 7 : i32
            %parallel_loop3A_650 = arith.index_cast %parallel_loop3A_648 : i32 to index
            %parallel_loop3A_651 = arith.index_cast %parallel_loop3A_304 : i32 to index
            %parallel_loop3A_652 = arith.index_cast %parallel_loop3A_649 : i32 to index
            %parallel_loop3A_653 = arith.constant 64 : index
            %parallel_loop3A_654 = tpu.vector_load %arg11[%parallel_loop3A_650, %parallel_loop3A_651, %parallel_loop3A_652, %parallel_loop3A_653] {strides = array<i32>} : memref<2x32x8x128xf32, #tpu.memory_space<vmem>>, vector<16xf32>,
            tpu.vector_store %arg11[%parallel_loop3A_650, %parallel_loop3A_651, %parallel_loop3A_652, %parallel_loop3A_653], %parallel_loop3A_598 {strides = array<i32>} : memref<2x32x8x128xf32, #tpu.memory_space<vmem>>, vector<16xf32>,
            %parallel_loop3A_655 = arith.constant 128 : i32
            %parallel_loop3A_656 = arith.muli %parallel_loop3A_304, %parallel_loop3A_655 : i32
            %parallel_loop3A_657 = arith.constant 80 : i32
            %parallel_loop3A_658 = arith.addi %parallel_loop3A_656, %parallel_loop3A_657 : i32
            %parallel_loop3A_659 = arith.index_cast %parallel_loop3A_658 : i32 to index
            %parallel_loop3A_660 = tpu.vector_load %arg5[%parallel_loop3A_659] {strides = array<i32>} : memref<4096xi32, #tpu.memory_space<vmem>>, vector<16xi32>,
            %parallel_loop3A_661 = arith.constant 0 : i32
            %parallel_loop3A_662 = vector.broadcast %parallel_loop3A_661 : i32 to vector<16xi32>
            %parallel_loop3A_663 = arith.cmpi slt, %parallel_loop3A_660, %parallel_loop3A_662 : vector<16xi32>
            %parallel_loop3A_664 = arith.constant 0.000000e+00 : f32
            %parallel_loop3A_665 = arith.constant 1.000000e+00 : f32
            %parallel_loop3A_666 = vector.broadcast %parallel_loop3A_664 : f32 to vector<16xf32>
            %parallel_loop3A_667 = vector.broadcast %parallel_loop3A_665 : f32 to vector<16xf32>
            %parallel_loop3A_668 = arith.select %parallel_loop3A_663, %parallel_loop3A_666, %parallel_loop3A_667 : vector<16xi1>, vector<16xf32>
            %parallel_loop3A_669 = arith.constant 1 : i32
            %parallel_loop3A_670 = arith.constant 0 : i32
            %parallel_loop3A_671 = arith.index_cast %parallel_loop3A_669 : i32 to index
            %parallel_loop3A_672 = arith.index_cast %parallel_loop3A_304 : i32 to index
            %parallel_loop3A_673 = arith.index_cast %parallel_loop3A_670 : i32 to index
            %parallel_loop3A_674 = arith.constant 80 : index
            %parallel_loop3A_675 = tpu.vector_load %arg11[%parallel_loop3A_671, %parallel_loop3A_672, %parallel_loop3A_673, %parallel_loop3A_674] {strides = array<i32>} : memref<2x32x8x128xf32, #tpu.memory_space<vmem>>, vector<16xf32>,
            tpu.vector_store %arg11[%parallel_loop3A_671, %parallel_loop3A_672, %parallel_loop3A_673, %parallel_loop3A_674], %parallel_loop3A_668 {strides = array<i32>} : memref<2x32x8x128xf32, #tpu.memory_space<vmem>>, vector<16xf32>,
            %parallel_loop3A_676 = arith.constant 1 : i32
            %parallel_loop3A_677 = arith.constant 1 : i32
            %parallel_loop3A_678 = arith.index_cast %parallel_loop3A_676 : i32 to index
            %parallel_loop3A_679 = arith.index_cast %parallel_loop3A_304 : i32 to index
            %parallel_loop3A_680 = arith.index_cast %parallel_loop3A_677 : i32 to index
            %parallel_loop3A_681 = arith.constant 80 : index
            %parallel_loop3A_682 = tpu.vector_load %arg11[%parallel_loop3A_678, %parallel_loop3A_679, %parallel_loop3A_680, %parallel_loop3A_681] {strides = array<i32>} : memref<2x32x8x128xf32, #tpu.memory_space<vmem>>, vector<16xf32>,
            tpu.vector_store %arg11[%parallel_loop3A_678, %parallel_loop3A_679, %parallel_loop3A_680, %parallel_loop3A_681], %parallel_loop3A_668 {strides = array<i32>} : memref<2x32x8x128xf32, #tpu.memory_space<vmem>>, vector<16xf32>,
            %parallel_loop3A_683 = arith.constant 1 : i32
            %parallel_loop3A_684 = arith.constant 2 : i32
            %parallel_loop3A_685 = arith.index_cast %parallel_loop3A_683 : i32 to index
            %parallel_loop3A_686 = arith.index_cast %parallel_loop3A_304 : i32 to index
            %parallel_loop3A_687 = arith.index_cast %parallel_loop3A_684 : i32 to index
            %parallel_loop3A_688 = arith.constant 80 : index
            %parallel_loop3A_689 = tpu.vector_load %arg11[%parallel_loop3A_685, %parallel_loop3A_686, %parallel_loop3A_687, %parallel_loop3A_688] {strides = array<i32>} : memref<2x32x8x128xf32, #tpu.memory_space<vmem>>, vector<16xf32>,
            tpu.vector_store %arg11[%parallel_loop3A_685, %parallel_loop3A_686, %parallel_loop3A_687, %parallel_loop3A_688], %parallel_loop3A_668 {strides = array<i32>} : memref<2x32x8x128xf32, #tpu.memory_space<vmem>>, vector<16xf32>,
            %parallel_loop3A_690 = arith.constant 1 : i32
            %parallel_loop3A_691 = arith.constant 3 : i32
            %parallel_loop3A_692 = arith.index_cast %parallel_loop3A_690 : i32 to index
            %parallel_loop3A_693 = arith.index_cast %parallel_loop3A_304 : i32 to index
            %parallel_loop3A_694 = arith.index_cast %parallel_loop3A_691 : i32 to index
            %parallel_loop3A_695 = arith.constant 80 : index
            %parallel_loop3A_696 = tpu.vector_load %arg11[%parallel_loop3A_692, %parallel_loop3A_693, %parallel_loop3A_694, %parallel_loop3A_695] {strides = array<i32>} : memref<2x32x8x128xf32, #tpu.memory_space<vmem>>, vector<16xf32>,
            tpu.vector_store %arg11[%parallel_loop3A_692, %parallel_loop3A_693, %parallel_loop3A_694, %parallel_loop3A_695], %parallel_loop3A_668 {strides = array<i32>} : memref<2x32x8x128xf32, #tpu.memory_space<vmem>>, vector<16xf32>,
            %parallel_loop3A_697 = arith.constant 1 : i32
            %parallel_loop3A_698 = arith.constant 4 : i32
            %parallel_loop3A_699 = arith.index_cast %parallel_loop3A_697 : i32 to index
            %parallel_loop3A_700 = arith.index_cast %parallel_loop3A_304 : i32 to index
            %parallel_loop3A_701 = arith.index_cast %parallel_loop3A_698 : i32 to index
            %parallel_loop3A_702 = arith.constant 80 : index
            %parallel_loop3A_703 = tpu.vector_load %arg11[%parallel_loop3A_699, %parallel_loop3A_700, %parallel_loop3A_701, %parallel_loop3A_702] {strides = array<i32>} : memref<2x32x8x128xf32, #tpu.memory_space<vmem>>, vector<16xf32>,
            tpu.vector_store %arg11[%parallel_loop3A_699, %parallel_loop3A_700, %parallel_loop3A_701, %parallel_loop3A_702], %parallel_loop3A_668 {strides = array<i32>} : memref<2x32x8x128xf32, #tpu.memory_space<vmem>>, vector<16xf32>,
            %parallel_loop3A_704 = arith.constant 1 : i32
            %parallel_loop3A_705 = arith.constant 5 : i32
            %parallel_loop3A_706 = arith.index_cast %parallel_loop3A_704 : i32 to index
            %parallel_loop3A_707 = arith.index_cast %parallel_loop3A_304 : i32 to index
            %parallel_loop3A_708 = arith.index_cast %parallel_loop3A_705 : i32 to index
            %parallel_loop3A_709 = arith.constant 80 : index
            %parallel_loop3A_710 = tpu.vector_load %arg11[%parallel_loop3A_706, %parallel_loop3A_707, %parallel_loop3A_708, %parallel_loop3A_709] {strides = array<i32>} : memref<2x32x8x128xf32, #tpu.memory_space<vmem>>, vector<16xf32>,
            tpu.vector_store %arg11[%parallel_loop3A_706, %parallel_loop3A_707, %parallel_loop3A_708, %parallel_loop3A_709], %parallel_loop3A_668 {strides = array<i32>} : memref<2x32x8x128xf32, #tpu.memory_space<vmem>>, vector<16xf32>,
            %parallel_loop3A_711 = arith.constant 1 : i32
            %parallel_loop3A_712 = arith.constant 6 : i32
            %parallel_loop3A_713 = arith.index_cast %parallel_loop3A_711 : i32 to index
            %parallel_loop3A_714 = arith.index_cast %parallel_loop3A_304 : i32 to index
            %parallel_loop3A_715 = arith.index_cast %parallel_loop3A_712 : i32 to index
            %parallel_loop3A_716 = arith.constant 80 : index
            %parallel_loop3A_717 = tpu.vector_load %arg11[%parallel_loop3A_713, %parallel_loop3A_714, %parallel_loop3A_715, %parallel_loop3A_716] {strides = array<i32>} : memref<2x32x8x128xf32, #tpu.memory_space<vmem>>, vector<16xf32>,
            tpu.vector_store %arg11[%parallel_loop3A_713, %parallel_loop3A_714, %parallel_loop3A_715, %parallel_loop3A_716], %parallel_loop3A_668 {strides = array<i32>} : memref<2x32x8x128xf32, #tpu.memory_space<vmem>>, vector<16xf32>,
            %parallel_loop3A_718 = arith.constant 1 : i32
            %parallel_loop3A_719 = arith.constant 7 : i32
            %parallel_loop3A_720 = arith.index_cast %parallel_loop3A_718 : i32 to index
            %parallel_loop3A_721 = arith.index_cast %parallel_loop3A_304 : i32 to index
            %parallel_loop3A_722 = arith.index_cast %parallel_loop3A_719 : i32 to index
            %parallel_loop3A_723 = arith.constant 80 : index
            %parallel_loop3A_724 = tpu.vector_load %arg11[%parallel_loop3A_720, %parallel_loop3A_721, %parallel_loop3A_722, %parallel_loop3A_723] {strides = array<i32>} : memref<2x32x8x128xf32, #tpu.memory_space<vmem>>, vector<16xf32>,
            tpu.vector_store %arg11[%parallel_loop3A_720, %parallel_loop3A_721, %parallel_loop3A_722, %parallel_loop3A_723], %parallel_loop3A_668 {strides = array<i32>} : memref<2x32x8x128xf32, #tpu.memory_space<vmem>>, vector<16xf32>,
            %parallel_loop3A_725 = arith.constant 128 : i32
            %parallel_loop3A_726 = arith.muli %parallel_loop3A_304, %parallel_loop3A_725 : i32
            %parallel_loop3A_727 = arith.constant 96 : i32
            %parallel_loop3A_728 = arith.addi %parallel_loop3A_726, %parallel_loop3A_727 : i32
            %parallel_loop3A_729 = arith.index_cast %parallel_loop3A_728 : i32 to index
            %parallel_loop3A_730 = tpu.vector_load %arg5[%parallel_loop3A_729] {strides = array<i32>} : memref<4096xi32, #tpu.memory_space<vmem>>, vector<16xi32>,
            %parallel_loop3A_731 = arith.constant 0 : i32
            %parallel_loop3A_732 = vector.broadcast %parallel_loop3A_731 : i32 to vector<16xi32>
            %parallel_loop3A_733 = arith.cmpi slt, %parallel_loop3A_730, %parallel_loop3A_732 : vector<16xi32>
            %parallel_loop3A_734 = arith.constant 0.000000e+00 : f32
            %parallel_loop3A_735 = arith.constant 1.000000e+00 : f32
            %parallel_loop3A_736 = vector.broadcast %parallel_loop3A_734 : f32 to vector<16xf32>
            %parallel_loop3A_737 = vector.broadcast %parallel_loop3A_735 : f32 to vector<16xf32>
            %parallel_loop3A_738 = arith.select %parallel_loop3A_733, %parallel_loop3A_736, %parallel_loop3A_737 : vector<16xi1>, vector<16xf32>
            %parallel_loop3A_739 = arith.constant 1 : i32
            %parallel_loop3A_740 = arith.constant 0 : i32
            %parallel_loop3A_741 = arith.index_cast %parallel_loop3A_739 : i32 to index
            %parallel_loop3A_742 = arith.index_cast %parallel_loop3A_304 : i32 to index
            %parallel_loop3A_743 = arith.index_cast %parallel_loop3A_740 : i32 to index
            %parallel_loop3A_744 = arith.constant 96 : index
            %parallel_loop3A_745 = tpu.vector_load %arg11[%parallel_loop3A_741, %parallel_loop3A_742, %parallel_loop3A_743, %parallel_loop3A_744] {strides = array<i32>} : memref<2x32x8x128xf32, #tpu.memory_space<vmem>>, vector<16xf32>,
            tpu.vector_store %arg11[%parallel_loop3A_741, %parallel_loop3A_742, %parallel_loop3A_743, %parallel_loop3A_744], %parallel_loop3A_738 {strides = array<i32>} : memref<2x32x8x128xf32, #tpu.memory_space<vmem>>, vector<16xf32>,
            %parallel_loop3A_746 = arith.constant 1 : i32
            %parallel_loop3A_747 = arith.constant 1 : i32
            %parallel_loop3A_748 = arith.index_cast %parallel_loop3A_746 : i32 to index
            %parallel_loop3A_749 = arith.index_cast %parallel_loop3A_304 : i32 to index
            %parallel_loop3A_750 = arith.index_cast %parallel_loop3A_747 : i32 to index
            %parallel_loop3A_751 = arith.constant 96 : index
            %parallel_loop3A_752 = tpu.vector_load %arg11[%parallel_loop3A_748, %parallel_loop3A_749, %parallel_loop3A_750, %parallel_loop3A_751] {strides = array<i32>} : memref<2x32x8x128xf32, #tpu.memory_space<vmem>>, vector<16xf32>,
            tpu.vector_store %arg11[%parallel_loop3A_748, %parallel_loop3A_749, %parallel_loop3A_750, %parallel_loop3A_751], %parallel_loop3A_738 {strides = array<i32>} : memref<2x32x8x128xf32, #tpu.memory_space<vmem>>, vector<16xf32>,
            %parallel_loop3A_753 = arith.constant 1 : i32
            %parallel_loop3A_754 = arith.constant 2 : i32
            %parallel_loop3A_755 = arith.index_cast %parallel_loop3A_753 : i32 to index
            %parallel_loop3A_756 = arith.index_cast %parallel_loop3A_304 : i32 to index
            %parallel_loop3A_757 = arith.index_cast %parallel_loop3A_754 : i32 to index
            %parallel_loop3A_758 = arith.constant 96 : index
            %parallel_loop3A_759 = tpu.vector_load %arg11[%parallel_loop3A_755, %parallel_loop3A_756, %parallel_loop3A_757, %parallel_loop3A_758] {strides = array<i32>} : memref<2x32x8x128xf32, #tpu.memory_space<vmem>>, vector<16xf32>,
            tpu.vector_store %arg11[%parallel_loop3A_755, %parallel_loop3A_756, %parallel_loop3A_757, %parallel_loop3A_758], %parallel_loop3A_738 {strides = array<i32>} : memref<2x32x8x128xf32, #tpu.memory_space<vmem>>, vector<16xf32>,
            %parallel_loop3A_760 = arith.constant 1 : i32
            %parallel_loop3A_761 = arith.constant 3 : i32
            %parallel_loop3A_762 = arith.index_cast %parallel_loop3A_760 : i32 to index
            %parallel_loop3A_763 = arith.index_cast %parallel_loop3A_304 : i32 to index
            %parallel_loop3A_764 = arith.index_cast %parallel_loop3A_761 : i32 to index
            %parallel_loop3A_765 = arith.constant 96 : index
            %parallel_loop3A_766 = tpu.vector_load %arg11[%parallel_loop3A_762, %parallel_loop3A_763, %parallel_loop3A_764, %parallel_loop3A_765] {strides = array<i32>} : memref<2x32x8x128xf32, #tpu.memory_space<vmem>>, vector<16xf32>,
            tpu.vector_store %arg11[%parallel_loop3A_762, %parallel_loop3A_763, %parallel_loop3A_764, %parallel_loop3A_765], %parallel_loop3A_738 {strides = array<i32>} : memref<2x32x8x128xf32, #tpu.memory_space<vmem>>, vector<16xf32>,
            %parallel_loop3A_767 = arith.constant 1 : i32
            %parallel_loop3A_768 = arith.constant 4 : i32
            %parallel_loop3A_769 = arith.index_cast %parallel_loop3A_767 : i32 to index
            %parallel_loop3A_770 = arith.index_cast %parallel_loop3A_304 : i32 to index
            %parallel_loop3A_771 = arith.index_cast %parallel_loop3A_768 : i32 to index
            %parallel_loop3A_772 = arith.constant 96 : index
            %parallel_loop3A_773 = tpu.vector_load %arg11[%parallel_loop3A_769, %parallel_loop3A_770, %parallel_loop3A_771, %parallel_loop3A_772] {strides = array<i32>} : memref<2x32x8x128xf32, #tpu.memory_space<vmem>>, vector<16xf32>,
            tpu.vector_store %arg11[%parallel_loop3A_769, %parallel_loop3A_770, %parallel_loop3A_771, %parallel_loop3A_772], %parallel_loop3A_738 {strides = array<i32>} : memref<2x32x8x128xf32, #tpu.memory_space<vmem>>, vector<16xf32>,
            %parallel_loop3A_774 = arith.constant 1 : i32
            %parallel_loop3A_775 = arith.constant 5 : i32
            %parallel_loop3A_776 = arith.index_cast %parallel_loop3A_774 : i32 to index
            %parallel_loop3A_777 = arith.index_cast %parallel_loop3A_304 : i32 to index
            %parallel_loop3A_778 = arith.index_cast %parallel_loop3A_775 : i32 to index
            %parallel_loop3A_779 = arith.constant 96 : index
            %parallel_loop3A_780 = tpu.vector_load %arg11[%parallel_loop3A_776, %parallel_loop3A_777, %parallel_loop3A_778, %parallel_loop3A_779] {strides = array<i32>} : memref<2x32x8x128xf32, #tpu.memory_space<vmem>>, vector<16xf32>,
            tpu.vector_store %arg11[%parallel_loop3A_776, %parallel_loop3A_777, %parallel_loop3A_778, %parallel_loop3A_779], %parallel_loop3A_738 {strides = array<i32>} : memref<2x32x8x128xf32, #tpu.memory_space<vmem>>, vector<16xf32>,
            %parallel_loop3A_781 = arith.constant 1 : i32
            %parallel_loop3A_782 = arith.constant 6 : i32
            %parallel_loop3A_783 = arith.index_cast %parallel_loop3A_781 : i32 to index
            %parallel_loop3A_784 = arith.index_cast %parallel_loop3A_304 : i32 to index
            %parallel_loop3A_785 = arith.index_cast %parallel_loop3A_782 : i32 to index
            %parallel_loop3A_786 = arith.constant 96 : index
            %parallel_loop3A_787 = tpu.vector_load %arg11[%parallel_loop3A_783, %parallel_loop3A_784, %parallel_loop3A_785, %parallel_loop3A_786] {strides = array<i32>} : memref<2x32x8x128xf32, #tpu.memory_space<vmem>>, vector<16xf32>,
            tpu.vector_store %arg11[%parallel_loop3A_783, %parallel_loop3A_784, %parallel_loop3A_785, %parallel_loop3A_786], %parallel_loop3A_738 {strides = array<i32>} : memref<2x32x8x128xf32, #tpu.memory_space<vmem>>, vector<16xf32>,
            %parallel_loop3A_788 = arith.constant 1 : i32
            %parallel_loop3A_789 = arith.constant 7 : i32
            %parallel_loop3A_790 = arith.index_cast %parallel_loop3A_788 : i32 to index
            %parallel_loop3A_791 = arith.index_cast %parallel_loop3A_304 : i32 to index
            %parallel_loop3A_792 = arith.index_cast %parallel_loop3A_789 : i32 to index
            %parallel_loop3A_793 = arith.constant 96 : index
            %parallel_loop3A_794 = tpu.vector_load %arg11[%parallel_loop3A_790, %parallel_loop3A_791, %parallel_loop3A_792, %parallel_loop3A_793] {strides = array<i32>} : memref<2x32x8x128xf32, #tpu.memory_space<vmem>>, vector<16xf32>,
            tpu.vector_store %arg11[%parallel_loop3A_790, %parallel_loop3A_791, %parallel_loop3A_792, %parallel_loop3A_793], %parallel_loop3A_738 {strides = array<i32>} : memref<2x32x8x128xf32, #tpu.memory_space<vmem>>, vector<16xf32>,
            %parallel_loop3A_795 = arith.constant 128 : i32
            %parallel_loop3A_796 = arith.muli %parallel_loop3A_304, %parallel_loop3A_795 : i32
            %parallel_loop3A_797 = arith.constant 112 : i32
            %parallel_loop3A_798 = arith.addi %parallel_loop3A_796, %parallel_loop3A_797 : i32
            %parallel_loop3A_799 = arith.index_cast %parallel_loop3A_798 : i32 to index
            %parallel_loop3A_800 = tpu.vector_load %arg5[%parallel_loop3A_799] {strides = array<i32>} : memref<4096xi32, #tpu.memory_space<vmem>>, vector<16xi32>,
            %parallel_loop3A_801 = arith.constant 0 : i32
            %parallel_loop3A_802 = vector.broadcast %parallel_loop3A_801 : i32 to vector<16xi32>
            %parallel_loop3A_803 = arith.cmpi slt, %parallel_loop3A_800, %parallel_loop3A_802 : vector<16xi32>
            %parallel_loop3A_804 = arith.constant 0.000000e+00 : f32
            %parallel_loop3A_805 = arith.constant 1.000000e+00 : f32
            %parallel_loop3A_806 = vector.broadcast %parallel_loop3A_804 : f32 to vector<16xf32>
            %parallel_loop3A_807 = vector.broadcast %parallel_loop3A_805 : f32 to vector<16xf32>
            %parallel_loop3A_808 = arith.select %parallel_loop3A_803, %parallel_loop3A_806, %parallel_loop3A_807 : vector<16xi1>, vector<16xf32>
            %parallel_loop3A_809 = arith.constant 1 : i32
            %parallel_loop3A_810 = arith.constant 0 : i32
            %parallel_loop3A_811 = arith.index_cast %parallel_loop3A_809 : i32 to index
            %parallel_loop3A_812 = arith.index_cast %parallel_loop3A_304 : i32 to index
            %parallel_loop3A_813 = arith.index_cast %parallel_loop3A_810 : i32 to index
            %parallel_loop3A_814 = arith.constant 112 : index
            %parallel_loop3A_815 = tpu.vector_load %arg11[%parallel_loop3A_811, %parallel_loop3A_812, %parallel_loop3A_813, %parallel_loop3A_814] {strides = array<i32>} : memref<2x32x8x128xf32, #tpu.memory_space<vmem>>, vector<16xf32>,
            tpu.vector_store %arg11[%parallel_loop3A_811, %parallel_loop3A_812, %parallel_loop3A_813, %parallel_loop3A_814], %parallel_loop3A_808 {strides = array<i32>} : memref<2x32x8x128xf32, #tpu.memory_space<vmem>>, vector<16xf32>,
            %parallel_loop3A_816 = arith.constant 1 : i32
            %parallel_loop3A_817 = arith.constant 1 : i32
            %parallel_loop3A_818 = arith.index_cast %parallel_loop3A_816 : i32 to index
            %parallel_loop3A_819 = arith.index_cast %parallel_loop3A_304 : i32 to index
            %parallel_loop3A_820 = arith.index_cast %parallel_loop3A_817 : i32 to index
            %parallel_loop3A_821 = arith.constant 112 : index
            %parallel_loop3A_822 = tpu.vector_load %arg11[%parallel_loop3A_818, %parallel_loop3A_819, %parallel_loop3A_820, %parallel_loop3A_821] {strides = array<i32>} : memref<2x32x8x128xf32, #tpu.memory_space<vmem>>, vector<16xf32>,
            tpu.vector_store %arg11[%parallel_loop3A_818, %parallel_loop3A_819, %parallel_loop3A_820, %parallel_loop3A_821], %parallel_loop3A_808 {strides = array<i32>} : memref<2x32x8x128xf32, #tpu.memory_space<vmem>>, vector<16xf32>,
            %parallel_loop3A_823 = arith.constant 1 : i32
            %parallel_loop3A_824 = arith.constant 2 : i32
            %parallel_loop3A_825 = arith.index_cast %parallel_loop3A_823 : i32 to index
            %parallel_loop3A_826 = arith.index_cast %parallel_loop3A_304 : i32 to index
            %parallel_loop3A_827 = arith.index_cast %parallel_loop3A_824 : i32 to index
            %parallel_loop3A_828 = arith.constant 112 : index
            %parallel_loop3A_829 = tpu.vector_load %arg11[%parallel_loop3A_825, %parallel_loop3A_826, %parallel_loop3A_827, %parallel_loop3A_828] {strides = array<i32>} : memref<2x32x8x128xf32, #tpu.memory_space<vmem>>, vector<16xf32>,
            tpu.vector_store %arg11[%parallel_loop3A_825, %parallel_loop3A_826, %parallel_loop3A_827, %parallel_loop3A_828], %parallel_loop3A_808 {strides = array<i32>} : memref<2x32x8x128xf32, #tpu.memory_space<vmem>>, vector<16xf32>,
            %parallel_loop3A_830 = arith.constant 1 : i32
            %parallel_loop3A_831 = arith.constant 3 : i32
            %parallel_loop3A_832 = arith.index_cast %parallel_loop3A_830 : i32 to index
            %parallel_loop3A_833 = arith.index_cast %parallel_loop3A_304 : i32 to index
            %parallel_loop3A_834 = arith.index_cast %parallel_loop3A_831 : i32 to index
            %parallel_loop3A_835 = arith.constant 112 : index
            %parallel_loop3A_836 = tpu.vector_load %arg11[%parallel_loop3A_832, %parallel_loop3A_833, %parallel_loop3A_834, %parallel_loop3A_835] {strides = array<i32>} : memref<2x32x8x128xf32, #tpu.memory_space<vmem>>, vector<16xf32>,
            tpu.vector_store %arg11[%parallel_loop3A_832, %parallel_loop3A_833, %parallel_loop3A_834, %parallel_loop3A_835], %parallel_loop3A_808 {strides = array<i32>} : memref<2x32x8x128xf32, #tpu.memory_space<vmem>>, vector<16xf32>,
            %parallel_loop3A_837 = arith.constant 1 : i32
            %parallel_loop3A_838 = arith.constant 4 : i32
            %parallel_loop3A_839 = arith.index_cast %parallel_loop3A_837 : i32 to index
            %parallel_loop3A_840 = arith.index_cast %parallel_loop3A_304 : i32 to index
            %parallel_loop3A_841 = arith.index_cast %parallel_loop3A_838 : i32 to index
            %parallel_loop3A_842 = arith.constant 112 : index
            %parallel_loop3A_843 = tpu.vector_load %arg11[%parallel_loop3A_839, %parallel_loop3A_840, %parallel_loop3A_841, %parallel_loop3A_842] {strides = array<i32>} : memref<2x32x8x128xf32, #tpu.memory_space<vmem>>, vector<16xf32>,
            tpu.vector_store %arg11[%parallel_loop3A_839, %parallel_loop3A_840, %parallel_loop3A_841, %parallel_loop3A_842], %parallel_loop3A_808 {strides = array<i32>} : memref<2x32x8x128xf32, #tpu.memory_space<vmem>>, vector<16xf32>,
            %parallel_loop3A_844 = arith.constant 1 : i32
            %parallel_loop3A_845 = arith.constant 5 : i32
            %parallel_loop3A_846 = arith.index_cast %parallel_loop3A_844 : i32 to index
            %parallel_loop3A_847 = arith.index_cast %parallel_loop3A_304 : i32 to index
            %parallel_loop3A_848 = arith.index_cast %parallel_loop3A_845 : i32 to index
            %parallel_loop3A_849 = arith.constant 112 : index
            %parallel_loop3A_850 = tpu.vector_load %arg11[%parallel_loop3A_846, %parallel_loop3A_847, %parallel_loop3A_848, %parallel_loop3A_849] {strides = array<i32>} : memref<2x32x8x128xf32, #tpu.memory_space<vmem>>, vector<16xf32>,
            tpu.vector_store %arg11[%parallel_loop3A_846, %parallel_loop3A_847, %parallel_loop3A_848, %parallel_loop3A_849], %parallel_loop3A_808 {strides = array<i32>} : memref<2x32x8x128xf32, #tpu.memory_space<vmem>>, vector<16xf32>,
            %parallel_loop3A_851 = arith.constant 1 : i32
            %parallel_loop3A_852 = arith.constant 6 : i32
            %parallel_loop3A_853 = arith.index_cast %parallel_loop3A_851 : i32 to index
            %parallel_loop3A_854 = arith.index_cast %parallel_loop3A_304 : i32 to index
            %parallel_loop3A_855 = arith.index_cast %parallel_loop3A_852 : i32 to index
            %parallel_loop3A_856 = arith.constant 112 : index
            %parallel_loop3A_857 = tpu.vector_load %arg11[%parallel_loop3A_853, %parallel_loop3A_854, %parallel_loop3A_855, %parallel_loop3A_856] {strides = array<i32>} : memref<2x32x8x128xf32, #tpu.memory_space<vmem>>, vector<16xf32>,
            tpu.vector_store %arg11[%parallel_loop3A_853, %parallel_loop3A_854, %parallel_loop3A_855, %parallel_loop3A_856], %parallel_loop3A_808 {strides = array<i32>} : memref<2x32x8x128xf32, #tpu.memory_space<vmem>>, vector<16xf32>,
            %parallel_loop3A_858 = arith.constant 1 : i32
            %parallel_loop3A_859 = arith.constant 7 : i32
            %parallel_loop3A_860 = arith.index_cast %parallel_loop3A_858 : i32 to index
            %parallel_loop3A_861 = arith.index_cast %parallel_loop3A_304 : i32 to index
            %parallel_loop3A_862 = arith.index_cast %parallel_loop3A_859 : i32 to index
            %parallel_loop3A_863 = arith.constant 112 : index
            %parallel_loop3A_864 = tpu.vector_load %arg11[%parallel_loop3A_860, %parallel_loop3A_861, %parallel_loop3A_862, %parallel_loop3A_863] {strides = array<i32>} : memref<2x32x8x128xf32, #tpu.memory_space<vmem>>, vector<16xf32>,
            tpu.vector_store %arg11[%parallel_loop3A_860, %parallel_loop3A_861, %parallel_loop3A_862, %parallel_loop3A_863], %parallel_loop3A_808 {strides = array<i32>} : memref<2x32x8x128xf32, #tpu.memory_space<vmem>>, vector<16xf32>,
          } {sc.loop_unroll_factor = 2 : i64, sc.parallel_access}
          %dma_start3A = arith.constant 1 : i32
          %dma_start3A_121 = arith.constant 1 : i32
          %dma_start3A_122 = arith.constant 0 : i32
          %dma_start3A_123 = arith.constant 0 : i32
          %dma_start3A_124 = arith.constant 0 : i32
          %dma_start3A_125 = arith.constant 0 : i32
          %dma_start3A_126 = tpu.memref_slice %arg11[%dma_start3A, %dma_start3A_123, %dma_start3A_124, %dma_start3A_125] : memref<2x32x8x128xf32, #tpu.memory_space<vmem>> -> memref<1x32x8x128xf32, #tpu.memory_space<vmem>>
          %dma_start3A_127 = tpu.memref_squeeze %dma_start3A_126 : memref<1x32x8x128xf32, #tpu.memory_space<vmem>> -> memref<32x8x128xf32, #tpu.memory_space<vmem>>
          %dma_start3A_128 = arith.constant 0 : i32
          %dma_start3A_129 = arith.constant 0 : i32
          %dma_start3A_130 = arith.constant 0 : i32
          %dma_start3A_131 = tpu.memref_slice %arg4[%dma_start3A_121, %add3A_113, %dma_start3A_122, %dma_start3A_128, %dma_start3A_129, %dma_start3A_130] : memref<2x100x8x32x8x128xf32, #tpu.memory_space<hbm>> -> memref<1x1x1x32x8x128xf32, #tpu.memory_space<hbm>>
          %dma_start3A_132 = tpu.memref_squeeze %dma_start3A_131 : memref<1x1x1x32x8x128xf32, #tpu.memory_space<hbm>> -> memref<32x8x128xf32, #tpu.memory_space<hbm>>
          %dma_start3A_133 = arith.constant 0 : i32
          %dma_start3A_134 = arith.constant 0 : i32
          %dma_start3A_135 = arith.constant 0 : i32
          %dma_start3A_136 = tpu.memref_slice %arg4[%dma_start3A_121, %add3A_113, %dma_start3A_122, %dma_start3A_133, %dma_start3A_134, %dma_start3A_135] : memref<2x100x8x32x8x128xf32, #tpu.memory_space<hbm>> -> memref<1x1x1x32x8x128xf32, #tpu.memory_space<hbm>>
          %dma_start3A_137 = tpu.memref_squeeze %dma_start3A_136 : memref<1x1x1x32x8x128xf32, #tpu.memory_space<hbm>> -> memref<32x8x128xf32, #tpu.memory_space<hbm>>
          %dma_start3A_138 = arith.constant 0 : i32
          %dma_start3A_139 = arith.constant 0 : i32
          %dma_start3A_140 = arith.constant 0 : i32
          %dma_start3A_141 = tpu.memref_slice %arg11[%dma_start3A, %dma_start3A_138, %dma_start3A_139, %dma_start3A_140] : memref<2x32x8x128xf32, #tpu.memory_space<vmem>> -> memref<1x32x8x128xf32, #tpu.memory_space<vmem>>
          %dma_start3A_142 = tpu.memref_squeeze %dma_start3A_141 : memref<1x32x8x128xf32, #tpu.memory_space<vmem>> -> memref<32x8x128xf32, #tpu.memory_space<vmem>>
          tpu.enqueue_dma source(%dma_start3A_142 : memref<32x8x128xf32, #tpu.memory_space<vmem>>) target(%dma_start3A_137 : memref<32x8x128xf32, #tpu.memory_space<hbm>>) target_semaphore(%arg17 : memref<!tpu.dma_semaphore, #tpu.memory_space<semaphore_mem>>)
          %dma_start3A_143 = arith.constant 1 : i32
          %dma_start3A_144 = arith.constant 1 : i32
          %dma_start3A_145 = arith.constant 1 : i32
          %dma_start3A_146 = arith.constant 0 : i32
          %dma_start3A_147 = arith.constant 0 : i32
          %dma_start3A_148 = arith.constant 0 : i32
          %dma_start3A_149 = tpu.memref_slice %arg11[%dma_start3A_143, %dma_start3A_146, %dma_start3A_147, %dma_start3A_148] : memref<2x32x8x128xf32, #tpu.memory_space<vmem>> -> memref<1x32x8x128xf32, #tpu.memory_space<vmem>>
          %dma_start3A_150 = tpu.memref_squeeze %dma_start3A_149 : memref<1x32x8x128xf32, #tpu.memory_space<vmem>> -> memref<32x8x128xf32, #tpu.memory_space<vmem>>
          %dma_start3A_151 = arith.constant 0 : i32
          %dma_start3A_152 = arith.constant 0 : i32
          %dma_start3A_153 = arith.constant 0 : i32
          %dma_start3A_154 = tpu.memref_slice %arg4[%dma_start3A_144, %add3A_113, %dma_start3A_145, %dma_start3A_151, %dma_start3A_152, %dma_start3A_153] : memref<2x100x8x32x8x128xf32, #tpu.memory_space<hbm>> -> memref<1x1x1x32x8x128xf32, #tpu.memory_space<hbm>>
          %dma_start3A_155 = tpu.memref_squeeze %dma_start3A_154 : memref<1x1x1x32x8x128xf32, #tpu.memory_space<hbm>> -> memref<32x8x128xf32, #tpu.memory_space<hbm>>
          %dma_start3A_156 = arith.constant 0 : i32
          %dma_start3A_157 = arith.constant 0 : i32
          %dma_start3A_158 = arith.constant 0 : i32
          %dma_start3A_159 = tpu.memref_slice %arg4[%dma_start3A_144, %add3A_113, %dma_start3A_145, %dma_start3A_156, %dma_start3A_157, %dma_start3A_158] : memref<2x100x8x32x8x128xf32, #tpu.memory_space<hbm>> -> memref<1x1x1x32x8x128xf32, #tpu.memory_space<hbm>>
          %dma_start3A_160 = tpu.memref_squeeze %dma_start3A_159 : memref<1x1x1x32x8x128xf32, #tpu.memory_space<hbm>> -> memref<32x8x128xf32, #tpu.memory_space<hbm>>
          %dma_start3A_161 = arith.constant 0 : i32
          %dma_start3A_162 = arith.constant 0 : i32
          %dma_start3A_163 = arith.constant 0 : i32
          %dma_start3A_164 = tpu.memref_slice %arg11[%dma_start3A_143, %dma_start3A_161, %dma_start3A_162, %dma_start3A_163] : memref<2x32x8x128xf32, #tpu.memory_space<vmem>> -> memref<1x32x8x128xf32, #tpu.memory_space<vmem>>
          %dma_start3A_165 = tpu.memref_squeeze %dma_start3A_164 : memref<1x32x8x128xf32, #tpu.memory_space<vmem>> -> memref<32x8x128xf32, #tpu.memory_space<vmem>>
          tpu.enqueue_dma source(%dma_start3A_165 : memref<32x8x128xf32, #tpu.memory_space<vmem>>) target(%dma_start3A_160 : memref<32x8x128xf32, #tpu.memory_space<hbm>>) target_semaphore(%arg17 : memref<!tpu.dma_semaphore, #tpu.memory_space<semaphore_mem>>)
          %dma_start3A_166 = arith.constant 1 : i32
          %dma_start3A_167 = arith.constant 1 : i32
          %dma_start3A_168 = arith.constant 2 : i32
          %dma_start3A_169 = arith.constant 0 : i32
          %dma_start3A_170 = arith.constant 0 : i32
          %dma_start3A_171 = arith.constant 0 : i32
          %dma_start3A_172 = tpu.memref_slice %arg11[%dma_start3A_166, %dma_start3A_169, %dma_start3A_170, %dma_start3A_171] : memref<2x32x8x128xf32, #tpu.memory_space<vmem>> -> memref<1x32x8x128xf32, #tpu.memory_space<vmem>>
          %dma_start3A_173 = tpu.memref_squeeze %dma_start3A_172 : memref<1x32x8x128xf32, #tpu.memory_space<vmem>> -> memref<32x8x128xf32, #tpu.memory_space<vmem>>
          %dma_start3A_174 = arith.constant 0 : i32
          %dma_start3A_175 = arith.constant 0 : i32
          %dma_start3A_176 = arith.constant 0 : i32
          %dma_start3A_177 = tpu.memref_slice %arg4[%dma_start3A_167, %add3A_113, %dma_start3A_168, %dma_start3A_174, %dma_start3A_175, %dma_start3A_176] : memref<2x100x8x32x8x128xf32, #tpu.memory_space<hbm>> -> memref<1x1x1x32x8x128xf32, #tpu.memory_space<hbm>>
          %dma_start3A_178 = tpu.memref_squeeze %dma_start3A_177 : memref<1x1x1x32x8x128xf32, #tpu.memory_space<hbm>> -> memref<32x8x128xf32, #tpu.memory_space<hbm>>
          %dma_start3A_179 = arith.constant 0 : i32
          %dma_start3A_180 = arith.constant 0 : i32
          %dma_start3A_181 = arith.constant 0 : i32
          %dma_start3A_182 = tpu.memref_slice %arg4[%dma_start3A_167, %add3A_113, %dma_start3A_168, %dma_start3A_179, %dma_start3A_180, %dma_start3A_181] : memref<2x100x8x32x8x128xf32, #tpu.memory_space<hbm>> -> memref<1x1x1x32x8x128xf32, #tpu.memory_space<hbm>>
          %dma_start3A_183 = tpu.memref_squeeze %dma_start3A_182 : memref<1x1x1x32x8x128xf32, #tpu.memory_space<hbm>> -> memref<32x8x128xf32, #tpu.memory_space<hbm>>
          %dma_start3A_184 = arith.constant 0 : i32
          %dma_start3A_185 = arith.constant 0 : i32
          %dma_start3A_186 = arith.constant 0 : i32
          %dma_start3A_187 = tpu.memref_slice %arg11[%dma_start3A_166, %dma_start3A_184, %dma_start3A_185, %dma_start3A_186] : memref<2x32x8x128xf32, #tpu.memory_space<vmem>> -> memref<1x32x8x128xf32, #tpu.memory_space<vmem>>
          %dma_start3A_188 = tpu.memref_squeeze %dma_start3A_187 : memref<1x32x8x128xf32, #tpu.memory_space<vmem>> -> memref<32x8x128xf32, #tpu.memory_space<vmem>>
          tpu.enqueue_dma source(%dma_start3A_188 : memref<32x8x128xf32, #tpu.memory_space<vmem>>) target(%dma_start3A_183 : memref<32x8x128xf32, #tpu.memory_space<hbm>>) target_semaphore(%arg17 : memref<!tpu.dma_semaphore, #tpu.memory_space<semaphore_mem>>)
          %dma_start3A_189 = arith.constant 1 : i32
          %dma_start3A_190 = arith.constant 1 : i32
          %dma_start3A_191 = arith.constant 3 : i32
          %dma_start3A_192 = arith.constant 0 : i32
          %dma_start3A_193 = arith.constant 0 : i32
          %dma_start3A_194 = arith.constant 0 : i32
          %dma_start3A_195 = tpu.memref_slice %arg11[%dma_start3A_189, %dma_start3A_192, %dma_start3A_193, %dma_start3A_194] : memref<2x32x8x128xf32, #tpu.memory_space<vmem>> -> memref<1x32x8x128xf32, #tpu.memory_space<vmem>>
          %dma_start3A_196 = tpu.memref_squeeze %dma_start3A_195 : memref<1x32x8x128xf32, #tpu.memory_space<vmem>> -> memref<32x8x128xf32, #tpu.memory_space<vmem>>
          %dma_start3A_197 = arith.constant 0 : i32
          %dma_start3A_198 = arith.constant 0 : i32
          %dma_start3A_199 = arith.constant 0 : i32
          %dma_start3A_200 = tpu.memref_slice %arg4[%dma_start3A_190, %add3A_113, %dma_start3A_191, %dma_start3A_197, %dma_start3A_198, %dma_start3A_199] : memref<2x100x8x32x8x128xf32, #tpu.memory_space<hbm>> -> memref<1x1x1x32x8x128xf32, #tpu.memory_space<hbm>>
          %dma_start3A_201 = tpu.memref_squeeze %dma_start3A_200 : memref<1x1x1x32x8x128xf32, #tpu.memory_space<hbm>> -> memref<32x8x128xf32, #tpu.memory_space<hbm>>
          %dma_start3A_202 = arith.constant 0 : i32
          %dma_start3A_203 = arith.constant 0 : i32
          %dma_start3A_204 = arith.constant 0 : i32
          %dma_start3A_205 = tpu.memref_slice %arg4[%dma_start3A_190, %add3A_113, %dma_start3A_191, %dma_start3A_202, %dma_start3A_203, %dma_start3A_204] : memref<2x100x8x32x8x128xf32, #tpu.memory_space<hbm>> -> memref<1x1x1x32x8x128xf32, #tpu.memory_space<hbm>>
          %dma_start3A_206 = tpu.memref_squeeze %dma_start3A_205 : memref<1x1x1x32x8x128xf32, #tpu.memory_space<hbm>> -> memref<32x8x128xf32, #tpu.memory_space<hbm>>
          %dma_start3A_207 = arith.constant 0 : i32
          %dma_start3A_208 = arith.constant 0 : i32
          %dma_start3A_209 = arith.constant 0 : i32
          %dma_start3A_210 = tpu.memref_slice %arg11[%dma_start3A_189, %dma_start3A_207, %dma_start3A_208, %dma_start3A_209] : memref<2x32x8x128xf32, #tpu.memory_space<vmem>> -> memref<1x32x8x128xf32, #tpu.memory_space<vmem>>
          %dma_start3A_211 = tpu.memref_squeeze %dma_start3A_210 : memref<1x32x8x128xf32, #tpu.memory_space<vmem>> -> memref<32x8x128xf32, #tpu.memory_space<vmem>>
          tpu.enqueue_dma source(%dma_start3A_211 : memref<32x8x128xf32, #tpu.memory_space<vmem>>) target(%dma_start3A_206 : memref<32x8x128xf32, #tpu.memory_space<hbm>>) target_semaphore(%arg17 : memref<!tpu.dma_semaphore, #tpu.memory_space<semaphore_mem>>)
          %dma_start3A_212 = arith.constant 1 : i32
          %dma_start3A_213 = arith.constant 1 : i32
          %dma_start3A_214 = arith.constant 4 : i32
          %dma_start3A_215 = arith.constant 0 : i32
          %dma_start3A_216 = arith.constant 0 : i32
          %dma_start3A_217 = arith.constant 0 : i32
          %dma_start3A_218 = tpu.memref_slice %arg11[%dma_start3A_212, %dma_start3A_215, %dma_start3A_216, %dma_start3A_217] : memref<2x32x8x128xf32, #tpu.memory_space<vmem>> -> memref<1x32x8x128xf32, #tpu.memory_space<vmem>>
          %dma_start3A_219 = tpu.memref_squeeze %dma_start3A_218 : memref<1x32x8x128xf32, #tpu.memory_space<vmem>> -> memref<32x8x128xf32, #tpu.memory_space<vmem>>
          %dma_start3A_220 = arith.constant 0 : i32
          %dma_start3A_221 = arith.constant 0 : i32
          %dma_start3A_222 = arith.constant 0 : i32
          %dma_start3A_223 = tpu.memref_slice %arg4[%dma_start3A_213, %add3A_113, %dma_start3A_214, %dma_start3A_220, %dma_start3A_221, %dma_start3A_222] : memref<2x100x8x32x8x128xf32, #tpu.memory_space<hbm>> -> memref<1x1x1x32x8x128xf32, #tpu.memory_space<hbm>>
          %dma_start3A_224 = tpu.memref_squeeze %dma_start3A_223 : memref<1x1x1x32x8x128xf32, #tpu.memory_space<hbm>> -> memref<32x8x128xf32, #tpu.memory_space<hbm>>
          %dma_start3A_225 = arith.constant 0 : i32
          %dma_start3A_226 = arith.constant 0 : i32
          %dma_start3A_227 = arith.constant 0 : i32
          %dma_start3A_228 = tpu.memref_slice %arg4[%dma_start3A_213, %add3A_113, %dma_start3A_214, %dma_start3A_225, %dma_start3A_226, %dma_start3A_227] : memref<2x100x8x32x8x128xf32, #tpu.memory_space<hbm>> -> memref<1x1x1x32x8x128xf32, #tpu.memory_space<hbm>>
          %dma_start3A_229 = tpu.memref_squeeze %dma_start3A_228 : memref<1x1x1x32x8x128xf32, #tpu.memory_space<hbm>> -> memref<32x8x128xf32, #tpu.memory_space<hbm>>
          %dma_start3A_230 = arith.constant 0 : i32
          %dma_start3A_231 = arith.constant 0 : i32
          %dma_start3A_232 = arith.constant 0 : i32
          %dma_start3A_233 = tpu.memref_slice %arg11[%dma_start3A_212, %dma_start3A_230, %dma_start3A_231, %dma_start3A_232] : memref<2x32x8x128xf32, #tpu.memory_space<vmem>> -> memref<1x32x8x128xf32, #tpu.memory_space<vmem>>
          %dma_start3A_234 = tpu.memref_squeeze %dma_start3A_233 : memref<1x32x8x128xf32, #tpu.memory_space<vmem>> -> memref<32x8x128xf32, #tpu.memory_space<vmem>>
          tpu.enqueue_dma source(%dma_start3A_234 : memref<32x8x128xf32, #tpu.memory_space<vmem>>) target(%dma_start3A_229 : memref<32x8x128xf32, #tpu.memory_space<hbm>>) target_semaphore(%arg17 : memref<!tpu.dma_semaphore, #tpu.memory_space<semaphore_mem>>)
          %dma_start3A_235 = arith.constant 1 : i32
          %dma_start3A_236 = arith.constant 1 : i32
          %dma_start3A_237 = arith.constant 5 : i32
          %dma_start3A_238 = arith.constant 0 : i32
          %dma_start3A_239 = arith.constant 0 : i32
          %dma_start3A_240 = arith.constant 0 : i32
          %dma_start3A_241 = tpu.memref_slice %arg11[%dma_start3A_235, %dma_start3A_238, %dma_start3A_239, %dma_start3A_240] : memref<2x32x8x128xf32, #tpu.memory_space<vmem>> -> memref<1x32x8x128xf32, #tpu.memory_space<vmem>>
          %dma_start3A_242 = tpu.memref_squeeze %dma_start3A_241 : memref<1x32x8x128xf32, #tpu.memory_space<vmem>> -> memref<32x8x128xf32, #tpu.memory_space<vmem>>
          %dma_start3A_243 = arith.constant 0 : i32
          %dma_start3A_244 = arith.constant 0 : i32
          %dma_start3A_245 = arith.constant 0 : i32
          %dma_start3A_246 = tpu.memref_slice %arg4[%dma_start3A_236, %add3A_113, %dma_start3A_237, %dma_start3A_243, %dma_start3A_244, %dma_start3A_245] : memref<2x100x8x32x8x128xf32, #tpu.memory_space<hbm>> -> memref<1x1x1x32x8x128xf32, #tpu.memory_space<hbm>>
          %dma_start3A_247 = tpu.memref_squeeze %dma_start3A_246 : memref<1x1x1x32x8x128xf32, #tpu.memory_space<hbm>> -> memref<32x8x128xf32, #tpu.memory_space<hbm>>
          %dma_start3A_248 = arith.constant 0 : i32
          %dma_start3A_249 = arith.constant 0 : i32
          %dma_start3A_250 = arith.constant 0 : i32
          %dma_start3A_251 = tpu.memref_slice %arg4[%dma_start3A_236, %add3A_113, %dma_start3A_237, %dma_start3A_248, %dma_start3A_249, %dma_start3A_250] : memref<2x100x8x32x8x128xf32, #tpu.memory_space<hbm>> -> memref<1x1x1x32x8x128xf32, #tpu.memory_space<hbm>>
          %dma_start3A_252 = tpu.memref_squeeze %dma_start3A_251 : memref<1x1x1x32x8x128xf32, #tpu.memory_space<hbm>> -> memref<32x8x128xf32, #tpu.memory_space<hbm>>
          %dma_start3A_253 = arith.constant 0 : i32
          %dma_start3A_254 = arith.constant 0 : i32
          %dma_start3A_255 = arith.constant 0 : i32
          %dma_start3A_256 = tpu.memref_slice %arg11[%dma_start3A_235, %dma_start3A_253, %dma_start3A_254, %dma_start3A_255] : memref<2x32x8x128xf32, #tpu.memory_space<vmem>> -> memref<1x32x8x128xf32, #tpu.memory_space<vmem>>
          %dma_start3A_257 = tpu.memref_squeeze %dma_start3A_256 : memref<1x32x8x128xf32, #tpu.memory_space<vmem>> -> memref<32x8x128xf32, #tpu.memory_space<vmem>>
          tpu.enqueue_dma source(%dma_start3A_257 : memref<32x8x128xf32, #tpu.memory_space<vmem>>) target(%dma_start3A_252 : memref<32x8x128xf32, #tpu.memory_space<hbm>>) target_semaphore(%arg17 : memref<!tpu.dma_semaphore, #tpu.memory_space<semaphore_mem>>)
          %dma_start3A_258 = arith.constant 1 : i32
          %dma_start3A_259 = arith.constant 1 : i32
          %dma_start3A_260 = arith.constant 6 : i32
          %dma_start3A_261 = arith.constant 0 : i32
          %dma_start3A_262 = arith.constant 0 : i32
          %dma_start3A_263 = arith.constant 0 : i32
          %dma_start3A_264 = tpu.memref_slice %arg11[%dma_start3A_258, %dma_start3A_261, %dma_start3A_262, %dma_start3A_263] : memref<2x32x8x128xf32, #tpu.memory_space<vmem>> -> memref<1x32x8x128xf32, #tpu.memory_space<vmem>>
          %dma_start3A_265 = tpu.memref_squeeze %dma_start3A_264 : memref<1x32x8x128xf32, #tpu.memory_space<vmem>> -> memref<32x8x128xf32, #tpu.memory_space<vmem>>
          %dma_start3A_266 = arith.constant 0 : i32
          %dma_start3A_267 = arith.constant 0 : i32
          %dma_start3A_268 = arith.constant 0 : i32
          %dma_start3A_269 = tpu.memref_slice %arg4[%dma_start3A_259, %add3A_113, %dma_start3A_260, %dma_start3A_266, %dma_start3A_267, %dma_start3A_268] : memref<2x100x8x32x8x128xf32, #tpu.memory_space<hbm>> -> memref<1x1x1x32x8x128xf32, #tpu.memory_space<hbm>>
          %dma_start3A_270 = tpu.memref_squeeze %dma_start3A_269 : memref<1x1x1x32x8x128xf32, #tpu.memory_space<hbm>> -> memref<32x8x128xf32, #tpu.memory_space<hbm>>
          %dma_start3A_271 = arith.constant 0 : i32
          %dma_start3A_272 = arith.constant 0 : i32
          %dma_start3A_273 = arith.constant 0 : i32
          %dma_start3A_274 = tpu.memref_slice %arg4[%dma_start3A_259, %add3A_113, %dma_start3A_260, %dma_start3A_271, %dma_start3A_272, %dma_start3A_273] : memref<2x100x8x32x8x128xf32, #tpu.memory_space<hbm>> -> memref<1x1x1x32x8x128xf32, #tpu.memory_space<hbm>>
          %dma_start3A_275 = tpu.memref_squeeze %dma_start3A_274 : memref<1x1x1x32x8x128xf32, #tpu.memory_space<hbm>> -> memref<32x8x128xf32, #tpu.memory_space<hbm>>
          %dma_start3A_276 = arith.constant 0 : i32
          %dma_start3A_277 = arith.constant 0 : i32
          %dma_start3A_278 = arith.constant 0 : i32
          %dma_start3A_279 = tpu.memref_slice %arg11[%dma_start3A_258, %dma_start3A_276, %dma_start3A_277, %dma_start3A_278] : memref<2x32x8x128xf32, #tpu.memory_space<vmem>> -> memref<1x32x8x128xf32, #tpu.memory_space<vmem>>
          %dma_start3A_280 = tpu.memref_squeeze %dma_start3A_279 : memref<1x32x8x128xf32, #tpu.memory_space<vmem>> -> memref<32x8x128xf32, #tpu.memory_space<vmem>>
          tpu.enqueue_dma source(%dma_start3A_280 : memref<32x8x128xf32, #tpu.memory_space<vmem>>) target(%dma_start3A_275 : memref<32x8x128xf32, #tpu.memory_space<hbm>>) target_semaphore(%arg17 : memref<!tpu.dma_semaphore, #tpu.memory_space<semaphore_mem>>)
          %dma_start3A_281 = arith.constant 1 : i32
          %dma_start3A_282 = arith.constant 1 : i32
          %dma_start3A_283 = arith.constant 7 : i32
          %dma_start3A_284 = arith.constant 0 : i32
          %dma_start3A_285 = arith.constant 0 : i32
          %dma_start3A_286 = arith.constant 0 : i32
          %dma_start3A_287 = tpu.memref_slice %arg11[%dma_start3A_281, %dma_start3A_284, %dma_start3A_285, %dma_start3A_286] : memref<2x32x8x128xf32, #tpu.memory_space<vmem>> -> memref<1x32x8x128xf32, #tpu.memory_space<vmem>>
          %dma_start3A_288 = tpu.memref_squeeze %dma_start3A_287 : memref<1x32x8x128xf32, #tpu.memory_space<vmem>> -> memref<32x8x128xf32, #tpu.memory_space<vmem>>
          %dma_start3A_289 = arith.constant 0 : i32
          %dma_start3A_290 = arith.constant 0 : i32
          %dma_start3A_291 = arith.constant 0 : i32
          %dma_start3A_292 = tpu.memref_slice %arg4[%dma_start3A_282, %add3A_113, %dma_start3A_283, %dma_start3A_289, %dma_start3A_290, %dma_start3A_291] : memref<2x100x8x32x8x128xf32, #tpu.memory_space<hbm>> -> memref<1x1x1x32x8x128xf32, #tpu.memory_space<hbm>>
          %dma_start3A_293 = tpu.memref_squeeze %dma_start3A_292 : memref<1x1x1x32x8x128xf32, #tpu.memory_space<hbm>> -> memref<32x8x128xf32, #tpu.memory_space<hbm>>
          %dma_start3A_294 = arith.constant 0 : i32
          %dma_start3A_295 = arith.constant 0 : i32
          %dma_start3A_296 = arith.constant 0 : i32
          %dma_start3A_297 = tpu.memref_slice %arg4[%dma_start3A_282, %add3A_113, %dma_start3A_283, %dma_start3A_294, %dma_start3A_295, %dma_start3A_296] : memref<2x100x8x32x8x128xf32, #tpu.memory_space<hbm>> -> memref<1x1x1x32x8x128xf32, #tpu.memory_space<hbm>>
          %dma_start3A_298 = tpu.memref_squeeze %dma_start3A_297 : memref<1x1x1x32x8x128xf32, #tpu.memory_space<hbm>> -> memref<32x8x128xf32, #tpu.memory_space<hbm>>
          %dma_start3A_299 = arith.constant 0 : i32
          %dma_start3A_300 = arith.constant 0 : i32
          %dma_start3A_301 = arith.constant 0 : i32
          %dma_start3A_302 = tpu.memref_slice %arg11[%dma_start3A_281, %dma_start3A_299, %dma_start3A_300, %dma_start3A_301] : memref<2x32x8x128xf32, #tpu.memory_space<vmem>> -> memref<1x32x8x128xf32, #tpu.memory_space<vmem>>
          %dma_start3A_303 = tpu.memref_squeeze %dma_start3A_302 : memref<1x32x8x128xf32, #tpu.memory_space<vmem>> -> memref<32x8x128xf32, #tpu.memory_space<vmem>>
          tpu.enqueue_dma source(%dma_start3A_303 : memref<32x8x128xf32, #tpu.memory_space<vmem>>) target(%dma_start3A_298 : memref<32x8x128xf32, #tpu.memory_space<hbm>>) target_semaphore(%arg17 : memref<!tpu.dma_semaphore, #tpu.memory_space<semaphore_mem>>)
        } else {
        }
        %add3A_109 = arith.constant 2 : i32
        %add3A_110 = arith.addi %scan3A_92, %add3A_109 : i32
        scf.yield %add3A_110 : i32
      }
      %scan3A_81 = arith.constant 5 : i32
      %gt3A = arith.constant 0 : i32
      %gt3A_82 = arith.cmpi sgt, %select_n3A_68, %gt3A : i32
      %convert_element_type3A_83 = arith.extui %gt3A_82 : i1 to i32
      %cond3A_84 = arith.constant 0 : i32
      %cond3A_85 = arith.cmpi ne, %convert_element_type3A_83, %cond3A_84 : i32
      scf.if %cond3A_85 {
        %dma_wait3A = arith.constant 0 : i32
        %dma_wait3A_91 = arith.constant 1 : i32
        %dma_wait3A_92 = arith.constant 0 : i32
        %dma_wait3A_93 = arith.constant 0 : i32
        %dma_wait3A_94 = arith.constant 0 : i32
        %dma_wait3A_95 = arith.constant 0 : i32
        %dma_wait3A_96 = arith.constant 0 : i32
        %dma_wait3A_97 = tpu.memref_slice %arg11[%dma_wait3A, %dma_wait3A_94, %dma_wait3A_95, %dma_wait3A_96] : memref<2x32x8x128xf32, #tpu.memory_space<vmem>> -> memref<1x32x8x128xf32, #tpu.memory_space<vmem>>
        %dma_wait3A_98 = tpu.memref_squeeze %dma_wait3A_97 : memref<1x32x8x128xf32, #tpu.memory_space<vmem>> -> memref<32x8x128xf32, #tpu.memory_space<vmem>>
        %dma_wait3A_99 = arith.constant 0 : i32
        %dma_wait3A_100 = arith.constant 0 : i32
        %dma_wait3A_101 = arith.constant 0 : i32
        %dma_wait3A_102 = tpu.memref_slice %arg4[%dma_wait3A_91, %dma_wait3A_92, %dma_wait3A_93, %dma_wait3A_99, %dma_wait3A_100, %dma_wait3A_101] : memref<2x100x8x32x8x128xf32, #tpu.memory_space<hbm>> -> memref<1x1x1x32x8x128xf32, #tpu.memory_space<hbm>>
        %dma_wait3A_103 = tpu.memref_squeeze %dma_wait3A_102 : memref<1x1x1x32x8x128xf32, #tpu.memory_space<hbm>> -> memref<32x8x128xf32, #tpu.memory_space<hbm>>
        %dma_wait3A_104 = arith.constant 0 : i32
        %dma_wait3A_105 = arith.constant 0 : i32
        %dma_wait3A_106 = arith.constant 0 : i32
        %dma_wait3A_107 = tpu.memref_slice %arg4[%dma_wait3A_91, %dma_wait3A_92, %dma_wait3A_93, %dma_wait3A_104, %dma_wait3A_105, %dma_wait3A_106] : memref<2x100x8x32x8x128xf32, #tpu.memory_space<hbm>> -> memref<1x1x1x32x8x128xf32, #tpu.memory_space<hbm>>
        %dma_wait3A_108 = tpu.memref_squeeze %dma_wait3A_107 : memref<1x1x1x32x8x128xf32, #tpu.memory_space<hbm>> -> memref<32x8x128xf32, #tpu.memory_space<hbm>>
        %dma_wait3A_109 = arith.constant 0 : i32
        %dma_wait3A_110 = arith.constant 0 : i32
        %dma_wait3A_111 = arith.constant 0 : i32
        %dma_wait3A_112 = tpu.memref_slice %arg11[%dma_wait3A, %dma_wait3A_109, %dma_wait3A_110, %dma_wait3A_111] : memref<2x32x8x128xf32, #tpu.memory_space<vmem>> -> memref<1x32x8x128xf32, #tpu.memory_space<vmem>>
        %dma_wait3A_113 = tpu.memref_squeeze %dma_wait3A_112 : memref<1x32x8x128xf32, #tpu.memory_space<vmem>> -> memref<32x8x128xf32, #tpu.memory_space<vmem>>
        tpu.wait_dma2 semaphore(%arg16 : memref<!tpu.dma_semaphore, #tpu.memory_space<semaphore_mem>>) src(%dma_wait3A_113 : memref<32x8x128xf32, #tpu.memory_space<vmem>>) dst(%dma_wait3A_108 : memref<32x8x128xf32, #tpu.memory_space<hbm>>)
        %dma_wait3A_114 = arith.constant 0 : i32
        %dma_wait3A_115 = arith.constant 1 : i32
        %dma_wait3A_116 = arith.constant 0 : i32
        %dma_wait3A_117 = arith.constant 0 : i32
        %dma_wait3A_118 = arith.constant 0 : i32
        %dma_wait3A_119 = arith.constant 0 : i32
        %dma_wait3A_120 = arith.constant 0 : i32
        %dma_wait3A_121 = tpu.memref_slice %arg11[%dma_wait3A_114, %dma_wait3A_118, %dma_wait3A_119, %dma_wait3A_120] : memref<2x32x8x128xf32, #tpu.memory_space<vmem>> -> memref<1x32x8x128xf32, #tpu.memory_space<vmem>>
        %dma_wait3A_122 = tpu.memref_squeeze %dma_wait3A_121 : memref<1x32x8x128xf32, #tpu.memory_space<vmem>> -> memref<32x8x128xf32, #tpu.memory_space<vmem>>
        %dma_wait3A_123 = arith.constant 0 : i32
        %dma_wait3A_124 = arith.constant 0 : i32
        %dma_wait3A_125 = arith.constant 0 : i32
        %dma_wait3A_126 = tpu.memref_slice %arg4[%dma_wait3A_115, %dma_wait3A_116, %dma_wait3A_117, %dma_wait3A_123, %dma_wait3A_124, %dma_wait3A_125] : memref<2x100x8x32x8x128xf32, #tpu.memory_space<hbm>> -> memref<1x1x1x32x8x128xf32, #tpu.memory_space<hbm>>
        %dma_wait3A_127 = tpu.memref_squeeze %dma_wait3A_126 : memref<1x1x1x32x8x128xf32, #tpu.memory_space<hbm>> -> memref<32x8x128xf32, #tpu.memory_space<hbm>>
        %dma_wait3A_128 = arith.constant 0 : i32
        %dma_wait3A_129 = arith.constant 0 : i32
        %dma_wait3A_130 = arith.constant 0 : i32
        %dma_wait3A_131 = tpu.memref_slice %arg4[%dma_wait3A_115, %dma_wait3A_116, %dma_wait3A_117, %dma_wait3A_128, %dma_wait3A_129, %dma_wait3A_130] : memref<2x100x8x32x8x128xf32, #tpu.memory_space<hbm>> -> memref<1x1x1x32x8x128xf32, #tpu.memory_space<hbm>>
        %dma_wait3A_132 = tpu.memref_squeeze %dma_wait3A_131 : memref<1x1x1x32x8x128xf32, #tpu.memory_space<hbm>> -> memref<32x8x128xf32, #tpu.memory_space<hbm>>
        %dma_wait3A_133 = arith.constant 0 : i32
        %dma_wait3A_134 = arith.constant 0 : i32
        %dma_wait3A_135 = arith.constant 0 : i32
        %dma_wait3A_136 = tpu.memref_slice %arg11[%dma_wait3A_114, %dma_wait3A_133, %dma_wait3A_134, %dma_wait3A_135] : memref<2x32x8x128xf32, #tpu.memory_space<vmem>> -> memref<1x32x8x128xf32, #tpu.memory_space<vmem>>
        %dma_wait3A_137 = tpu.memref_squeeze %dma_wait3A_136 : memref<1x32x8x128xf32, #tpu.memory_space<vmem>> -> memref<32x8x128xf32, #tpu.memory_space<vmem>>
        tpu.wait_dma2 semaphore(%arg16 : memref<!tpu.dma_semaphore, #tpu.memory_space<semaphore_mem>>) src(%dma_wait3A_137 : memref<32x8x128xf32, #tpu.memory_space<vmem>>) dst(%dma_wait3A_132 : memref<32x8x128xf32, #tpu.memory_space<hbm>>)
        %dma_wait3A_138 = arith.constant 0 : i32
        %dma_wait3A_139 = arith.constant 1 : i32
        %dma_wait3A_140 = arith.constant 0 : i32
        %dma_wait3A_141 = arith.constant 0 : i32
        %dma_wait3A_142 = arith.constant 0 : i32
        %dma_wait3A_143 = arith.constant 0 : i32
        %dma_wait3A_144 = arith.constant 0 : i32
        %dma_wait3A_145 = tpu.memref_slice %arg11[%dma_wait3A_138, %dma_wait3A_142, %dma_wait3A_143, %dma_wait3A_144] : memref<2x32x8x128xf32, #tpu.memory_space<vmem>> -> memref<1x32x8x128xf32, #tpu.memory_space<vmem>>
        %dma_wait3A_146 = tpu.memref_squeeze %dma_wait3A_145 : memref<1x32x8x128xf32, #tpu.memory_space<vmem>> -> memref<32x8x128xf32, #tpu.memory_space<vmem>>
        %dma_wait3A_147 = arith.constant 0 : i32
        %dma_wait3A_148 = arith.constant 0 : i32
        %dma_wait3A_149 = arith.constant 0 : i32
        %dma_wait3A_150 = tpu.memref_slice %arg4[%dma_wait3A_139, %dma_wait3A_140, %dma_wait3A_141, %dma_wait3A_147, %dma_wait3A_148, %dma_wait3A_149] : memref<2x100x8x32x8x128xf32, #tpu.memory_space<hbm>> -> memref<1x1x1x32x8x128xf32, #tpu.memory_space<hbm>>
        %dma_wait3A_151 = tpu.memref_squeeze %dma_wait3A_150 : memref<1x1x1x32x8x128xf32, #tpu.memory_space<hbm>> -> memref<32x8x128xf32, #tpu.memory_space<hbm>>
        %dma_wait3A_152 = arith.constant 0 : i32
        %dma_wait3A_153 = arith.constant 0 : i32
        %dma_wait3A_154 = arith.constant 0 : i32
        %dma_wait3A_155 = tpu.memref_slice %arg4[%dma_wait3A_139, %dma_wait3A_140, %dma_wait3A_141, %dma_wait3A_152, %dma_wait3A_153, %dma_wait3A_154] : memref<2x100x8x32x8x128xf32, #tpu.memory_space<hbm>> -> memref<1x1x1x32x8x128xf32, #tpu.memory_space<hbm>>
        %dma_wait3A_156 = tpu.memref_squeeze %dma_wait3A_155 : memref<1x1x1x32x8x128xf32, #tpu.memory_space<hbm>> -> memref<32x8x128xf32, #tpu.memory_space<hbm>>
        %dma_wait3A_157 = arith.constant 0 : i32
        %dma_wait3A_158 = arith.constant 0 : i32
        %dma_wait3A_159 = arith.constant 0 : i32
        %dma_wait3A_160 = tpu.memref_slice %arg11[%dma_wait3A_138, %dma_wait3A_157, %dma_wait3A_158, %dma_wait3A_159] : memref<2x32x8x128xf32, #tpu.memory_space<vmem>> -> memref<1x32x8x128xf32, #tpu.memory_space<vmem>>
        %dma_wait3A_161 = tpu.memref_squeeze %dma_wait3A_160 : memref<1x32x8x128xf32, #tpu.memory_space<vmem>> -> memref<32x8x128xf32, #tpu.memory_space<vmem>>
        tpu.wait_dma2 semaphore(%arg16 : memref<!tpu.dma_semaphore, #tpu.memory_space<semaphore_mem>>) src(%dma_wait3A_161 : memref<32x8x128xf32, #tpu.memory_space<vmem>>) dst(%dma_wait3A_156 : memref<32x8x128xf32, #tpu.memory_space<hbm>>)
        %dma_wait3A_162 = arith.constant 0 : i32
        %dma_wait3A_163 = arith.constant 1 : i32
        %dma_wait3A_164 = arith.constant 0 : i32
        %dma_wait3A_165 = arith.constant 0 : i32
        %dma_wait3A_166 = arith.constant 0 : i32
        %dma_wait3A_167 = arith.constant 0 : i32
        %dma_wait3A_168 = arith.constant 0 : i32
        %dma_wait3A_169 = tpu.memref_slice %arg11[%dma_wait3A_162, %dma_wait3A_166, %dma_wait3A_167, %dma_wait3A_168] : memref<2x32x8x128xf32, #tpu.memory_space<vmem>> -> memref<1x32x8x128xf32, #tpu.memory_space<vmem>>
        %dma_wait3A_170 = tpu.memref_squeeze %dma_wait3A_169 : memref<1x32x8x128xf32, #tpu.memory_space<vmem>> -> memref<32x8x128xf32, #tpu.memory_space<vmem>>
        %dma_wait3A_171 = arith.constant 0 : i32
        %dma_wait3A_172 = arith.constant 0 : i32
        %dma_wait3A_173 = arith.constant 0 : i32
        %dma_wait3A_174 = tpu.memref_slice %arg4[%dma_wait3A_163, %dma_wait3A_164, %dma_wait3A_165, %dma_wait3A_171, %dma_wait3A_172, %dma_wait3A_173] : memref<2x100x8x32x8x128xf32, #tpu.memory_space<hbm>> -> memref<1x1x1x32x8x128xf32, #tpu.memory_space<hbm>>
        %dma_wait3A_175 = tpu.memref_squeeze %dma_wait3A_174 : memref<1x1x1x32x8x128xf32, #tpu.memory_space<hbm>> -> memref<32x8x128xf32, #tpu.memory_space<hbm>>
        %dma_wait3A_176 = arith.constant 0 : i32
        %dma_wait3A_177 = arith.constant 0 : i32
        %dma_wait3A_178 = arith.constant 0 : i32
        %dma_wait3A_179 = tpu.memref_slice %arg4[%dma_wait3A_163, %dma_wait3A_164, %dma_wait3A_165, %dma_wait3A_176, %dma_wait3A_177, %dma_wait3A_178] : memref<2x100x8x32x8x128xf32, #tpu.memory_space<hbm>> -> memref<1x1x1x32x8x128xf32, #tpu.memory_space<hbm>>
        %dma_wait3A_180 = tpu.memref_squeeze %dma_wait3A_179 : memref<1x1x1x32x8x128xf32, #tpu.memory_space<hbm>> -> memref<32x8x128xf32, #tpu.memory_space<hbm>>
        %dma_wait3A_181 = arith.constant 0 : i32
        %dma_wait3A_182 = arith.constant 0 : i32
        %dma_wait3A_183 = arith.constant 0 : i32
        %dma_wait3A_184 = tpu.memref_slice %arg11[%dma_wait3A_162, %dma_wait3A_181, %dma_wait3A_182, %dma_wait3A_183] : memref<2x32x8x128xf32, #tpu.memory_space<vmem>> -> memref<1x32x8x128xf32, #tpu.memory_space<vmem>>
        %dma_wait3A_185 = tpu.memref_squeeze %dma_wait3A_184 : memref<1x32x8x128xf32, #tpu.memory_space<vmem>> -> memref<32x8x128xf32, #tpu.memory_space<vmem>>
        tpu.wait_dma2 semaphore(%arg16 : memref<!tpu.dma_semaphore, #tpu.memory_space<semaphore_mem>>) src(%dma_wait3A_185 : memref<32x8x128xf32, #tpu.memory_space<vmem>>) dst(%dma_wait3A_180 : memref<32x8x128xf32, #tpu.memory_space<hbm>>)
        %dma_wait3A_186 = arith.constant 0 : i32
        %dma_wait3A_187 = arith.constant 1 : i32
        %dma_wait3A_188 = arith.constant 0 : i32
        %dma_wait3A_189 = arith.constant 0 : i32
        %dma_wait3A_190 = arith.constant 0 : i32
        %dma_wait3A_191 = arith.constant 0 : i32
        %dma_wait3A_192 = arith.constant 0 : i32
        %dma_wait3A_193 = tpu.memref_slice %arg11[%dma_wait3A_186, %dma_wait3A_190, %dma_wait3A_191, %dma_wait3A_192] : memref<2x32x8x128xf32, #tpu.memory_space<vmem>> -> memref<1x32x8x128xf32, #tpu.memory_space<vmem>>
        %dma_wait3A_194 = tpu.memref_squeeze %dma_wait3A_193 : memref<1x32x8x128xf32, #tpu.memory_space<vmem>> -> memref<32x8x128xf32, #tpu.memory_space<vmem>>
        %dma_wait3A_195 = arith.constant 0 : i32
        %dma_wait3A_196 = arith.constant 0 : i32
        %dma_wait3A_197 = arith.constant 0 : i32
        %dma_wait3A_198 = tpu.memref_slice %arg4[%dma_wait3A_187, %dma_wait3A_188, %dma_wait3A_189, %dma_wait3A_195, %dma_wait3A_196, %dma_wait3A_197] : memref<2x100x8x32x8x128xf32, #tpu.memory_space<hbm>> -> memref<1x1x1x32x8x128xf32, #tpu.memory_space<hbm>>
        %dma_wait3A_199 = tpu.memref_squeeze %dma_wait3A_198 : memref<1x1x1x32x8x128xf32, #tpu.memory_space<hbm>> -> memref<32x8x128xf32, #tpu.memory_space<hbm>>
        %dma_wait3A_200 = arith.constant 0 : i32
        %dma_wait3A_201 = arith.constant 0 : i32
        %dma_wait3A_202 = arith.constant 0 : i32
        %dma_wait3A_203 = tpu.memref_slice %arg4[%dma_wait3A_187, %dma_wait3A_188, %dma_wait3A_189, %dma_wait3A_200, %dma_wait3A_201, %dma_wait3A_202] : memref<2x100x8x32x8x128xf32, #tpu.memory_space<hbm>> -> memref<1x1x1x32x8x128xf32, #tpu.memory_space<hbm>>
        %dma_wait3A_204 = tpu.memref_squeeze %dma_wait3A_203 : memref<1x1x1x32x8x128xf32, #tpu.memory_space<hbm>> -> memref<32x8x128xf32, #tpu.memory_space<hbm>>
        %dma_wait3A_205 = arith.constant 0 : i32
        %dma_wait3A_206 = arith.constant 0 : i32
        %dma_wait3A_207 = arith.constant 0 : i32
        %dma_wait3A_208 = tpu.memref_slice %arg11[%dma_wait3A_186, %dma_wait3A_205, %dma_wait3A_206, %dma_wait3A_207] : memref<2x32x8x128xf32, #tpu.memory_space<vmem>> -> memref<1x32x8x128xf32, #tpu.memory_space<vmem>>
        %dma_wait3A_209 = tpu.memref_squeeze %dma_wait3A_208 : memref<1x32x8x128xf32, #tpu.memory_space<vmem>> -> memref<32x8x128xf32, #tpu.memory_space<vmem>>
        tpu.wait_dma2 semaphore(%arg16 : memref<!tpu.dma_semaphore, #tpu.memory_space<semaphore_mem>>) src(%dma_wait3A_209 : memref<32x8x128xf32, #tpu.memory_space<vmem>>) dst(%dma_wait3A_204 : memref<32x8x128xf32, #tpu.memory_space<hbm>>)
        %dma_wait3A_210 = arith.constant 0 : i32
        %dma_wait3A_211 = arith.constant 1 : i32
        %dma_wait3A_212 = arith.constant 0 : i32
        %dma_wait3A_213 = arith.constant 0 : i32
        %dma_wait3A_214 = arith.constant 0 : i32
        %dma_wait3A_215 = arith.constant 0 : i32
        %dma_wait3A_216 = arith.constant 0 : i32
        %dma_wait3A_217 = tpu.memref_slice %arg11[%dma_wait3A_210, %dma_wait3A_214, %dma_wait3A_215, %dma_wait3A_216] : memref<2x32x8x128xf32, #tpu.memory_space<vmem>> -> memref<1x32x8x128xf32, #tpu.memory_space<vmem>>
        %dma_wait3A_218 = tpu.memref_squeeze %dma_wait3A_217 : memref<1x32x8x128xf32, #tpu.memory_space<vmem>> -> memref<32x8x128xf32, #tpu.memory_space<vmem>>
        %dma_wait3A_219 = arith.constant 0 : i32
        %dma_wait3A_220 = arith.constant 0 : i32
        %dma_wait3A_221 = arith.constant 0 : i32
        %dma_wait3A_222 = tpu.memref_slice %arg4[%dma_wait3A_211, %dma_wait3A_212, %dma_wait3A_213, %dma_wait3A_219, %dma_wait3A_220, %dma_wait3A_221] : memref<2x100x8x32x8x128xf32, #tpu.memory_space<hbm>> -> memref<1x1x1x32x8x128xf32, #tpu.memory_space<hbm>>
        %dma_wait3A_223 = tpu.memref_squeeze %dma_wait3A_222 : memref<1x1x1x32x8x128xf32, #tpu.memory_space<hbm>> -> memref<32x8x128xf32, #tpu.memory_space<hbm>>
        %dma_wait3A_224 = arith.constant 0 : i32
        %dma_wait3A_225 = arith.constant 0 : i32
        %dma_wait3A_226 = arith.constant 0 : i32
        %dma_wait3A_227 = tpu.memref_slice %arg4[%dma_wait3A_211, %dma_wait3A_212, %dma_wait3A_213, %dma_wait3A_224, %dma_wait3A_225, %dma_wait3A_226] : memref<2x100x8x32x8x128xf32, #tpu.memory_space<hbm>> -> memref<1x1x1x32x8x128xf32, #tpu.memory_space<hbm>>
        %dma_wait3A_228 = tpu.memref_squeeze %dma_wait3A_227 : memref<1x1x1x32x8x128xf32, #tpu.memory_space<hbm>> -> memref<32x8x128xf32, #tpu.memory_space<hbm>>
        %dma_wait3A_229 = arith.constant 0 : i32
        %dma_wait3A_230 = arith.constant 0 : i32
        %dma_wait3A_231 = arith.constant 0 : i32
        %dma_wait3A_232 = tpu.memref_slice %arg11[%dma_wait3A_210, %dma_wait3A_229, %dma_wait3A_230, %dma_wait3A_231] : memref<2x32x8x128xf32, #tpu.memory_space<vmem>> -> memref<1x32x8x128xf32, #tpu.memory_space<vmem>>
        %dma_wait3A_233 = tpu.memref_squeeze %dma_wait3A_232 : memref<1x32x8x128xf32, #tpu.memory_space<vmem>> -> memref<32x8x128xf32, #tpu.memory_space<vmem>>
        tpu.wait_dma2 semaphore(%arg16 : memref<!tpu.dma_semaphore, #tpu.memory_space<semaphore_mem>>) src(%dma_wait3A_233 : memref<32x8x128xf32, #tpu.memory_space<vmem>>) dst(%dma_wait3A_228 : memref<32x8x128xf32, #tpu.memory_space<hbm>>)
        %dma_wait3A_234 = arith.constant 0 : i32
        %dma_wait3A_235 = arith.constant 1 : i32
        %dma_wait3A_236 = arith.constant 0 : i32
        %dma_wait3A_237 = arith.constant 0 : i32
        %dma_wait3A_238 = arith.constant 0 : i32
        %dma_wait3A_239 = arith.constant 0 : i32
        %dma_wait3A_240 = arith.constant 0 : i32
        %dma_wait3A_241 = tpu.memref_slice %arg11[%dma_wait3A_234, %dma_wait3A_238, %dma_wait3A_239, %dma_wait3A_240] : memref<2x32x8x128xf32, #tpu.memory_space<vmem>> -> memref<1x32x8x128xf32, #tpu.memory_space<vmem>>
        %dma_wait3A_242 = tpu.memref_squeeze %dma_wait3A_241 : memref<1x32x8x128xf32, #tpu.memory_space<vmem>> -> memref<32x8x128xf32, #tpu.memory_space<vmem>>
        %dma_wait3A_243 = arith.constant 0 : i32
        %dma_wait3A_244 = arith.constant 0 : i32
        %dma_wait3A_245 = arith.constant 0 : i32
        %dma_wait3A_246 = tpu.memref_slice %arg4[%dma_wait3A_235, %dma_wait3A_236, %dma_wait3A_237, %dma_wait3A_243, %dma_wait3A_244, %dma_wait3A_245] : memref<2x100x8x32x8x128xf32, #tpu.memory_space<hbm>> -> memref<1x1x1x32x8x128xf32, #tpu.memory_space<hbm>>
        %dma_wait3A_247 = tpu.memref_squeeze %dma_wait3A_246 : memref<1x1x1x32x8x128xf32, #tpu.memory_space<hbm>> -> memref<32x8x128xf32, #tpu.memory_space<hbm>>
        %dma_wait3A_248 = arith.constant 0 : i32
        %dma_wait3A_249 = arith.constant 0 : i32
        %dma_wait3A_250 = arith.constant 0 : i32
        %dma_wait3A_251 = tpu.memref_slice %arg4[%dma_wait3A_235, %dma_wait3A_236, %dma_wait3A_237, %dma_wait3A_248, %dma_wait3A_249, %dma_wait3A_250] : memref<2x100x8x32x8x128xf32, #tpu.memory_space<hbm>> -> memref<1x1x1x32x8x128xf32, #tpu.memory_space<hbm>>
        %dma_wait3A_252 = tpu.memref_squeeze %dma_wait3A_251 : memref<1x1x1x32x8x128xf32, #tpu.memory_space<hbm>> -> memref<32x8x128xf32, #tpu.memory_space<hbm>>
        %dma_wait3A_253 = arith.constant 0 : i32
        %dma_wait3A_254 = arith.constant 0 : i32
        %dma_wait3A_255 = arith.constant 0 : i32
        %dma_wait3A_256 = tpu.memref_slice %arg11[%dma_wait3A_234, %dma_wait3A_253, %dma_wait3A_254, %dma_wait3A_255] : memref<2x32x8x128xf32, #tpu.memory_space<vmem>> -> memref<1x32x8x128xf32, #tpu.memory_space<vmem>>
        %dma_wait3A_257 = tpu.memref_squeeze %dma_wait3A_256 : memref<1x32x8x128xf32, #tpu.memory_space<vmem>> -> memref<32x8x128xf32, #tpu.memory_space<vmem>>
        tpu.wait_dma2 semaphore(%arg16 : memref<!tpu.dma_semaphore, #tpu.memory_space<semaphore_mem>>) src(%dma_wait3A_257 : memref<32x8x128xf32, #tpu.memory_space<vmem>>) dst(%dma_wait3A_252 : memref<32x8x128xf32, #tpu.memory_space<hbm>>)
        %dma_wait3A_258 = arith.constant 0 : i32
        %dma_wait3A_259 = arith.constant 1 : i32
        %dma_wait3A_260 = arith.constant 0 : i32
        %dma_wait3A_261 = arith.constant 0 : i32
        %dma_wait3A_262 = arith.constant 0 : i32
        %dma_wait3A_263 = arith.constant 0 : i32
        %dma_wait3A_264 = arith.constant 0 : i32
        %dma_wait3A_265 = tpu.memref_slice %arg11[%dma_wait3A_258, %dma_wait3A_262, %dma_wait3A_263, %dma_wait3A_264] : memref<2x32x8x128xf32, #tpu.memory_space<vmem>> -> memref<1x32x8x128xf32, #tpu.memory_space<vmem>>
        %dma_wait3A_266 = tpu.memref_squeeze %dma_wait3A_265 : memref<1x32x8x128xf32, #tpu.memory_space<vmem>> -> memref<32x8x128xf32, #tpu.memory_space<vmem>>
        %dma_wait3A_267 = arith.constant 0 : i32
        %dma_wait3A_268 = arith.constant 0 : i32
        %dma_wait3A_269 = arith.constant 0 : i32
        %dma_wait3A_270 = tpu.memref_slice %arg4[%dma_wait3A_259, %dma_wait3A_260, %dma_wait3A_261, %dma_wait3A_267, %dma_wait3A_268, %dma_wait3A_269] : memref<2x100x8x32x8x128xf32, #tpu.memory_space<hbm>> -> memref<1x1x1x32x8x128xf32, #tpu.memory_space<hbm>>
        %dma_wait3A_271 = tpu.memref_squeeze %dma_wait3A_270 : memref<1x1x1x32x8x128xf32, #tpu.memory_space<hbm>> -> memref<32x8x128xf32, #tpu.memory_space<hbm>>
        %dma_wait3A_272 = arith.constant 0 : i32
        %dma_wait3A_273 = arith.constant 0 : i32
        %dma_wait3A_274 = arith.constant 0 : i32
        %dma_wait3A_275 = tpu.memref_slice %arg4[%dma_wait3A_259, %dma_wait3A_260, %dma_wait3A_261, %dma_wait3A_272, %dma_wait3A_273, %dma_wait3A_274] : memref<2x100x8x32x8x128xf32, #tpu.memory_space<hbm>> -> memref<1x1x1x32x8x128xf32, #tpu.memory_space<hbm>>
        %dma_wait3A_276 = tpu.memref_squeeze %dma_wait3A_275 : memref<1x1x1x32x8x128xf32, #tpu.memory_space<hbm>> -> memref<32x8x128xf32, #tpu.memory_space<hbm>>
        %dma_wait3A_277 = arith.constant 0 : i32
        %dma_wait3A_278 = arith.constant 0 : i32
        %dma_wait3A_279 = arith.constant 0 : i32
        %dma_wait3A_280 = tpu.memref_slice %arg11[%dma_wait3A_258, %dma_wait3A_277, %dma_wait3A_278, %dma_wait3A_279] : memref<2x32x8x128xf32, #tpu.memory_space<vmem>> -> memref<1x32x8x128xf32, #tpu.memory_space<vmem>>
        %dma_wait3A_281 = tpu.memref_squeeze %dma_wait3A_280 : memref<1x32x8x128xf32, #tpu.memory_space<vmem>> -> memref<32x8x128xf32, #tpu.memory_space<vmem>>
        tpu.wait_dma2 semaphore(%arg16 : memref<!tpu.dma_semaphore, #tpu.memory_space<semaphore_mem>>) src(%dma_wait3A_281 : memref<32x8x128xf32, #tpu.memory_space<vmem>>) dst(%dma_wait3A_276 : memref<32x8x128xf32, #tpu.memory_space<hbm>>)
      } else {
      }
      %gt3A_86 = arith.constant 1 : i32
      %gt3A_87 = arith.cmpi sgt, %select_n3A_68, %gt3A_86 : i32
      %convert_element_type3A_88 = arith.extui %gt3A_87 : i1 to i32
      %cond3A_89 = arith.constant 0 : i32
      %cond3A_90 = arith.cmpi ne, %convert_element_type3A_88, %cond3A_89 : i32
      scf.if %cond3A_90 {
        %dma_wait3A = arith.constant 0 : i32
        %dma_wait3A_91 = arith.constant 1 : i32
        %dma_wait3A_92 = arith.constant 0 : i32
        %dma_wait3A_93 = arith.constant 0 : i32
        %dma_wait3A_94 = arith.constant 0 : i32
        %dma_wait3A_95 = arith.constant 0 : i32
        %dma_wait3A_96 = arith.constant 0 : i32
        %dma_wait3A_97 = tpu.memref_slice %arg11[%dma_wait3A, %dma_wait3A_94, %dma_wait3A_95, %dma_wait3A_96] : memref<2x32x8x128xf32, #tpu.memory_space<vmem>> -> memref<1x32x8x128xf32, #tpu.memory_space<vmem>>
        %dma_wait3A_98 = tpu.memref_squeeze %dma_wait3A_97 : memref<1x32x8x128xf32, #tpu.memory_space<vmem>> -> memref<32x8x128xf32, #tpu.memory_space<vmem>>
        %dma_wait3A_99 = arith.constant 0 : i32
        %dma_wait3A_100 = arith.constant 0 : i32
        %dma_wait3A_101 = arith.constant 0 : i32
        %dma_wait3A_102 = tpu.memref_slice %arg4[%dma_wait3A_91, %dma_wait3A_92, %dma_wait3A_93, %dma_wait3A_99, %dma_wait3A_100, %dma_wait3A_101] : memref<2x100x8x32x8x128xf32, #tpu.memory_space<hbm>> -> memref<1x1x1x32x8x128xf32, #tpu.memory_space<hbm>>
        %dma_wait3A_103 = tpu.memref_squeeze %dma_wait3A_102 : memref<1x1x1x32x8x128xf32, #tpu.memory_space<hbm>> -> memref<32x8x128xf32, #tpu.memory_space<hbm>>
        %dma_wait3A_104 = arith.constant 0 : i32
        %dma_wait3A_105 = arith.constant 0 : i32
        %dma_wait3A_106 = arith.constant 0 : i32
        %dma_wait3A_107 = tpu.memref_slice %arg4[%dma_wait3A_91, %dma_wait3A_92, %dma_wait3A_93, %dma_wait3A_104, %dma_wait3A_105, %dma_wait3A_106] : memref<2x100x8x32x8x128xf32, #tpu.memory_space<hbm>> -> memref<1x1x1x32x8x128xf32, #tpu.memory_space<hbm>>
        %dma_wait3A_108 = tpu.memref_squeeze %dma_wait3A_107 : memref<1x1x1x32x8x128xf32, #tpu.memory_space<hbm>> -> memref<32x8x128xf32, #tpu.memory_space<hbm>>
        %dma_wait3A_109 = arith.constant 0 : i32
        %dma_wait3A_110 = arith.constant 0 : i32
        %dma_wait3A_111 = arith.constant 0 : i32
        %dma_wait3A_112 = tpu.memref_slice %arg11[%dma_wait3A, %dma_wait3A_109, %dma_wait3A_110, %dma_wait3A_111] : memref<2x32x8x128xf32, #tpu.memory_space<vmem>> -> memref<1x32x8x128xf32, #tpu.memory_space<vmem>>
        %dma_wait3A_113 = tpu.memref_squeeze %dma_wait3A_112 : memref<1x32x8x128xf32, #tpu.memory_space<vmem>> -> memref<32x8x128xf32, #tpu.memory_space<vmem>>
        tpu.wait_dma2 semaphore(%arg17 : memref<!tpu.dma_semaphore, #tpu.memory_space<semaphore_mem>>) src(%dma_wait3A_113 : memref<32x8x128xf32, #tpu.memory_space<vmem>>) dst(%dma_wait3A_108 : memref<32x8x128xf32, #tpu.memory_space<hbm>>)
        %dma_wait3A_114 = arith.constant 0 : i32
        %dma_wait3A_115 = arith.constant 1 : i32
        %dma_wait3A_116 = arith.constant 0 : i32
        %dma_wait3A_117 = arith.constant 0 : i32
        %dma_wait3A_118 = arith.constant 0 : i32
        %dma_wait3A_119 = arith.constant 0 : i32
        %dma_wait3A_120 = arith.constant 0 : i32
        %dma_wait3A_121 = tpu.memref_slice %arg11[%dma_wait3A_114, %dma_wait3A_118, %dma_wait3A_119, %dma_wait3A_120] : memref<2x32x8x128xf32, #tpu.memory_space<vmem>> -> memref<1x32x8x128xf32, #tpu.memory_space<vmem>>
        %dma_wait3A_122 = tpu.memref_squeeze %dma_wait3A_121 : memref<1x32x8x128xf32, #tpu.memory_space<vmem>> -> memref<32x8x128xf32, #tpu.memory_space<vmem>>
        %dma_wait3A_123 = arith.constant 0 : i32
        %dma_wait3A_124 = arith.constant 0 : i32
        %dma_wait3A_125 = arith.constant 0 : i32
        %dma_wait3A_126 = tpu.memref_slice %arg4[%dma_wait3A_115, %dma_wait3A_116, %dma_wait3A_117, %dma_wait3A_123, %dma_wait3A_124, %dma_wait3A_125] : memref<2x100x8x32x8x128xf32, #tpu.memory_space<hbm>> -> memref<1x1x1x32x8x128xf32, #tpu.memory_space<hbm>>
        %dma_wait3A_127 = tpu.memref_squeeze %dma_wait3A_126 : memref<1x1x1x32x8x128xf32, #tpu.memory_space<hbm>> -> memref<32x8x128xf32, #tpu.memory_space<hbm>>
        %dma_wait3A_128 = arith.constant 0 : i32
        %dma_wait3A_129 = arith.constant 0 : i32
        %dma_wait3A_130 = arith.constant 0 : i32
        %dma_wait3A_131 = tpu.memref_slice %arg4[%dma_wait3A_115, %dma_wait3A_116, %dma_wait3A_117, %dma_wait3A_128, %dma_wait3A_129, %dma_wait3A_130] : memref<2x100x8x32x8x128xf32, #tpu.memory_space<hbm>> -> memref<1x1x1x32x8x128xf32, #tpu.memory_space<hbm>>
        %dma_wait3A_132 = tpu.memref_squeeze %dma_wait3A_131 : memref<1x1x1x32x8x128xf32, #tpu.memory_space<hbm>> -> memref<32x8x128xf32, #tpu.memory_space<hbm>>
        %dma_wait3A_133 = arith.constant 0 : i32
        %dma_wait3A_134 = arith.constant 0 : i32
        %dma_wait3A_135 = arith.constant 0 : i32
        %dma_wait3A_136 = tpu.memref_slice %arg11[%dma_wait3A_114, %dma_wait3A_133, %dma_wait3A_134, %dma_wait3A_135] : memref<2x32x8x128xf32, #tpu.memory_space<vmem>> -> memref<1x32x8x128xf32, #tpu.memory_space<vmem>>
        %dma_wait3A_137 = tpu.memref_squeeze %dma_wait3A_136 : memref<1x32x8x128xf32, #tpu.memory_space<vmem>> -> memref<32x8x128xf32, #tpu.memory_space<vmem>>
        tpu.wait_dma2 semaphore(%arg17 : memref<!tpu.dma_semaphore, #tpu.memory_space<semaphore_mem>>) src(%dma_wait3A_137 : memref<32x8x128xf32, #tpu.memory_space<vmem>>) dst(%dma_wait3A_132 : memref<32x8x128xf32, #tpu.memory_space<hbm>>)
        %dma_wait3A_138 = arith.constant 0 : i32
        %dma_wait3A_139 = arith.constant 1 : i32
        %dma_wait3A_140 = arith.constant 0 : i32
        %dma_wait3A_141 = arith.constant 0 : i32
        %dma_wait3A_142 = arith.constant 0 : i32
        %dma_wait3A_143 = arith.constant 0 : i32
        %dma_wait3A_144 = arith.constant 0 : i32
        %dma_wait3A_145 = tpu.memref_slice %arg11[%dma_wait3A_138, %dma_wait3A_142, %dma_wait3A_143, %dma_wait3A_144] : memref<2x32x8x128xf32, #tpu.memory_space<vmem>> -> memref<1x32x8x128xf32, #tpu.memory_space<vmem>>
        %dma_wait3A_146 = tpu.memref_squeeze %dma_wait3A_145 : memref<1x32x8x128xf32, #tpu.memory_space<vmem>> -> memref<32x8x128xf32, #tpu.memory_space<vmem>>
        %dma_wait3A_147 = arith.constant 0 : i32
        %dma_wait3A_148 = arith.constant 0 : i32
        %dma_wait3A_149 = arith.constant 0 : i32
        %dma_wait3A_150 = tpu.memref_slice %arg4[%dma_wait3A_139, %dma_wait3A_140, %dma_wait3A_141, %dma_wait3A_147, %dma_wait3A_148, %dma_wait3A_149] : memref<2x100x8x32x8x128xf32, #tpu.memory_space<hbm>> -> memref<1x1x1x32x8x128xf32, #tpu.memory_space<hbm>>
        %dma_wait3A_151 = tpu.memref_squeeze %dma_wait3A_150 : memref<1x1x1x32x8x128xf32, #tpu.memory_space<hbm>> -> memref<32x8x128xf32, #tpu.memory_space<hbm>>
        %dma_wait3A_152 = arith.constant 0 : i32
        %dma_wait3A_153 = arith.constant 0 : i32
        %dma_wait3A_154 = arith.constant 0 : i32
        %dma_wait3A_155 = tpu.memref_slice %arg4[%dma_wait3A_139, %dma_wait3A_140, %dma_wait3A_141, %dma_wait3A_152, %dma_wait3A_153, %dma_wait3A_154] : memref<2x100x8x32x8x128xf32, #tpu.memory_space<hbm>> -> memref<1x1x1x32x8x128xf32, #tpu.memory_space<hbm>>
        %dma_wait3A_156 = tpu.memref_squeeze %dma_wait3A_155 : memref<1x1x1x32x8x128xf32, #tpu.memory_space<hbm>> -> memref<32x8x128xf32, #tpu.memory_space<hbm>>
        %dma_wait3A_157 = arith.constant 0 : i32
        %dma_wait3A_158 = arith.constant 0 : i32
        %dma_wait3A_159 = arith.constant 0 : i32
        %dma_wait3A_160 = tpu.memref_slice %arg11[%dma_wait3A_138, %dma_wait3A_157, %dma_wait3A_158, %dma_wait3A_159] : memref<2x32x8x128xf32, #tpu.memory_space<vmem>> -> memref<1x32x8x128xf32, #tpu.memory_space<vmem>>
        %dma_wait3A_161 = tpu.memref_squeeze %dma_wait3A_160 : memref<1x32x8x128xf32, #tpu.memory_space<vmem>> -> memref<32x8x128xf32, #tpu.memory_space<vmem>>
        tpu.wait_dma2 semaphore(%arg17 : memref<!tpu.dma_semaphore, #tpu.memory_space<semaphore_mem>>) src(%dma_wait3A_161 : memref<32x8x128xf32, #tpu.memory_space<vmem>>) dst(%dma_wait3A_156 : memref<32x8x128xf32, #tpu.memory_space<hbm>>)
        %dma_wait3A_162 = arith.constant 0 : i32
        %dma_wait3A_163 = arith.constant 1 : i32
        %dma_wait3A_164 = arith.constant 0 : i32
        %dma_wait3A_165 = arith.constant 0 : i32
        %dma_wait3A_166 = arith.constant 0 : i32
        %dma_wait3A_167 = arith.constant 0 : i32
        %dma_wait3A_168 = arith.constant 0 : i32
        %dma_wait3A_169 = tpu.memref_slice %arg11[%dma_wait3A_162, %dma_wait3A_166, %dma_wait3A_167, %dma_wait3A_168] : memref<2x32x8x128xf32, #tpu.memory_space<vmem>> -> memref<1x32x8x128xf32, #tpu.memory_space<vmem>>
        %dma_wait3A_170 = tpu.memref_squeeze %dma_wait3A_169 : memref<1x32x8x128xf32, #tpu.memory_space<vmem>> -> memref<32x8x128xf32, #tpu.memory_space<vmem>>
        %dma_wait3A_171 = arith.constant 0 : i32
        %dma_wait3A_172 = arith.constant 0 : i32
        %dma_wait3A_173 = arith.constant 0 : i32
        %dma_wait3A_174 = tpu.memref_slice %arg4[%dma_wait3A_163, %dma_wait3A_164, %dma_wait3A_165, %dma_wait3A_171, %dma_wait3A_172, %dma_wait3A_173] : memref<2x100x8x32x8x128xf32, #tpu.memory_space<hbm>> -> memref<1x1x1x32x8x128xf32, #tpu.memory_space<hbm>>
        %dma_wait3A_175 = tpu.memref_squeeze %dma_wait3A_174 : memref<1x1x1x32x8x128xf32, #tpu.memory_space<hbm>> -> memref<32x8x128xf32, #tpu.memory_space<hbm>>
        %dma_wait3A_176 = arith.constant 0 : i32
        %dma_wait3A_177 = arith.constant 0 : i32
        %dma_wait3A_178 = arith.constant 0 : i32
        %dma_wait3A_179 = tpu.memref_slice %arg4[%dma_wait3A_163, %dma_wait3A_164, %dma_wait3A_165, %dma_wait3A_176, %dma_wait3A_177, %dma_wait3A_178] : memref<2x100x8x32x8x128xf32, #tpu.memory_space<hbm>> -> memref<1x1x1x32x8x128xf32, #tpu.memory_space<hbm>>
        %dma_wait3A_180 = tpu.memref_squeeze %dma_wait3A_179 : memref<1x1x1x32x8x128xf32, #tpu.memory_space<hbm>> -> memref<32x8x128xf32, #tpu.memory_space<hbm>>
        %dma_wait3A_181 = arith.constant 0 : i32
        %dma_wait3A_182 = arith.constant 0 : i32
        %dma_wait3A_183 = arith.constant 0 : i32
        %dma_wait3A_184 = tpu.memref_slice %arg11[%dma_wait3A_162, %dma_wait3A_181, %dma_wait3A_182, %dma_wait3A_183] : memref<2x32x8x128xf32, #tpu.memory_space<vmem>> -> memref<1x32x8x128xf32, #tpu.memory_space<vmem>>
        %dma_wait3A_185 = tpu.memref_squeeze %dma_wait3A_184 : memref<1x32x8x128xf32, #tpu.memory_space<vmem>> -> memref<32x8x128xf32, #tpu.memory_space<vmem>>
        tpu.wait_dma2 semaphore(%arg17 : memref<!tpu.dma_semaphore, #tpu.memory_space<semaphore_mem>>) src(%dma_wait3A_185 : memref<32x8x128xf32, #tpu.memory_space<vmem>>) dst(%dma_wait3A_180 : memref<32x8x128xf32, #tpu.memory_space<hbm>>)
        %dma_wait3A_186 = arith.constant 0 : i32
        %dma_wait3A_187 = arith.constant 1 : i32
        %dma_wait3A_188 = arith.constant 0 : i32
        %dma_wait3A_189 = arith.constant 0 : i32
        %dma_wait3A_190 = arith.constant 0 : i32
        %dma_wait3A_191 = arith.constant 0 : i32
        %dma_wait3A_192 = arith.constant 0 : i32
        %dma_wait3A_193 = tpu.memref_slice %arg11[%dma_wait3A_186, %dma_wait3A_190, %dma_wait3A_191, %dma_wait3A_192] : memref<2x32x8x128xf32, #tpu.memory_space<vmem>> -> memref<1x32x8x128xf32, #tpu.memory_space<vmem>>
        %dma_wait3A_194 = tpu.memref_squeeze %dma_wait3A_193 : memref<1x32x8x128xf32, #tpu.memory_space<vmem>> -> memref<32x8x128xf32, #tpu.memory_space<vmem>>
        %dma_wait3A_195 = arith.constant 0 : i32
        %dma_wait3A_196 = arith.constant 0 : i32
        %dma_wait3A_197 = arith.constant 0 : i32
        %dma_wait3A_198 = tpu.memref_slice %arg4[%dma_wait3A_187, %dma_wait3A_188, %dma_wait3A_189, %dma_wait3A_195, %dma_wait3A_196, %dma_wait3A_197] : memref<2x100x8x32x8x128xf32, #tpu.memory_space<hbm>> -> memref<1x1x1x32x8x128xf32, #tpu.memory_space<hbm>>
        %dma_wait3A_199 = tpu.memref_squeeze %dma_wait3A_198 : memref<1x1x1x32x8x128xf32, #tpu.memory_space<hbm>> -> memref<32x8x128xf32, #tpu.memory_space<hbm>>
        %dma_wait3A_200 = arith.constant 0 : i32
        %dma_wait3A_201 = arith.constant 0 : i32
        %dma_wait3A_202 = arith.constant 0 : i32
        %dma_wait3A_203 = tpu.memref_slice %arg4[%dma_wait3A_187, %dma_wait3A_188, %dma_wait3A_189, %dma_wait3A_200, %dma_wait3A_201, %dma_wait3A_202] : memref<2x100x8x32x8x128xf32, #tpu.memory_space<hbm>> -> memref<1x1x1x32x8x128xf32, #tpu.memory_space<hbm>>
        %dma_wait3A_204 = tpu.memref_squeeze %dma_wait3A_203 : memref<1x1x1x32x8x128xf32, #tpu.memory_space<hbm>> -> memref<32x8x128xf32, #tpu.memory_space<hbm>>
        %dma_wait3A_205 = arith.constant 0 : i32
        %dma_wait3A_206 = arith.constant 0 : i32
        %dma_wait3A_207 = arith.constant 0 : i32
        %dma_wait3A_208 = tpu.memref_slice %arg11[%dma_wait3A_186, %dma_wait3A_205, %dma_wait3A_206, %dma_wait3A_207] : memref<2x32x8x128xf32, #tpu.memory_space<vmem>> -> memref<1x32x8x128xf32, #tpu.memory_space<vmem>>
        %dma_wait3A_209 = tpu.memref_squeeze %dma_wait3A_208 : memref<1x32x8x128xf32, #tpu.memory_space<vmem>> -> memref<32x8x128xf32, #tpu.memory_space<vmem>>
        tpu.wait_dma2 semaphore(%arg17 : memref<!tpu.dma_semaphore, #tpu.memory_space<semaphore_mem>>) src(%dma_wait3A_209 : memref<32x8x128xf32, #tpu.memory_space<vmem>>) dst(%dma_wait3A_204 : memref<32x8x128xf32, #tpu.memory_space<hbm>>)
        %dma_wait3A_210 = arith.constant 0 : i32
        %dma_wait3A_211 = arith.constant 1 : i32
        %dma_wait3A_212 = arith.constant 0 : i32
        %dma_wait3A_213 = arith.constant 0 : i32
        %dma_wait3A_214 = arith.constant 0 : i32
        %dma_wait3A_215 = arith.constant 0 : i32
        %dma_wait3A_216 = arith.constant 0 : i32
        %dma_wait3A_217 = tpu.memref_slice %arg11[%dma_wait3A_210, %dma_wait3A_214, %dma_wait3A_215, %dma_wait3A_216] : memref<2x32x8x128xf32, #tpu.memory_space<vmem>> -> memref<1x32x8x128xf32, #tpu.memory_space<vmem>>
        %dma_wait3A_218 = tpu.memref_squeeze %dma_wait3A_217 : memref<1x32x8x128xf32, #tpu.memory_space<vmem>> -> memref<32x8x128xf32, #tpu.memory_space<vmem>>
        %dma_wait3A_219 = arith.constant 0 : i32
        %dma_wait3A_220 = arith.constant 0 : i32
        %dma_wait3A_221 = arith.constant 0 : i32
        %dma_wait3A_222 = tpu.memref_slice %arg4[%dma_wait3A_211, %dma_wait3A_212, %dma_wait3A_213, %dma_wait3A_219, %dma_wait3A_220, %dma_wait3A_221] : memref<2x100x8x32x8x128xf32, #tpu.memory_space<hbm>> -> memref<1x1x1x32x8x128xf32, #tpu.memory_space<hbm>>
        %dma_wait3A_223 = tpu.memref_squeeze %dma_wait3A_222 : memref<1x1x1x32x8x128xf32, #tpu.memory_space<hbm>> -> memref<32x8x128xf32, #tpu.memory_space<hbm>>
        %dma_wait3A_224 = arith.constant 0 : i32
        %dma_wait3A_225 = arith.constant 0 : i32
        %dma_wait3A_226 = arith.constant 0 : i32
        %dma_wait3A_227 = tpu.memref_slice %arg4[%dma_wait3A_211, %dma_wait3A_212, %dma_wait3A_213, %dma_wait3A_224, %dma_wait3A_225, %dma_wait3A_226] : memref<2x100x8x32x8x128xf32, #tpu.memory_space<hbm>> -> memref<1x1x1x32x8x128xf32, #tpu.memory_space<hbm>>
        %dma_wait3A_228 = tpu.memref_squeeze %dma_wait3A_227 : memref<1x1x1x32x8x128xf32, #tpu.memory_space<hbm>> -> memref<32x8x128xf32, #tpu.memory_space<hbm>>
        %dma_wait3A_229 = arith.constant 0 : i32
        %dma_wait3A_230 = arith.constant 0 : i32
        %dma_wait3A_231 = arith.constant 0 : i32
        %dma_wait3A_232 = tpu.memref_slice %arg11[%dma_wait3A_210, %dma_wait3A_229, %dma_wait3A_230, %dma_wait3A_231] : memref<2x32x8x128xf32, #tpu.memory_space<vmem>> -> memref<1x32x8x128xf32, #tpu.memory_space<vmem>>
        %dma_wait3A_233 = tpu.memref_squeeze %dma_wait3A_232 : memref<1x32x8x128xf32, #tpu.memory_space<vmem>> -> memref<32x8x128xf32, #tpu.memory_space<vmem>>
        tpu.wait_dma2 semaphore(%arg17 : memref<!tpu.dma_semaphore, #tpu.memory_space<semaphore_mem>>) src(%dma_wait3A_233 : memref<32x8x128xf32, #tpu.memory_space<vmem>>) dst(%dma_wait3A_228 : memref<32x8x128xf32, #tpu.memory_space<hbm>>)
        %dma_wait3A_234 = arith.constant 0 : i32
        %dma_wait3A_235 = arith.constant 1 : i32
        %dma_wait3A_236 = arith.constant 0 : i32
        %dma_wait3A_237 = arith.constant 0 : i32
        %dma_wait3A_238 = arith.constant 0 : i32
        %dma_wait3A_239 = arith.constant 0 : i32
        %dma_wait3A_240 = arith.constant 0 : i32
        %dma_wait3A_241 = tpu.memref_slice %arg11[%dma_wait3A_234, %dma_wait3A_238, %dma_wait3A_239, %dma_wait3A_240] : memref<2x32x8x128xf32, #tpu.memory_space<vmem>> -> memref<1x32x8x128xf32, #tpu.memory_space<vmem>>
        %dma_wait3A_242 = tpu.memref_squeeze %dma_wait3A_241 : memref<1x32x8x128xf32, #tpu.memory_space<vmem>> -> memref<32x8x128xf32, #tpu.memory_space<vmem>>
        %dma_wait3A_243 = arith.constant 0 : i32
        %dma_wait3A_244 = arith.constant 0 : i32
        %dma_wait3A_245 = arith.constant 0 : i32
        %dma_wait3A_246 = tpu.memref_slice %arg4[%dma_wait3A_235, %dma_wait3A_236, %dma_wait3A_237, %dma_wait3A_243, %dma_wait3A_244, %dma_wait3A_245] : memref<2x100x8x32x8x128xf32, #tpu.memory_space<hbm>> -> memref<1x1x1x32x8x128xf32, #tpu.memory_space<hbm>>
        %dma_wait3A_247 = tpu.memref_squeeze %dma_wait3A_246 : memref<1x1x1x32x8x128xf32, #tpu.memory_space<hbm>> -> memref<32x8x128xf32, #tpu.memory_space<hbm>>
        %dma_wait3A_248 = arith.constant 0 : i32
        %dma_wait3A_249 = arith.constant 0 : i32
        %dma_wait3A_250 = arith.constant 0 : i32
        %dma_wait3A_251 = tpu.memref_slice %arg4[%dma_wait3A_235, %dma_wait3A_236, %dma_wait3A_237, %dma_wait3A_248, %dma_wait3A_249, %dma_wait3A_250] : memref<2x100x8x32x8x128xf32, #tpu.memory_space<hbm>> -> memref<1x1x1x32x8x128xf32, #tpu.memory_space<hbm>>
        %dma_wait3A_252 = tpu.memref_squeeze %dma_wait3A_251 : memref<1x1x1x32x8x128xf32, #tpu.memory_space<hbm>> -> memref<32x8x128xf32, #tpu.memory_space<hbm>>
        %dma_wait3A_253 = arith.constant 0 : i32
        %dma_wait3A_254 = arith.constant 0 : i32
        %dma_wait3A_255 = arith.constant 0 : i32
        %dma_wait3A_256 = tpu.memref_slice %arg11[%dma_wait3A_234, %dma_wait3A_253, %dma_wait3A_254, %dma_wait3A_255] : memref<2x32x8x128xf32, #tpu.memory_space<vmem>> -> memref<1x32x8x128xf32, #tpu.memory_space<vmem>>
        %dma_wait3A_257 = tpu.memref_squeeze %dma_wait3A_256 : memref<1x32x8x128xf32, #tpu.memory_space<vmem>> -> memref<32x8x128xf32, #tpu.memory_space<vmem>>
        tpu.wait_dma2 semaphore(%arg17 : memref<!tpu.dma_semaphore, #tpu.memory_space<semaphore_mem>>) src(%dma_wait3A_257 : memref<32x8x128xf32, #tpu.memory_space<vmem>>) dst(%dma_wait3A_252 : memref<32x8x128xf32, #tpu.memory_space<hbm>>)
        %dma_wait3A_258 = arith.constant 0 : i32
        %dma_wait3A_259 = arith.constant 1 : i32
        %dma_wait3A_260 = arith.constant 0 : i32
        %dma_wait3A_261 = arith.constant 0 : i32
        %dma_wait3A_262 = arith.constant 0 : i32
        %dma_wait3A_263 = arith.constant 0 : i32
        %dma_wait3A_264 = arith.constant 0 : i32
        %dma_wait3A_265 = tpu.memref_slice %arg11[%dma_wait3A_258, %dma_wait3A_262, %dma_wait3A_263, %dma_wait3A_264] : memref<2x32x8x128xf32, #tpu.memory_space<vmem>> -> memref<1x32x8x128xf32, #tpu.memory_space<vmem>>
        %dma_wait3A_266 = tpu.memref_squeeze %dma_wait3A_265 : memref<1x32x8x128xf32, #tpu.memory_space<vmem>> -> memref<32x8x128xf32, #tpu.memory_space<vmem>>
        %dma_wait3A_267 = arith.constant 0 : i32
        %dma_wait3A_268 = arith.constant 0 : i32
        %dma_wait3A_269 = arith.constant 0 : i32
        %dma_wait3A_270 = tpu.memref_slice %arg4[%dma_wait3A_259, %dma_wait3A_260, %dma_wait3A_261, %dma_wait3A_267, %dma_wait3A_268, %dma_wait3A_269] : memref<2x100x8x32x8x128xf32, #tpu.memory_space<hbm>> -> memref<1x1x1x32x8x128xf32, #tpu.memory_space<hbm>>
        %dma_wait3A_271 = tpu.memref_squeeze %dma_wait3A_270 : memref<1x1x1x32x8x128xf32, #tpu.memory_space<hbm>> -> memref<32x8x128xf32, #tpu.memory_space<hbm>>
        %dma_wait3A_272 = arith.constant 0 : i32
        %dma_wait3A_273 = arith.constant 0 : i32
        %dma_wait3A_274 = arith.constant 0 : i32
        %dma_wait3A_275 = tpu.memref_slice %arg4[%dma_wait3A_259, %dma_wait3A_260, %dma_wait3A_261, %dma_wait3A_272, %dma_wait3A_273, %dma_wait3A_274] : memref<2x100x8x32x8x128xf32, #tpu.memory_space<hbm>> -> memref<1x1x1x32x8x128xf32, #tpu.memory_space<hbm>>
        %dma_wait3A_276 = tpu.memref_squeeze %dma_wait3A_275 : memref<1x1x1x32x8x128xf32, #tpu.memory_space<hbm>> -> memref<32x8x128xf32, #tpu.memory_space<hbm>>
        %dma_wait3A_277 = arith.constant 0 : i32
        %dma_wait3A_278 = arith.constant 0 : i32
        %dma_wait3A_279 = arith.constant 0 : i32
        %dma_wait3A_280 = tpu.memref_slice %arg11[%dma_wait3A_258, %dma_wait3A_277, %dma_wait3A_278, %dma_wait3A_279] : memref<2x32x8x128xf32, #tpu.memory_space<vmem>> -> memref<1x32x8x128xf32, #tpu.memory_space<vmem>>
        %dma_wait3A_281 = tpu.memref_squeeze %dma_wait3A_280 : memref<1x32x8x128xf32, #tpu.memory_space<vmem>> -> memref<32x8x128xf32, #tpu.memory_space<vmem>>
        tpu.wait_dma2 semaphore(%arg17 : memref<!tpu.dma_semaphore, #tpu.memory_space<semaphore_mem>>) src(%dma_wait3A_281 : memref<32x8x128xf32, #tpu.memory_space<vmem>>) dst(%dma_wait3A_276 : memref<32x8x128xf32, #tpu.memory_space<hbm>>)
      } else {
      }
    } else {
    }
    return
  }
}

</mosaic_0001>

<sc_bundles>
// kernel: kernel.3.cloned.1.call-start
scs
__scs_entry_jumppad:
0x0: {  	(pc) =	sbr.rel $0x88, $3  }
0x1: {  	(tag) =	ssettag $0x0;
	lr =	simm.s32 $0x1  }
0x2: {  	[smem:$0x3F9F] =	sst lr;
	_ =	strace $0xD0000000  }
0x3: {  	_ = 	snop  }
0x4: {  	_ = 	snop  }
0x5: {  	_ = 	snop  }
0x6: {  	_ = 	snop  }
0x7: {  	_ = 	snop  }
__scs_overlays_trampoline_lowered:
0x8: {  	[smem:$0x3FAE] =	sst s0  }
0x9: {  	[smem:$0x3FAF] =	sst s1  }
0xa: {  	[smem:$0x3FB0] =	sst s2  }
0xb: {  	[smem:$0x3FB1] =	sst s3  }
0xc: {  	[smem:$0x3FB2] =	sst s4  }
0xd: {  	[smem:$0x3FB3] =	sst s5  }
0xe: {  	[smem:$0x3FB4] =	sst s6  }
0xf: {  	[smem:$0x3FB5] =	sst s7  }
0x10: {  	[smem:$0x3FB6] =	sst s8  }
0x11: {  	[smem:$0x3FB7] =	sst s9;
	s0 =	simm.s32 @!p0 $0x0  }
0x12: {  	s1 =	sld [smem:$0x3F9D];
	s0 =	simm.s32 @p0 $0x1  }
0x13: {  	[smem:$0x3FB8] =	sst s0;
	s0 =	simm.s32 @!p1 $0x0  }
0x14: {  	s2 =	sld [smem:$0x3F9C];
	s0 =	simm.s32 @p1 $0x1  }
0x15: {  	[smem:$0x3FB9] =	sst s0;
	s0 =	simm.s32 @!p2 $0x0  }
0x16: {  	s3 =	sld [smem:$0x3FDB];
	s0 =	simm.s32 @p2 $0x1  }
0x17: {  	s4 =	simm.s32 $0x1BF5;
	[smem:$0x3FBB] =	sst s0  }
0x18: {  	s0 =	sld [smem:$0x3F9E];
	_ =	swait.ge [sflag:s4], $0x0  }
0x19: {  	s7 =	sld [smem:$0x3F9F]  }
0x1a: {  	s8 =	sadd.s32 $0xFFFFE003, lr  }
0x1b: {  	s9 =	sadd.s32 $0xFFFFFEF7, lr;
	s5 =	simm.s32 $0xFFFFFFFF;
	p2 =	slt.u32 s8, $0xFFFFF086  }
0x1c: {  	p1 =	slt.u32 s9, $0xF7A;
	s5 =	simm.s32 @!p2 $0x0  }
0x1d: {  	s5 =	simm.s32 @p1 $0x1;
	p0 =	seq.s32 s7, s2  }
0x1e: {  	s7 =	smul.u32 @!p0 $0xF7A, s2;
	p2 =	seq.s32 @!p0 s5, $0x0  }
0x1f: {  	s9 =	smul.u32 $0xF7A, s1;
	s8 =	simm.s32 @!p0 $0x1BF5;
	p2 =	por !p2, p0  }
0x20: {  	[sflag:s8] =	ssyncset.s32 @!p0 $0xFFFFF086;
	s6 =	sadd.s32 @!p0 s3, s7;
	s7 =	simm.s32 @!p0 $0x108  }
0x21: {  	s3 =	sadd.s32 s3, s9;
	s6 =	sadd.s32 @!p0 $0x88, s6;
	s7 =	simm.s32 @p2 $0x1082  }
0x22: {  	[simem:s7], [sflag:s8] =	dma.local @!p0 [hbm:s6], $0xF7A  }
0x23: {  	s9 =	sor.u32 $0xD0000000, s2;
	s6 =	simm.s32 $0x108;
	_ =	swait.ge @!p0 [sflag:s8], $0x0  }
0x24: {  	s3 =	sadd.s32 $0x88, s3;
	s6 =	simm.s32 @!p1 $0x1082;
	[sflag:s4] =	ssyncset.s32 $0xFFFFF086  }
0x25: {  	[simem:s6], [sflag:s4] =	dma.local [hbm:s3], $0xF7A  }
0x26: {  	[smem:$0x3F9F] =	sst s1;
	(tag) =	ssettag s2;
	_ =	strace s9  }
0x27: {  	s1 =	sld [smem:$0x3FAF]  }
0x28: {  	s2 =	sld [smem:$0x3FB0]  }
0x29: {  	s4 =	sld [smem:$0x3FB2]  }
0x2a: {  	p0 =	seq.s32 s5, $0x0;
	s5 =	sld [smem:$0x3FB3]  }
0x2b: {  	s6 =	sld [smem:$0x3FB4]  }
0x2c: {  	s7 =	sld [smem:$0x3FB5]  }
0x2d: {  	s3 =	simm.s32 $0x108;
	s8 =	sld [smem:$0x3FB6]  }
0x2e: {  	s3 =	simm.s32 @!p0 $0x1082;
	s9 =	sld [smem:$0x3FB7]  }
0x2f: {  	lr =	sadd.s32 s0, s3;
	s0 =	sld [smem:$0x3FAE]  }
0x30: {  	s3 =	sld [smem:$0x3FB1]  }
0x31: {  	[smem:$0x3FBA] =	sst s10  }
0x32: {  	s10 =	sld [smem:$0x3FB8];
	_ =	sdelay $0x3  }
0x33: {  	p0 =	seq.s32 s10, $0x1;
	s10 =	sld [smem:$0x3FBA];
	_ =	sdelay $0x3  }
0x34: {  	[smem:$0x3FBA] =	sst s10  }
0x35: {  	s10 =	sld [smem:$0x3FB9];
	_ =	sdelay $0x3  }
0x36: {  	p1 =	seq.s32 s10, $0x1;
	s10 =	sld [smem:$0x3FBA];
	_ =	sdelay $0x3  }
0x37: {  	[smem:$0x3FBA] =	sst s10  }
0x38: {  	s10 =	sld [smem:$0x3FBB]  }
0x39: {  	_ = 	snop;
	(pc) =	sbr.ind lr, $3  }
0x3a: {  	_ = 	snop  }
0x3b: {  	_ = 	snop  }
0x3c: {  	p2 =	seq.s32 s10, $0x1;
	s10 =	sld [smem:$0x3FBA]  }
0x3d: {  	_ =	shalt  }
0x3e: {  	_ =	shalt  }
0x3f: {  	_ =	shalt  }
0x40: {  	_ =	shalt  }
0x41: {  	_ =	shalt  }
0x42: {  	_ =	shalt  }
0x43: {  	_ =	shalt  }
0x44: {  	_ =	shalt  }
0x45: {  	_ =	shalt  }
0x46: {  	_ =	shalt  }
0x47: {  	_ =	shalt  }
0x48: {  	_ =	shalt  }
0x49: {  	_ =	shalt  }
0x4a: {  	_ =	shalt  }
0x4b: {  	_ =	shalt  }
0x4c: {  	_ =	shalt  }
0x4d: {  	_ =	shalt  }
0x4e: {  	_ =	shalt  }
0x4f: {  	_ =	shalt  }
0x50: {  	_ =	shalt  }
0x51: {  	_ =	shalt  }
0x52: {  	_ =	shalt  }
0x53: {  	_ =	shalt  }
0x54: {  	_ =	shalt  }
0x55: {  	_ =	shalt  }
0x56: {  	_ =	shalt  }
0x57: {  	_ =	shalt  }
0x58: {  	_ =	shalt  }
0x59: {  	_ =	shalt  }
0x5a: {  	_ =	shalt  }
0x5b: {  	_ =	shalt  }
0x5c: {  	_ =	shalt  }
0x5d: {  	_ =	shalt  }
0x5e: {  	_ =	shalt  }
0x5f: {  	_ =	shalt  }
0x60: {  	_ =	shalt  }
0x61: {  	_ =	shalt  }
0x62: {  	_ =	shalt  }
0x63: {  	_ =	shalt  }
0x64: {  	_ =	shalt  }
0x65: {  	_ =	shalt  }
0x66: {  	_ =	shalt  }
0x67: {  	_ =	shalt  }
0x68: {  	_ =	shalt  }
0x69: {  	_ =	shalt  }
0x6a: {  	_ =	shalt  }
0x6b: {  	_ =	shalt  }
0x6c: {  	_ =	shalt  }
0x6d: {  	_ =	shalt  }
0x6e: {  	_ =	shalt  }
0x6f: {  	_ =	shalt  }
0x70: {  	_ =	shalt  }
0x71: {  	_ =	shalt  }
0x72: {  	_ =	shalt  }
0x73: {  	_ =	shalt  }
0x74: {  	_ =	shalt  }
0x75: {  	_ =	shalt  }
0x76: {  	_ =	shalt  }
0x77: {  	_ =	shalt  }
0x78: {  	_ =	shalt  }
0x79: {  	_ =	shalt  }
0x7a: {  	_ =	shalt  }
0x7b: {  	_ =	shalt  }
0x7c: {  	_ =	shalt  }
0x7d: {  	_ =	shalt  }
0x7e: {  	_ =	shalt  }
0x7f: {  	_ =	shalt  }
0x80: {  	_ =	shalt  }
0x81: {  	_ =	shalt  }
0x82: {  	_ =	shalt  }
0x83: {  	_ =	shalt  }
0x84: {  	_ =	shalt  }
0x85: {  	_ =	shalt  }
0x86: {  	_ =	shalt  }
0x87: {  	_ =	shalt  }
.Lfunc_end0:
.L_simem_size_0:
called_computation_lowered:
.L_overlay_start_0:
0x88: {  	s2 =	sld [smem:$0x3FD9]  }
0x89: {  	s3 =	sld [smem:$0x3FFE];
	_ =	sdelay $0x1  }
0x8a: {  	s1 =	srdreg.scid  }
0x8b: {  	s0 =	sand.u32 $0x1, s1  }
0x8c: {  	s17 =	sshll.u32 s0, $0xA;
	s2 =	sadd.s32 s3, s2  }
0x8d: {  	s2 =	sadd.s32 s2, s17  }
0x8e: {  	[smem:$0x3FC6] =	sst s2  }
0x8f: {  	_ = 	snop  }
0x90: {  	s2 =	sld [smem:$0x3FD0];
	(tm) =	ssettm $0x1  }
0x91: {  	s18 =	sld [smem:$0x3FFB];
	_ =	sdelay $0x3  }
0x92: {  	_ =	strace s18  }
0x93: {  	s3 =	sld [smem:$0x3FFC];
	_ =	sdelay $0x3  }
0x94: {  	_ =	strace s3  }
0x95: {  	s3 =	sld [smem:$0x3FFD];
	_ =	sdelay $0x3  }
0x96: {  	_ =	strace s3  }
0x97: {  	_ =	strace $0x8FFFFFFF  }
0x98: {  	s19 =	sld [smem:$0x3FDB];
	_ =	sdelay $0x1  }
0x99: {  	s4 =	simm.s32 $_scs_section_size  }
0x9a: {  	s5 =	simm.s32 $_size__tile_overlayer_lowered;
	s6 =	simm.s32 $_tile_overlayer_lowered  }
0x9b: {  	s22 =	simm.s32 $0x1BFF;
	s21 =	sshll.u32 s6, $0x1;
	s3 =	sadd.s32 s4, s19  }
0x9c: {  	s7 =	simm.s32 $0x0;
	s20 =	sshll.u32 s5, $0x1;
	s5 =	sadd.s32 s21, s3  }
0x9d: {  	[timem:s7], [sflag:s22] =	dma.local [hbm:s5], s20  }
0x9e: {  	_ =	swait.ge [sflag:s22], s20  }
0x9f: {  	s4 =	ssub.s32 $0x0, s20;
	[sflag:s22] =	ssyncset.done $0x0  }
0xa0: {  	[sflag:s22] =	ssyncadd.s32 s4;
	_ =	sdelay $0x1  }
0xa1: {  	s23 =	simm.s32 $0x1B8B  }
0xa2: {  	_ =	swait.ge [sflag:s23], $0x1  }
0xa3: {  	[sflag:s23] =	ssyncset.done $0x0  }
0xa4: {  	s25 =	simm.s32 $0x1B8E;
	s24 =	sld [smem:$0x3FFE];
	[sflag:s23] =	ssyncadd.s32 $0xFFFFFFFF  }
0xa5: {  	s26 =	simm.s32 $execute0_lowered;
	[smem:$0x3FD2] =	sst s25  }
0xa6: {  	s5 =	sshll.u32 s26, $0x1;
	_ =	strace $0x80000046;
	[dreg:$0x1] =	wrdreg $0xFFFFFFFF  }
0xa7: {  	s28 =	simm.s32 $_size_execute0_lowered;
	s3 =	sadd.s32 s3, s5;
	[dreg:$0x0] =	wrdreg $0x0  }
0xa8: {  	s5 =	sshll.u32 s28, $0x1;
	[dreg:$0x2] =	wrdreg s3  }
0xa9: {  	[dreg:$0x3] =	wrdreg s5  }
0xaa: {  	[dreg:$0x4] =	wrdreg $0xC0  }
0xab: {  	_ =	task [dreg:s7], $0x5FFFF  }
0xac: {  	[dreg:$0x1] =	wrdreg $0xFFFFFFFF  }
0xad: {  	[dreg:$0x0] =	wrdreg $0x60  }
0xae: {  	[dreg:$0x2] =	wrdreg s24  }
0xaf: {  	[dreg:$0x3] =	wrdreg s2  }
0xb0: {  	[dreg:$0x4] =	wrdreg $0x9  }
0xb1: {  	_ =	task.clear_ibuf [dreg:s7], $0x5FFFF;
	_ =	strace $0x90000046  }
0xb2: {  	s29 =	simm.s32 $0x9;
	_ =	strace $0x80000048  }
0xb3: {  	_ =	swait.ge [sflag:s29], $0x1  }
0xb4: {  	[sflag:s29] =	ssyncadd.s32 $0xFFFFFFFF  }
0xb5: {  	_ =	strace $0x90000048  }
0xb6: {  	_ =	sfence  }
0xb7: {  	s30 =	sld [smem:$0x0];
	_ =	sdelay $0x2  }
0xb8: {  	s31 =	sshll.u32 s1, $0xD;
	s1 =	sshrl.u32 s1, $0x2  }
0xb9: {  	s3 =	sand.u32 $0x4000, s31;
	s1 =	sadd.s32 s1, s30  }
0xba: {  	s0 =	sor.u32 s3, s0;
	s1 =	sshll.u32 s1, $0x11  }
0xbb: {  	s0 =	sor.u32 s1, s0  }
0xbc: {  	s0 =	sadd.s32 $0x8F2B, s0  }
0xbd: {  	[sflag:s0] =	ssyncadd.remote.s32 $0x1  }
0xbe: {  	_ =	sfence.sel $0xFFFF  }
0xbf: {  	[dreg:$0x0] =	wrdreg $0xFFFFFFFF;
	(pc) =	sbr.abs _section_cstart, $3  }
0xc0: {  	[dreg:$0x1] =	wrdreg $0xFFFFFFFF  }
0xc1: {  	_ =	task.clear_ibuf [dreg:s7], $0x2FFFF;
	_ =	strace $0x9FFFFFFF  }
0xc2: {  	(tm) =	ssettm $0x7FFFFFFF  }
0xc3: {  	_ =	shalt  }
tec
execute0_lowered:
.L_overlay_start_1:
0x0: {  	(tag) =	ssettag $0x1  }
0x1: {  	s0 =	rddreg [dreg:$0x0]  }
0x2: {  	s1 =	rddreg [dreg:$0x1];
	s3 =	simm.s32 $0x0  }
0x3: {  	s2 =	srdreg.scid;
	s5 =	stileid.u32;
	s8 =	simm.s32 $0x10  }
0x4: {  	s9 =	simm.s32 $0x1;
	s11 =	simm.s32 $0x7;
	s12 =	simm.s32 $0x80  }
0x5: {  	s15 =	simm.s32 $0x4000;
	s16 =	simm.s32 $0x6000;
	s17 =	simm.s32 $0x2  }
0x6: {  	s18 =	simm.s32 $0x8200;
	s20 =	simm.s32 $0xA400;
	s21 =	simm.s32 $0x12400  }
0x7: {  	s22 =	simm.s32 $0x5;
	s23 =	simm.s32 $0x6;
	s13 =	simm.s32 $0x0  }
0x8: {  	[smem:$0x7FF] =	sst s3;
	s2 =	sand.u32 $0x1, s2;
	s7 =	sshll.u32 s5, $0x1  }
0x9: {  	s4 =	sadd.s32 $0x400, s0;
	s6 =	ssub.s32 $0x2, s2;
	s2 =	sor.u32 s2, s7  }
0xa: {  	s5 =	sadd.s32 $0xCC00, s0;
	s31 =	sshrl.u32 s6, $0x1;
	p0 =	slt.u32 s2, $0x15  }
.Ltmp0:
0xb: {  	s7 =	sadd.s32 $0xFFFFFFEB, s2;
	s0 =	ssub.s32 s6, s31;
	(pc) =	sbr.rel .LBB2_1-.Ltmp0, $4  }
0xc: {  	v0 =	vlaneseq.u32;
	s6 =	smin.u32 s2, s7;
	s8 =	simm.s32 @!p0 $0x1;
	s7 =	simm.s32 $0x4  }
0xd: {  	v0 =	vmul.u32 $0x88, v0;
	_ =	strace $0x80000047;
	p1 =	slt.s32 s6, s8;
	s7 =	simm.s32 @!p0 $0x9  }
0xe: {  	v4 =	vimm.f32 $1.000000000e+00;
	s8 =	simm.s32 $0x1;
	s10 =	smax.u32 s0, $0x1;
	s9 =	simm.s32 @!p1 $0x0  }
0xf: {  	v1 =	vadd.s32 $0x880, v0;
	v2 =	vadd.s32 $0x1100, v0;
	v3 =	vadd.s32 $0x1980, v0;
	p1 =	sgt.u32 s2, $0x14;
	[dreg:$0x3] =	wrdreg s10;
	s9 =	sadd.s32 s9, s7  }
.LBB2_27:
0x10: {  	_ =	swait.ge [sflag:s22], $0x8000  }
0x11: {  	[sflag:s22] =	ssyncset.done $0x0  }
0x12: {  	[sflag:s22] =	ssyncadd.s32 $0xFFFF8000  }
0x13: {  	_ =	swait.ge [sflag:s22], $0x8000  }
0x14: {  	[sflag:s22] =	ssyncset.done $0x0  }
0x15: {  	[sflag:s22] =	ssyncadd.s32 $0xFFFF8000  }
0x16: {  	_ =	swait.ge [sflag:s22], $0x8000  }
0x17: {  	[sflag:s22] =	ssyncset.done $0x0  }
0x18: {  	[sflag:s22] =	ssyncadd.s32 $0xFFFF8000  }
0x19: {  	_ =	swait.ge [sflag:s22], $0x8000  }
0x1a: {  	[sflag:s22] =	ssyncset.done $0x0  }
0x1b: {  	[sflag:s22] =	ssyncadd.s32 $0xFFFF8000  }
0x1c: {  	_ =	swait.ge [sflag:s22], $0x8000  }
0x1d: {  	[sflag:s22] =	ssyncset.done $0x0  }
0x1e: {  	[sflag:s22] =	ssyncadd.s32 $0xFFFF8000  }
0x1f: {  	_ =	swait.ge [sflag:s22], $0x8000  }
0x20: {  	[sflag:s22] =	ssyncset.done $0x0  }
0x21: {  	[sflag:s22] =	ssyncadd.s32 $0xFFFF8000  }
0x22: {  	_ =	swait.ge [sflag:s22], $0x8000  }
0x23: {  	[sflag:s22] =	ssyncset.done $0x0  }
0x24: {  	[sflag:s22] =	ssyncadd.s32 $0xFFFF8000  }
0x25: {  	_ =	swait.ge [sflag:s22], $0x8000  }
0x26: {  	[sflag:s22] =	ssyncset.done $0x0  }
0x27: {  	[sflag:s22] =	ssyncadd.s32 $0xFFFF8000  }
0x28: {  	_ =	swait.ge [sflag:s23], $0x8000  }
0x29: {  	[sflag:s23] =	ssyncset.done $0x0  }
0x2a: {  	[sflag:s23] =	ssyncadd.s32 $0xFFFF8000  }
0x2b: {  	_ =	swait.ge [sflag:s23], $0x8000  }
0x2c: {  	[sflag:s23] =	ssyncset.done $0x0  }
0x2d: {  	[sflag:s23] =	ssyncadd.s32 $0xFFFF8000  }
0x2e: {  	_ =	swait.ge [sflag:s23], $0x8000  }
0x2f: {  	[sflag:s23] =	ssyncset.done $0x0  }
0x30: {  	[sflag:s23] =	ssyncadd.s32 $0xFFFF8000  }
0x31: {  	_ =	swait.ge [sflag:s23], $0x8000  }
0x32: {  	[sflag:s23] =	ssyncset.done $0x0  }
0x33: {  	[sflag:s23] =	ssyncadd.s32 $0xFFFF8000  }
0x34: {  	_ =	swait.ge [sflag:s23], $0x8000  }
0x35: {  	[sflag:s23] =	ssyncset.done $0x0  }
0x36: {  	[sflag:s23] =	ssyncadd.s32 $0xFFFF8000  }
0x37: {  	_ =	swait.ge [sflag:s23], $0x8000  }
0x38: {  	[sflag:s23] =	ssyncset.done $0x0  }
0x39: {  	[sflag:s23] =	ssyncadd.s32 $0xFFFF8000  }
0x3a: {  	_ =	swait.ge [sflag:s23], $0x8000  }
0x3b: {  	[sflag:s23] =	ssyncset.done $0x0  }
0x3c: {  	[sflag:s23] =	ssyncadd.s32 $0xFFFF8000  }
0x3d: {  	_ =	swait.ge [sflag:s23], $0x8000  }
0x3e: {  	[sflag:s23] =	ssyncset.done $0x0  }
0x3f: {  	[sflag:s23] =	ssyncadd.s32 $0xFFFF8000  }
.LBB2_28:
0x40: {  	s13 =	sadd.s32 $0x1, s13  }
0x41: {  	p2 =	sne.s32 s13, s10  }
.Ltmp1:
0x42: {  	_ = 	snop;
	(pc) =	sbr.rel @!p2 .LBB2_29-.Ltmp1, $1  }
0x43: {  	_ =	sdelay $0x3  }
.LBB2_1:
.Ltmp2:
0x44: {  	(pc) =	sbr.rel @p1 .LBB2_17-.Ltmp2, $1  }
0x45: {  	_ =	sdelay $0x3  }
0x46: {  	[dreg:$0x4] =	wrdreg s13;
	s25 =	simm.s32 $0x0;
	s26 =	simm.s32 $0x0  }
.LBB2_3:
0x47: {  	s0 =	smul.u32 $0x15, s26;
	_ =	sdelay $0x1  }
0x48: {  	s0 =	sadd.s32 s6, s0  }
0x49: {  	s2 =	sshll.u32 s0, $0x9  }
0x4a: {  	s2 =	sand.u32 $0x1FFFFE00, s2  }
0x4b: {  	s2 =	sadd.s32 s4, s2  }
0x4c: {  	[tilespmem:s3], [sflag:$0x7] =	stream.linear.gather [hbm4b:s2+s3], $0x1000, $0x38;
	[tilespmem:$0x1A400] =	vst v63  }
0x4d: {  	_ =	swait.ge [sflag:s11], $0x1000  }
0x4e: {  	[sflag:s11] =	ssyncset.done $0x0  }
0x4f: {  	s31 =	simm.s32 $0x20;
	[sflag:s11] =	ssyncadd.s32 $0xFFFFF000  }
0x50: {  	v5 =	vld [tilespmem:s31+$0xFFFFFFE0]  }
0x51: {  	v8 =	vld [tilespmem:s31+$0x0]  }
0x52: {  	v7 =	vld [tilespmem:s31+$0x10]  }
0x53: {  	v9 =	vld [tilespmem:s31+$0xFFFFFFF0];
	_ =	sdelay $0x1  }
0x54: {  	s7 =	simm.s32 $0x60;
	vm0 =	vgt.s32 v5, $0x0  }
0x55: {  	s2 =	simm.s32 $0x1020;
	v6 =	vld [tilespmem:s7+$0xFFFFFFE0];
	vm1 =	vgt.s32 v8, $0x0;
	v10 =	vnsel vm0, $0x0, v5  }
0x56: {  	vm14 =	vgt.s32 v7, $0x0;
	v5 =	vld [tilespmem:s7+$0x10];
	v11 =	vnsel vm1, $0x0, v8;
	[tilespmem:s2+$0xFFFFFFE0] =	vst v10  }
0x57: {  	vm15 =	vgt.s32 v9, $0x0;
	v8 =	vld [tilespmem:s7+$0xFFFFFFF0];
	v10 =	vnsel vm14, $0x0, v7;
	[tilespmem:s2+$0x0] =	vst v11  }
0x58: {  	s10 =	simm.s32 $0x4;
	v9 =	vnsel vm15, $0x0, v9;
	v7 =	vld [tilespmem:s7+$0x0];
	[tilespmem:s2+$0x10] =	vst v10  }
.LBB2_4:
0x59: {  	s10 =	sadd.s32 $0x4, s10  }
0x5a: {  	[tilespmem:s2+$0xFFFFFFF0] =	vst v9;
	s2 =	sadd.s32 $0x40, s2;
	p2 =	slt.u32 s10, $0xFC  }
.Ltmp3:
0x5b: {  	s7 =	sadd.s32 $0x40, s7;
	vm0 =	vgt.s32 v6, $0x0;
	(pc) =	sbr.rel @p2 .LBB2_4-.Ltmp3, $4  }
0x5c: {  	v9 =	vnsel vm0, $0x0, v6;
	v6 =	vld [tilespmem:s7+$0xFFFFFFE0];
	vm0 =	vgt.s32 v5, $0x0  }
0x5d: {  	[tilespmem:s2+$0xFFFFFFE0] =	vst v9;
	vm1 =	vgt.s32 v7, $0x0;
	v9 =	vnsel vm0, $0x0, v5;
	v5 =	vld [tilespmem:s7+$0x10]  }
0x5e: {  	vm0 =	vgt.s32 v8, $0x0;
	v10 =	vnsel vm1, $0x0, v7;
	v7 =	vld [tilespmem:s7+$0x0];
	[tilespmem:s2+$0x10] =	vst v9  }
0x5f: {  	v9 =	vnsel vm0, $0x0, v8;
	v8 =	vld [tilespmem:s7+$0xFFFFFFF0];
	[tilespmem:s2+$0x0] =	vst v10  }
0x60: {  	_ = 	snop  }
0x61: {  	vm0 =	vgt.s32 v6, $0x0  }
0x62: {  	[tilespmem:s2+$0xFFFFFFF0] =	vst v9;
	s19 =	sadd.s32 $0x40, s2;
	v6 =	vnsel vm0, $0x0, v6;
	vm14 =	vgt.s32 v5, $0x0  }
0x63: {  	[tilespmem:s19+$0xFFFFFFE0] =	vst v6;
	vm1 =	vgt.s32 v7, $0x0;
	v5 =	vnsel vm14, $0x0, v5  }
0x64: {  	vm15 =	vgt.s32 v8, $0x0;
	v6 =	vnsel vm1, $0x0, v7;
	[tilespmem:s19+$0x10] =	vst v5  }
0x65: {  	s24 =	simm.s32 $0x1000;
	s7 =	simm.s32 $0x2000;
	s28 =	sshll.u32 s0, $0x12;
	v5 =	vnsel vm15, $0x0, v8;
	[tilespmem:s19+$0x0] =	vst v6  }
0x66: {  	s29 =	simm.s32 $0x0;
	s30 =	smov.u32 s25;
	s31 =	simm.s32 $0x0;
	[tilespmem:s19+$0xFFFFFFF0] =	vst v5  }
0x67: {  	[tilespmem:s7], [sflag:$0x1] =	stream.indirect.gather [hbm4b:s5+s12], $0x40, s24, s12, $0xb8;
	[tilespmem:$0x1A400] =	vst v63  }
.LBB2_6:
0x68: {  	s0 =	sshll.u32 s31, $0x8  }
0x69: {  	s0 =	sand.u32 $0x3FFFFF00, s0  }
0x6a: {  	s2 =	sadd.s32 $0x1080, s0  }
0x6b: {  	[tilespmem:s15], [sflag:$0x2] =	stream.indirect.gather [hbm4b:s5+s12], $0x40, s2, s12, $0xb8;
	[tilespmem:$0x1A400] =	vst v63  }
0x6c: {  	_ =	swait.ge [sflag:s8], $0x2000  }
0x6d: {  	p2 =	slt.s32 s30, $0x2;
	[sflag:s8] =	ssyncset.done $0x0  }
0x6e: {  	s2 =	simm.s32 @!p2 $0x3;
	[sflag:s8] =	ssyncadd.s32 $0xFFFFE000  }
0x6f: {  	s7 =	simm.s32 $0x1;
	_ =	swait.ge @!p2 [sflag:s2], $0x2000  }
0x70: {  	v5 =	vmov s7;
	[sflag:s2] =	ssyncset.done @!p2 $0x0  }
0x71: {  	s14 =	simm.s32 $0x2040;
	v6 =	vmov s29;
	v9 =	vand.u32 $0x7F, v5;
	[sflag:s2] =	ssyncadd.s32 @!p2 $0xFFFFE000  }
0x72: {  	v12 =	vand.u32 $0x7E, v6;
	v6 =	vadd.s32 v0, v9;
	v5 =	vld [tilespmem:s14+$0x0]  }
0x73: {  	v8 =	vadd.s32 v0, v12;
	v7 =	vld [tilespmem:s14+$0xFFFFFFC0];
	_ =	sdelay $0x3  }
0x74: {  	s19 =	simm.s32 $0x3;
	[tilespmem:v6+s16+$0x0] =	vst.idx.msk $0xffff, v5  }
0x75: {  	s10 =	simm.s32 $0x2;
	v5 =	vmov s19;
	[tilespmem:v8+s16+$0x0] =	vst.idx.msk $0xffff, v7;
	v8 =	vadd.s32 v1, v9;
	v7 =	vld [tilespmem:s14+$0x10]  }
0x76: {  	s7 =	simm.s32 $0x20C0;
	v11 =	vadd.s32 v1, v12;
	v6 =	vmov s10;
	v5 =	vand.u32 $0x7F, v5;
	v10 =	vld [tilespmem:s14+$0xFFFFFFD0]  }
0x77: {  	v13 =	vld [tilespmem:s7+$0x0];
	v6 =	vand.u32 $0x7E, v6;
	v14 =	vadd.s32 v0, v5  }
0x78: {  	v15 =	vld [tilespmem:s7+$0xFFFFFFC0];
	v16 =	vadd.s32 v0, v6;
	_ =	sdelay $0x1  }
0x79: {  	[tilespmem:v8+s16+$0x0] =	vst.idx.msk $0xffff, v7  }
0x7a: {  	[tilespmem:v11+s16+$0x0] =	vst.idx.msk $0xffff, v10;
	v10 =	vadd.s32 v2, v9;
	v8 =	vld [tilespmem:s14+$0x20]  }
0x7b: {  	[tilespmem:v14+s16+$0x0] =	vst.idx.msk $0xffff, v13;
	v11 =	vld [tilespmem:s14+$0xFFFFFFE0];
	v13 =	vadd.s32 v2, v12  }
0x7c: {  	s24 =	simm.s32 $0x5;
	[tilespmem:v16+s16+$0x0] =	vst.idx.msk $0xffff, v15;
	v15 =	vadd.s32 v1, v5;
	v14 =	vld [tilespmem:s7+$0x10]  }
0x7d: {  	s13 =	simm.s32 $0x4;
	v7 =	vmov s24  }
0x7e: {  	v18 =	vmov s13;
	s10 =	simm.s32 $0x2140;
	v19 =	vadd.s32 v1, v6;
	v7 =	vand.u32 $0x7F, v7;
	v16 =	vld [tilespmem:s7+$0xFFFFFFD0]  }
0x7f: {  	v20 =	vld [tilespmem:s10+$0x0];
	v21 =	vadd.s32 v0, v7;
	[tilespmem:v10+s16+$0x0] =	vst.idx.msk $0xffff, v8;
	v8 =	vand.u32 $0x7E, v18  }
0x80: {  	v17 =	vld [tilespmem:s10+$0xFFFFFFC0];
	[tilespmem:v13+s16+$0x0] =	vst.idx.msk $0xffff, v11;
	v18 =	vadd.s32 v0, v8  }
0x81: {  	v10 =	vld [tilespmem:s14+$0x30];
	[tilespmem:v15+s16+$0x0] =	vst.idx.msk $0xffff, v14;
	v15 =	vadd.s32 v3, v9  }
0x82: {  	v13 =	vadd.s32 v3, v12;
	v11 =	vld [tilespmem:s14+$0xFFFFFFF0]  }
0x83: {  	s13 =	simm.s32 $0x8;
	s2 =	sshll.u32 s31, $0x1;
	v12 =	vadd.s32 v2, v5;
	[tilespmem:v19+s16+$0x0] =	vst.idx.msk $0xffff, v16;
	v9 =	vld [tilespmem:s7+$0x20]  }
0x84: {  	s19 =	simm.s32 $0x2140;
	s24 =	simm.s32 $0x6;
	s14 =	simm.s32 $0x7;
	[tilespmem:v21+s16+$0x0] =	vst.idx.msk $0xffff, v20;
	v16 =	vadd.s32 v2, v6;
	v14 =	vld [tilespmem:s7+$0xFFFFFFE0]  }
.LBB2_7:
0x85: {  	p2 =	slt.u32 s13, $0x7E;
	v19 =	vmov s14;
	[tilespmem:v18+s16+$0x0] =	vst.idx.msk $0xffff, v17;
	v20 =	vld [tilespmem:s10+$0x10];
	v21 =	vadd.s32 v1, v7  }
0x86: {  	v17 =	vmov s24;
	v23 =	vadd.s32 v1, v8;
	s10 =	sadd.s32 $0x80, s10;
	s24 =	smov.u32 s13;
	v19 =	vand.u32 $0x7F, v19;
	v22 =	vld [tilespmem:s19+$0xFFFFFFD0];
	[tilespmem:v15+s16+$0x0] =	vst.idx.msk $0xffff, v10  }
0x87: {  	v24 =	vand.u32 $0x7E, v17;
	v25 =	vld [tilespmem:s10+$0x0];
	v26 =	vadd.s32 v0, v19;
	[tilespmem:v13+s16+$0x0] =	vst.idx.msk $0xffff, v11  }
.Ltmp4:
0x88: {  	v18 =	vadd.s32 v0, v24;
	v17 =	vld [tilespmem:s10+$0xFFFFFFC0];
	[tilespmem:v12+s16+$0x0] =	vst.idx.msk $0xffff, v9;
	(pc) =	sbr.rel @p2 .LBB2_7-.Ltmp4, $4  }
0x89: {  	v15 =	vadd.s32 v3, v5;
	v5 =	vmov v7;
	v7 =	vmov v19;
	[tilespmem:v16+s16+$0x0] =	vst.idx.msk $0xffff, v14;
	v10 =	vld [tilespmem:s7+$0x30]  }
0x8a: {  	v13 =	vadd.s32 v3, v6;
	v6 =	vmov v8;
	v8 =	vmov v24;
	[tilespmem:v21+s16+$0x0] =	vst.idx.msk $0xffff, v20;
	v11 =	vld [tilespmem:s7+$0xFFFFFFF0];
	s7 =	smov.u32 s19;
	s19 =	smov.u32 s10  }
0x8b: {  	v12 =	vadd.s32 v2, v5;
	[tilespmem:v23+s16+$0x0] =	vst.idx.msk $0xffff, v22;
	v9 =	vld [tilespmem:s7+$0x20]  }
0x8c: {  	s13 =	sadd.s32 $0x2, s13;
	s14 =	sadd.s32 $0x1, s24;
	v16 =	vadd.s32 v2, v6;
	[tilespmem:v26+s16+$0x0] =	vst.idx.msk $0xffff, v25;
	v14 =	vld [tilespmem:s7+$0xFFFFFFE0]  }
0x8d: {  	v19 =	vmov s14  }
0x8e: {  	v20 =	vmov s24;
	s13 =	sadd.s32 $0x80, s10;
	v19 =	vand.u32 $0x7F, v19  }
0x8f: {  	v20 =	vand.u32 $0x7E, v20;
	v21 =	vld [tilespmem:s13+$0x0];
	v22 =	vadd.s32 v0, v19  }
0x90: {  	v23 =	vld [tilespmem:s13+$0xFFFFFFC0];
	v24 =	vadd.s32 v0, v20;
	_ =	sdelay $0x2  }
0x91: {  	[tilespmem:v18+s16+$0x0] =	vst.idx.msk $0xffff, v17;
	v42 =	vld [tilespmem:s10+$0x10];
	v43 =	vadd.s32 v1, v7  }
0x92: {  	v45 =	vadd.s32 v1, v8;
	v44 =	vld [tilespmem:s19+$0xFFFFFFD0];
	[tilespmem:v22+s16+$0x0] =	vst.idx.msk $0xffff, v21  }
0x93: {  	v47 =	vadd.s32 v1, v19;
	[tilespmem:v24+s16+$0x0] =	vst.idx.msk $0xffff, v23;
	v46 =	vld [tilespmem:s13+$0x10]  }
0x94: {  	[tilespmem:v15+s16+$0x0] =	vst.idx.msk $0xffff, v10;
	v49 =	vadd.s32 v1, v20;
	v48 =	vld [tilespmem:s13+$0xFFFFFFD0]  }
0x95: {  	[tilespmem:v13+s16+$0x0] =	vst.idx.msk $0xffff, v11  }
0x96: {  	[tilespmem:v43+s16+$0x0] =	vst.idx.msk $0xffff, v42  }
0x97: {  	v51 =	vadd.s32 v2, v7;
	[tilespmem:v45+s16+$0x0] =	vst.idx.msk $0xffff, v44;
	v50 =	vld [tilespmem:s19+$0x20]  }
0x98: {  	v53 =	vadd.s32 v2, v8;
	v52 =	vld [tilespmem:s19+$0xFFFFFFE0];
	[tilespmem:v47+s16+$0x0] =	vst.idx.msk $0xffff, v46  }
0x99: {  	v55 =	vadd.s32 v2, v19;
	[tilespmem:v49+s16+$0x0] =	vst.idx.msk $0xffff, v48;
	v54 =	vld [tilespmem:s13+$0x20]  }
0x9a: {  	v57 =	vadd.s32 v2, v20;
	[tilespmem:v12+s16+$0x0] =	vst.idx.msk $0xffff, v9;
	v56 =	vld [tilespmem:s13+$0xFFFFFFE0]  }
0x9b: {  	v5 =	vadd.s32 v3, v5;
	[tilespmem:v16+s16+$0x0] =	vst.idx.msk $0xffff, v14;
	v58 =	vld [tilespmem:s7+$0x30]  }
0x9c: {  	v6 =	vadd.s32 v3, v6;
	v16 =	vld [tilespmem:s7+$0xFFFFFFF0];
	[tilespmem:v51+s16+$0x0] =	vst.idx.msk $0xffff, v50  }
0x9d: {  	v7 =	vadd.s32 v3, v7;
	[tilespmem:v53+s16+$0x0] =	vst.idx.msk $0xffff, v52;
	v11 =	vld [tilespmem:s19+$0x30]  }
0x9e: {  	v60 =	vadd.s32 v3, v8;
	v59 =	vld [tilespmem:s19+$0xFFFFFFF0];
	[tilespmem:v55+s16+$0x0] =	vst.idx.msk $0xffff, v54  }
0x9f: {  	v62 =	vadd.s32 v3, v19;
	[tilespmem:v57+s16+$0x0] =	vst.idx.msk $0xffff, v56;
	v61 =	vld [tilespmem:s13+$0x30]  }
0xa0: {  	v63 =	vadd.s32 v3, v20;
	[tilespmem:v5+s16+$0x0] =	vst.idx.msk $0xffff, v58;
	v5 =	vld [tilespmem:s13+$0xFFFFFFF0]  }
0xa1: {  	[tilespmem:v6+s16+$0x0] =	vst.idx.msk $0xffff, v16  }
0xa2: {  	s19 =	sshll.u32 s31, $0xB;
	[tilespmem:v7+s16+$0x0] =	vst.idx.msk $0xffff, v11  }
0xa3: {  	s7 =	sadd.s32 s28, s19;
	[tilespmem:v60+s16+$0x0] =	vst.idx.msk $0xffff, v59  }
0xa4: {  	s7 =	sshrl.u32 s7, $0x3;
	[tilespmem:v62+s16+$0x0] =	vst.idx.msk $0xffff, v61  }
0xa5: {  	s24 =	simm.s32 $0x6000;
	s10 =	sadd.s32 s1, s7;
	[tilespmem:v63+s16+$0x0] =	vst.idx.msk $0xffff, v5  }
0xa6: {  	[hbm4b:s10+s3] =	stream.linear.scatter [tilespmem:s24], [sflag:$0x3], $0x80, $0x38;
	[tilespmem:$0x1A400] =	vst v63  }
0xa7: {  	s14 =	sadd.s32 $0x10, s10;
	s13 =	simm.s32 $0x6088  }
0xa8: {  	[hbm4b:s14+s3] =	stream.linear.scatter [tilespmem:s13], [sflag:$0x3], $0x80, $0x38;
	[tilespmem:$0x1A400] =	vst v63  }
0xa9: {  	s19 =	simm.s32 $0x6110;
	s24 =	sadd.s32 $0x20, s10  }
0xaa: {  	[hbm4b:s24+s3] =	stream.linear.scatter [tilespmem:s19], [sflag:$0x3], $0x80, $0x38;
	[tilespmem:$0x1A400] =	vst v63  }
0xab: {  	s13 =	simm.s32 $0x6198;
	s14 =	sadd.s32 $0x30, s10  }
0xac: {  	[hbm4b:s14+s3] =	stream.linear.scatter [tilespmem:s13], [sflag:$0x3], $0x80, $0x38;
	[tilespmem:$0x1A400] =	vst v63  }
0xad: {  	s19 =	simm.s32 $0x6220;
	s24 =	sadd.s32 $0x40, s10  }
0xae: {  	[hbm4b:s24+s3] =	stream.linear.scatter [tilespmem:s19], [sflag:$0x3], $0x80, $0x38;
	[tilespmem:$0x1A400] =	vst v63  }
0xaf: {  	s7 =	simm.s32 $0x440;
	s13 =	simm.s32 $0x62A8;
	s14 =	sadd.s32 $0x50, s10  }
0xb0: {  	[hbm4b:s14+s3] =	stream.linear.scatter [tilespmem:s13], [sflag:$0x3], $0x80, $0x38;
	[tilespmem:$0x1A400] =	vst v63  }
0xb1: {  	s19 =	simm.s32 $0x6330;
	s24 =	sadd.s32 $0x60, s10;
	s13 =	simm.s32 $0x2200  }
0xb2: {  	[hbm4b:s24+s3] =	stream.linear.scatter [tilespmem:s19], [sflag:$0x3], $0x80, $0x38;
	[tilespmem:$0x1A400] =	vst v63  }
0xb3: {  	s14 =	simm.s32 $0x63B8;
	s19 =	sadd.s32 $0x70, s10;
	s10 =	sadd.s32 $0x1000, s10  }
.LBB2_9:
0xb4: {  	[hbm4b:s19+s3] =	stream.linear.scatter [tilespmem:s14], [sflag:$0x3], $0x80, $0x38;
	[tilespmem:$0x1A400] =	vst v63  }
0xb5: {  	s14 =	smov.u32 s7;
	s7 =	smov.u32 s13  }
0xb6: {  	s24 =	sadd.s32 $0x1100, s13;
	s7 =	sshra.s32 s7, $0x2;
	s19 =	sadd.s32 $0x6000, s14  }
0xb7: {  	[hbm4b:s10+s3] =	stream.linear.scatter [tilespmem:s19], [sflag:$0x3], $0x80, $0x38;
	[tilespmem:$0x1A400] =	vst v63  }
0xb8: {  	p2 =	sne.s32 s13, $0x7700;
	s13 =	sadd.s32 $0x6088, s14;
	s19 =	sadd.s32 $0x10, s10  }
0xb9: {  	[hbm4b:s19+s3] =	stream.linear.scatter [tilespmem:s13], [sflag:$0x3], $0x80, $0x38;
	[tilespmem:$0x1A400] =	vst v63  }
0xba: {  	s13 =	sadd.s32 $0x6110, s14;
	s19 =	sadd.s32 $0x20, s10  }
0xbb: {  	[hbm4b:s19+s3] =	stream.linear.scatter [tilespmem:s13], [sflag:$0x3], $0x80, $0x38;
	[tilespmem:$0x1A400] =	vst v63  }
0xbc: {  	s13 =	sadd.s32 $0x6198, s14;
	s19 =	sadd.s32 $0x30, s10  }
0xbd: {  	[hbm4b:s19+s3] =	stream.linear.scatter [tilespmem:s13], [sflag:$0x3], $0x80, $0x38;
	[tilespmem:$0x1A400] =	vst v63  }
0xbe: {  	s13 =	sadd.s32 $0x6220, s14;
	s19 =	sadd.s32 $0x40, s10  }
0xbf: {  	[hbm4b:s19+s3] =	stream.linear.scatter [tilespmem:s13], [sflag:$0x3], $0x80, $0x38;
	[tilespmem:$0x1A400] =	vst v63  }
.Ltmp5:
0xc0: {  	s13 =	sadd.s32 $0x62A8, s14;
	s19 =	sadd.s32 $0x50, s10;
	(pc) =	sbr.rel @p2 .LBB2_9-.Ltmp5, $4  }
0xc1: {  	[hbm4b:s19+s3] =	stream.linear.scatter [tilespmem:s13], [sflag:$0x3], $0x80, $0x38;
	[tilespmem:$0x1A400] =	vst v63  }
0xc2: {  	s13 =	sadd.s32 $0x6330, s14;
	s19 =	sadd.s32 $0x60, s10;
	s14 =	sadd.s32 $0x63B8, s14  }
0xc3: {  	[hbm4b:s19+s3] =	stream.linear.scatter [tilespmem:s13], [sflag:$0x3], $0x80, $0x38;
	[tilespmem:$0x1A400] =	vst v63  }
0xc4: {  	s19 =	sadd.s32 $0x70, s10;
	s10 =	sadd.s32 $0x1000, s10;
	s13 =	smov.u32 s24  }
0xc5: {  	[hbm4b:s19+s3] =	stream.linear.scatter [tilespmem:s14], [sflag:$0x3], $0x80, $0x38;
	[tilespmem:$0x1A400] =	vst v63  }
0xc6: {  	s13 =	sadd.s32 $0x6000, s7  }
0xc7: {  	[hbm4b:s10+s3] =	stream.linear.scatter [tilespmem:s13], [sflag:$0x3], $0x80, $0x38;
	[tilespmem:$0x1A400] =	vst v63  }
0xc8: {  	s19 =	sadd.s32 $0x6088, s7;
	s24 =	sadd.s32 $0x10, s10  }
0xc9: {  	[hbm4b:s24+s3] =	stream.linear.scatter [tilespmem:s19], [sflag:$0x3], $0x80, $0x38;
	[tilespmem:$0x1A400] =	vst v63  }
0xca: {  	s19 =	sadd.s32 $0x6110, s7;
	s24 =	sadd.s32 $0x20, s10  }
0xcb: {  	[hbm4b:s24+s3] =	stream.linear.scatter [tilespmem:s19], [sflag:$0x3], $0x80, $0x38;
	[tilespmem:$0x1A400] =	vst v63  }
0xcc: {  	s19 =	sadd.s32 $0x6198, s7;
	s24 =	sadd.s32 $0x30, s10  }
0xcd: {  	[hbm4b:s24+s3] =	stream.linear.scatter [tilespmem:s19], [sflag:$0x3], $0x80, $0x38;
	[tilespmem:$0x1A400] =	vst v63  }
0xce: {  	s19 =	sadd.s32 $0x6220, s7;
	s24 =	sadd.s32 $0x40, s10  }
0xcf: {  	[hbm4b:s24+s3] =	stream.linear.scatter [tilespmem:s19], [sflag:$0x3], $0x80, $0x38;
	[tilespmem:$0x1A400] =	vst v63  }
0xd0: {  	s19 =	sadd.s32 $0x62A8, s7;
	s24 =	sadd.s32 $0x50, s10  }
0xd1: {  	[hbm4b:s24+s3] =	stream.linear.scatter [tilespmem:s19], [sflag:$0x3], $0x80, $0x38;
	[tilespmem:$0x1A400] =	vst v63  }
0xd2: {  	s2 =	sor.u32 $0x1, s2;
	s19 =	sadd.s32 $0x6330, s7;
	s24 =	sadd.s32 $0x60, s10  }
0xd3: {  	[hbm4b:s24+s3] =	stream.linear.scatter [tilespmem:s19], [sflag:$0x3], $0x80, $0x38;
	[tilespmem:$0x1A400] =	vst v63  }
0xd4: {  	s14 =	sadd.s32 $0x70, s10;
	p2 =	sgt.u32 s2, $0x1E;
	s13 =	sadd.s32 $0x63B8, s7  }
0xd5: {  	[hbm4b:s14+s3] =	stream.linear.scatter [tilespmem:s13], [sflag:$0x3], $0x80, $0x38;
	[tilespmem:$0x1A400] =	vst v63  }
0xd6: {  	s0 =	sadd.s32 @!p2 $0x1100, s0;
	s7 =	simm.s32 @!p2 $0x80;
	s10 =	simm.s32 @!p2 $0x2000  }
0xd7: {  	[tilespmem:s10], [sflag:$0x1] =	stream.indirect.gather @!p2 [hbm4b:s5+s7], $0x40, s0, s7, $0xb8;
	[tilespmem:$0x1A400] =	vst v63  }
0xd8: {  	_ =	swait.ge [sflag:s17], $0x2000  }
0xd9: {  	p2 =	slt.s32 s30, $0x1;
	[sflag:s17] =	ssyncset.done $0x0  }
0xda: {  	s0 =	simm.s32 @!p2 $0x4;
	[sflag:s17] =	ssyncadd.s32 $0xFFFFE000  }
0xdb: {  	s19 =	simm.s32 $0x1;
	_ =	swait.ge @!p2 [sflag:s0], $0x2000  }
0xdc: {  	s24 =	simm.s32 $0x0;
	v5 =	vmov s19;
	[sflag:s0] =	ssyncset.done @!p2 $0x0  }
0xdd: {  	v6 =	vmov s24;
	v9 =	vand.u32 $0x7F, v5;
	s7 =	simm.s32 $0x4040;
	[sflag:s0] =	ssyncadd.s32 @!p2 $0xFFFFE000  }
0xde: {  	v12 =	vand.u32 $0x7E, v6;
	v6 =	vadd.s32 v0, v9;
	v5 =	vld [tilespmem:s7+$0x0]  }
0xdf: {  	v8 =	vadd.s32 v0, v12;
	v7 =	vld [tilespmem:s7+$0xFFFFFFC0];
	_ =	sdelay $0x3  }
0xe0: {  	s13 =	simm.s32 $0x3;
	[tilespmem:v6+s18+$0x0] =	vst.idx.msk $0xffff, v5  }
0xe1: {  	s14 =	simm.s32 $0x2;
	v5 =	vmov s13;
	[tilespmem:v8+s18+$0x0] =	vst.idx.msk $0xffff, v7;
	v8 =	vadd.s32 v1, v9;
	v7 =	vld [tilespmem:s7+$0x10]  }
0xe2: {  	v11 =	vadd.s32 v1, v12;
	s0 =	simm.s32 $0x40C0;
	v6 =	vmov s14;
	v5 =	vand.u32 $0x7F, v5;
	v10 =	vld [tilespmem:s7+$0xFFFFFFD0]  }
0xe3: {  	v13 =	vld [tilespmem:s0+$0x0];
	v6 =	vand.u32 $0x7E, v6;
	v14 =	vadd.s32 v0, v5  }
0xe4: {  	v15 =	vld [tilespmem:s0+$0xFFFFFFC0];
	v16 =	vadd.s32 v0, v6;
	_ =	sdelay $0x1  }
0xe5: {  	[tilespmem:v8+s18+$0x0] =	vst.idx.msk $0xffff, v7  }
0xe6: {  	[tilespmem:v11+s18+$0x0] =	vst.idx.msk $0xffff, v10;
	v10 =	vadd.s32 v2, v9;
	v8 =	vld [tilespmem:s7+$0x20]  }
0xe7: {  	[tilespmem:v14+s18+$0x0] =	vst.idx.msk $0xffff, v13;
	v11 =	vld [tilespmem:s7+$0xFFFFFFE0];
	v13 =	vadd.s32 v2, v12  }
0xe8: {  	s19 =	simm.s32 $0x5;
	[tilespmem:v16+s18+$0x0] =	vst.idx.msk $0xffff, v15;
	v15 =	vadd.s32 v1, v5;
	v14 =	vld [tilespmem:s0+$0x10]  }
0xe9: {  	s24 =	simm.s32 $0x4;
	v7 =	vmov s19  }
0xea: {  	v18 =	vmov s24;
	s10 =	simm.s32 $0x4140;
	v19 =	vadd.s32 v1, v6;
	v7 =	vand.u32 $0x7F, v7;
	v16 =	vld [tilespmem:s0+$0xFFFFFFD0]  }
0xeb: {  	v20 =	vld [tilespmem:s10+$0x0];
	v21 =	vadd.s32 v0, v7;
	[tilespmem:v10+s18+$0x0] =	vst.idx.msk $0xffff, v8;
	v8 =	vand.u32 $0x7E, v18  }
0xec: {  	v17 =	vld [tilespmem:s10+$0xFFFFFFC0];
	[tilespmem:v13+s18+$0x0] =	vst.idx.msk $0xffff, v11;
	v18 =	vadd.s32 v0, v8  }
0xed: {  	v10 =	vld [tilespmem:s7+$0x30];
	[tilespmem:v15+s18+$0x0] =	vst.idx.msk $0xffff, v14;
	v15 =	vadd.s32 v3, v9  }
0xee: {  	v13 =	vadd.s32 v3, v12;
	v11 =	vld [tilespmem:s7+$0xFFFFFFF0]  }
0xef: {  	s14 =	simm.s32 $0x7;
	v12 =	vadd.s32 v2, v5;
	[tilespmem:v19+s18+$0x0] =	vst.idx.msk $0xffff, v16;
	v9 =	vld [tilespmem:s0+$0x20]  }
0xf0: {  	s13 =	simm.s32 $0x8;
	s19 =	simm.s32 $0x6;
	[tilespmem:v21+s18+$0x0] =	vst.idx.msk $0xffff, v20;
	v16 =	vadd.s32 v2, v6;
	s7 =	simm.s32 $0x4140;
	v14 =	vld [tilespmem:s0+$0xFFFFFFE0]  }
.LBB2_11:
0xf1: {  	p2 =	slt.u32 s13, $0x7E;
	v19 =	vmov s14;
	[tilespmem:v18+s18+$0x0] =	vst.idx.msk $0xffff, v17;
	v20 =	vld [tilespmem:s10+$0x10];
	v21 =	vadd.s32 v1, v7  }
0xf2: {  	v17 =	vmov s19;
	v23 =	vadd.s32 v1, v8;
	s10 =	sadd.s32 $0x80, s10;
	s19 =	smov.u32 s13;
	v19 =	vand.u32 $0x7F, v19;
	v22 =	vld [tilespmem:s7+$0xFFFFFFD0];
	[tilespmem:v15+s18+$0x0] =	vst.idx.msk $0xffff, v10  }
0xf3: {  	v24 =	vand.u32 $0x7E, v17;
	v25 =	vld [tilespmem:s10+$0x0];
	v26 =	vadd.s32 v0, v19;
	[tilespmem:v13+s18+$0x0] =	vst.idx.msk $0xffff, v11  }
.Ltmp6:
0xf4: {  	v18 =	vadd.s32 v0, v24;
	v17 =	vld [tilespmem:s10+$0xFFFFFFC0];
	[tilespmem:v12+s18+$0x0] =	vst.idx.msk $0xffff, v9;
	(pc) =	sbr.rel @p2 .LBB2_11-.Ltmp6, $4  }
0xf5: {  	v15 =	vadd.s32 v3, v5;
	v5 =	vmov v7;
	v7 =	vmov v19;
	[tilespmem:v16+s18+$0x0] =	vst.idx.msk $0xffff, v14;
	v10 =	vld [tilespmem:s0+$0x30]  }
0xf6: {  	v13 =	vadd.s32 v3, v6;
	v6 =	vmov v8;
	v8 =	vmov v24;
	[tilespmem:v21+s18+$0x0] =	vst.idx.msk $0xffff, v20;
	v11 =	vld [tilespmem:s0+$0xFFFFFFF0];
	s0 =	smov.u32 s7;
	s7 =	smov.u32 s10  }
0xf7: {  	v12 =	vadd.s32 v2, v5;
	[tilespmem:v23+s18+$0x0] =	vst.idx.msk $0xffff, v22;
	v9 =	vld [tilespmem:s0+$0x20]  }
0xf8: {  	s13 =	sadd.s32 $0x2, s13;
	s14 =	sadd.s32 $0x1, s19;
	v16 =	vadd.s32 v2, v6;
	[tilespmem:v26+s18+$0x0] =	vst.idx.msk $0xffff, v25;
	v14 =	vld [tilespmem:s0+$0xFFFFFFE0]  }
0xf9: {  	v19 =	vmov s14  }
0xfa: {  	v20 =	vmov s19;
	s13 =	sadd.s32 $0x80, s10;
	v19 =	vand.u32 $0x7F, v19  }
0xfb: {  	v20 =	vand.u32 $0x7E, v20;
	v21 =	vld [tilespmem:s13+$0x0];
	v22 =	vadd.s32 v0, v19  }
0xfc: {  	v23 =	vld [tilespmem:s13+$0xFFFFFFC0];
	v24 =	vadd.s32 v0, v20;
	_ =	sdelay $0x2  }
0xfd: {  	[tilespmem:v18+s18+$0x0] =	vst.idx.msk $0xffff, v17;
	v42 =	vld [tilespmem:s10+$0x10];
	v43 =	vadd.s32 v1, v7  }
0xfe: {  	v45 =	vadd.s32 v1, v8;
	v44 =	vld [tilespmem:s7+$0xFFFFFFD0];
	[tilespmem:v22+s18+$0x0] =	vst.idx.msk $0xffff, v21  }
0xff: {  	v47 =	vadd.s32 v1, v19;
	[tilespmem:v24+s18+$0x0] =	vst.idx.msk $0xffff, v23;
	v46 =	vld [tilespmem:s13+$0x10]  }
0x100: {  	[tilespmem:v15+s18+$0x0] =	vst.idx.msk $0xffff, v10;
	v49 =	vadd.s32 v1, v20;
	v48 =	vld [tilespmem:s13+$0xFFFFFFD0]  }
0x101: {  	[tilespmem:v13+s18+$0x0] =	vst.idx.msk $0xffff, v11  }
0x102: {  	[tilespmem:v43+s18+$0x0] =	vst.idx.msk $0xffff, v42  }
0x103: {  	v51 =	vadd.s32 v2, v7;
	[tilespmem:v45+s18+$0x0] =	vst.idx.msk $0xffff, v44;
	v50 =	vld [tilespmem:s7+$0x20]  }
0x104: {  	v53 =	vadd.s32 v2, v8;
	v52 =	vld [tilespmem:s7+$0xFFFFFFE0];
	[tilespmem:v47+s18+$0x0] =	vst.idx.msk $0xffff, v46  }
0x105: {  	v55 =	vadd.s32 v2, v19;
	[tilespmem:v49+s18+$0x0] =	vst.idx.msk $0xffff, v48;
	v54 =	vld [tilespmem:s13+$0x20]  }
0x106: {  	v57 =	vadd.s32 v2, v20;
	[tilespmem:v12+s18+$0x0] =	vst.idx.msk $0xffff, v9;
	v56 =	vld [tilespmem:s13+$0xFFFFFFE0]  }
0x107: {  	v5 =	vadd.s32 v3, v5;
	[tilespmem:v16+s18+$0x0] =	vst.idx.msk $0xffff, v14;
	v58 =	vld [tilespmem:s0+$0x30]  }
0x108: {  	v6 =	vadd.s32 v3, v6;
	v16 =	vld [tilespmem:s0+$0xFFFFFFF0];
	[tilespmem:v51+s18+$0x0] =	vst.idx.msk $0xffff, v50  }
0x109: {  	v7 =	vadd.s32 v3, v7;
	[tilespmem:v53+s18+$0x0] =	vst.idx.msk $0xffff, v52;
	v11 =	vld [tilespmem:s7+$0x30]  }
0x10a: {  	v60 =	vadd.s32 v3, v8;
	v59 =	vld [tilespmem:s7+$0xFFFFFFF0];
	[tilespmem:v55+s18+$0x0] =	vst.idx.msk $0xffff, v54  }
0x10b: {  	v62 =	vadd.s32 v3, v19;
	[tilespmem:v57+s18+$0x0] =	vst.idx.msk $0xffff, v56;
	v61 =	vld [tilespmem:s13+$0x30]  }
0x10c: {  	v63 =	vadd.s32 v3, v20;
	[tilespmem:v5+s18+$0x0] =	vst.idx.msk $0xffff, v58;
	v5 =	vld [tilespmem:s13+$0xFFFFFFF0]  }
0x10d: {  	[tilespmem:v6+s18+$0x0] =	vst.idx.msk $0xffff, v16  }
0x10e: {  	s19 =	sshll.u32 s2, $0xA;
	[tilespmem:v7+s18+$0x0] =	vst.idx.msk $0xffff, v11  }
0x10f: {  	s0 =	sadd.s32 s28, s19;
	[tilespmem:v60+s18+$0x0] =	vst.idx.msk $0xffff, v59  }
0x110: {  	s0 =	sshrl.u32 s0, $0x3;
	[tilespmem:v62+s18+$0x0] =	vst.idx.msk $0xffff, v61  }
0x111: {  	s24 =	simm.s32 $0x8200;
	s2 =	sadd.s32 s1, s0;
	[tilespmem:v63+s18+$0x0] =	vst.idx.msk $0xffff, v5  }
0x112: {  	[hbm4b:s2+s3] =	stream.linear.scatter [tilespmem:s24], [sflag:$0x4], $0x80, $0x38;
	[tilespmem:$0x1A400] =	vst v63  }
0x113: {  	s10 =	sadd.s32 $0x10, s2;
	s7 =	simm.s32 $0x8288  }
0x114: {  	[hbm4b:s10+s3] =	stream.linear.scatter [tilespmem:s7], [sflag:$0x4], $0x80, $0x38;
	[tilespmem:$0x1A400] =	vst v63  }
0x115: {  	s19 =	simm.s32 $0x8398;
	s14 =	sadd.s32 $0x20, s2;
	s13 =	simm.s32 $0x8310  }
0x116: {  	[hbm4b:s14+s3] =	stream.linear.scatter [tilespmem:s13], [sflag:$0x4], $0x80, $0x38;
	[tilespmem:$0x1A400] =	vst v63  }
0x117: {  	s0 =	simm.s32 $0x440;
	s24 =	sadd.s32 $0x30, s2;
	s7 =	simm.s32 $0x8420  }
0x118: {  	[hbm4b:s24+s3] =	stream.linear.scatter [tilespmem:s19], [sflag:$0x4], $0x80, $0x38;
	[tilespmem:$0x1A400] =	vst v63  }
0x119: {  	s10 =	sadd.s32 $0x40, s2;
	s13 =	simm.s32 $0x84A8;
	s14 =	sadd.s32 $0x50, s2  }
0x11a: {  	[hbm4b:s10+s3] =	stream.linear.scatter [tilespmem:s7], [sflag:$0x4], $0x80, $0x38;
	[tilespmem:$0x1A400] =	vst v63  }
0x11b: {  	s19 =	simm.s32 $0x8530;
	s24 =	sadd.s32 $0x60, s2;
	s7 =	simm.s32 $0x2200  }
0x11c: {  	[hbm4b:s14+s3] =	stream.linear.scatter [tilespmem:s13], [sflag:$0x4], $0x80, $0x38;
	[tilespmem:$0x1A400] =	vst v63  }
0x11d: {  	s10 =	simm.s32 $0x85B8;
	s13 =	sadd.s32 $0x70, s2;
	s2 =	sadd.s32 $0x1000, s2  }
0x11e: {  	[hbm4b:s24+s3] =	stream.linear.scatter [tilespmem:s19], [sflag:$0x4], $0x80, $0x38;
	[tilespmem:$0x1A400] =	vst v63  }
.LBB2_13:
0x11f: {  	[hbm4b:s13+s3] =	stream.linear.scatter [tilespmem:s10], [sflag:$0x4], $0x80, $0x38;
	[tilespmem:$0x1A400] =	vst v63  }
0x120: {  	s10 =	smov.u32 s0;
	s0 =	smov.u32 s7  }
0x121: {  	s14 =	sadd.s32 $0x1100, s7;
	s0 =	sshra.s32 s0, $0x2;
	s13 =	sadd.s32 $0x8200, s10  }
0x122: {  	[hbm4b:s2+s3] =	stream.linear.scatter [tilespmem:s13], [sflag:$0x4], $0x80, $0x38;
	[tilespmem:$0x1A400] =	vst v63  }
0x123: {  	p2 =	sne.s32 s7, $0x7700;
	s7 =	sadd.s32 $0x8288, s10;
	s13 =	sadd.s32 $0x10, s2  }
0x124: {  	[hbm4b:s13+s3] =	stream.linear.scatter [tilespmem:s7], [sflag:$0x4], $0x80, $0x38;
	[tilespmem:$0x1A400] =	vst v63  }
0x125: {  	s7 =	sadd.s32 $0x8310, s10;
	s13 =	sadd.s32 $0x20, s2  }
0x126: {  	[hbm4b:s13+s3] =	stream.linear.scatter [tilespmem:s7], [sflag:$0x4], $0x80, $0x38;
	[tilespmem:$0x1A400] =	vst v63  }
0x127: {  	s7 =	sadd.s32 $0x8398, s10;
	s13 =	sadd.s32 $0x30, s2  }
0x128: {  	[hbm4b:s13+s3] =	stream.linear.scatter [tilespmem:s7], [sflag:$0x4], $0x80, $0x38;
	[tilespmem:$0x1A400] =	vst v63  }
0x129: {  	s7 =	sadd.s32 $0x8420, s10;
	s13 =	sadd.s32 $0x40, s2  }
0x12a: {  	[hbm4b:s13+s3] =	stream.linear.scatter [tilespmem:s7], [sflag:$0x4], $0x80, $0x38;
	[tilespmem:$0x1A400] =	vst v63  }
.Ltmp7:
0x12b: {  	s7 =	sadd.s32 $0x84A8, s10;
	s13 =	sadd.s32 $0x50, s2;
	(pc) =	sbr.rel @p2 .LBB2_13-.Ltmp7, $4  }
0x12c: {  	[hbm4b:s13+s3] =	stream.linear.scatter [tilespmem:s7], [sflag:$0x4], $0x80, $0x38;
	[tilespmem:$0x1A400] =	vst v63  }
0x12d: {  	s7 =	sadd.s32 $0x8530, s10;
	s13 =	sadd.s32 $0x60, s2;
	s10 =	sadd.s32 $0x85B8, s10  }
0x12e: {  	[hbm4b:s13+s3] =	stream.linear.scatter [tilespmem:s7], [sflag:$0x4], $0x80, $0x38;
	[tilespmem:$0x1A400] =	vst v63  }
0x12f: {  	s13 =	sadd.s32 $0x70, s2;
	s2 =	sadd.s32 $0x1000, s2;
	s7 =	smov.u32 s14  }
0x130: {  	[hbm4b:s13+s3] =	stream.linear.scatter [tilespmem:s10], [sflag:$0x4], $0x80, $0x38;
	[tilespmem:$0x1A400] =	vst v63  }
0x131: {  	s7 =	sadd.s32 $0x8200, s0  }
0x132: {  	[hbm4b:s2+s3] =	stream.linear.scatter [tilespmem:s7], [sflag:$0x4], $0x80, $0x38;
	[tilespmem:$0x1A400] =	vst v63  }
0x133: {  	s19 =	sadd.s32 $0x8288, s0;
	s24 =	sadd.s32 $0x10, s2  }
0x134: {  	[hbm4b:s24+s3] =	stream.linear.scatter [tilespmem:s19], [sflag:$0x4], $0x80, $0x38;
	[tilespmem:$0x1A400] =	vst v63  }
0x135: {  	s13 =	sadd.s32 $0x8310, s0;
	s14 =	sadd.s32 $0x20, s2  }
0x136: {  	[hbm4b:s14+s3] =	stream.linear.scatter [tilespmem:s13], [sflag:$0x4], $0x80, $0x38;
	[tilespmem:$0x1A400] =	vst v63  }
0x137: {  	s19 =	sadd.s32 $0x8398, s0;
	s24 =	sadd.s32 $0x30, s2  }
0x138: {  	[hbm4b:s24+s3] =	stream.linear.scatter [tilespmem:s19], [sflag:$0x4], $0x80, $0x38;
	[tilespmem:$0x1A400] =	vst v63  }
0x139: {  	s31 =	sadd.s32 $0x1, s31;
	s13 =	sadd.s32 $0x8420, s0;
	s14 =	sadd.s32 $0x40, s2  }
0x13a: {  	[hbm4b:s14+s3] =	stream.linear.scatter [tilespmem:s13], [sflag:$0x4], $0x80, $0x38;
	[tilespmem:$0x1A400] =	vst v63  }
0x13b: {  	p2 =	sne.s32 s31, $0x10;
	s19 =	sadd.s32 $0x84A8, s0;
	s24 =	sadd.s32 $0x50, s2  }
0x13c: {  	[hbm4b:s24+s3] =	stream.linear.scatter [tilespmem:s19], [sflag:$0x4], $0x80, $0x38;
	[tilespmem:$0x1A400] =	vst v63  }
.Ltmp8:
0x13d: {  	_ = 	snop;
	(pc) =	sbr.rel @p2 .LBB2_6-.Ltmp8, $4  }
0x13e: {  	s13 =	sadd.s32 $0x8530, s0;
	s14 =	sadd.s32 $0x60, s2  }
0x13f: {  	[hbm4b:s14+s3] =	stream.linear.scatter [tilespmem:s13], [sflag:$0x4], $0x80, $0x38;
	[tilespmem:$0x1A400] =	vst v63  }
0x140: {  	s30 =	sadd.s32 $0x2, s30;
	s19 =	sadd.s32 $0x85B8, s0;
	s24 =	sadd.s32 $0x70, s2  }
0x141: {  	[hbm4b:s24+s3] =	stream.linear.scatter [tilespmem:s19], [sflag:$0x4], $0x80, $0x38;
	[tilespmem:$0x1A400] =	vst v63  }
0x142: {  	s26 =	sadd.s32 $0x1, s26  }
0x143: {  	p2 =	sne.s32 s26, s9  }
.Ltmp9:
0x144: {  	_ = 	snop;
	(pc) =	sbr.rel @p2 .LBB2_3-.Ltmp9, $2  }
0x145: {  	_ =	sdelay $0x2  }
0x146: {  	s25 =	sadd.s32 $0x20, s25  }
0x147: {  	s0 =	simm.s32 $0x3  }
0x148: {  	_ =	swait.ge [sflag:s0], $0x2000  }
.Ltmp10:
0x149: {  	[sflag:s0] =	ssyncset.done $0x0;
	(pc) =	sbr.rel @p0 .LBB2_28-.Ltmp10, $4  }
0x14a: {  	s31 =	simm.s32 $0x4;
	[sflag:s0] =	ssyncadd.s32 $0xFFFFE000  }
0x14b: {  	_ =	swait.ge [sflag:s31], $0x2000  }
0x14c: {  	[sflag:s31] =	ssyncset.done $0x0;
	s10 =	rddreg [dreg:$0x3]  }
0x14d: {  	s13 =	rddreg [dreg:$0x4];
	[sflag:s31] =	ssyncadd.s32 $0xFFFFE000  }
.LBB2_17:
.Ltmp11:
0x14e: {  	(pc) =	sbr.rel .LBB2_18-.Ltmp11, $2  }
0x14f: {  	_ =	sdelay $0x2  }
0x150: {  	s25 =	simm.s32 $0x0  }
.LBB2_26:
0x151: {  	s25 =	sadd.s32 $0x1, s25  }
0x152: {  	p2 =	sne.s32 s25, $0x5  }
.Ltmp12:
0x153: {  	_ = 	snop;
	(pc) =	sbr.rel @!p2 .LBB2_27-.Ltmp12, $1  }
0x154: {  	_ =	sdelay $0x3  }
.LBB2_18:
0x155: {  	s26 =	sshll.u32 s25, $0x1  }
0x156: {  	p3 =	sge.u32 s26, s9  }
.Ltmp13:
0x157: {  	_ = 	snop;
	(pc) =	sbr.rel @p3 .LBB2_22-.Ltmp13, $2  }
0x158: {  	_ =	sdelay $0x2  }
0x159: {  	p2 =	seq.s32 s25, $0x0  }
0x15a: {  	s0 =	simm.s32 @!p2 $0x5  }
0x15b: {  	_ =	swait.ge @!p2 [sflag:s0], $0x8000  }
0x15c: {  	[sflag:s0] =	ssyncset.done @!p2 $0x0  }
0x15d: {  	[sflag:s0] =	ssyncadd.s32 @!p2 $0xFFFF8000  }
0x15e: {  	_ =	swait.ge @!p2 [sflag:s0], $0x8000  }
0x15f: {  	[sflag:s0] =	ssyncset.done @!p2 $0x0  }
0x160: {  	[sflag:s0] =	ssyncadd.s32 @!p2 $0xFFFF8000  }
0x161: {  	_ =	swait.ge @!p2 [sflag:s0], $0x8000  }
0x162: {  	[sflag:s0] =	ssyncset.done @!p2 $0x0  }
0x163: {  	[sflag:s0] =	ssyncadd.s32 @!p2 $0xFFFF8000  }
0x164: {  	_ =	swait.ge @!p2 [sflag:s0], $0x8000  }
0x165: {  	[sflag:s0] =	ssyncset.done @!p2 $0x0  }
0x166: {  	[sflag:s0] =	ssyncadd.s32 @!p2 $0xFFFF8000  }
0x167: {  	_ =	swait.ge @!p2 [sflag:s0], $0x8000  }
0x168: {  	[sflag:s0] =	ssyncset.done @!p2 $0x0  }
0x169: {  	[sflag:s0] =	ssyncadd.s32 @!p2 $0xFFFF8000  }
0x16a: {  	_ =	swait.ge @!p2 [sflag:s0], $0x8000  }
0x16b: {  	[sflag:s0] =	ssyncset.done @!p2 $0x0  }
0x16c: {  	[sflag:s0] =	ssyncadd.s32 @!p2 $0xFFFF8000  }
0x16d: {  	s2 =	smul.u32 $0x16, s25;
	_ =	swait.ge @!p2 [sflag:s0], $0x8000  }
0x16e: {  	[sflag:s0] =	ssyncset.done @!p2 $0x0  }
0x16f: {  	s28 =	sadd.s32 s6, s2;
	[sflag:s0] =	ssyncadd.s32 @!p2 $0xFFFF8000  }
0x170: {  	s2 =	sshll.u32 s28, $0x9;
	_ =	swait.ge @!p2 [sflag:s0], $0x8000  }
0x171: {  	s2 =	sand.u32 $0x1FFFFE00, s2;
	[sflag:s0] =	ssyncset.done @!p2 $0x0  }
0x172: {  	s19 =	sadd.s32 s4, s2;
	[sflag:s0] =	ssyncadd.s32 @!p2 $0xFFFF8000  }
0x173: {  	[tilespmem:s3], [sflag:$0x7] =	stream.linear.gather [hbm4b:s19+s3], $0x1000, $0x38;
	[tilespmem:$0x1A400] =	vst v63  }
0x174: {  	_ =	swait.ge [sflag:s11], $0x1000  }
0x175: {  	[sflag:s11] =	ssyncset.done $0x0  }
0x176: {  	s24 =	simm.s32 $0x80;
	[sflag:s11] =	ssyncadd.s32 $0xFFFFF000  }
0x177: {  	v5 =	vld [tilespmem:s24+$0x0];
	_ =	sdelay $0x4  }
0x178: {  	vm0 =	vlt.s32 v5, $0x0  }
0x179: {  	s29 =	simm.s32 $0xA800;
	v5 =	vsel vm0, $0x0, v4  }
0x17a: {  	[tilespmem:s29+$0x0] =	vst v5  }
0x17b: {  	v6 =	vld [tilespmem:s24+$0xFFFFFF80];
	[tilespmem:s29+$0x80] =	vst v5  }
0x17c: {  	[tilespmem:s29+$0x100] =	vst v5  }
0x17d: {  	[tilespmem:s29+$0x180] =	vst v5  }
0x17e: {  	[tilespmem:s29+$0x200] =	vst v5  }
0x17f: {  	[tilespmem:s29+$0x280] =	vst v5  }
0x180: {  	vm12 =	vlt.s32 v6, $0x0;
	[tilespmem:s29+$0x300] =	vst v5  }
0x181: {  	v6 =	vsel vm12, $0x0, v4;
	[tilespmem:s29+$0x380] =	vst v5  }
0x182: {  	s30 =	simm.s32 $0x180;
	[tilespmem:s29+$0xFFFFFC00] =	vst v6  }
0x183: {  	v7 =	vld [tilespmem:s30+$0x0];
	[tilespmem:s29+$0xFFFFFC80] =	vst v6  }
0x184: {  	[tilespmem:s29+$0xFFFFFD00] =	vst v6  }
0x185: {  	[tilespmem:s29+$0xFFFFFD80] =	vst v6  }
0x186: {  	[tilespmem:s29+$0xFFFFFE00] =	vst v6  }
0x187: {  	[tilespmem:s29+$0xFFFFFE80] =	vst v6  }
0x188: {  	vm12 =	vlt.s32 v7, $0x0;
	[tilespmem:s29+$0xFFFFFF00] =	vst v6  }
0x189: {  	s31 =	simm.s32 $0xB000;
	[tilespmem:s29+$0xFFFFFF80] =	vst v6;
	v7 =	vsel vm12, $0x0, v4  }
0x18a: {  	[tilespmem:s31+$0x0] =	vst v7  }
0x18b: {  	v5 =	vld [tilespmem:s24+$0x10];
	[tilespmem:s31+$0x80] =	vst v7  }
0x18c: {  	[tilespmem:s31+$0x100] =	vst v7  }
0x18d: {  	[tilespmem:s31+$0x180] =	vst v7  }
0x18e: {  	[tilespmem:s31+$0x200] =	vst v7  }
0x18f: {  	[tilespmem:s31+$0x280] =	vst v7  }
0x190: {  	[tilespmem:s31+$0x300] =	vst v7;
	vm13 =	vlt.s32 v5, $0x0  }
0x191: {  	[tilespmem:s31+$0x380] =	vst v7;
	v5 =	vsel vm13, $0x0, v4  }
0x192: {  	[tilespmem:s29+$0x10] =	vst v5  }
0x193: {  	v6 =	vld [tilespmem:s24+$0xFFFFFF90];
	[tilespmem:s29+$0x90] =	vst v5  }
0x194: {  	[tilespmem:s29+$0x110] =	vst v5  }
0x195: {  	[tilespmem:s29+$0x190] =	vst v5  }
0x196: {  	[tilespmem:s29+$0x210] =	vst v5  }
0x197: {  	[tilespmem:s29+$0x290] =	vst v5  }
0x198: {  	vm15 =	vlt.s32 v6, $0x0;
	[tilespmem:s29+$0x310] =	vst v5  }
0x199: {  	v6 =	vsel vm15, $0x0, v4;
	[tilespmem:s29+$0x390] =	vst v5  }
0x19a: {  	[tilespmem:s29+$0xFFFFFC10] =	vst v6  }
0x19b: {  	[tilespmem:s29+$0xFFFFFC90] =	vst v6;
	v5 =	vld [tilespmem:s24+$0x20]  }
0x19c: {  	[tilespmem:s29+$0xFFFFFD10] =	vst v6  }
0x19d: {  	[tilespmem:s29+$0xFFFFFD90] =	vst v6  }
0x19e: {  	[tilespmem:s29+$0xFFFFFE10] =	vst v6  }
0x19f: {  	[tilespmem:s29+$0xFFFFFE90] =	vst v6  }
0x1a0: {  	[tilespmem:s29+$0xFFFFFF10] =	vst v6;
	vm14 =	vlt.s32 v5, $0x0  }
0x1a1: {  	[tilespmem:s29+$0xFFFFFF90] =	vst v6;
	v5 =	vsel vm14, $0x0, v4  }
0x1a2: {  	[tilespmem:s29+$0x20] =	vst v5  }
0x1a3: {  	v6 =	vld [tilespmem:s24+$0xFFFFFFA0];
	[tilespmem:s29+$0xA0] =	vst v5  }
0x1a4: {  	[tilespmem:s29+$0x120] =	vst v5  }
0x1a5: {  	[tilespmem:s29+$0x1A0] =	vst v5  }
0x1a6: {  	[tilespmem:s29+$0x220] =	vst v5  }
0x1a7: {  	[tilespmem:s29+$0x2A0] =	vst v5  }
0x1a8: {  	vm6 =	vlt.s32 v6, $0x0;
	[tilespmem:s29+$0x320] =	vst v5  }
0x1a9: {  	v6 =	vsel vm6, $0x0, v4;
	[tilespmem:s29+$0x3A0] =	vst v5  }
0x1aa: {  	[tilespmem:s29+$0xFFFFFC20] =	vst v6  }
0x1ab: {  	v7 =	vld [tilespmem:s30+$0x10];
	[tilespmem:s29+$0xFFFFFCA0] =	vst v6  }
0x1ac: {  	[tilespmem:s29+$0xFFFFFD20] =	vst v6  }
0x1ad: {  	[tilespmem:s29+$0xFFFFFDA0] =	vst v6  }
0x1ae: {  	[tilespmem:s29+$0xFFFFFE20] =	vst v6  }
0x1af: {  	[tilespmem:s29+$0xFFFFFEA0] =	vst v6  }
0x1b0: {  	vm14 =	vlt.s32 v7, $0x0;
	[tilespmem:s29+$0xFFFFFF20] =	vst v6  }
0x1b1: {  	[tilespmem:s29+$0xFFFFFFA0] =	vst v6;
	v7 =	vsel vm14, $0x0, v4  }
0x1b2: {  	[tilespmem:s31+$0x10] =	vst v7  }
0x1b3: {  	v5 =	vld [tilespmem:s24+$0x30];
	[tilespmem:s31+$0x90] =	vst v7  }
0x1b4: {  	[tilespmem:s31+$0x110] =	vst v7  }
0x1b5: {  	[tilespmem:s31+$0x190] =	vst v7  }
0x1b6: {  	[tilespmem:s31+$0x210] =	vst v7  }
0x1b7: {  	[tilespmem:s31+$0x290] =	vst v7  }
0x1b8: {  	[tilespmem:s31+$0x310] =	vst v7;
	vm4 =	vlt.s32 v5, $0x0  }
0x1b9: {  	[tilespmem:s31+$0x390] =	vst v7;
	v5 =	vsel vm4, $0x0, v4  }
0x1ba: {  	[tilespmem:s29+$0x30] =	vst v5  }
0x1bb: {  	v6 =	vld [tilespmem:s24+$0xFFFFFFB0];
	[tilespmem:s29+$0xB0] =	vst v5  }
0x1bc: {  	[tilespmem:s29+$0x130] =	vst v5  }
0x1bd: {  	[tilespmem:s29+$0x1B0] =	vst v5  }
0x1be: {  	[tilespmem:s29+$0x230] =	vst v5  }
0x1bf: {  	[tilespmem:s29+$0x2B0] =	vst v5  }
0x1c0: {  	vm9 =	vlt.s32 v6, $0x0;
	[tilespmem:s29+$0x330] =	vst v5  }
0x1c1: {  	v6 =	vsel vm9, $0x0, v4;
	[tilespmem:s29+$0x3B0] =	vst v5  }
0x1c2: {  	[tilespmem:s29+$0xFFFFFC30] =	vst v6  }
0x1c3: {  	[tilespmem:s29+$0xFFFFFCB0] =	vst v6;
	v5 =	vld [tilespmem:s24+$0x40]  }
0x1c4: {  	[tilespmem:s29+$0xFFFFFD30] =	vst v6  }
0x1c5: {  	[tilespmem:s29+$0xFFFFFDB0] =	vst v6  }
0x1c6: {  	[tilespmem:s29+$0xFFFFFE30] =	vst v6  }
0x1c7: {  	[tilespmem:s29+$0xFFFFFEB0] =	vst v6  }
0x1c8: {  	[tilespmem:s29+$0xFFFFFF30] =	vst v6;
	vm5 =	vlt.s32 v5, $0x0  }
0x1c9: {  	[tilespmem:s29+$0xFFFFFFB0] =	vst v6;
	v5 =	vsel vm5, $0x0, v4  }
0x1ca: {  	[tilespmem:s29+$0x40] =	vst v5  }
0x1cb: {  	v6 =	vld [tilespmem:s24+$0xFFFFFFC0];
	[tilespmem:s29+$0xC0] =	vst v5  }
0x1cc: {  	[tilespmem:s29+$0x140] =	vst v5  }
0x1cd: {  	[tilespmem:s29+$0x1C0] =	vst v5  }
0x1ce: {  	[tilespmem:s29+$0x240] =	vst v5  }
0x1cf: {  	[tilespmem:s29+$0x2C0] =	vst v5  }
0x1d0: {  	vm11 =	vlt.s32 v6, $0x0;
	[tilespmem:s29+$0x340] =	vst v5  }
0x1d1: {  	v6 =	vsel vm11, $0x0, v4;
	[tilespmem:s29+$0x3C0] =	vst v5  }
0x1d2: {  	[tilespmem:s29+$0xFFFFFC40] =	vst v6  }
0x1d3: {  	v8 =	vld [tilespmem:s30+$0xFFFFFF80];
	[tilespmem:s29+$0xFFFFFCC0] =	vst v6  }
0x1d4: {  	[tilespmem:s29+$0xFFFFFD40] =	vst v6  }
0x1d5: {  	[tilespmem:s29+$0xFFFFFDC0] =	vst v6  }
0x1d6: {  	[tilespmem:s29+$0xFFFFFE40] =	vst v6  }
0x1d7: {  	[tilespmem:s29+$0xFFFFFEC0] =	vst v6  }
0x1d8: {  	vm13 =	vlt.s32 v8, $0x0;
	[tilespmem:s29+$0xFFFFFF40] =	vst v6  }
0x1d9: {  	[tilespmem:s29+$0xFFFFFFC0] =	vst v6;
	v6 =	vsel vm13, $0x0, v4  }
0x1da: {  	[tilespmem:s31+$0xFFFFFC00] =	vst v6  }
0x1db: {  	v7 =	vld [tilespmem:s30+$0x20];
	[tilespmem:s31+$0xFFFFFC80] =	vst v6  }
0x1dc: {  	[tilespmem:s31+$0xFFFFFD00] =	vst v6  }
0x1dd: {  	[tilespmem:s31+$0xFFFFFD80] =	vst v6  }
0x1de: {  	[tilespmem:s31+$0xFFFFFE00] =	vst v6  }
0x1df: {  	[tilespmem:s31+$0xFFFFFE80] =	vst v6  }
0x1e0: {  	vm4 =	vlt.s32 v7, $0x0;
	[tilespmem:s31+$0xFFFFFF00] =	vst v6  }
0x1e1: {  	[tilespmem:s31+$0xFFFFFF80] =	vst v6;
	v6 =	vsel vm4, $0x0, v4  }
0x1e2: {  	[tilespmem:s31+$0x20] =	vst v6  }
0x1e3: {  	v5 =	vld [tilespmem:s24+$0x50];
	[tilespmem:s31+$0xA0] =	vst v6  }
0x1e4: {  	[tilespmem:s31+$0x120] =	vst v6  }
0x1e5: {  	[tilespmem:s31+$0x1A0] =	vst v6  }
0x1e6: {  	[tilespmem:s31+$0x220] =	vst v6  }
0x1e7: {  	[tilespmem:s31+$0x2A0] =	vst v6  }
0x1e8: {  	[tilespmem:s31+$0x320] =	vst v6;
	vm7 =	vlt.s32 v5, $0x0  }
0x1e9: {  	[tilespmem:s31+$0x3A0] =	vst v6;
	v5 =	vsel vm7, $0x0, v4  }
0x1ea: {  	[tilespmem:s29+$0x50] =	vst v5  }
0x1eb: {  	v8 =	vld [tilespmem:s24+$0xFFFFFFD0];
	[tilespmem:s29+$0xD0] =	vst v5  }
0x1ec: {  	[tilespmem:s29+$0x150] =	vst v5  }
0x1ed: {  	[tilespmem:s29+$0x1D0] =	vst v5  }
0x1ee: {  	[tilespmem:s29+$0x250] =	vst v5  }
0x1ef: {  	[tilespmem:s29+$0x2D0] =	vst v5  }
0x1f0: {  	vm15 =	vlt.s32 v8, $0x0;
	[tilespmem:s29+$0x350] =	vst v5  }
0x1f1: {  	v8 =	vsel vm15, $0x0, v4;
	[tilespmem:s29+$0x3D0] =	vst v5  }
0x1f2: {  	[tilespmem:s29+$0xFFFFFC50] =	vst v8  }
0x1f3: {  	v7 =	vld [tilespmem:s30+$0xFFFFFF90];
	[tilespmem:s29+$0xFFFFFCD0] =	vst v8  }
0x1f4: {  	[tilespmem:s29+$0xFFFFFD50] =	vst v8  }
0x1f5: {  	[tilespmem:s29+$0xFFFFFDD0] =	vst v8  }
0x1f6: {  	[tilespmem:s29+$0xFFFFFE50] =	vst v8  }
0x1f7: {  	[tilespmem:s29+$0xFFFFFED0] =	vst v8  }
0x1f8: {  	vm5 =	vlt.s32 v7, $0x0;
	[tilespmem:s29+$0xFFFFFF50] =	vst v8  }
0x1f9: {  	v7 =	vsel vm5, $0x0, v4;
	[tilespmem:s29+$0xFFFFFFD0] =	vst v8  }
0x1fa: {  	[tilespmem:s31+$0xFFFFFC10] =	vst v7  }
0x1fb: {  	v6 =	vld [tilespmem:s30+$0x30];
	[tilespmem:s31+$0xFFFFFC90] =	vst v7  }
0x1fc: {  	[tilespmem:s31+$0xFFFFFD10] =	vst v7  }
0x1fd: {  	[tilespmem:s31+$0xFFFFFD90] =	vst v7  }
0x1fe: {  	[tilespmem:s31+$0xFFFFFE10] =	vst v7  }
0x1ff: {  	[tilespmem:s31+$0xFFFFFE90] =	vst v7  }
0x200: {  	vm6 =	vlt.s32 v6, $0x0;
	[tilespmem:s31+$0xFFFFFF10] =	vst v7  }
0x201: {  	v6 =	vsel vm6, $0x0, v4;
	[tilespmem:s31+$0xFFFFFF90] =	vst v7  }
0x202: {  	[tilespmem:s31+$0x30] =	vst v6  }
0x203: {  	v5 =	vld [tilespmem:s24+$0x60];
	[tilespmem:s31+$0xB0] =	vst v6  }
0x204: {  	[tilespmem:s31+$0x130] =	vst v6  }
0x205: {  	[tilespmem:s31+$0x1B0] =	vst v6  }
0x206: {  	[tilespmem:s31+$0x230] =	vst v6  }
0x207: {  	[tilespmem:s31+$0x2B0] =	vst v6  }
0x208: {  	[tilespmem:s31+$0x330] =	vst v6;
	vm8 =	vlt.s32 v5, $0x0  }
0x209: {  	[tilespmem:s31+$0x3B0] =	vst v6;
	v5 =	vsel vm8, $0x0, v4  }
0x20a: {  	[tilespmem:s29+$0x60] =	vst v5  }
0x20b: {  	v6 =	vld [tilespmem:s30+$0x40];
	[tilespmem:s29+$0xE0] =	vst v5  }
0x20c: {  	[tilespmem:s29+$0x160] =	vst v5  }
0x20d: {  	[tilespmem:s29+$0x1E0] =	vst v5  }
0x20e: {  	[tilespmem:s29+$0x260] =	vst v5  }
0x20f: {  	[tilespmem:s29+$0x2E0] =	vst v5  }
0x210: {  	[tilespmem:s29+$0x360] =	vst v5;
	vm7 =	vlt.s32 v6, $0x0  }
0x211: {  	[tilespmem:s29+$0x3E0] =	vst v5;
	v6 =	vsel vm7, $0x0, v4  }
0x212: {  	[tilespmem:s31+$0x40] =	vst v6  }
0x213: {  	v5 =	vld [tilespmem:s24+$0x70];
	[tilespmem:s31+$0xC0] =	vst v6  }
0x214: {  	[tilespmem:s31+$0x140] =	vst v6  }
0x215: {  	[tilespmem:s31+$0x1C0] =	vst v6  }
0x216: {  	[tilespmem:s31+$0x240] =	vst v6  }
0x217: {  	[tilespmem:s31+$0x2C0] =	vst v6  }
0x218: {  	[tilespmem:s31+$0x340] =	vst v6;
	vm10 =	vlt.s32 v5, $0x0  }
0x219: {  	[tilespmem:s31+$0x3C0] =	vst v6;
	v5 =	vsel vm10, $0x0, v4  }
0x21a: {  	[tilespmem:s29+$0x3F0] =	vst v5  }
0x21b: {  	v6 =	vld [tilespmem:s30+$0x50];
	[tilespmem:s29+$0x70] =	vst v5  }
0x21c: {  	[tilespmem:s29+$0xF0] =	vst v5  }
0x21d: {  	[tilespmem:s29+$0x170] =	vst v5  }
0x21e: {  	[tilespmem:s29+$0x1F0] =	vst v5  }
0x21f: {  	[tilespmem:s29+$0x270] =	vst v5  }
0x220: {  	[tilespmem:s29+$0x2F0] =	vst v5;
	vm9 =	vlt.s32 v6, $0x0  }
0x221: {  	[tilespmem:s29+$0x370] =	vst v5;
	v6 =	vsel vm9, $0x0, v4  }
0x222: {  	[tilespmem:s31+$0x50] =	vst v6  }
0x223: {  	v7 =	vld [tilespmem:s24+$0xFFFFFFE0];
	[tilespmem:s31+$0xD0] =	vst v6  }
0x224: {  	v5 =	vld [tilespmem:s30+$0xFFFFFFA0];
	[tilespmem:s31+$0x150] =	vst v6  }
0x225: {  	[tilespmem:s31+$0x1D0] =	vst v6  }
0x226: {  	[tilespmem:s31+$0x250] =	vst v6  }
0x227: {  	[tilespmem:s31+$0x2D0] =	vst v6  }
0x228: {  	vm10 =	vlt.s32 v7, $0x0;
	[tilespmem:s31+$0x350] =	vst v6  }
0x229: {  	[tilespmem:s31+$0x3D0] =	vst v6;
	v6 =	vsel vm10, $0x0, v4;
	vm8 =	vlt.s32 v5, $0x0  }
0x22a: {  	[tilespmem:s29+$0xFFFFFC60] =	vst v6;
	v5 =	vsel vm8, $0x0, v4  }
0x22b: {  	[tilespmem:s31+$0xFFFFFC20] =	vst v5  }
0x22c: {  	[tilespmem:s31+$0xFFFFFCA0] =	vst v5  }
0x22d: {  	[tilespmem:s31+$0xFFFFFD20] =	vst v5  }
0x22e: {  	[tilespmem:s31+$0xFFFFFDA0] =	vst v5  }
0x22f: {  	[tilespmem:s31+$0xFFFFFE20] =	vst v5  }
0x230: {  	[tilespmem:s31+$0xFFFFFEA0] =	vst v5  }
0x231: {  	[tilespmem:s31+$0xFFFFFF20] =	vst v5  }
0x232: {  	[tilespmem:s31+$0xFFFFFFA0] =	vst v5;
	v5 =	vld [tilespmem:s30+$0x60]  }
0x233: {  	[tilespmem:s29+$0xFFFFFCE0] =	vst v6  }
0x234: {  	[tilespmem:s29+$0xFFFFFD60] =	vst v6  }
0x235: {  	[tilespmem:s29+$0xFFFFFDE0] =	vst v6  }
0x236: {  	[tilespmem:s29+$0xFFFFFE60] =	vst v6  }
0x237: {  	[tilespmem:s29+$0xFFFFFEE0] =	vst v6;
	vm11 =	vlt.s32 v5, $0x0  }
0x238: {  	[tilespmem:s29+$0xFFFFFF60] =	vst v6;
	v5 =	vsel vm11, $0x0, v4  }
0x239: {  	[tilespmem:s31+$0x60] =	vst v5  }
0x23a: {  	v7 =	vld [tilespmem:s30+$0xFFFFFFB0];
	[tilespmem:s31+$0xE0] =	vst v5  }
0x23b: {  	[tilespmem:s31+$0x160] =	vst v5  }
0x23c: {  	[tilespmem:s31+$0x1E0] =	vst v5  }
0x23d: {  	[tilespmem:s31+$0x260] =	vst v5  }
0x23e: {  	[tilespmem:s31+$0x2E0] =	vst v5  }
0x23f: {  	vm12 =	vlt.s32 v7, $0x0;
	[tilespmem:s31+$0x360] =	vst v5  }
0x240: {  	v7 =	vsel vm12, $0x0, v4;
	[tilespmem:s31+$0x3E0] =	vst v5  }
0x241: {  	[tilespmem:s31+$0xFFFFFC30] =	vst v7  }
0x242: {  	[tilespmem:s31+$0xFFFFFCB0] =	vst v7  }
0x243: {  	v5 =	vld [tilespmem:s30+$0x70];
	[tilespmem:s31+$0xFFFFFD30] =	vst v7  }
0x244: {  	[tilespmem:s31+$0xFFFFFDB0] =	vst v7  }
0x245: {  	[tilespmem:s31+$0xFFFFFE30] =	vst v7  }
0x246: {  	[tilespmem:s31+$0xFFFFFEB0] =	vst v7  }
0x247: {  	[tilespmem:s31+$0xFFFFFF30] =	vst v7  }
0x248: {  	[tilespmem:s31+$0xFFFFFFB0] =	vst v7;
	vm13 =	vlt.s32 v5, $0x0  }
0x249: {  	[tilespmem:s29+$0xFFFFFFE0] =	vst v6;
	v7 =	vld [tilespmem:s30+$0xFFFFFFC0];
	v5 =	vsel vm13, $0x0, v4  }
0x24a: {  	[tilespmem:s31+$0x3F0] =	vst v5  }
0x24b: {  	[tilespmem:s31+$0x70] =	vst v5  }
0x24c: {  	[tilespmem:s31+$0xF0] =	vst v5  }
0x24d: {  	[tilespmem:s31+$0x170] =	vst v5  }
0x24e: {  	vm14 =	vlt.s32 v7, $0x0;
	[tilespmem:s31+$0x1F0] =	vst v5  }
0x24f: {  	v7 =	vsel vm14, $0x0, v4;
	[tilespmem:s31+$0x270] =	vst v5  }
0x250: {  	v6 =	vld [tilespmem:s24+$0xFFFFFFF0];
	[tilespmem:s31+$0xFFFFFC40] =	vst v7  }
0x251: {  	[tilespmem:s31+$0xFFFFFCC0] =	vst v7  }
0x252: {  	[tilespmem:s31+$0xFFFFFD40] =	vst v7  }
0x253: {  	[tilespmem:s31+$0xFFFFFDC0] =	vst v7  }
0x254: {  	[tilespmem:s31+$0xFFFFFE40] =	vst v7  }
0x255: {  	vm15 =	vlt.s32 v6, $0x0;
	[tilespmem:s31+$0xFFFFFEC0] =	vst v7  }
0x256: {  	s7 =	simm.s32 $0x280;
	s2 =	simm.s32 $0x2;
	s0 =	simm.s32 $0xB000;
	v6 =	vsel vm15, $0x0, v4;
	[tilespmem:s31+$0xFFFFFF40] =	vst v7  }
.LBB2_20:
0x257: {  	v8 =	vld [tilespmem:s7+$0x0];
	[tilespmem:s31+$0xFFFFFFC0] =	vst v7  }
0x258: {  	v7 =	vld [tilespmem:s7+$0xFFFFFF80];
	[tilespmem:s29+$0xFFFFFC70] =	vst v6  }
0x259: {  	v9 =	vld [tilespmem:s30+$0xFFFFFFD0];
	[tilespmem:s29+$0xFFFFFCF0] =	vst v6  }
0x25a: {  	[tilespmem:s29+$0xFFFFFD70] =	vst v6  }
0x25b: {  	[tilespmem:s29+$0xFFFFFDF0] =	vst v6  }
0x25c: {  	vm0 =	vlt.s32 v8, $0x0;
	[tilespmem:s29+$0xFFFFFE70] =	vst v6  }
0x25d: {  	s31 =	sadd.s32 $0x800, s31;
	vm1 =	vlt.s32 v7, $0x0;
	v7 =	vsel vm0, $0x0, v4;
	[tilespmem:s29+$0xFFFFFEF0] =	vst v6  }
0x25e: {  	v8 =	vsel vm1, $0x0, v4;
	[tilespmem:s31+$0x0] =	vst v7;
	vm0 =	vlt.s32 v9, $0x0  }
0x25f: {  	[tilespmem:s31+$0x80] =	vst v7;
	v9 =	vsel vm0, $0x0, v4  }
0x260: {  	[tilespmem:s31+$0x100] =	vst v7  }
0x261: {  	[tilespmem:s31+$0x180] =	vst v7  }
0x262: {  	[tilespmem:s31+$0x200] =	vst v7  }
0x263: {  	[tilespmem:s31+$0x280] =	vst v7  }
0x264: {  	[tilespmem:s31+$0x300] =	vst v7  }
0x265: {  	[tilespmem:s31+$0x380] =	vst v7  }
0x266: {  	[tilespmem:s31+$0xFFFFFC00] =	vst v8;
	v7 =	vld [tilespmem:s7+$0x10]  }
0x267: {  	[tilespmem:s31+$0xFFFFFC80] =	vst v8  }
0x268: {  	[tilespmem:s31+$0xFFFFFD00] =	vst v8  }
0x269: {  	[tilespmem:s31+$0xFFFFFD80] =	vst v8  }
0x26a: {  	[tilespmem:s31+$0xFFFFFE00] =	vst v8  }
0x26b: {  	[tilespmem:s31+$0xFFFFFE80] =	vst v8;
	vm0 =	vlt.s32 v7, $0x0  }
0x26c: {  	[tilespmem:s31+$0xFFFFFF00] =	vst v8;
	v7 =	vsel vm0, $0x0, v4  }
0x26d: {  	[tilespmem:s31+$0x10] =	vst v7  }
0x26e: {  	[tilespmem:s31+$0x90] =	vst v7  }
0x26f: {  	[tilespmem:s31+$0x110] =	vst v7  }
0x270: {  	[tilespmem:s31+$0x190] =	vst v7  }
0x271: {  	[tilespmem:s31+$0x210] =	vst v7  }
0x272: {  	[tilespmem:s31+$0x290] =	vst v7  }
0x273: {  	[tilespmem:s31+$0x310] =	vst v7  }
0x274: {  	[tilespmem:s31+$0x390] =	vst v7  }
0x275: {  	[tilespmem:s31+$0xFFFFFF80] =	vst v8;
	v7 =	vld [tilespmem:s7+$0x20]  }
0x276: {  	v8 =	vld [tilespmem:s7+$0xFFFFFF90];
	[tilespmem:s0+$0xFFFFFC50] =	vst v9  }
0x277: {  	[tilespmem:s0+$0xFFFFFCD0] =	vst v9  }
0x278: {  	[tilespmem:s0+$0xFFFFFD50] =	vst v9  }
0x279: {  	[tilespmem:s0+$0xFFFFFDD0] =	vst v9  }
0x27a: {  	vm0 =	vlt.s32 v7, $0x0;
	[tilespmem:s0+$0xFFFFFE50] =	vst v9  }
0x27b: {  	vm1 =	vlt.s32 v8, $0x0;
	v7 =	vsel vm0, $0x0, v4;
	[tilespmem:s0+$0xFFFFFED0] =	vst v9  }
0x27c: {  	v8 =	vsel vm1, $0x0, v4;
	[tilespmem:s31+$0x20] =	vst v7  }
0x27d: {  	[tilespmem:s31+$0xA0] =	vst v7  }
0x27e: {  	[tilespmem:s31+$0x120] =	vst v7  }
0x27f: {  	[tilespmem:s31+$0x1A0] =	vst v7  }
0x280: {  	[tilespmem:s31+$0x220] =	vst v7  }
0x281: {  	[tilespmem:s31+$0x2A0] =	vst v7  }
0x282: {  	[tilespmem:s31+$0x320] =	vst v7  }
0x283: {  	[tilespmem:s31+$0x3A0] =	vst v7  }
0x284: {  	[tilespmem:s31+$0xFFFFFC10] =	vst v8;
	v7 =	vld [tilespmem:s7+$0x30]  }
0x285: {  	[tilespmem:s31+$0xFFFFFC90] =	vst v8  }
0x286: {  	[tilespmem:s31+$0xFFFFFD10] =	vst v8  }
0x287: {  	[tilespmem:s31+$0xFFFFFD90] =	vst v8  }
0x288: {  	s2 =	sadd.s32 $0x2, s2;
	[tilespmem:s31+$0xFFFFFE10] =	vst v8  }
0x289: {  	p3 =	slt.u32 s2, $0x1E;
	[tilespmem:s31+$0xFFFFFE90] =	vst v8;
	vm0 =	vlt.s32 v7, $0x0  }
0x28a: {  	[tilespmem:s31+$0xFFFFFF10] =	vst v8;
	v7 =	vsel vm0, $0x0, v4  }
0x28b: {  	[tilespmem:s31+$0x30] =	vst v7  }
0x28c: {  	[tilespmem:s31+$0xB0] =	vst v7  }
0x28d: {  	[tilespmem:s31+$0x130] =	vst v7  }
0x28e: {  	[tilespmem:s31+$0x1B0] =	vst v7  }
0x28f: {  	[tilespmem:s31+$0x230] =	vst v7  }
0x290: {  	[tilespmem:s31+$0x2B0] =	vst v7  }
0x291: {  	[tilespmem:s31+$0x330] =	vst v7  }
0x292: {  	[tilespmem:s31+$0x3B0] =	vst v7  }
0x293: {  	[tilespmem:s31+$0xFFFFFF90] =	vst v8;
	v7 =	vld [tilespmem:s7+$0x40]  }
0x294: {  	v8 =	vld [tilespmem:s7+$0xFFFFFFA0];
	[tilespmem:s0+$0xFFFFFF50] =	vst v9  }
0x295: {  	[tilespmem:s0+$0xFFFFFFD0] =	vst v9  }
0x296: {  	v9 =	vld [tilespmem:s30+$0xFFFFFFE0];
	[tilespmem:s29+$0xFFFFFF70] =	vst v6  }
0x297: {  	[tilespmem:s29+$0xFFFFFFF0] =	vst v6;
	s29 =	smov.u32 s0;
	s0 =	smov.u32 s31  }
0x298: {  	vm0 =	vlt.s32 v7, $0x0;
	[tilespmem:s29+$0x2F0] =	vst v5  }
0x299: {  	vm1 =	vlt.s32 v8, $0x0;
	v6 =	vsel vm0, $0x0, v4;
	[tilespmem:s29+$0x370] =	vst v5  }
0x29a: {  	v5 =	vsel vm1, $0x0, v4;
	[tilespmem:s31+$0x40] =	vst v6  }
0x29b: {  	[tilespmem:s31+$0xC0] =	vst v6;
	vm0 =	vlt.s32 v9, $0x0  }
0x29c: {  	[tilespmem:s31+$0x140] =	vst v6;
	v7 =	vsel vm0, $0x0, v4  }
0x29d: {  	[tilespmem:s31+$0x1C0] =	vst v6  }
0x29e: {  	[tilespmem:s31+$0x240] =	vst v6  }
0x29f: {  	[tilespmem:s31+$0x2C0] =	vst v6  }
0x2a0: {  	[tilespmem:s31+$0x340] =	vst v6  }
0x2a1: {  	[tilespmem:s31+$0x3C0] =	vst v6  }
0x2a2: {  	[tilespmem:s31+$0xFFFFFC20] =	vst v5;
	v6 =	vld [tilespmem:s7+$0x50]  }
0x2a3: {  	[tilespmem:s31+$0xFFFFFCA0] =	vst v5  }
0x2a4: {  	[tilespmem:s31+$0xFFFFFD20] =	vst v5  }
0x2a5: {  	[tilespmem:s31+$0xFFFFFDA0] =	vst v5  }
0x2a6: {  	[tilespmem:s31+$0xFFFFFE20] =	vst v5  }
0x2a7: {  	[tilespmem:s31+$0xFFFFFEA0] =	vst v5;
	vm0 =	vlt.s32 v6, $0x0  }
0x2a8: {  	[tilespmem:s31+$0xFFFFFF20] =	vst v5;
	v6 =	vsel vm0, $0x0, v4  }
0x2a9: {  	[tilespmem:s31+$0x50] =	vst v6  }
0x2aa: {  	[tilespmem:s31+$0xD0] =	vst v6  }
0x2ab: {  	[tilespmem:s31+$0x150] =	vst v6  }
0x2ac: {  	[tilespmem:s31+$0x1D0] =	vst v6  }
0x2ad: {  	[tilespmem:s31+$0x250] =	vst v6  }
0x2ae: {  	[tilespmem:s31+$0x2D0] =	vst v6  }
0x2af: {  	[tilespmem:s31+$0x350] =	vst v6  }
0x2b0: {  	[tilespmem:s31+$0x3D0] =	vst v6  }
0x2b1: {  	[tilespmem:s31+$0xFFFFFFA0] =	vst v5;
	v5 =	vld [tilespmem:s7+$0x60]  }
0x2b2: {  	v6 =	vld [tilespmem:s7+$0xFFFFFFB0];
	[tilespmem:s29+$0xFFFFFC60] =	vst v7  }
0x2b3: {  	[tilespmem:s29+$0xFFFFFCE0] =	vst v7  }
0x2b4: {  	[tilespmem:s29+$0xFFFFFD60] =	vst v7  }
0x2b5: {  	[tilespmem:s29+$0xFFFFFDE0] =	vst v7  }
0x2b6: {  	vm0 =	vlt.s32 v5, $0x0;
	[tilespmem:s29+$0xFFFFFE60] =	vst v7  }
0x2b7: {  	vm1 =	vlt.s32 v6, $0x0;
	v5 =	vsel vm0, $0x0, v4;
	[tilespmem:s29+$0xFFFFFEE0] =	vst v7  }
0x2b8: {  	v6 =	vsel vm1, $0x0, v4;
	[tilespmem:s31+$0x60] =	vst v5  }
0x2b9: {  	[tilespmem:s31+$0xE0] =	vst v5  }
0x2ba: {  	[tilespmem:s31+$0x160] =	vst v5  }
0x2bb: {  	[tilespmem:s31+$0x1E0] =	vst v5  }
0x2bc: {  	[tilespmem:s31+$0x260] =	vst v5  }
0x2bd: {  	[tilespmem:s31+$0x2E0] =	vst v5  }
0x2be: {  	[tilespmem:s31+$0x360] =	vst v5  }
0x2bf: {  	[tilespmem:s31+$0x3E0] =	vst v5  }
0x2c0: {  	[tilespmem:s31+$0xFFFFFC30] =	vst v6;
	v5 =	vld [tilespmem:s7+$0x70]  }
0x2c1: {  	[tilespmem:s31+$0xFFFFFCB0] =	vst v6  }
0x2c2: {  	[tilespmem:s31+$0xFFFFFD30] =	vst v6  }
0x2c3: {  	[tilespmem:s31+$0xFFFFFDB0] =	vst v6  }
0x2c4: {  	[tilespmem:s31+$0xFFFFFE30] =	vst v6  }
0x2c5: {  	[tilespmem:s31+$0xFFFFFEB0] =	vst v6;
	vm0 =	vlt.s32 v5, $0x0  }
0x2c6: {  	[tilespmem:s31+$0xFFFFFF30] =	vst v6;
	v5 =	vsel vm0, $0x0, v4  }
0x2c7: {  	[tilespmem:s31+$0x3F0] =	vst v5  }
0x2c8: {  	[tilespmem:s31+$0xFFFFFFB0] =	vst v6  }
0x2c9: {  	v6 =	vld [tilespmem:s7+$0xFFFFFFC0];
	[tilespmem:s29+$0xFFFFFF60] =	vst v7  }
0x2ca: {  	[tilespmem:s29+$0xFFFFFFE0] =	vst v7  }
0x2cb: {  	[tilespmem:s31+$0x70] =	vst v5;
	v8 =	vld [tilespmem:s30+$0xFFFFFFF0];
	s30 =	smov.u32 s7  }
0x2cc: {  	[tilespmem:s31+$0xF0] =	vst v5  }
0x2cd: {  	[tilespmem:s31+$0x170] =	vst v5  }
0x2ce: {  	vm0 =	vlt.s32 v6, $0x0;
	[tilespmem:s31+$0x1F0] =	vst v5  }
0x2cf: {  	v7 =	vsel vm0, $0x0, v4;
	[tilespmem:s31+$0x270] =	vst v5  }
0x2d0: {  	[tilespmem:s31+$0xFFFFFC40] =	vst v7;
	vm0 =	vlt.s32 v8, $0x0  }
0x2d1: {  	[tilespmem:s31+$0xFFFFFCC0] =	vst v7;
	v6 =	vsel vm0, $0x0, v4  }
.Ltmp14:
0x2d2: {  	[tilespmem:s31+$0xFFFFFD40] =	vst v7;
	(pc) =	sbr.rel @p3 .LBB2_20-.Ltmp14, $4  }
0x2d3: {  	[tilespmem:s31+$0xFFFFFDC0] =	vst v7  }
0x2d4: {  	[tilespmem:s31+$0xFFFFFE40] =	vst v7  }
0x2d5: {  	[tilespmem:s31+$0xFFFFFEC0] =	vst v7  }
0x2d6: {  	s7 =	sadd.s32 $0x100, s7;
	[tilespmem:s31+$0xFFFFFF40] =	vst v7  }
0x2d7: {  	[tilespmem:s31+$0xFFFFFFC0] =	vst v7  }
0x2d8: {  	v7 =	vld [tilespmem:s30+$0xFFFFFFD0];
	_ =	sdelay $0x4  }
0x2d9: {  	vm0 =	vlt.s32 v7, $0x0  }
0x2da: {  	v7 =	vsel vm0, $0x0, v4  }
0x2db: {  	[tilespmem:s0+$0xFFFFFC50] =	vst v7  }
0x2dc: {  	[tilespmem:s0+$0xFFFFFCD0] =	vst v7  }
0x2dd: {  	[tilespmem:s0+$0xFFFFFD50] =	vst v7  }
0x2de: {  	[tilespmem:s0+$0xFFFFFDD0] =	vst v7  }
0x2df: {  	[tilespmem:s0+$0xFFFFFE50] =	vst v7  }
0x2e0: {  	[tilespmem:s0+$0xFFFFFED0] =	vst v7  }
0x2e1: {  	[tilespmem:s0+$0xFFFFFF50] =	vst v7  }
0x2e2: {  	[tilespmem:s0+$0xFFFFFFD0] =	vst v7  }
0x2e3: {  	v7 =	vld [tilespmem:s30+$0xFFFFFFE0];
	_ =	sdelay $0x3  }
0x2e4: {  	[tilespmem:s29+$0xFFFFFC70] =	vst v6  }
0x2e5: {  	[tilespmem:s29+$0xFFFFFCF0] =	vst v6;
	vm14 =	vlt.s32 v7, $0x0  }
0x2e6: {  	[tilespmem:s29+$0xFFFFFD70] =	vst v6;
	v7 =	vsel vm14, $0x0, v4  }
0x2e7: {  	[tilespmem:s0+$0xFFFFFC60] =	vst v7  }
0x2e8: {  	[tilespmem:s0+$0xFFFFFCE0] =	vst v7  }
0x2e9: {  	[tilespmem:s0+$0xFFFFFD60] =	vst v7  }
0x2ea: {  	[tilespmem:s0+$0xFFFFFDE0] =	vst v7  }
0x2eb: {  	[tilespmem:s0+$0xFFFFFE60] =	vst v7  }
0x2ec: {  	[tilespmem:s0+$0xFFFFFEE0] =	vst v7  }
0x2ed: {  	[tilespmem:s0+$0xFFFFFF60] =	vst v7  }
0x2ee: {  	[tilespmem:s0+$0xFFFFFFE0] =	vst v7  }
0x2ef: {  	[tilespmem:s29+$0xFFFFFDF0] =	vst v6;
	v7 =	vld [tilespmem:s30+$0xFFFFFFF0]  }
0x2f0: {  	[tilespmem:s29+$0xFFFFFE70] =	vst v6  }
0x2f1: {  	[tilespmem:s29+$0xFFFFFEF0] =	vst v6  }
0x2f2: {  	[tilespmem:s29+$0xFFFFFF70] =	vst v6  }
0x2f3: {  	[tilespmem:s29+$0xFFFFFFF0] =	vst v6  }
0x2f4: {  	[tilespmem:s0+$0x2F0] =	vst v5;
	vm15 =	vlt.s32 v7, $0x0  }
0x2f5: {  	[tilespmem:s0+$0x370] =	vst v5;
	v5 =	vsel vm15, $0x0, v4  }
0x2f6: {  	[tilespmem:s0+$0xFFFFFC70] =	vst v5  }
0x2f7: {  	[tilespmem:s0+$0xFFFFFCF0] =	vst v5  }
0x2f8: {  	[tilespmem:s0+$0xFFFFFD70] =	vst v5  }
0x2f9: {  	[tilespmem:s0+$0xFFFFFDF0] =	vst v5  }
0x2fa: {  	s2 =	sshll.u32 s28, $0x12;
	[tilespmem:s0+$0xFFFFFE70] =	vst v5  }
0x2fb: {  	s7 =	sadd.s32 $0x1900000, s2;
	[tilespmem:s0+$0xFFFFFEF0] =	vst v5  }
0x2fc: {  	s14 =	sadd.s32 $0x1908000, s2;
	s7 =	sshrl.u32 s7, $0x3;
	[tilespmem:s0+$0xFFFFFF70] =	vst v5  }
0x2fd: {  	s7 =	sadd.s32 s1, s7;
	[tilespmem:s0+$0xFFFFFFF0] =	vst v5;
	s0 =	sshrl.u32 s14, $0x3  }
0x2fe: {  	[hbm4b:s7+s3] =	stream.linear.scatter [tilespmem:s20], [sflag:$0x5], $0x8000, $0x38;
	[tilespmem:$0x1A400] =	vst v63  }
0x2ff: {  	s19 =	sadd.s32 $0x1910000, s2;
	s0 =	sadd.s32 s1, s0  }
0x300: {  	[hbm4b:s0+s3] =	stream.linear.scatter [tilespmem:s20], [sflag:$0x5], $0x8000, $0x38;
	[tilespmem:$0x1A400] =	vst v63  }
0x301: {  	s0 =	sshrl.u32 s19, $0x3  }
0x302: {  	s24 =	sadd.s32 $0x1918000, s2;
	s0 =	sadd.s32 s1, s0  }
0x303: {  	[hbm4b:s0+s3] =	stream.linear.scatter [tilespmem:s20], [sflag:$0x5], $0x8000, $0x38;
	[tilespmem:$0x1A400] =	vst v63  }
0x304: {  	s0 =	sshrl.u32 s24, $0x3  }
0x305: {  	s28 =	sadd.s32 $0x1920000, s2;
	s0 =	sadd.s32 s1, s0  }
0x306: {  	[hbm4b:s0+s3] =	stream.linear.scatter [tilespmem:s20], [sflag:$0x5], $0x8000, $0x38;
	[tilespmem:$0x1A400] =	vst v63  }
0x307: {  	s0 =	sshrl.u32 s28, $0x3  }
0x308: {  	s29 =	sadd.s32 $0x1928000, s2;
	s0 =	sadd.s32 s1, s0  }
0x309: {  	[hbm4b:s0+s3] =	stream.linear.scatter [tilespmem:s20], [sflag:$0x5], $0x8000, $0x38;
	[tilespmem:$0x1A400] =	vst v63  }
0x30a: {  	s0 =	sshrl.u32 s29, $0x3  }
0x30b: {  	s30 =	sadd.s32 $0x1930000, s2;
	s0 =	sadd.s32 s1, s0  }
0x30c: {  	[hbm4b:s0+s3] =	stream.linear.scatter [tilespmem:s20], [sflag:$0x5], $0x8000, $0x38;
	[tilespmem:$0x1A400] =	vst v63  }
0x30d: {  	s0 =	sshrl.u32 s30, $0x3  }
0x30e: {  	s31 =	sadd.s32 $0x1938000, s2;
	s0 =	sadd.s32 s1, s0  }
0x30f: {  	[hbm4b:s0+s3] =	stream.linear.scatter [tilespmem:s20], [sflag:$0x5], $0x8000, $0x38;
	[tilespmem:$0x1A400] =	vst v63  }
0x310: {  	s0 =	sshrl.u32 s31, $0x3  }
0x311: {  	s0 =	sadd.s32 s1, s0  }
0x312: {  	[hbm4b:s0+s3] =	stream.linear.scatter [tilespmem:s20], [sflag:$0x5], $0x8000, $0x38;
	[tilespmem:$0x1A400] =	vst v63  }
.LBB2_22:
0x313: {  	s0 =	sor.u32 $0x1, s26  }
0x314: {  	p3 =	sge.u32 s0, s9  }
.Ltmp15:
0x315: {  	_ = 	snop;
	(pc) =	sbr.rel @p3 .LBB2_26-.Ltmp15, $1  }
0x316: {  	_ =	sdelay $0x3  }
0x317: {  	s2 =	simm.s32 @!p2 $0x6  }
0x318: {  	_ =	swait.ge @!p2 [sflag:s2], $0x8000  }
0x319: {  	[sflag:s2] =	ssyncset.done @!p2 $0x0  }
0x31a: {  	[sflag:s2] =	ssyncadd.s32 @!p2 $0xFFFF8000  }
0x31b: {  	_ =	swait.ge @!p2 [sflag:s2], $0x8000  }
0x31c: {  	[sflag:s2] =	ssyncset.done @!p2 $0x0  }
0x31d: {  	[sflag:s2] =	ssyncadd.s32 @!p2 $0xFFFF8000  }
0x31e: {  	_ =	swait.ge @!p2 [sflag:s2], $0x8000  }
0x31f: {  	[sflag:s2] =	ssyncset.done @!p2 $0x0  }
0x320: {  	[sflag:s2] =	ssyncadd.s32 @!p2 $0xFFFF8000  }
0x321: {  	_ =	swait.ge @!p2 [sflag:s2], $0x8000  }
0x322: {  	[sflag:s2] =	ssyncset.done @!p2 $0x0  }
0x323: {  	[sflag:s2] =	ssyncadd.s32 @!p2 $0xFFFF8000  }
0x324: {  	_ =	swait.ge @!p2 [sflag:s2], $0x8000  }
0x325: {  	[sflag:s2] =	ssyncset.done @!p2 $0x0  }
0x326: {  	[sflag:s2] =	ssyncadd.s32 @!p2 $0xFFFF8000  }
0x327: {  	_ =	swait.ge @!p2 [sflag:s2], $0x8000  }
0x328: {  	[sflag:s2] =	ssyncset.done @!p2 $0x0  }
0x329: {  	[sflag:s2] =	ssyncadd.s32 @!p2 $0xFFFF8000  }
0x32a: {  	s0 =	smul.u32 $0xB, s0;
	_ =	swait.ge @!p2 [sflag:s2], $0x8000  }
0x32b: {  	[sflag:s2] =	ssyncset.done @!p2 $0x0  }
0x32c: {  	s26 =	sadd.s32 s6, s0;
	[sflag:s2] =	ssyncadd.s32 @!p2 $0xFFFF8000  }
0x32d: {  	s0 =	sshll.u32 s26, $0x9;
	_ =	swait.ge @!p2 [sflag:s2], $0x8000  }
0x32e: {  	s0 =	sand.u32 $0x1FFFFE00, s0;
	[sflag:s2] =	ssyncset.done @!p2 $0x0  }
0x32f: {  	s0 =	sadd.s32 s4, s0;
	[sflag:s2] =	ssyncadd.s32 @!p2 $0xFFFF8000  }
0x330: {  	[tilespmem:s3], [sflag:$0x7] =	stream.linear.gather [hbm4b:s0+s3], $0x1000, $0x38;
	[tilespmem:$0x1A400] =	vst v63  }
0x331: {  	_ =	swait.ge [sflag:s11], $0x1000  }
0x332: {  	[sflag:s11] =	ssyncset.done $0x0  }
0x333: {  	s31 =	simm.s32 $0x80;
	[sflag:s11] =	ssyncadd.s32 $0xFFFFF000  }
0x334: {  	v5 =	vld [tilespmem:s31+$0x0];
	_ =	sdelay $0x4  }
0x335: {  	vm0 =	vlt.s32 v5, $0x0  }
0x336: {  	s28 =	simm.s32 $0x12BF0;
	v5 =	vsel vm0, $0x0, v4  }
0x337: {  	[tilespmem:s28+$0xFFFFFC10] =	vst v5  }
0x338: {  	v6 =	vld [tilespmem:s31+$0xFFFFFF80];
	[tilespmem:s28+$0xFFFFFC90] =	vst v5  }
0x339: {  	[tilespmem:s28+$0xFFFFFD10] =	vst v5  }
0x33a: {  	[tilespmem:s28+$0xFFFFFD90] =	vst v5  }
0x33b: {  	[tilespmem:s28+$0xFFFFFE10] =	vst v5  }
0x33c: {  	[tilespmem:s28+$0xFFFFFE90] =	vst v5  }
0x33d: {  	vm12 =	vlt.s32 v6, $0x0;
	[tilespmem:s28+$0xFFFFFF10] =	vst v5  }
0x33e: {  	v6 =	vsel vm12, $0x0, v4;
	[tilespmem:s28+$0xFFFFFF90] =	vst v5  }
0x33f: {  	s29 =	simm.s32 $0x180;
	[tilespmem:s28+$0xFFFFF810] =	vst v6  }
0x340: {  	v7 =	vld [tilespmem:s29+$0x0];
	[tilespmem:s28+$0xFFFFF890] =	vst v6  }
0x341: {  	[tilespmem:s28+$0xFFFFF910] =	vst v6  }
0x342: {  	[tilespmem:s28+$0xFFFFF990] =	vst v6  }
0x343: {  	[tilespmem:s28+$0xFFFFFA10] =	vst v6  }
0x344: {  	[tilespmem:s28+$0xFFFFFA90] =	vst v6  }
0x345: {  	vm12 =	vlt.s32 v7, $0x0;
	[tilespmem:s28+$0xFFFFFB10] =	vst v6  }
0x346: {  	s30 =	simm.s32 $0x133F0;
	[tilespmem:s28+$0xFFFFFB90] =	vst v6;
	v7 =	vsel vm12, $0x0, v4  }
0x347: {  	[tilespmem:s30+$0xFFFFFC10] =	vst v7  }
0x348: {  	v5 =	vld [tilespmem:s31+$0x10];
	[tilespmem:s30+$0xFFFFFC90] =	vst v7  }
0x349: {  	[tilespmem:s30+$0xFFFFFD10] =	vst v7  }
0x34a: {  	[tilespmem:s30+$0xFFFFFD90] =	vst v7  }
0x34b: {  	[tilespmem:s30+$0xFFFFFE10] =	vst v7  }
0x34c: {  	[tilespmem:s30+$0xFFFFFE90] =	vst v7  }
0x34d: {  	[tilespmem:s30+$0xFFFFFF10] =	vst v7;
	vm13 =	vlt.s32 v5, $0x0  }
0x34e: {  	[tilespmem:s30+$0xFFFFFF90] =	vst v7;
	v5 =	vsel vm13, $0x0, v4  }
0x34f: {  	[tilespmem:s28+$0xFFFFFC20] =	vst v5  }
0x350: {  	v6 =	vld [tilespmem:s31+$0xFFFFFF90];
	[tilespmem:s28+$0xFFFFFCA0] =	vst v5  }
0x351: {  	[tilespmem:s28+$0xFFFFFD20] =	vst v5  }
0x352: {  	[tilespmem:s28+$0xFFFFFDA0] =	vst v5  }
0x353: {  	[tilespmem:s28+$0xFFFFFE20] =	vst v5  }
0x354: {  	[tilespmem:s28+$0xFFFFFEA0] =	vst v5  }
0x355: {  	vm15 =	vlt.s32 v6, $0x0;
	[tilespmem:s28+$0xFFFFFF20] =	vst v5  }
0x356: {  	v6 =	vsel vm15, $0x0, v4;
	[tilespmem:s28+$0xFFFFFFA0] =	vst v5  }
0x357: {  	[tilespmem:s28+$0xFFFFF820] =	vst v6  }
0x358: {  	[tilespmem:s28+$0xFFFFF8A0] =	vst v6;
	v5 =	vld [tilespmem:s31+$0x20]  }
0x359: {  	[tilespmem:s28+$0xFFFFF920] =	vst v6  }
0x35a: {  	[tilespmem:s28+$0xFFFFF9A0] =	vst v6  }
0x35b: {  	[tilespmem:s28+$0xFFFFFA20] =	vst v6  }
0x35c: {  	[tilespmem:s28+$0xFFFFFAA0] =	vst v6  }
0x35d: {  	[tilespmem:s28+$0xFFFFFB20] =	vst v6;
	vm14 =	vlt.s32 v5, $0x0  }
0x35e: {  	[tilespmem:s28+$0xFFFFFBA0] =	vst v6;
	v5 =	vsel vm14, $0x0, v4  }
0x35f: {  	[tilespmem:s28+$0xFFFFFC30] =	vst v5  }
0x360: {  	v6 =	vld [tilespmem:s31+$0xFFFFFFA0];
	[tilespmem:s28+$0xFFFFFCB0] =	vst v5  }
0x361: {  	[tilespmem:s28+$0xFFFFFD30] =	vst v5  }
0x362: {  	[tilespmem:s28+$0xFFFFFDB0] =	vst v5  }
0x363: {  	[tilespmem:s28+$0xFFFFFE30] =	vst v5  }
0x364: {  	[tilespmem:s28+$0xFFFFFEB0] =	vst v5  }
0x365: {  	vm6 =	vlt.s32 v6, $0x0;
	[tilespmem:s28+$0xFFFFFF30] =	vst v5  }
0x366: {  	v6 =	vsel vm6, $0x0, v4;
	[tilespmem:s28+$0xFFFFFFB0] =	vst v5  }
0x367: {  	[tilespmem:s28+$0xFFFFF830] =	vst v6  }
0x368: {  	v7 =	vld [tilespmem:s29+$0x10];
	[tilespmem:s28+$0xFFFFF8B0] =	vst v6  }
0x369: {  	[tilespmem:s28+$0xFFFFF930] =	vst v6  }
0x36a: {  	[tilespmem:s28+$0xFFFFF9B0] =	vst v6  }
0x36b: {  	[tilespmem:s28+$0xFFFFFA30] =	vst v6  }
0x36c: {  	[tilespmem:s28+$0xFFFFFAB0] =	vst v6  }
0x36d: {  	vm14 =	vlt.s32 v7, $0x0;
	[tilespmem:s28+$0xFFFFFB30] =	vst v6  }
0x36e: {  	[tilespmem:s28+$0xFFFFFBB0] =	vst v6;
	v7 =	vsel vm14, $0x0, v4  }
0x36f: {  	[tilespmem:s30+$0xFFFFFC20] =	vst v7  }
0x370: {  	v5 =	vld [tilespmem:s31+$0x30];
	[tilespmem:s30+$0xFFFFFCA0] =	vst v7  }
0x371: {  	[tilespmem:s30+$0xFFFFFD20] =	vst v7  }
0x372: {  	[tilespmem:s30+$0xFFFFFDA0] =	vst v7  }
0x373: {  	[tilespmem:s30+$0xFFFFFE20] =	vst v7  }
0x374: {  	[tilespmem:s30+$0xFFFFFEA0] =	vst v7  }
0x375: {  	[tilespmem:s30+$0xFFFFFF20] =	vst v7;
	vm4 =	vlt.s32 v5, $0x0  }
0x376: {  	[tilespmem:s30+$0xFFFFFFA0] =	vst v7;
	v5 =	vsel vm4, $0x0, v4  }
0x377: {  	[tilespmem:s28+$0xFFFFFC40] =	vst v5  }
0x378: {  	v6 =	vld [tilespmem:s31+$0xFFFFFFB0];
	[tilespmem:s28+$0xFFFFFCC0] =	vst v5  }
0x379: {  	[tilespmem:s28+$0xFFFFFD40] =	vst v5  }
0x37a: {  	[tilespmem:s28+$0xFFFFFDC0] =	vst v5  }
0x37b: {  	[tilespmem:s28+$0xFFFFFE40] =	vst v5  }
0x37c: {  	[tilespmem:s28+$0xFFFFFEC0] =	vst v5  }
0x37d: {  	vm9 =	vlt.s32 v6, $0x0;
	[tilespmem:s28+$0xFFFFFF40] =	vst v5  }
0x37e: {  	v6 =	vsel vm9, $0x0, v4;
	[tilespmem:s28+$0xFFFFFFC0] =	vst v5  }
0x37f: {  	[tilespmem:s28+$0xFFFFF840] =	vst v6  }
0x380: {  	[tilespmem:s28+$0xFFFFF8C0] =	vst v6;
	v5 =	vld [tilespmem:s31+$0x40]  }
0x381: {  	[tilespmem:s28+$0xFFFFF940] =	vst v6  }
0x382: {  	[tilespmem:s28+$0xFFFFF9C0] =	vst v6  }
0x383: {  	[tilespmem:s28+$0xFFFFFA40] =	vst v6  }
0x384: {  	[tilespmem:s28+$0xFFFFFAC0] =	vst v6  }
0x385: {  	[tilespmem:s28+$0xFFFFFB40] =	vst v6;
	vm5 =	vlt.s32 v5, $0x0  }
0x386: {  	[tilespmem:s28+$0xFFFFFBC0] =	vst v6;
	v5 =	vsel vm5, $0x0, v4  }
0x387: {  	[tilespmem:s28+$0xFFFFFC50] =	vst v5  }
0x388: {  	v6 =	vld [tilespmem:s31+$0xFFFFFFC0];
	[tilespmem:s28+$0xFFFFFCD0] =	vst v5  }
0x389: {  	[tilespmem:s28+$0xFFFFFD50] =	vst v5  }
0x38a: {  	[tilespmem:s28+$0xFFFFFDD0] =	vst v5  }
0x38b: {  	[tilespmem:s28+$0xFFFFFE50] =	vst v5  }
0x38c: {  	[tilespmem:s28+$0xFFFFFED0] =	vst v5  }
0x38d: {  	vm11 =	vlt.s32 v6, $0x0;
	[tilespmem:s28+$0xFFFFFF50] =	vst v5  }
0x38e: {  	v6 =	vsel vm11, $0x0, v4;
	[tilespmem:s28+$0xFFFFFFD0] =	vst v5  }
0x38f: {  	[tilespmem:s28+$0xFFFFF850] =	vst v6  }
0x390: {  	v8 =	vld [tilespmem:s29+$0xFFFFFF80];
	[tilespmem:s28+$0xFFFFF8D0] =	vst v6  }
0x391: {  	[tilespmem:s28+$0xFFFFF950] =	vst v6  }
0x392: {  	[tilespmem:s28+$0xFFFFF9D0] =	vst v6  }
0x393: {  	[tilespmem:s28+$0xFFFFFA50] =	vst v6  }
0x394: {  	[tilespmem:s28+$0xFFFFFAD0] =	vst v6  }
0x395: {  	vm13 =	vlt.s32 v8, $0x0;
	[tilespmem:s28+$0xFFFFFB50] =	vst v6  }
0x396: {  	[tilespmem:s28+$0xFFFFFBD0] =	vst v6;
	v6 =	vsel vm13, $0x0, v4  }
0x397: {  	[tilespmem:s30+$0xFFFFF810] =	vst v6  }
0x398: {  	v7 =	vld [tilespmem:s29+$0x20];
	[tilespmem:s30+$0xFFFFF890] =	vst v6  }
0x399: {  	[tilespmem:s30+$0xFFFFF910] =	vst v6  }
0x39a: {  	[tilespmem:s30+$0xFFFFF990] =	vst v6  }
0x39b: {  	[tilespmem:s30+$0xFFFFFA10] =	vst v6  }
0x39c: {  	[tilespmem:s30+$0xFFFFFA90] =	vst v6  }
0x39d: {  	vm4 =	vlt.s32 v7, $0x0;
	[tilespmem:s30+$0xFFFFFB10] =	vst v6  }
0x39e: {  	[tilespmem:s30+$0xFFFFFB90] =	vst v6;
	v6 =	vsel vm4, $0x0, v4  }
0x39f: {  	[tilespmem:s30+$0xFFFFFC30] =	vst v6  }
0x3a0: {  	v5 =	vld [tilespmem:s31+$0x50];
	[tilespmem:s30+$0xFFFFFCB0] =	vst v6  }
0x3a1: {  	[tilespmem:s30+$0xFFFFFD30] =	vst v6  }
0x3a2: {  	[tilespmem:s30+$0xFFFFFDB0] =	vst v6  }
0x3a3: {  	[tilespmem:s30+$0xFFFFFE30] =	vst v6  }
0x3a4: {  	[tilespmem:s30+$0xFFFFFEB0] =	vst v6  }
0x3a5: {  	[tilespmem:s30+$0xFFFFFF30] =	vst v6;
	vm7 =	vlt.s32 v5, $0x0  }
0x3a6: {  	[tilespmem:s30+$0xFFFFFFB0] =	vst v6;
	v5 =	vsel vm7, $0x0, v4  }
0x3a7: {  	[tilespmem:s28+$0xFFFFFC60] =	vst v5  }
0x3a8: {  	v8 =	vld [tilespmem:s31+$0xFFFFFFD0];
	[tilespmem:s28+$0xFFFFFCE0] =	vst v5  }
0x3a9: {  	[tilespmem:s28+$0xFFFFFD60] =	vst v5  }
0x3aa: {  	[tilespmem:s28+$0xFFFFFDE0] =	vst v5  }
0x3ab: {  	[tilespmem:s28+$0xFFFFFE60] =	vst v5  }
0x3ac: {  	[tilespmem:s28+$0xFFFFFEE0] =	vst v5  }
0x3ad: {  	vm15 =	vlt.s32 v8, $0x0;
	[tilespmem:s28+$0xFFFFFF60] =	vst v5  }
0x3ae: {  	v8 =	vsel vm15, $0x0, v4;
	[tilespmem:s28+$0xFFFFFFE0] =	vst v5  }
0x3af: {  	[tilespmem:s28+$0xFFFFF860] =	vst v8  }
0x3b0: {  	v7 =	vld [tilespmem:s29+$0xFFFFFF90];
	[tilespmem:s28+$0xFFFFF8E0] =	vst v8  }
0x3b1: {  	[tilespmem:s28+$0xFFFFF960] =	vst v8  }
0x3b2: {  	[tilespmem:s28+$0xFFFFF9E0] =	vst v8  }
0x3b3: {  	[tilespmem:s28+$0xFFFFFA60] =	vst v8  }
0x3b4: {  	[tilespmem:s28+$0xFFFFFAE0] =	vst v8  }
0x3b5: {  	vm5 =	vlt.s32 v7, $0x0;
	[tilespmem:s28+$0xFFFFFB60] =	vst v8  }
0x3b6: {  	v7 =	vsel vm5, $0x0, v4;
	[tilespmem:s28+$0xFFFFFBE0] =	vst v8  }
0x3b7: {  	[tilespmem:s30+$0xFFFFF820] =	vst v7  }
0x3b8: {  	v6 =	vld [tilespmem:s29+$0x30];
	[tilespmem:s30+$0xFFFFF8A0] =	vst v7  }
0x3b9: {  	[tilespmem:s30+$0xFFFFF920] =	vst v7  }
0x3ba: {  	[tilespmem:s30+$0xFFFFF9A0] =	vst v7  }
0x3bb: {  	[tilespmem:s30+$0xFFFFFA20] =	vst v7  }
0x3bc: {  	[tilespmem:s30+$0xFFFFFAA0] =	vst v7  }
0x3bd: {  	vm6 =	vlt.s32 v6, $0x0;
	[tilespmem:s30+$0xFFFFFB20] =	vst v7  }
0x3be: {  	v6 =	vsel vm6, $0x0, v4;
	[tilespmem:s30+$0xFFFFFBA0] =	vst v7  }
0x3bf: {  	[tilespmem:s30+$0xFFFFFC40] =	vst v6  }
0x3c0: {  	v5 =	vld [tilespmem:s31+$0x60];
	[tilespmem:s30+$0xFFFFFCC0] =	vst v6  }
0x3c1: {  	[tilespmem:s30+$0xFFFFFD40] =	vst v6  }
0x3c2: {  	[tilespmem:s30+$0xFFFFFDC0] =	vst v6  }
0x3c3: {  	[tilespmem:s30+$0xFFFFFE40] =	vst v6  }
0x3c4: {  	[tilespmem:s30+$0xFFFFFEC0] =	vst v6  }
0x3c5: {  	[tilespmem:s30+$0xFFFFFF40] =	vst v6;
	vm8 =	vlt.s32 v5, $0x0  }
0x3c6: {  	[tilespmem:s30+$0xFFFFFFC0] =	vst v6;
	v5 =	vsel vm8, $0x0, v4  }
0x3c7: {  	[tilespmem:s28+$0xFFFFFC70] =	vst v5  }
0x3c8: {  	v6 =	vld [tilespmem:s29+$0x40];
	[tilespmem:s28+$0xFFFFFCF0] =	vst v5  }
0x3c9: {  	[tilespmem:s28+$0xFFFFFD70] =	vst v5  }
0x3ca: {  	[tilespmem:s28+$0xFFFFFDF0] =	vst v5  }
0x3cb: {  	[tilespmem:s28+$0xFFFFFE70] =	vst v5  }
0x3cc: {  	[tilespmem:s28+$0xFFFFFEF0] =	vst v5  }
0x3cd: {  	[tilespmem:s28+$0xFFFFFF70] =	vst v5;
	vm7 =	vlt.s32 v6, $0x0  }
0x3ce: {  	[tilespmem:s28+$0xFFFFFFF0] =	vst v5;
	v6 =	vsel vm7, $0x0, v4  }
0x3cf: {  	[tilespmem:s30+$0xFFFFFC50] =	vst v6  }
0x3d0: {  	v5 =	vld [tilespmem:s31+$0x70];
	[tilespmem:s30+$0xFFFFFCD0] =	vst v6  }
0x3d1: {  	[tilespmem:s30+$0xFFFFFD50] =	vst v6  }
0x3d2: {  	[tilespmem:s30+$0xFFFFFDD0] =	vst v6  }
0x3d3: {  	[tilespmem:s30+$0xFFFFFE50] =	vst v6  }
0x3d4: {  	[tilespmem:s30+$0xFFFFFED0] =	vst v6  }
0x3d5: {  	[tilespmem:s30+$0xFFFFFF50] =	vst v6;
	vm10 =	vlt.s32 v5, $0x0  }
0x3d6: {  	[tilespmem:s30+$0xFFFFFFD0] =	vst v6;
	v5 =	vsel vm10, $0x0, v4  }
0x3d7: {  	[tilespmem:s28+$0x0] =	vst v5  }
0x3d8: {  	v6 =	vld [tilespmem:s29+$0x50];
	[tilespmem:s28+$0xFFFFFC80] =	vst v5  }
0x3d9: {  	[tilespmem:s28+$0xFFFFFD00] =	vst v5  }
0x3da: {  	[tilespmem:s28+$0xFFFFFD80] =	vst v5  }
0x3db: {  	[tilespmem:s28+$0xFFFFFE00] =	vst v5  }
0x3dc: {  	[tilespmem:s28+$0xFFFFFE80] =	vst v5  }
0x3dd: {  	[tilespmem:s28+$0xFFFFFF00] =	vst v5;
	vm9 =	vlt.s32 v6, $0x0  }
0x3de: {  	[tilespmem:s28+$0xFFFFFF80] =	vst v5;
	v6 =	vsel vm9, $0x0, v4  }
0x3df: {  	[tilespmem:s30+$0xFFFFFC60] =	vst v6  }
0x3e0: {  	v7 =	vld [tilespmem:s31+$0xFFFFFFE0];
	[tilespmem:s30+$0xFFFFFCE0] =	vst v6  }
0x3e1: {  	v5 =	vld [tilespmem:s29+$0xFFFFFFA0];
	[tilespmem:s30+$0xFFFFFD60] =	vst v6  }
0x3e2: {  	[tilespmem:s30+$0xFFFFFDE0] =	vst v6  }
0x3e3: {  	[tilespmem:s30+$0xFFFFFE60] =	vst v6  }
0x3e4: {  	[tilespmem:s30+$0xFFFFFEE0] =	vst v6  }
0x3e5: {  	vm10 =	vlt.s32 v7, $0x0;
	[tilespmem:s30+$0xFFFFFF60] =	vst v6  }
0x3e6: {  	[tilespmem:s30+$0xFFFFFFE0] =	vst v6;
	v6 =	vsel vm10, $0x0, v4;
	vm8 =	vlt.s32 v5, $0x0  }
0x3e7: {  	[tilespmem:s28+$0xFFFFF870] =	vst v6;
	v5 =	vsel vm8, $0x0, v4  }
0x3e8: {  	[tilespmem:s30+$0xFFFFF830] =	vst v5  }
0x3e9: {  	[tilespmem:s30+$0xFFFFF8B0] =	vst v5  }
0x3ea: {  	[tilespmem:s30+$0xFFFFF930] =	vst v5  }
0x3eb: {  	[tilespmem:s30+$0xFFFFF9B0] =	vst v5  }
0x3ec: {  	[tilespmem:s30+$0xFFFFFA30] =	vst v5  }
0x3ed: {  	[tilespmem:s30+$0xFFFFFAB0] =	vst v5  }
0x3ee: {  	[tilespmem:s30+$0xFFFFFB30] =	vst v5  }
0x3ef: {  	[tilespmem:s30+$0xFFFFFBB0] =	vst v5;
	v5 =	vld [tilespmem:s29+$0x60]  }
0x3f0: {  	[tilespmem:s28+$0xFFFFF8F0] =	vst v6  }
0x3f1: {  	[tilespmem:s28+$0xFFFFF970] =	vst v6  }
0x3f2: {  	[tilespmem:s28+$0xFFFFF9F0] =	vst v6  }
0x3f3: {  	[tilespmem:s28+$0xFFFFFA70] =	vst v6  }
0x3f4: {  	[tilespmem:s28+$0xFFFFFAF0] =	vst v6;
	vm11 =	vlt.s32 v5, $0x0  }
0x3f5: {  	[tilespmem:s28+$0xFFFFFB70] =	vst v6;
	v5 =	vsel vm11, $0x0, v4  }
0x3f6: {  	[tilespmem:s30+$0xFFFFFC70] =	vst v5  }
0x3f7: {  	v7 =	vld [tilespmem:s29+$0xFFFFFFB0];
	[tilespmem:s30+$0xFFFFFCF0] =	vst v5  }
0x3f8: {  	[tilespmem:s30+$0xFFFFFD70] =	vst v5  }
0x3f9: {  	[tilespmem:s30+$0xFFFFFDF0] =	vst v5  }
0x3fa: {  	[tilespmem:s30+$0xFFFFFE70] =	vst v5  }
0x3fb: {  	[tilespmem:s30+$0xFFFFFEF0] =	vst v5  }
0x3fc: {  	vm12 =	vlt.s32 v7, $0x0;
	[tilespmem:s30+$0xFFFFFF70] =	vst v5  }
0x3fd: {  	v7 =	vsel vm12, $0x0, v4;
	[tilespmem:s30+$0xFFFFFFF0] =	vst v5  }
0x3fe: {  	[tilespmem:s30+$0xFFFFF840] =	vst v7  }
0x3ff: {  	[tilespmem:s30+$0xFFFFF8C0] =	vst v7  }
0x400: {  	v5 =	vld [tilespmem:s29+$0x70];
	[tilespmem:s30+$0xFFFFF940] =	vst v7  }
0x401: {  	[tilespmem:s30+$0xFFFFF9C0] =	vst v7  }
0x402: {  	[tilespmem:s30+$0xFFFFFA40] =	vst v7  }
0x403: {  	[tilespmem:s30+$0xFFFFFAC0] =	vst v7  }
0x404: {  	[tilespmem:s30+$0xFFFFFB40] =	vst v7  }
0x405: {  	[tilespmem:s30+$0xFFFFFBC0] =	vst v7;
	vm13 =	vlt.s32 v5, $0x0  }
0x406: {  	[tilespmem:s28+$0xFFFFFBF0] =	vst v6;
	v7 =	vld [tilespmem:s29+$0xFFFFFFC0];
	v5 =	vsel vm13, $0x0, v4  }
0x407: {  	[tilespmem:s30+$0x0] =	vst v5  }
0x408: {  	[tilespmem:s30+$0xFFFFFC80] =	vst v5  }
0x409: {  	[tilespmem:s30+$0xFFFFFD00] =	vst v5  }
0x40a: {  	[tilespmem:s30+$0xFFFFFD80] =	vst v5  }
0x40b: {  	vm14 =	vlt.s32 v7, $0x0;
	[tilespmem:s30+$0xFFFFFE00] =	vst v5  }
0x40c: {  	v7 =	vsel vm14, $0x0, v4;
	[tilespmem:s30+$0xFFFFFE80] =	vst v5  }
0x40d: {  	v6 =	vld [tilespmem:s31+$0xFFFFFFF0];
	[tilespmem:s30+$0xFFFFF850] =	vst v7  }
0x40e: {  	[tilespmem:s30+$0xFFFFF8D0] =	vst v7  }
0x40f: {  	[tilespmem:s30+$0xFFFFF950] =	vst v7  }
0x410: {  	[tilespmem:s30+$0xFFFFF9D0] =	vst v7  }
0x411: {  	[tilespmem:s30+$0xFFFFFA50] =	vst v7  }
0x412: {  	vm15 =	vlt.s32 v6, $0x0;
	[tilespmem:s30+$0xFFFFFAD0] =	vst v7  }
0x413: {  	s7 =	simm.s32 $0x280;
	s2 =	simm.s32 $0x2;
	s0 =	simm.s32 $0x133F0;
	v6 =	vsel vm15, $0x0, v4;
	[tilespmem:s30+$0xFFFFFB50] =	vst v7  }
.LBB2_24:
0x414: {  	v8 =	vld [tilespmem:s7+$0x0];
	[tilespmem:s30+$0xFFFFFBD0] =	vst v7  }
0x415: {  	v7 =	vld [tilespmem:s7+$0xFFFFFF80];
	[tilespmem:s28+$0xFFFFF880] =	vst v6  }
0x416: {  	v9 =	vld [tilespmem:s29+$0xFFFFFFD0];
	[tilespmem:s28+$0xFFFFF900] =	vst v6  }
0x417: {  	[tilespmem:s28+$0xFFFFF980] =	vst v6  }
0x418: {  	[tilespmem:s28+$0xFFFFFA00] =	vst v6  }
0x419: {  	vm0 =	vlt.s32 v8, $0x0;
	[tilespmem:s28+$0xFFFFFA80] =	vst v6  }
0x41a: {  	s30 =	sadd.s32 $0x800, s30;
	vm1 =	vlt.s32 v7, $0x0;
	v7 =	vsel vm0, $0x0, v4;
	[tilespmem:s28+$0xFFFFFB00] =	vst v6  }
0x41b: {  	v8 =	vsel vm1, $0x0, v4;
	[tilespmem:s30+$0xFFFFFC10] =	vst v7;
	vm0 =	vlt.s32 v9, $0x0  }
0x41c: {  	[tilespmem:s30+$0xFFFFFC90] =	vst v7;
	v9 =	vsel vm0, $0x0, v4  }
0x41d: {  	[tilespmem:s30+$0xFFFFFD10] =	vst v7  }
0x41e: {  	[tilespmem:s30+$0xFFFFFD90] =	vst v7  }
0x41f: {  	[tilespmem:s30+$0xFFFFFE10] =	vst v7  }
0x420: {  	[tilespmem:s30+$0xFFFFFE90] =	vst v7  }
0x421: {  	[tilespmem:s30+$0xFFFFFF10] =	vst v7  }
0x422: {  	[tilespmem:s30+$0xFFFFFF90] =	vst v7  }
0x423: {  	[tilespmem:s30+$0xFFFFF810] =	vst v8;
	v7 =	vld [tilespmem:s7+$0x10]  }
0x424: {  	[tilespmem:s30+$0xFFFFF890] =	vst v8  }
0x425: {  	[tilespmem:s30+$0xFFFFF910] =	vst v8  }
0x426: {  	[tilespmem:s30+$0xFFFFF990] =	vst v8  }
0x427: {  	[tilespmem:s30+$0xFFFFFA10] =	vst v8  }
0x428: {  	[tilespmem:s30+$0xFFFFFA90] =	vst v8;
	vm0 =	vlt.s32 v7, $0x0  }
0x429: {  	[tilespmem:s30+$0xFFFFFB10] =	vst v8;
	v7 =	vsel vm0, $0x0, v4  }
0x42a: {  	[tilespmem:s30+$0xFFFFFC20] =	vst v7  }
0x42b: {  	[tilespmem:s30+$0xFFFFFCA0] =	vst v7  }
0x42c: {  	[tilespmem:s30+$0xFFFFFD20] =	vst v7  }
0x42d: {  	[tilespmem:s30+$0xFFFFFDA0] =	vst v7  }
0x42e: {  	[tilespmem:s30+$0xFFFFFE20] =	vst v7  }
0x42f: {  	[tilespmem:s30+$0xFFFFFEA0] =	vst v7  }
0x430: {  	[tilespmem:s30+$0xFFFFFF20] =	vst v7  }
0x431: {  	[tilespmem:s30+$0xFFFFFFA0] =	vst v7  }
0x432: {  	[tilespmem:s30+$0xFFFFFB90] =	vst v8;
	v7 =	vld [tilespmem:s7+$0x20]  }
0x433: {  	v8 =	vld [tilespmem:s7+$0xFFFFFF90];
	[tilespmem:s0+$0xFFFFF860] =	vst v9  }
0x434: {  	[tilespmem:s0+$0xFFFFF8E0] =	vst v9  }
0x435: {  	[tilespmem:s0+$0xFFFFF960] =	vst v9  }
0x436: {  	[tilespmem:s0+$0xFFFFF9E0] =	vst v9  }
0x437: {  	vm0 =	vlt.s32 v7, $0x0;
	[tilespmem:s0+$0xFFFFFA60] =	vst v9  }
0x438: {  	vm1 =	vlt.s32 v8, $0x0;
	v7 =	vsel vm0, $0x0, v4;
	[tilespmem:s0+$0xFFFFFAE0] =	vst v9  }
0x439: {  	v8 =	vsel vm1, $0x0, v4;
	[tilespmem:s30+$0xFFFFFC30] =	vst v7  }
0x43a: {  	[tilespmem:s30+$0xFFFFFCB0] =	vst v7  }
0x43b: {  	[tilespmem:s30+$0xFFFFFD30] =	vst v7  }
0x43c: {  	[tilespmem:s30+$0xFFFFFDB0] =	vst v7  }
0x43d: {  	[tilespmem:s30+$0xFFFFFE30] =	vst v7  }
0x43e: {  	[tilespmem:s30+$0xFFFFFEB0] =	vst v7  }
0x43f: {  	[tilespmem:s30+$0xFFFFFF30] =	vst v7  }
0x440: {  	[tilespmem:s30+$0xFFFFFFB0] =	vst v7  }
0x441: {  	[tilespmem:s30+$0xFFFFF820] =	vst v8;
	v7 =	vld [tilespmem:s7+$0x30]  }
0x442: {  	[tilespmem:s30+$0xFFFFF8A0] =	vst v8  }
0x443: {  	[tilespmem:s30+$0xFFFFF920] =	vst v8  }
0x444: {  	[tilespmem:s30+$0xFFFFF9A0] =	vst v8  }
0x445: {  	s2 =	sadd.s32 $0x2, s2;
	[tilespmem:s30+$0xFFFFFA20] =	vst v8  }
0x446: {  	p2 =	slt.u32 s2, $0x1E;
	[tilespmem:s30+$0xFFFFFAA0] =	vst v8;
	vm0 =	vlt.s32 v7, $0x0  }
0x447: {  	[tilespmem:s30+$0xFFFFFB20] =	vst v8;
	v7 =	vsel vm0, $0x0, v4  }
0x448: {  	[tilespmem:s30+$0xFFFFFC40] =	vst v7  }
0x449: {  	[tilespmem:s30+$0xFFFFFCC0] =	vst v7  }
0x44a: {  	[tilespmem:s30+$0xFFFFFD40] =	vst v7  }
0x44b: {  	[tilespmem:s30+$0xFFFFFDC0] =	vst v7  }
0x44c: {  	[tilespmem:s30+$0xFFFFFE40] =	vst v7  }
0x44d: {  	[tilespmem:s30+$0xFFFFFEC0] =	vst v7  }
0x44e: {  	[tilespmem:s30+$0xFFFFFF40] =	vst v7  }
0x44f: {  	[tilespmem:s30+$0xFFFFFFC0] =	vst v7  }
0x450: {  	[tilespmem:s30+$0xFFFFFBA0] =	vst v8;
	v7 =	vld [tilespmem:s7+$0x40]  }
0x451: {  	v8 =	vld [tilespmem:s7+$0xFFFFFFA0];
	[tilespmem:s0+$0xFFFFFB60] =	vst v9  }
0x452: {  	[tilespmem:s0+$0xFFFFFBE0] =	vst v9  }
0x453: {  	v9 =	vld [tilespmem:s29+$0xFFFFFFE0];
	[tilespmem:s28+$0xFFFFFB80] =	vst v6  }
0x454: {  	[tilespmem:s28+$0xFFFFFC00] =	vst v6;
	s28 =	smov.u32 s0;
	s0 =	smov.u32 s30  }
0x455: {  	vm0 =	vlt.s32 v7, $0x0;
	[tilespmem:s28+$0xFFFFFF00] =	vst v5  }
0x456: {  	vm1 =	vlt.s32 v8, $0x0;
	v6 =	vsel vm0, $0x0, v4;
	[tilespmem:s28+$0xFFFFFF80] =	vst v5  }
0x457: {  	v5 =	vsel vm1, $0x0, v4;
	[tilespmem:s30+$0xFFFFFC50] =	vst v6  }
0x458: {  	[tilespmem:s30+$0xFFFFFCD0] =	vst v6;
	vm0 =	vlt.s32 v9, $0x0  }
0x459: {  	[tilespmem:s30+$0xFFFFFD50] =	vst v6;
	v7 =	vsel vm0, $0x0, v4  }
0x45a: {  	[tilespmem:s30+$0xFFFFFDD0] =	vst v6  }
0x45b: {  	[tilespmem:s30+$0xFFFFFE50] =	vst v6  }
0x45c: {  	[tilespmem:s30+$0xFFFFFED0] =	vst v6  }
0x45d: {  	[tilespmem:s30+$0xFFFFFF50] =	vst v6  }
0x45e: {  	[tilespmem:s30+$0xFFFFFFD0] =	vst v6  }
0x45f: {  	[tilespmem:s30+$0xFFFFF830] =	vst v5;
	v6 =	vld [tilespmem:s7+$0x50]  }
0x460: {  	[tilespmem:s30+$0xFFFFF8B0] =	vst v5  }
0x461: {  	[tilespmem:s30+$0xFFFFF930] =	vst v5  }
0x462: {  	[tilespmem:s30+$0xFFFFF9B0] =	vst v5  }
0x463: {  	[tilespmem:s30+$0xFFFFFA30] =	vst v5  }
0x464: {  	[tilespmem:s30+$0xFFFFFAB0] =	vst v5;
	vm0 =	vlt.s32 v6, $0x0  }
0x465: {  	[tilespmem:s30+$0xFFFFFB30] =	vst v5;
	v6 =	vsel vm0, $0x0, v4  }
0x466: {  	[tilespmem:s30+$0xFFFFFC60] =	vst v6  }
0x467: {  	[tilespmem:s30+$0xFFFFFCE0] =	vst v6  }
0x468: {  	[tilespmem:s30+$0xFFFFFD60] =	vst v6  }
0x469: {  	[tilespmem:s30+$0xFFFFFDE0] =	vst v6  }
0x46a: {  	[tilespmem:s30+$0xFFFFFE60] =	vst v6  }
0x46b: {  	[tilespmem:s30+$0xFFFFFEE0] =	vst v6  }
0x46c: {  	[tilespmem:s30+$0xFFFFFF60] =	vst v6  }
0x46d: {  	[tilespmem:s30+$0xFFFFFFE0] =	vst v6  }
0x46e: {  	[tilespmem:s30+$0xFFFFFBB0] =	vst v5;
	v5 =	vld [tilespmem:s7+$0x60]  }
0x46f: {  	v6 =	vld [tilespmem:s7+$0xFFFFFFB0];
	[tilespmem:s28+$0xFFFFF870] =	vst v7  }
0x470: {  	[tilespmem:s28+$0xFFFFF8F0] =	vst v7  }
0x471: {  	[tilespmem:s28+$0xFFFFF970] =	vst v7  }
0x472: {  	[tilespmem:s28+$0xFFFFF9F0] =	vst v7  }
0x473: {  	vm0 =	vlt.s32 v5, $0x0;
	[tilespmem:s28+$0xFFFFFA70] =	vst v7  }
0x474: {  	vm1 =	vlt.s32 v6, $0x0;
	v5 =	vsel vm0, $0x0, v4;
	[tilespmem:s28+$0xFFFFFAF0] =	vst v7  }
0x475: {  	v6 =	vsel vm1, $0x0, v4;
	[tilespmem:s30+$0xFFFFFC70] =	vst v5  }
0x476: {  	[tilespmem:s30+$0xFFFFFCF0] =	vst v5  }
0x477: {  	[tilespmem:s30+$0xFFFFFD70] =	vst v5  }
0x478: {  	[tilespmem:s30+$0xFFFFFDF0] =	vst v5  }
0x479: {  	[tilespmem:s30+$0xFFFFFE70] =	vst v5  }
0x47a: {  	[tilespmem:s30+$0xFFFFFEF0] =	vst v5  }
0x47b: {  	[tilespmem:s30+$0xFFFFFF70] =	vst v5  }
0x47c: {  	[tilespmem:s30+$0xFFFFFFF0] =	vst v5  }
0x47d: {  	[tilespmem:s30+$0xFFFFF840] =	vst v6;
	v5 =	vld [tilespmem:s7+$0x70]  }
0x47e: {  	[tilespmem:s30+$0xFFFFF8C0] =	vst v6  }
0x47f: {  	[tilespmem:s30+$0xFFFFF940] =	vst v6  }
0x480: {  	[tilespmem:s30+$0xFFFFF9C0] =	vst v6  }
0x481: {  	[tilespmem:s30+$0xFFFFFA40] =	vst v6  }
0x482: {  	[tilespmem:s30+$0xFFFFFAC0] =	vst v6;
	vm0 =	vlt.s32 v5, $0x0  }
0x483: {  	[tilespmem:s30+$0xFFFFFB40] =	vst v6;
	v5 =	vsel vm0, $0x0, v4  }
0x484: {  	[tilespmem:s30+$0x0] =	vst v5  }
0x485: {  	[tilespmem:s30+$0xFFFFFBC0] =	vst v6  }
0x486: {  	v6 =	vld [tilespmem:s7+$0xFFFFFFC0];
	[tilespmem:s28+$0xFFFFFB70] =	vst v7  }
0x487: {  	[tilespmem:s28+$0xFFFFFBF0] =	vst v7  }
0x488: {  	[tilespmem:s30+$0xFFFFFC80] =	vst v5;
	v8 =	vld [tilespmem:s29+$0xFFFFFFF0];
	s29 =	smov.u32 s7  }
0x489: {  	[tilespmem:s30+$0xFFFFFD00] =	vst v5  }
0x48a: {  	[tilespmem:s30+$0xFFFFFD80] =	vst v5  }
0x48b: {  	vm0 =	vlt.s32 v6, $0x0;
	[tilespmem:s30+$0xFFFFFE00] =	vst v5  }
0x48c: {  	v7 =	vsel vm0, $0x0, v4;
	[tilespmem:s30+$0xFFFFFE80] =	vst v5  }
0x48d: {  	[tilespmem:s30+$0xFFFFF850] =	vst v7;
	vm0 =	vlt.s32 v8, $0x0  }
0x48e: {  	[tilespmem:s30+$0xFFFFF8D0] =	vst v7;
	v6 =	vsel vm0, $0x0, v4  }
.Ltmp16:
0x48f: {  	[tilespmem:s30+$0xFFFFF950] =	vst v7;
	(pc) =	sbr.rel @p2 .LBB2_24-.Ltmp16, $4  }
0x490: {  	[tilespmem:s30+$0xFFFFF9D0] =	vst v7  }
0x491: {  	[tilespmem:s30+$0xFFFFFA50] =	vst v7  }
0x492: {  	[tilespmem:s30+$0xFFFFFAD0] =	vst v7  }
0x493: {  	s7 =	sadd.s32 $0x100, s7;
	[tilespmem:s30+$0xFFFFFB50] =	vst v7  }
0x494: {  	[tilespmem:s30+$0xFFFFFBD0] =	vst v7  }
0x495: {  	v7 =	vld [tilespmem:s29+$0xFFFFFFD0];
	_ =	sdelay $0x4  }
0x496: {  	vm0 =	vlt.s32 v7, $0x0  }
0x497: {  	v7 =	vsel vm0, $0x0, v4  }
0x498: {  	[tilespmem:s0+$0xFFFFF860] =	vst v7  }
0x499: {  	[tilespmem:s0+$0xFFFFF8E0] =	vst v7  }
0x49a: {  	[tilespmem:s0+$0xFFFFF960] =	vst v7  }
0x49b: {  	[tilespmem:s0+$0xFFFFF9E0] =	vst v7  }
0x49c: {  	[tilespmem:s0+$0xFFFFFA60] =	vst v7  }
0x49d: {  	[tilespmem:s0+$0xFFFFFAE0] =	vst v7  }
0x49e: {  	[tilespmem:s0+$0xFFFFFB60] =	vst v7  }
0x49f: {  	[tilespmem:s0+$0xFFFFFBE0] =	vst v7  }
0x4a0: {  	v7 =	vld [tilespmem:s29+$0xFFFFFFE0];
	_ =	sdelay $0x3  }
0x4a1: {  	[tilespmem:s28+$0xFFFFF880] =	vst v6  }
0x4a2: {  	[tilespmem:s28+$0xFFFFF900] =	vst v6;
	vm14 =	vlt.s32 v7, $0x0  }
0x4a3: {  	[tilespmem:s28+$0xFFFFF980] =	vst v6;
	v7 =	vsel vm14, $0x0, v4  }
0x4a4: {  	[tilespmem:s0+$0xFFFFF870] =	vst v7  }
0x4a5: {  	[tilespmem:s0+$0xFFFFF8F0] =	vst v7  }
0x4a6: {  	[tilespmem:s0+$0xFFFFF970] =	vst v7  }
0x4a7: {  	[tilespmem:s0+$0xFFFFF9F0] =	vst v7  }
0x4a8: {  	[tilespmem:s0+$0xFFFFFA70] =	vst v7  }
0x4a9: {  	[tilespmem:s0+$0xFFFFFAF0] =	vst v7  }
0x4aa: {  	[tilespmem:s0+$0xFFFFFB70] =	vst v7  }
0x4ab: {  	[tilespmem:s0+$0xFFFFFBF0] =	vst v7  }
0x4ac: {  	[tilespmem:s28+$0xFFFFFA00] =	vst v6;
	v7 =	vld [tilespmem:s29+$0xFFFFFFF0]  }
0x4ad: {  	[tilespmem:s28+$0xFFFFFA80] =	vst v6  }
0x4ae: {  	[tilespmem:s28+$0xFFFFFB00] =	vst v6  }
0x4af: {  	[tilespmem:s28+$0xFFFFFB80] =	vst v6  }
0x4b0: {  	[tilespmem:s28+$0xFFFFFC00] =	vst v6  }
0x4b1: {  	[tilespmem:s0+$0xFFFFFF00] =	vst v5;
	vm15 =	vlt.s32 v7, $0x0  }
0x4b2: {  	[tilespmem:s0+$0xFFFFFF80] =	vst v5;
	v5 =	vsel vm15, $0x0, v4  }
0x4b3: {  	[tilespmem:s0+$0xFFFFF880] =	vst v5  }
0x4b4: {  	[tilespmem:s0+$0xFFFFF900] =	vst v5  }
0x4b5: {  	[tilespmem:s0+$0xFFFFF980] =	vst v5  }
0x4b6: {  	[tilespmem:s0+$0xFFFFFA00] =	vst v5  }
0x4b7: {  	s2 =	sshll.u32 s26, $0x12;
	[tilespmem:s0+$0xFFFFFA80] =	vst v5  }
0x4b8: {  	s7 =	sadd.s32 $0x1900000, s2;
	[tilespmem:s0+$0xFFFFFB00] =	vst v5  }
0x4b9: {  	s19 =	sadd.s32 $0x1908000, s2;
	s7 =	sshrl.u32 s7, $0x3;
	[tilespmem:s0+$0xFFFFFB80] =	vst v5  }
0x4ba: {  	s14 =	sadd.s32 s1, s7;
	[tilespmem:s0+$0xFFFFFC00] =	vst v5;
	s0 =	sshrl.u32 s19, $0x3  }
0x4bb: {  	[hbm4b:s14+s3] =	stream.linear.scatter [tilespmem:s21], [sflag:$0x6], $0x8000, $0x38;
	[tilespmem:$0x1A400] =	vst v63  }
0x4bc: {  	s24 =	sadd.s32 $0x1910000, s2;
	s0 =	sadd.s32 s1, s0  }
0x4bd: {  	[hbm4b:s0+s3] =	stream.linear.scatter [tilespmem:s21], [sflag:$0x6], $0x8000, $0x38;
	[tilespmem:$0x1A400] =	vst v63  }
0x4be: {  	s0 =	sshrl.u32 s24, $0x3  }
0x4bf: {  	s26 =	sadd.s32 $0x1918000, s2;
	s0 =	sadd.s32 s1, s0  }
0x4c0: {  	[hbm4b:s0+s3] =	stream.linear.scatter [tilespmem:s21], [sflag:$0x6], $0x8000, $0x38;
	[tilespmem:$0x1A400] =	vst v63  }
0x4c1: {  	s0 =	sshrl.u32 s26, $0x3  }
0x4c2: {  	s28 =	sadd.s32 $0x1920000, s2;
	s0 =	sadd.s32 s1, s0  }
0x4c3: {  	[hbm4b:s0+s3] =	stream.linear.scatter [tilespmem:s21], [sflag:$0x6], $0x8000, $0x38;
	[tilespmem:$0x1A400] =	vst v63  }
0x4c4: {  	s0 =	sshrl.u32 s28, $0x3  }
0x4c5: {  	s29 =	sadd.s32 $0x1928000, s2;
	s0 =	sadd.s32 s1, s0  }
0x4c6: {  	[hbm4b:s0+s3] =	stream.linear.scatter [tilespmem:s21], [sflag:$0x6], $0x8000, $0x38;
	[tilespmem:$0x1A400] =	vst v63  }
0x4c7: {  	s0 =	sshrl.u32 s29, $0x3  }
0x4c8: {  	s30 =	sadd.s32 $0x1930000, s2;
	s0 =	sadd.s32 s1, s0  }
0x4c9: {  	[hbm4b:s0+s3] =	stream.linear.scatter [tilespmem:s21], [sflag:$0x6], $0x8000, $0x38;
	[tilespmem:$0x1A400] =	vst v63  }
0x4ca: {  	s0 =	sshrl.u32 s30, $0x3  }
.Ltmp17:
0x4cb: {  	s31 =	sadd.s32 $0x1938000, s2;
	s0 =	sadd.s32 s1, s0;
	(pc) =	sbr.rel .LBB2_26-.Ltmp17, $4  }
0x4cc: {  	[hbm4b:s0+s3] =	stream.linear.scatter [tilespmem:s21], [sflag:$0x6], $0x8000, $0x38;
	[tilespmem:$0x1A400] =	vst v63  }
0x4cd: {  	s0 =	sshrl.u32 s31, $0x3  }
0x4ce: {  	s0 =	sadd.s32 s1, s0  }
0x4cf: {  	[hbm4b:s0+s3] =	stream.linear.scatter [tilespmem:s21], [sflag:$0x6], $0x8000, $0x38;
	[tilespmem:$0x1A400] =	vst v63  }
.LBB2_29:
0x4d0: {  	_ =	sfence.sel $0x180000  }
0x4d1: {  	[bflag:$0x0] =	sbarrier.arrive $0xFFFF  }
0x4d2: {  	_ =	strace $0x90000047  }
0x4d3: {  	s0 =	stileid.u32;
	[bflag:$0x2] =	sbarrier.arrive $0xFFFF  }
0x4d4: {  	p0 =	sne.s32 s0, $0x0;
	s0 =	rddreg [dreg:$0x2]  }
0x4d5: {  	s0 =	sadd.s32 @!p0 $0x100000, s0  }
0x4d6: {  	[sflag:s0] =	ssyncadd.tile.s32 @!p0 $0x1;
	_ =	shalt  }
.Lfunc_end2:
_tile_overlayer_lowered:
.L_overlay_start_2:
0x4d7: {  	(tag) =	ssettag $0x2  }
0x4d8: {  	s0 =	rddreg [dreg:$0x0];
	s2 =	stileid.u32  }
0x4d9: {  	s1 =	rddreg [dreg:$0x1];
	p0 =	sne.s32 s2, $0x0  }
0x4da: {  	s3 =	rddreg [dreg:$0x2];
	[bflag:$0x3] =	sbarrier.arrive $0xFFFF;
	s2 =	simm.s32 @!p0 $0x1C07  }
0x4db: {  	[timem:s3], [sflag:s2] =	dma.local @!p0 [hbm:s0], s1  }
0x4dc: {  	s0 =	simm.s32 @!p0 $0x7  }
0x4dd: {  	_ =	swait.ge @!p0 [sflag:s0], s1  }
0x4de: {  	s1 =	ssub.s32 @!p0 $0x0, s1;
	[sflag:s0] =	ssyncset.done @!p0 $0x0  }
0x4df: {  	[sflag:s0] =	ssyncadd.s32 @!p0 s1  }
0x4e0: {  	[bflag:$0x3] =	sbarrier.arrive $0xFFFF  }
0x4e1: {  	_ =	shalt  }

</sc_bundles>
